<compile_context>
chip_gen: v7x
topology: tpu7x:2x2x1
jax: 0.10.2.dev20260603
libtpu: 0.0.44.dev20260713+nightly
codegen_flags: <defaults>
</compile_context>

<pallas_src>
import functools
import jax
import jax.numpy as jnp
from jax import lax
from jax.experimental import pallas as pl
from jax.experimental.pallas import tpu as pltpu
from jax.experimental.pallas import tpu_sc as plsc

NC, NS = 2, 16
NW = NC * NS
D = 50
DP = 64
B = 4096 * 200
CHUNK = 128
GROUP = 4
GROW = CHUNK * GROUP
ROWS_PER_W = B // NW
NGROUPS = ROWS_PER_W // GROW
NBLK = GROW * D // 400

_mesh = plsc.VectorSubcoreMesh(core_axis_name="c", subcore_axis_name="s")


@functools.partial(
    pl.kernel,
    out_type=jax.ShapeDtypeStruct((B * D,), jnp.float32),
    mesh=_mesh,
    scratch_types=[
        pltpu.VMEM((2, GROUP, CHUNK), jnp.int32),
        pltpu.VMEM((2, GROW, DP), jnp.float32),
        pltpu.VMEM((2, GROW * D), jnp.float32),
        pltpu.SemaphoreType.DMA,
        pltpu.SemaphoreType.DMA,
        pltpu.SemaphoreType.DMA,
        pltpu.SemaphoreType.DMA,
        pltpu.SemaphoreType.DMA,
        pltpu.SemaphoreType.DMA,
    ],
    compiler_params=pltpu.CompilerParams(
        use_tc_tiling_on_sc=False, needs_layout_passes=False, disable_bounds_checks=True
    ),
)
def _emb_lookup(ids_hbm, table_hbm, out_hbm, idx_v, pad_v, cmp_v,
                isem0, isem1, gsem0, gsem1, osem0, osem1):
    wid = lax.axis_index("s") * NC + lax.axis_index("c")
    row_base = wid * ROWS_PER_W
    isem = (isem0, isem1)
    gsem = (gsem0, gsem1)
    osem = (osem0, osem1)

    lane = lax.broadcasted_iota(jnp.int32, (16,), 0)
    pat = []
    for k in range(25):
        p = k * 16 + lane
        pat.append((p // D, p % D))

    def idx_issue(g, b):
        pltpu.async_copy(ids_hbm.at[wid, g], idx_v.at[b], isem[b])

    def idx_wait(g, b):
        pltpu.make_async_copy(ids_hbm.at[wid, g], idx_v.at[b], isem[b]).wait()

    def gather_fire(b):
        for j in range(GROUP):
            pltpu.async_copy(
                table_hbm.at[idx_v.at[b, j]],
                pad_v.at[b, pl.ds(j * CHUNK, CHUNK)],
                gsem[b],
            )

    def gather_drain(b):
        for j in range(GROUP):
            pltpu.make_async_copy(
                table_hbm.at[idx_v.at[b, j]],
                pad_v.at[b, pl.ds(j * CHUNK, CHUNK)],
                gsem[b],
            ).wait()

    def compact(b):
        @plsc.parallel_loop(0, NBLK, 1, unroll=4)
        def blk(b2):
            base_row = b2 * 8
            off0 = b2 * 400
            for k in range(25):
                v = plsc.load_gather(
                    pad_v.at[b], [pat[k][0] + base_row, pat[k][1]]
                )
                cmp_v[b, pl.ds(off0 + k * 16, 16)] = v

    def write_issue(g, b):
        pltpu.async_copy(
            cmp_v.at[b],
            out_hbm.at[pl.ds((row_base + g * GROW) * D, GROW * D)],
            osem[b],
        )

    def write_wait(b):
        pltpu.make_async_copy(
            cmp_v.at[b],
            out_hbm.at[pl.ds(row_base * D, GROW * D)],
            osem[b],
        ).wait()

    idx_issue(0, 0)
    idx_issue(1, 1)
    idx_wait(0, 0)
    gather_fire(0)

    def body(gg, carry):
        ga = 2 * gg
        gb = ga + 1
        idx_wait(gb, 1)
        gather_fire(1)
        gather_drain(0)

        @pl.when(ga + 2 < NGROUPS)
        def _():
            idx_issue(ga + 2, 0)

        @pl.when(gg >= 1)
        def _():
            write_wait(0)

        compact(0)
        write_issue(ga, 0)

        @pl.when(ga + 2 < NGROUPS)
        def _():
            idx_wait(ga + 2, 0)
            gather_fire(0)

        gather_drain(1)

        @pl.when(gb + 2 < NGROUPS)
        def _():
            idx_issue(gb + 2, 1)

        @pl.when(gg >= 1)
        def _():
            write_wait(1)

        compact(1)
        write_issue(gb, 1)
        return carry

    lax.fori_loop(0, NGROUPS // 2, body, 0)
    write_wait(0)
    write_wait(1)


def kernel(pos_ids, table):
    ids = pos_ids.reshape(NW, NGROUPS, GROUP, CHUNK)
    table_p = jnp.pad(table, ((0, 0), (0, DP - D)))
    out = _emb_lookup(ids, table_p)
    return out.reshape(pos_ids.shape[0], pos_ids.shape[1], D)

# --- scband reference (transcript-rebuilt; emitter-appended) ---
"""Pipeline reference for scband-posembedding-31653908971551 (READ-ONLY COPY).

The authoritative reference and input builder live on the scoring server;
editing this copy changes nothing except your own understanding.
"""

import jax, jax.numpy as jnp
import numpy as np


def setup_inputs(seed: int = 0) -> dict:
    key = jax.random.key(seed)
    k1, k2 = jax.random.split(key)
    pos_ids = jax.random.randint(k1, (4096, 200), 0, 1000, dtype=jnp.int32)
    # nn.Embedding weight ~ N(0,1); padding_idx=0 row is zeroed at init
    table = jax.random.normal(k2, (1000, 50), dtype=jnp.float32)
    table = table.at[0].set(0.0)
    return {"pos_ids": pos_ids, "table": table}


def reference(pos_ids, table):
    # POSEmbedding.forward: embedding lookup -> (batch, seq_len, 50)
    return jnp.take(table, pos_ids, axis=0)

if __name__ == "__main__":
    import jax
    _d = setup_inputs()
    print(jax.jit(kernel)(*tuple(_d.values())))

</pallas_src>

<mosaic_0001>
#map = affine_map<(d0, d1) -> (0, 0, 0, 0)>
#map1 = affine_map<(d0, d1) -> (0, 0)>
#map2 = affine_map<(d0, d1) -> (0)>
module attributes {stable_mosaic.version = 14 : i64} {
  func.func @_emb_lookup(%arg0: i32, %arg1: i32, %arg2: memref<32x50x4x128xi32, #tpu.memory_space<hbm>>, %arg3: memref<1000x64xf32, #tpu.memory_space<hbm>>, %arg4: memref<40960000xf32, #tpu.memory_space<hbm>>, %arg5: memref<2x4x128xi32, #tpu.memory_space<vmem>>, %arg6: memref<2x512x64xf32, #tpu.memory_space<vmem>>, %arg7: memref<2x25600xf32, #tpu.memory_space<vmem>>, %arg8: memref<!tpu.dma_semaphore, #tpu.memory_space<semaphore_mem>>, %arg9: memref<!tpu.dma_semaphore, #tpu.memory_space<semaphore_mem>>, %arg10: memref<!tpu.dma_semaphore, #tpu.memory_space<semaphore_mem>>, %arg11: memref<!tpu.dma_semaphore, #tpu.memory_space<semaphore_mem>>, %arg12: memref<!tpu.dma_semaphore, #tpu.memory_space<semaphore_mem>>, %arg13: memref<!tpu.dma_semaphore, #tpu.memory_space<semaphore_mem>>) attributes {dimension_semantics = [#tpu.dimension_semantics<core_parallel>, #tpu.dimension_semantics<subcore_parallel>], iteration_bounds = array<i64: 2, 16>, scalar_prefetch = 0 : i64, scratch_operands = 9 : i64, tpu.core_type = #tpu.core_type<sc_vector_subcore>, window_params = [{transform_indices = #map}, {transform_indices = #map1}, {transform_indices = #map2}]} {
    %mul3A = arith.constant 2 : i32
    %mul3A_0 = arith.muli %arg1, %mul3A : i32
    %add3A = arith.addi %mul3A_0, %arg0 : i32
    %mul3A_1 = arith.constant 25600 : i32
    %mul3A_2 = arith.muli %add3A, %mul3A_1 : i32
    %iota3A = tpu.iota {dimensions = array<i32: 0>} : vector<16xi32>
    %add3A_3 = arith.constant 0 : i32
    %add3A_4 = vector.broadcast %add3A_3 : i32 to vector<16xi32>
    %add3A_5 = arith.addi %add3A_4, %iota3A : vector<16xi32>
    %jit3A = arith.constant 50 : i32
    %div3A = vector.broadcast %jit3A : i32 to vector<16xi32>
    %div3A_6 = arith.divsi %add3A_5, %div3A : vector<16xi32>
    %sign3A = arith.constant 0 : i32
    %sign3A_7 = vector.broadcast %sign3A : i32 to vector<16xi32>
    %sign3A_8 = arith.cmpi sgt, %add3A_5, %sign3A_7 : vector<16xi32>
    %sign3A_9 = arith.extui %sign3A_8 : vector<16xi1> to vector<16xi32>
    %sign3A_10 = arith.constant 0 : i32
    %sign3A_11 = vector.broadcast %sign3A_10 : i32 to vector<16xi32>
    %sign3A_12 = arith.cmpi slt, %add3A_5, %sign3A_11 : vector<16xi32>
    %sign3A_13 = arith.extui %sign3A_12 : vector<16xi1> to vector<16xi32>
    %sign3A_14 = arith.subi %sign3A_9, %sign3A_13 : vector<16xi32>
    %sign3A_15 = arith.constant 0 : i32
    %sign3A_16 = arith.cmpi sgt, %jit3A, %sign3A_15 : i32
    %sign3A_17 = arith.extui %sign3A_16 : i1 to i32
    %sign3A_18 = arith.constant 0 : i32
    %sign3A_19 = arith.cmpi slt, %jit3A, %sign3A_18 : i32
    %sign3A_20 = arith.extui %sign3A_19 : i1 to i32
    %sign3A_21 = arith.subi %sign3A_17, %sign3A_20 : i32
    %ne3A = vector.broadcast %sign3A_21 : i32 to vector<16xi32>
    %ne3A_22 = arith.cmpi ne, %sign3A_14, %ne3A : vector<16xi32>
    %rem3A = vector.broadcast %jit3A : i32 to vector<16xi32>
    %rem3A_23 = arith.remsi %add3A_5, %rem3A : vector<16xi32>
    %ne3A_24 = arith.constant 0 : i32
    %ne3A_25 = vector.broadcast %ne3A_24 : i32 to vector<16xi32>
    %ne3A_26 = arith.cmpi ne, %rem3A_23, %ne3A_25 : vector<16xi32>
    %and3A = arith.andi %ne3A_22, %ne3A_26 : vector<16xi1>
    %sub3A = arith.constant 1 : i32
    %sub3A_27 = vector.broadcast %sub3A : i32 to vector<16xi32>
    %sub3A_28 = arith.subi %div3A_6, %sub3A_27 : vector<16xi32>
    %select_n3A = arith.select %and3A, %sub3A_28, %div3A_6 : vector<16xi1>, vector<16xi32>
    %jit3A_29 = arith.constant 50 : i32
    %eq3A = arith.constant 0 : i32
    %eq3A_30 = arith.cmpi eq, %jit3A_29, %eq3A : i32
    %jit3A_31 = arith.constant 1 : i32
    %select_n3A_32 = arith.select %eq3A_30, %jit3A_31, %jit3A_29 : i32
    %rem3A_33 = vector.broadcast %select_n3A_32 : i32 to vector<16xi32>
    %rem3A_34 = arith.remsi %add3A_5, %rem3A_33 : vector<16xi32>
    %ne3A_35 = arith.constant 0 : i32
    %ne3A_36 = vector.broadcast %ne3A_35 : i32 to vector<16xi32>
    %ne3A_37 = arith.cmpi ne, %rem3A_34, %ne3A_36 : vector<16xi32>
    %lt3A = arith.constant 0 : i32
    %lt3A_38 = vector.broadcast %lt3A : i32 to vector<16xi32>
    %lt3A_39 = arith.cmpi slt, %rem3A_34, %lt3A_38 : vector<16xi32>
    %lt3A_40 = arith.constant 0 : i32
    %lt3A_41 = arith.cmpi slt, %select_n3A_32, %lt3A_40 : i32
    %ne3A_42 = vector.broadcast %lt3A_41 : i1 to vector<16xi1>
    %ne3A_43 = vector.broadcast %ne3A_42 : vector<16xi1> to vector<16xi1>
    %ne3A_44 = arith.xori %lt3A_39, %ne3A_43 : vector<16xi1>
    %and3A_45 = arith.andi %ne3A_44, %ne3A_37 : vector<16xi1>
    %add3A_46 = vector.broadcast %select_n3A_32 : i32 to vector<16xi32>
    %add3A_47 = arith.addi %rem3A_34, %add3A_46 : vector<16xi32>
    %select_n3A_48 = arith.select %and3A_45, %add3A_47, %rem3A_34 : vector<16xi1>, vector<16xi32>
    %add3A_49 = arith.constant 16 : i32
    %add3A_50 = vector.broadcast %add3A_49 : i32 to vector<16xi32>
    %add3A_51 = arith.addi %add3A_50, %iota3A : vector<16xi32>
    %jit3A_52 = arith.constant 50 : i32
    %div3A_53 = vector.broadcast %jit3A_52 : i32 to vector<16xi32>
    %div3A_54 = arith.divsi %add3A_51, %div3A_53 : vector<16xi32>
    %sign3A_55 = arith.constant 0 : i32
    %sign3A_56 = vector.broadcast %sign3A_55 : i32 to vector<16xi32>
    %sign3A_57 = arith.cmpi sgt, %add3A_51, %sign3A_56 : vector<16xi32>
    %sign3A_58 = arith.extui %sign3A_57 : vector<16xi1> to vector<16xi32>
    %sign3A_59 = arith.constant 0 : i32
    %sign3A_60 = vector.broadcast %sign3A_59 : i32 to vector<16xi32>
    %sign3A_61 = arith.cmpi slt, %add3A_51, %sign3A_60 : vector<16xi32>
    %sign3A_62 = arith.extui %sign3A_61 : vector<16xi1> to vector<16xi32>
    %sign3A_63 = arith.subi %sign3A_58, %sign3A_62 : vector<16xi32>
    %sign3A_64 = arith.constant 0 : i32
    %sign3A_65 = arith.cmpi sgt, %jit3A_52, %sign3A_64 : i32
    %sign3A_66 = arith.extui %sign3A_65 : i1 to i32
    %sign3A_67 = arith.constant 0 : i32
    %sign3A_68 = arith.cmpi slt, %jit3A_52, %sign3A_67 : i32
    %sign3A_69 = arith.extui %sign3A_68 : i1 to i32
    %sign3A_70 = arith.subi %sign3A_66, %sign3A_69 : i32
    %ne3A_71 = vector.broadcast %sign3A_70 : i32 to vector<16xi32>
    %ne3A_72 = arith.cmpi ne, %sign3A_63, %ne3A_71 : vector<16xi32>
    %rem3A_73 = vector.broadcast %jit3A_52 : i32 to vector<16xi32>
    %rem3A_74 = arith.remsi %add3A_51, %rem3A_73 : vector<16xi32>
    %ne3A_75 = arith.constant 0 : i32
    %ne3A_76 = vector.broadcast %ne3A_75 : i32 to vector<16xi32>
    %ne3A_77 = arith.cmpi ne, %rem3A_74, %ne3A_76 : vector<16xi32>
    %and3A_78 = arith.andi %ne3A_72, %ne3A_77 : vector<16xi1>
    %sub3A_79 = arith.constant 1 : i32
    %sub3A_80 = vector.broadcast %sub3A_79 : i32 to vector<16xi32>
    %sub3A_81 = arith.subi %div3A_54, %sub3A_80 : vector<16xi32>
    %select_n3A_82 = arith.select %and3A_78, %sub3A_81, %div3A_54 : vector<16xi1>, vector<16xi32>
    %jit3A_83 = arith.constant 50 : i32
    %eq3A_84 = arith.constant 0 : i32
    %eq3A_85 = arith.cmpi eq, %jit3A_83, %eq3A_84 : i32
    %jit3A_86 = arith.constant 1 : i32
    %select_n3A_87 = arith.select %eq3A_85, %jit3A_86, %jit3A_83 : i32
    %rem3A_88 = vector.broadcast %select_n3A_87 : i32 to vector<16xi32>
    %rem3A_89 = arith.remsi %add3A_51, %rem3A_88 : vector<16xi32>
    %ne3A_90 = arith.constant 0 : i32
    %ne3A_91 = vector.broadcast %ne3A_90 : i32 to vector<16xi32>
    %ne3A_92 = arith.cmpi ne, %rem3A_89, %ne3A_91 : vector<16xi32>
    %lt3A_93 = arith.constant 0 : i32
    %lt3A_94 = vector.broadcast %lt3A_93 : i32 to vector<16xi32>
    %lt3A_95 = arith.cmpi slt, %rem3A_89, %lt3A_94 : vector<16xi32>
    %lt3A_96 = arith.constant 0 : i32
    %lt3A_97 = arith.cmpi slt, %select_n3A_87, %lt3A_96 : i32
    %ne3A_98 = vector.broadcast %lt3A_97 : i1 to vector<16xi1>
    %ne3A_99 = vector.broadcast %ne3A_98 : vector<16xi1> to vector<16xi1>
    %ne3A_100 = arith.xori %lt3A_95, %ne3A_99 : vector<16xi1>
    %and3A_101 = arith.andi %ne3A_100, %ne3A_92 : vector<16xi1>
    %add3A_102 = vector.broadcast %select_n3A_87 : i32 to vector<16xi32>
    %add3A_103 = arith.addi %rem3A_89, %add3A_102 : vector<16xi32>
    %select_n3A_104 = arith.select %and3A_101, %add3A_103, %rem3A_89 : vector<16xi1>, vector<16xi32>
    %add3A_105 = arith.constant 32 : i32
    %add3A_106 = vector.broadcast %add3A_105 : i32 to vector<16xi32>
    %add3A_107 = arith.addi %add3A_106, %iota3A : vector<16xi32>
    %jit3A_108 = arith.constant 50 : i32
    %div3A_109 = vector.broadcast %jit3A_108 : i32 to vector<16xi32>
    %div3A_110 = arith.divsi %add3A_107, %div3A_109 : vector<16xi32>
    %sign3A_111 = arith.constant 0 : i32
    %sign3A_112 = vector.broadcast %sign3A_111 : i32 to vector<16xi32>
    %sign3A_113 = arith.cmpi sgt, %add3A_107, %sign3A_112 : vector<16xi32>
    %sign3A_114 = arith.extui %sign3A_113 : vector<16xi1> to vector<16xi32>
    %sign3A_115 = arith.constant 0 : i32
    %sign3A_116 = vector.broadcast %sign3A_115 : i32 to vector<16xi32>
    %sign3A_117 = arith.cmpi slt, %add3A_107, %sign3A_116 : vector<16xi32>
    %sign3A_118 = arith.extui %sign3A_117 : vector<16xi1> to vector<16xi32>
    %sign3A_119 = arith.subi %sign3A_114, %sign3A_118 : vector<16xi32>
    %sign3A_120 = arith.constant 0 : i32
    %sign3A_121 = arith.cmpi sgt, %jit3A_108, %sign3A_120 : i32
    %sign3A_122 = arith.extui %sign3A_121 : i1 to i32
    %sign3A_123 = arith.constant 0 : i32
    %sign3A_124 = arith.cmpi slt, %jit3A_108, %sign3A_123 : i32
    %sign3A_125 = arith.extui %sign3A_124 : i1 to i32
    %sign3A_126 = arith.subi %sign3A_122, %sign3A_125 : i32
    %ne3A_127 = vector.broadcast %sign3A_126 : i32 to vector<16xi32>
    %ne3A_128 = arith.cmpi ne, %sign3A_119, %ne3A_127 : vector<16xi32>
    %rem3A_129 = vector.broadcast %jit3A_108 : i32 to vector<16xi32>
    %rem3A_130 = arith.remsi %add3A_107, %rem3A_129 : vector<16xi32>
    %ne3A_131 = arith.constant 0 : i32
    %ne3A_132 = vector.broadcast %ne3A_131 : i32 to vector<16xi32>
    %ne3A_133 = arith.cmpi ne, %rem3A_130, %ne3A_132 : vector<16xi32>
    %and3A_134 = arith.andi %ne3A_128, %ne3A_133 : vector<16xi1>
    %sub3A_135 = arith.constant 1 : i32
    %sub3A_136 = vector.broadcast %sub3A_135 : i32 to vector<16xi32>
    %sub3A_137 = arith.subi %div3A_110, %sub3A_136 : vector<16xi32>
    %select_n3A_138 = arith.select %and3A_134, %sub3A_137, %div3A_110 : vector<16xi1>, vector<16xi32>
    %jit3A_139 = arith.constant 50 : i32
    %eq3A_140 = arith.constant 0 : i32
    %eq3A_141 = arith.cmpi eq, %jit3A_139, %eq3A_140 : i32
    %jit3A_142 = arith.constant 1 : i32
    %select_n3A_143 = arith.select %eq3A_141, %jit3A_142, %jit3A_139 : i32
    %rem3A_144 = vector.broadcast %select_n3A_143 : i32 to vector<16xi32>
    %rem3A_145 = arith.remsi %add3A_107, %rem3A_144 : vector<16xi32>
    %ne3A_146 = arith.constant 0 : i32
    %ne3A_147 = vector.broadcast %ne3A_146 : i32 to vector<16xi32>
    %ne3A_148 = arith.cmpi ne, %rem3A_145, %ne3A_147 : vector<16xi32>
    %lt3A_149 = arith.constant 0 : i32
    %lt3A_150 = vector.broadcast %lt3A_149 : i32 to vector<16xi32>
    %lt3A_151 = arith.cmpi slt, %rem3A_145, %lt3A_150 : vector<16xi32>
    %lt3A_152 = arith.constant 0 : i32
    %lt3A_153 = arith.cmpi slt, %select_n3A_143, %lt3A_152 : i32
    %ne3A_154 = vector.broadcast %lt3A_153 : i1 to vector<16xi1>
    %ne3A_155 = vector.broadcast %ne3A_154 : vector<16xi1> to vector<16xi1>
    %ne3A_156 = arith.xori %lt3A_151, %ne3A_155 : vector<16xi1>
    %and3A_157 = arith.andi %ne3A_156, %ne3A_148 : vector<16xi1>
    %add3A_158 = vector.broadcast %select_n3A_143 : i32 to vector<16xi32>
    %add3A_159 = arith.addi %rem3A_145, %add3A_158 : vector<16xi32>
    %select_n3A_160 = arith.select %and3A_157, %add3A_159, %rem3A_145 : vector<16xi1>, vector<16xi32>
    %add3A_161 = arith.constant 48 : i32
    %add3A_162 = vector.broadcast %add3A_161 : i32 to vector<16xi32>
    %add3A_163 = arith.addi %add3A_162, %iota3A : vector<16xi32>
    %jit3A_164 = arith.constant 50 : i32
    %div3A_165 = vector.broadcast %jit3A_164 : i32 to vector<16xi32>
    %div3A_166 = arith.divsi %add3A_163, %div3A_165 : vector<16xi32>
    %sign3A_167 = arith.constant 0 : i32
    %sign3A_168 = vector.broadcast %sign3A_167 : i32 to vector<16xi32>
    %sign3A_169 = arith.cmpi sgt, %add3A_163, %sign3A_168 : vector<16xi32>
    %sign3A_170 = arith.extui %sign3A_169 : vector<16xi1> to vector<16xi32>
    %sign3A_171 = arith.constant 0 : i32
    %sign3A_172 = vector.broadcast %sign3A_171 : i32 to vector<16xi32>
    %sign3A_173 = arith.cmpi slt, %add3A_163, %sign3A_172 : vector<16xi32>
    %sign3A_174 = arith.extui %sign3A_173 : vector<16xi1> to vector<16xi32>
    %sign3A_175 = arith.subi %sign3A_170, %sign3A_174 : vector<16xi32>
    %sign3A_176 = arith.constant 0 : i32
    %sign3A_177 = arith.cmpi sgt, %jit3A_164, %sign3A_176 : i32
    %sign3A_178 = arith.extui %sign3A_177 : i1 to i32
    %sign3A_179 = arith.constant 0 : i32
    %sign3A_180 = arith.cmpi slt, %jit3A_164, %sign3A_179 : i32
    %sign3A_181 = arith.extui %sign3A_180 : i1 to i32
    %sign3A_182 = arith.subi %sign3A_178, %sign3A_181 : i32
    %ne3A_183 = vector.broadcast %sign3A_182 : i32 to vector<16xi32>
    %ne3A_184 = arith.cmpi ne, %sign3A_175, %ne3A_183 : vector<16xi32>
    %rem3A_185 = vector.broadcast %jit3A_164 : i32 to vector<16xi32>
    %rem3A_186 = arith.remsi %add3A_163, %rem3A_185 : vector<16xi32>
    %ne3A_187 = arith.constant 0 : i32
    %ne3A_188 = vector.broadcast %ne3A_187 : i32 to vector<16xi32>
    %ne3A_189 = arith.cmpi ne, %rem3A_186, %ne3A_188 : vector<16xi32>
    %and3A_190 = arith.andi %ne3A_184, %ne3A_189 : vector<16xi1>
    %sub3A_191 = arith.constant 1 : i32
    %sub3A_192 = vector.broadcast %sub3A_191 : i32 to vector<16xi32>
    %sub3A_193 = arith.subi %div3A_166, %sub3A_192 : vector<16xi32>
    %select_n3A_194 = arith.select %and3A_190, %sub3A_193, %div3A_166 : vector<16xi1>, vector<16xi32>
    %jit3A_195 = arith.constant 50 : i32
    %eq3A_196 = arith.constant 0 : i32
    %eq3A_197 = arith.cmpi eq, %jit3A_195, %eq3A_196 : i32
    %jit3A_198 = arith.constant 1 : i32
    %select_n3A_199 = arith.select %eq3A_197, %jit3A_198, %jit3A_195 : i32
    %rem3A_200 = vector.broadcast %select_n3A_199 : i32 to vector<16xi32>
    %rem3A_201 = arith.remsi %add3A_163, %rem3A_200 : vector<16xi32>
    %ne3A_202 = arith.constant 0 : i32
    %ne3A_203 = vector.broadcast %ne3A_202 : i32 to vector<16xi32>
    %ne3A_204 = arith.cmpi ne, %rem3A_201, %ne3A_203 : vector<16xi32>
    %lt3A_205 = arith.constant 0 : i32
    %lt3A_206 = vector.broadcast %lt3A_205 : i32 to vector<16xi32>
    %lt3A_207 = arith.cmpi slt, %rem3A_201, %lt3A_206 : vector<16xi32>
    %lt3A_208 = arith.constant 0 : i32
    %lt3A_209 = arith.cmpi slt, %select_n3A_199, %lt3A_208 : i32
    %ne3A_210 = vector.broadcast %lt3A_209 : i1 to vector<16xi1>
    %ne3A_211 = vector.broadcast %ne3A_210 : vector<16xi1> to vector<16xi1>
    %ne3A_212 = arith.xori %lt3A_207, %ne3A_211 : vector<16xi1>
    %and3A_213 = arith.andi %ne3A_212, %ne3A_204 : vector<16xi1>
    %add3A_214 = vector.broadcast %select_n3A_199 : i32 to vector<16xi32>
    %add3A_215 = arith.addi %rem3A_201, %add3A_214 : vector<16xi32>
    %select_n3A_216 = arith.select %and3A_213, %add3A_215, %rem3A_201 : vector<16xi1>, vector<16xi32>
    %add3A_217 = arith.constant 64 : i32
    %add3A_218 = vector.broadcast %add3A_217 : i32 to vector<16xi32>
    %add3A_219 = arith.addi %add3A_218, %iota3A : vector<16xi32>
    %jit3A_220 = arith.constant 50 : i32
    %div3A_221 = vector.broadcast %jit3A_220 : i32 to vector<16xi32>
    %div3A_222 = arith.divsi %add3A_219, %div3A_221 : vector<16xi32>
    %sign3A_223 = arith.constant 0 : i32
    %sign3A_224 = vector.broadcast %sign3A_223 : i32 to vector<16xi32>
    %sign3A_225 = arith.cmpi sgt, %add3A_219, %sign3A_224 : vector<16xi32>
    %sign3A_226 = arith.extui %sign3A_225 : vector<16xi1> to vector<16xi32>
    %sign3A_227 = arith.constant 0 : i32
    %sign3A_228 = vector.broadcast %sign3A_227 : i32 to vector<16xi32>
    %sign3A_229 = arith.cmpi slt, %add3A_219, %sign3A_228 : vector<16xi32>
    %sign3A_230 = arith.extui %sign3A_229 : vector<16xi1> to vector<16xi32>
    %sign3A_231 = arith.subi %sign3A_226, %sign3A_230 : vector<16xi32>
    %sign3A_232 = arith.constant 0 : i32
    %sign3A_233 = arith.cmpi sgt, %jit3A_220, %sign3A_232 : i32
    %sign3A_234 = arith.extui %sign3A_233 : i1 to i32
    %sign3A_235 = arith.constant 0 : i32
    %sign3A_236 = arith.cmpi slt, %jit3A_220, %sign3A_235 : i32
    %sign3A_237 = arith.extui %sign3A_236 : i1 to i32
    %sign3A_238 = arith.subi %sign3A_234, %sign3A_237 : i32
    %ne3A_239 = vector.broadcast %sign3A_238 : i32 to vector<16xi32>
    %ne3A_240 = arith.cmpi ne, %sign3A_231, %ne3A_239 : vector<16xi32>
    %rem3A_241 = vector.broadcast %jit3A_220 : i32 to vector<16xi32>
    %rem3A_242 = arith.remsi %add3A_219, %rem3A_241 : vector<16xi32>
    %ne3A_243 = arith.constant 0 : i32
    %ne3A_244 = vector.broadcast %ne3A_243 : i32 to vector<16xi32>
    %ne3A_245 = arith.cmpi ne, %rem3A_242, %ne3A_244 : vector<16xi32>
    %and3A_246 = arith.andi %ne3A_240, %ne3A_245 : vector<16xi1>
    %sub3A_247 = arith.constant 1 : i32
    %sub3A_248 = vector.broadcast %sub3A_247 : i32 to vector<16xi32>
    %sub3A_249 = arith.subi %div3A_222, %sub3A_248 : vector<16xi32>
    %select_n3A_250 = arith.select %and3A_246, %sub3A_249, %div3A_222 : vector<16xi1>, vector<16xi32>
    %jit3A_251 = arith.constant 50 : i32
    %eq3A_252 = arith.constant 0 : i32
    %eq3A_253 = arith.cmpi eq, %jit3A_251, %eq3A_252 : i32
    %jit3A_254 = arith.constant 1 : i32
    %select_n3A_255 = arith.select %eq3A_253, %jit3A_254, %jit3A_251 : i32
    %rem3A_256 = vector.broadcast %select_n3A_255 : i32 to vector<16xi32>
    %rem3A_257 = arith.remsi %add3A_219, %rem3A_256 : vector<16xi32>
    %ne3A_258 = arith.constant 0 : i32
    %ne3A_259 = vector.broadcast %ne3A_258 : i32 to vector<16xi32>
    %ne3A_260 = arith.cmpi ne, %rem3A_257, %ne3A_259 : vector<16xi32>
    %lt3A_261 = arith.constant 0 : i32
    %lt3A_262 = vector.broadcast %lt3A_261 : i32 to vector<16xi32>
    %lt3A_263 = arith.cmpi slt, %rem3A_257, %lt3A_262 : vector<16xi32>
    %lt3A_264 = arith.constant 0 : i32
    %lt3A_265 = arith.cmpi slt, %select_n3A_255, %lt3A_264 : i32
    %ne3A_266 = vector.broadcast %lt3A_265 : i1 to vector<16xi1>
    %ne3A_267 = vector.broadcast %ne3A_266 : vector<16xi1> to vector<16xi1>
    %ne3A_268 = arith.xori %lt3A_263, %ne3A_267 : vector<16xi1>
    %and3A_269 = arith.andi %ne3A_268, %ne3A_260 : vector<16xi1>
    %add3A_270 = vector.broadcast %select_n3A_255 : i32 to vector<16xi32>
    %add3A_271 = arith.addi %rem3A_257, %add3A_270 : vector<16xi32>
    %select_n3A_272 = arith.select %and3A_269, %add3A_271, %rem3A_257 : vector<16xi1>, vector<16xi32>
    %add3A_273 = arith.constant 80 : i32
    %add3A_274 = vector.broadcast %add3A_273 : i32 to vector<16xi32>
    %add3A_275 = arith.addi %add3A_274, %iota3A : vector<16xi32>
    %jit3A_276 = arith.constant 50 : i32
    %div3A_277 = vector.broadcast %jit3A_276 : i32 to vector<16xi32>
    %div3A_278 = arith.divsi %add3A_275, %div3A_277 : vector<16xi32>
    %sign3A_279 = arith.constant 0 : i32
    %sign3A_280 = vector.broadcast %sign3A_279 : i32 to vector<16xi32>
    %sign3A_281 = arith.cmpi sgt, %add3A_275, %sign3A_280 : vector<16xi32>
    %sign3A_282 = arith.extui %sign3A_281 : vector<16xi1> to vector<16xi32>
    %sign3A_283 = arith.constant 0 : i32
    %sign3A_284 = vector.broadcast %sign3A_283 : i32 to vector<16xi32>
    %sign3A_285 = arith.cmpi slt, %add3A_275, %sign3A_284 : vector<16xi32>
    %sign3A_286 = arith.extui %sign3A_285 : vector<16xi1> to vector<16xi32>
    %sign3A_287 = arith.subi %sign3A_282, %sign3A_286 : vector<16xi32>
    %sign3A_288 = arith.constant 0 : i32
    %sign3A_289 = arith.cmpi sgt, %jit3A_276, %sign3A_288 : i32
    %sign3A_290 = arith.extui %sign3A_289 : i1 to i32
    %sign3A_291 = arith.constant 0 : i32
    %sign3A_292 = arith.cmpi slt, %jit3A_276, %sign3A_291 : i32
    %sign3A_293 = arith.extui %sign3A_292 : i1 to i32
    %sign3A_294 = arith.subi %sign3A_290, %sign3A_293 : i32
    %ne3A_295 = vector.broadcast %sign3A_294 : i32 to vector<16xi32>
    %ne3A_296 = arith.cmpi ne, %sign3A_287, %ne3A_295 : vector<16xi32>
    %rem3A_297 = vector.broadcast %jit3A_276 : i32 to vector<16xi32>
    %rem3A_298 = arith.remsi %add3A_275, %rem3A_297 : vector<16xi32>
    %ne3A_299 = arith.constant 0 : i32
    %ne3A_300 = vector.broadcast %ne3A_299 : i32 to vector<16xi32>
    %ne3A_301 = arith.cmpi ne, %rem3A_298, %ne3A_300 : vector<16xi32>
    %and3A_302 = arith.andi %ne3A_296, %ne3A_301 : vector<16xi1>
    %sub3A_303 = arith.constant 1 : i32
    %sub3A_304 = vector.broadcast %sub3A_303 : i32 to vector<16xi32>
    %sub3A_305 = arith.subi %div3A_278, %sub3A_304 : vector<16xi32>
    %select_n3A_306 = arith.select %and3A_302, %sub3A_305, %div3A_278 : vector<16xi1>, vector<16xi32>
    %jit3A_307 = arith.constant 50 : i32
    %eq3A_308 = arith.constant 0 : i32
    %eq3A_309 = arith.cmpi eq, %jit3A_307, %eq3A_308 : i32
    %jit3A_310 = arith.constant 1 : i32
    %select_n3A_311 = arith.select %eq3A_309, %jit3A_310, %jit3A_307 : i32
    %rem3A_312 = vector.broadcast %select_n3A_311 : i32 to vector<16xi32>
    %rem3A_313 = arith.remsi %add3A_275, %rem3A_312 : vector<16xi32>
    %ne3A_314 = arith.constant 0 : i32
    %ne3A_315 = vector.broadcast %ne3A_314 : i32 to vector<16xi32>
    %ne3A_316 = arith.cmpi ne, %rem3A_313, %ne3A_315 : vector<16xi32>
    %lt3A_317 = arith.constant 0 : i32
    %lt3A_318 = vector.broadcast %lt3A_317 : i32 to vector<16xi32>
    %lt3A_319 = arith.cmpi slt, %rem3A_313, %lt3A_318 : vector<16xi32>
    %lt3A_320 = arith.constant 0 : i32
    %lt3A_321 = arith.cmpi slt, %select_n3A_311, %lt3A_320 : i32
    %ne3A_322 = vector.broadcast %lt3A_321 : i1 to vector<16xi1>
    %ne3A_323 = vector.broadcast %ne3A_322 : vector<16xi1> to vector<16xi1>
    %ne3A_324 = arith.xori %lt3A_319, %ne3A_323 : vector<16xi1>
    %and3A_325 = arith.andi %ne3A_324, %ne3A_316 : vector<16xi1>
    %add3A_326 = vector.broadcast %select_n3A_311 : i32 to vector<16xi32>
    %add3A_327 = arith.addi %rem3A_313, %add3A_326 : vector<16xi32>
    %select_n3A_328 = arith.select %and3A_325, %add3A_327, %rem3A_313 : vector<16xi1>, vector<16xi32>
    %add3A_329 = arith.constant 96 : i32
    %add3A_330 = vector.broadcast %add3A_329 : i32 to vector<16xi32>
    %add3A_331 = arith.addi %add3A_330, %iota3A : vector<16xi32>
    %jit3A_332 = arith.constant 50 : i32
    %div3A_333 = vector.broadcast %jit3A_332 : i32 to vector<16xi32>
    %div3A_334 = arith.divsi %add3A_331, %div3A_333 : vector<16xi32>
    %sign3A_335 = arith.constant 0 : i32
    %sign3A_336 = vector.broadcast %sign3A_335 : i32 to vector<16xi32>
    %sign3A_337 = arith.cmpi sgt, %add3A_331, %sign3A_336 : vector<16xi32>
    %sign3A_338 = arith.extui %sign3A_337 : vector<16xi1> to vector<16xi32>
    %sign3A_339 = arith.constant 0 : i32
    %sign3A_340 = vector.broadcast %sign3A_339 : i32 to vector<16xi32>
    %sign3A_341 = arith.cmpi slt, %add3A_331, %sign3A_340 : vector<16xi32>
    %sign3A_342 = arith.extui %sign3A_341 : vector<16xi1> to vector<16xi32>
    %sign3A_343 = arith.subi %sign3A_338, %sign3A_342 : vector<16xi32>
    %sign3A_344 = arith.constant 0 : i32
    %sign3A_345 = arith.cmpi sgt, %jit3A_332, %sign3A_344 : i32
    %sign3A_346 = arith.extui %sign3A_345 : i1 to i32
    %sign3A_347 = arith.constant 0 : i32
    %sign3A_348 = arith.cmpi slt, %jit3A_332, %sign3A_347 : i32
    %sign3A_349 = arith.extui %sign3A_348 : i1 to i32
    %sign3A_350 = arith.subi %sign3A_346, %sign3A_349 : i32
    %ne3A_351 = vector.broadcast %sign3A_350 : i32 to vector<16xi32>
    %ne3A_352 = arith.cmpi ne, %sign3A_343, %ne3A_351 : vector<16xi32>
    %rem3A_353 = vector.broadcast %jit3A_332 : i32 to vector<16xi32>
    %rem3A_354 = arith.remsi %add3A_331, %rem3A_353 : vector<16xi32>
    %ne3A_355 = arith.constant 0 : i32
    %ne3A_356 = vector.broadcast %ne3A_355 : i32 to vector<16xi32>
    %ne3A_357 = arith.cmpi ne, %rem3A_354, %ne3A_356 : vector<16xi32>
    %and3A_358 = arith.andi %ne3A_352, %ne3A_357 : vector<16xi1>
    %sub3A_359 = arith.constant 1 : i32
    %sub3A_360 = vector.broadcast %sub3A_359 : i32 to vector<16xi32>
    %sub3A_361 = arith.subi %div3A_334, %sub3A_360 : vector<16xi32>
    %select_n3A_362 = arith.select %and3A_358, %sub3A_361, %div3A_334 : vector<16xi1>, vector<16xi32>
    %jit3A_363 = arith.constant 50 : i32
    %eq3A_364 = arith.constant 0 : i32
    %eq3A_365 = arith.cmpi eq, %jit3A_363, %eq3A_364 : i32
    %jit3A_366 = arith.constant 1 : i32
    %select_n3A_367 = arith.select %eq3A_365, %jit3A_366, %jit3A_363 : i32
    %rem3A_368 = vector.broadcast %select_n3A_367 : i32 to vector<16xi32>
    %rem3A_369 = arith.remsi %add3A_331, %rem3A_368 : vector<16xi32>
    %ne3A_370 = arith.constant 0 : i32
    %ne3A_371 = vector.broadcast %ne3A_370 : i32 to vector<16xi32>
    %ne3A_372 = arith.cmpi ne, %rem3A_369, %ne3A_371 : vector<16xi32>
    %lt3A_373 = arith.constant 0 : i32
    %lt3A_374 = vector.broadcast %lt3A_373 : i32 to vector<16xi32>
    %lt3A_375 = arith.cmpi slt, %rem3A_369, %lt3A_374 : vector<16xi32>
    %lt3A_376 = arith.constant 0 : i32
    %lt3A_377 = arith.cmpi slt, %select_n3A_367, %lt3A_376 : i32
    %ne3A_378 = vector.broadcast %lt3A_377 : i1 to vector<16xi1>
    %ne3A_379 = vector.broadcast %ne3A_378 : vector<16xi1> to vector<16xi1>
    %ne3A_380 = arith.xori %lt3A_375, %ne3A_379 : vector<16xi1>
    %and3A_381 = arith.andi %ne3A_380, %ne3A_372 : vector<16xi1>
    %add3A_382 = vector.broadcast %select_n3A_367 : i32 to vector<16xi32>
    %add3A_383 = arith.addi %rem3A_369, %add3A_382 : vector<16xi32>
    %select_n3A_384 = arith.select %and3A_381, %add3A_383, %rem3A_369 : vector<16xi1>, vector<16xi32>
    %add3A_385 = arith.constant 112 : i32
    %add3A_386 = vector.broadcast %add3A_385 : i32 to vector<16xi32>
    %add3A_387 = arith.addi %add3A_386, %iota3A : vector<16xi32>
    %jit3A_388 = arith.constant 50 : i32
    %div3A_389 = vector.broadcast %jit3A_388 : i32 to vector<16xi32>
    %div3A_390 = arith.divsi %add3A_387, %div3A_389 : vector<16xi32>
    %sign3A_391 = arith.constant 0 : i32
    %sign3A_392 = vector.broadcast %sign3A_391 : i32 to vector<16xi32>
    %sign3A_393 = arith.cmpi sgt, %add3A_387, %sign3A_392 : vector<16xi32>
    %sign3A_394 = arith.extui %sign3A_393 : vector<16xi1> to vector<16xi32>
    %sign3A_395 = arith.constant 0 : i32
    %sign3A_396 = vector.broadcast %sign3A_395 : i32 to vector<16xi32>
    %sign3A_397 = arith.cmpi slt, %add3A_387, %sign3A_396 : vector<16xi32>
    %sign3A_398 = arith.extui %sign3A_397 : vector<16xi1> to vector<16xi32>
    %sign3A_399 = arith.subi %sign3A_394, %sign3A_398 : vector<16xi32>
    %sign3A_400 = arith.constant 0 : i32
    %sign3A_401 = arith.cmpi sgt, %jit3A_388, %sign3A_400 : i32
    %sign3A_402 = arith.extui %sign3A_401 : i1 to i32
    %sign3A_403 = arith.constant 0 : i32
    %sign3A_404 = arith.cmpi slt, %jit3A_388, %sign3A_403 : i32
    %sign3A_405 = arith.extui %sign3A_404 : i1 to i32
    %sign3A_406 = arith.subi %sign3A_402, %sign3A_405 : i32
    %ne3A_407 = vector.broadcast %sign3A_406 : i32 to vector<16xi32>
    %ne3A_408 = arith.cmpi ne, %sign3A_399, %ne3A_407 : vector<16xi32>
    %rem3A_409 = vector.broadcast %jit3A_388 : i32 to vector<16xi32>
    %rem3A_410 = arith.remsi %add3A_387, %rem3A_409 : vector<16xi32>
    %ne3A_411 = arith.constant 0 : i32
    %ne3A_412 = vector.broadcast %ne3A_411 : i32 to vector<16xi32>
    %ne3A_413 = arith.cmpi ne, %rem3A_410, %ne3A_412 : vector<16xi32>
    %and3A_414 = arith.andi %ne3A_408, %ne3A_413 : vector<16xi1>
    %sub3A_415 = arith.constant 1 : i32
    %sub3A_416 = vector.broadcast %sub3A_415 : i32 to vector<16xi32>
    %sub3A_417 = arith.subi %div3A_390, %sub3A_416 : vector<16xi32>
    %select_n3A_418 = arith.select %and3A_414, %sub3A_417, %div3A_390 : vector<16xi1>, vector<16xi32>
    %jit3A_419 = arith.constant 50 : i32
    %eq3A_420 = arith.constant 0 : i32
    %eq3A_421 = arith.cmpi eq, %jit3A_419, %eq3A_420 : i32
    %jit3A_422 = arith.constant 1 : i32
    %select_n3A_423 = arith.select %eq3A_421, %jit3A_422, %jit3A_419 : i32
    %rem3A_424 = vector.broadcast %select_n3A_423 : i32 to vector<16xi32>
    %rem3A_425 = arith.remsi %add3A_387, %rem3A_424 : vector<16xi32>
    %ne3A_426 = arith.constant 0 : i32
    %ne3A_427 = vector.broadcast %ne3A_426 : i32 to vector<16xi32>
    %ne3A_428 = arith.cmpi ne, %rem3A_425, %ne3A_427 : vector<16xi32>
    %lt3A_429 = arith.constant 0 : i32
    %lt3A_430 = vector.broadcast %lt3A_429 : i32 to vector<16xi32>
    %lt3A_431 = arith.cmpi slt, %rem3A_425, %lt3A_430 : vector<16xi32>
    %lt3A_432 = arith.constant 0 : i32
    %lt3A_433 = arith.cmpi slt, %select_n3A_423, %lt3A_432 : i32
    %ne3A_434 = vector.broadcast %lt3A_433 : i1 to vector<16xi1>
    %ne3A_435 = vector.broadcast %ne3A_434 : vector<16xi1> to vector<16xi1>
    %ne3A_436 = arith.xori %lt3A_431, %ne3A_435 : vector<16xi1>
    %and3A_437 = arith.andi %ne3A_436, %ne3A_428 : vector<16xi1>
    %add3A_438 = vector.broadcast %select_n3A_423 : i32 to vector<16xi32>
    %add3A_439 = arith.addi %rem3A_425, %add3A_438 : vector<16xi32>
    %select_n3A_440 = arith.select %and3A_437, %add3A_439, %rem3A_425 : vector<16xi1>, vector<16xi32>
    %add3A_441 = arith.constant 128 : i32
    %add3A_442 = vector.broadcast %add3A_441 : i32 to vector<16xi32>
    %add3A_443 = arith.addi %add3A_442, %iota3A : vector<16xi32>
    %jit3A_444 = arith.constant 50 : i32
    %div3A_445 = vector.broadcast %jit3A_444 : i32 to vector<16xi32>
    %div3A_446 = arith.divsi %add3A_443, %div3A_445 : vector<16xi32>
    %sign3A_447 = arith.constant 0 : i32
    %sign3A_448 = vector.broadcast %sign3A_447 : i32 to vector<16xi32>
    %sign3A_449 = arith.cmpi sgt, %add3A_443, %sign3A_448 : vector<16xi32>
    %sign3A_450 = arith.extui %sign3A_449 : vector<16xi1> to vector<16xi32>
    %sign3A_451 = arith.constant 0 : i32
    %sign3A_452 = vector.broadcast %sign3A_451 : i32 to vector<16xi32>
    %sign3A_453 = arith.cmpi slt, %add3A_443, %sign3A_452 : vector<16xi32>
    %sign3A_454 = arith.extui %sign3A_453 : vector<16xi1> to vector<16xi32>
    %sign3A_455 = arith.subi %sign3A_450, %sign3A_454 : vector<16xi32>
    %sign3A_456 = arith.constant 0 : i32
    %sign3A_457 = arith.cmpi sgt, %jit3A_444, %sign3A_456 : i32
    %sign3A_458 = arith.extui %sign3A_457 : i1 to i32
    %sign3A_459 = arith.constant 0 : i32
    %sign3A_460 = arith.cmpi slt, %jit3A_444, %sign3A_459 : i32
    %sign3A_461 = arith.extui %sign3A_460 : i1 to i32
    %sign3A_462 = arith.subi %sign3A_458, %sign3A_461 : i32
    %ne3A_463 = vector.broadcast %sign3A_462 : i32 to vector<16xi32>
    %ne3A_464 = arith.cmpi ne, %sign3A_455, %ne3A_463 : vector<16xi32>
    %rem3A_465 = vector.broadcast %jit3A_444 : i32 to vector<16xi32>
    %rem3A_466 = arith.remsi %add3A_443, %rem3A_465 : vector<16xi32>
    %ne3A_467 = arith.constant 0 : i32
    %ne3A_468 = vector.broadcast %ne3A_467 : i32 to vector<16xi32>
    %ne3A_469 = arith.cmpi ne, %rem3A_466, %ne3A_468 : vector<16xi32>
    %and3A_470 = arith.andi %ne3A_464, %ne3A_469 : vector<16xi1>
    %sub3A_471 = arith.constant 1 : i32
    %sub3A_472 = vector.broadcast %sub3A_471 : i32 to vector<16xi32>
    %sub3A_473 = arith.subi %div3A_446, %sub3A_472 : vector<16xi32>
    %select_n3A_474 = arith.select %and3A_470, %sub3A_473, %div3A_446 : vector<16xi1>, vector<16xi32>
    %jit3A_475 = arith.constant 50 : i32
    %eq3A_476 = arith.constant 0 : i32
    %eq3A_477 = arith.cmpi eq, %jit3A_475, %eq3A_476 : i32
    %jit3A_478 = arith.constant 1 : i32
    %select_n3A_479 = arith.select %eq3A_477, %jit3A_478, %jit3A_475 : i32
    %rem3A_480 = vector.broadcast %select_n3A_479 : i32 to vector<16xi32>
    %rem3A_481 = arith.remsi %add3A_443, %rem3A_480 : vector<16xi32>
    %ne3A_482 = arith.constant 0 : i32
    %ne3A_483 = vector.broadcast %ne3A_482 : i32 to vector<16xi32>
    %ne3A_484 = arith.cmpi ne, %rem3A_481, %ne3A_483 : vector<16xi32>
    %lt3A_485 = arith.constant 0 : i32
    %lt3A_486 = vector.broadcast %lt3A_485 : i32 to vector<16xi32>
    %lt3A_487 = arith.cmpi slt, %rem3A_481, %lt3A_486 : vector<16xi32>
    %lt3A_488 = arith.constant 0 : i32
    %lt3A_489 = arith.cmpi slt, %select_n3A_479, %lt3A_488 : i32
    %ne3A_490 = vector.broadcast %lt3A_489 : i1 to vector<16xi1>
    %ne3A_491 = vector.broadcast %ne3A_490 : vector<16xi1> to vector<16xi1>
    %ne3A_492 = arith.xori %lt3A_487, %ne3A_491 : vector<16xi1>
    %and3A_493 = arith.andi %ne3A_492, %ne3A_484 : vector<16xi1>
    %add3A_494 = vector.broadcast %select_n3A_479 : i32 to vector<16xi32>
    %add3A_495 = arith.addi %rem3A_481, %add3A_494 : vector<16xi32>
    %select_n3A_496 = arith.select %and3A_493, %add3A_495, %rem3A_481 : vector<16xi1>, vector<16xi32>
    %add3A_497 = arith.constant 144 : i32
    %add3A_498 = vector.broadcast %add3A_497 : i32 to vector<16xi32>
    %add3A_499 = arith.addi %add3A_498, %iota3A : vector<16xi32>
    %jit3A_500 = arith.constant 50 : i32
    %div3A_501 = vector.broadcast %jit3A_500 : i32 to vector<16xi32>
    %div3A_502 = arith.divsi %add3A_499, %div3A_501 : vector<16xi32>
    %sign3A_503 = arith.constant 0 : i32
    %sign3A_504 = vector.broadcast %sign3A_503 : i32 to vector<16xi32>
    %sign3A_505 = arith.cmpi sgt, %add3A_499, %sign3A_504 : vector<16xi32>
    %sign3A_506 = arith.extui %sign3A_505 : vector<16xi1> to vector<16xi32>
    %sign3A_507 = arith.constant 0 : i32
    %sign3A_508 = vector.broadcast %sign3A_507 : i32 to vector<16xi32>
    %sign3A_509 = arith.cmpi slt, %add3A_499, %sign3A_508 : vector<16xi32>
    %sign3A_510 = arith.extui %sign3A_509 : vector<16xi1> to vector<16xi32>
    %sign3A_511 = arith.subi %sign3A_506, %sign3A_510 : vector<16xi32>
    %sign3A_512 = arith.constant 0 : i32
    %sign3A_513 = arith.cmpi sgt, %jit3A_500, %sign3A_512 : i32
    %sign3A_514 = arith.extui %sign3A_513 : i1 to i32
    %sign3A_515 = arith.constant 0 : i32
    %sign3A_516 = arith.cmpi slt, %jit3A_500, %sign3A_515 : i32
    %sign3A_517 = arith.extui %sign3A_516 : i1 to i32
    %sign3A_518 = arith.subi %sign3A_514, %sign3A_517 : i32
    %ne3A_519 = vector.broadcast %sign3A_518 : i32 to vector<16xi32>
    %ne3A_520 = arith.cmpi ne, %sign3A_511, %ne3A_519 : vector<16xi32>
    %rem3A_521 = vector.broadcast %jit3A_500 : i32 to vector<16xi32>
    %rem3A_522 = arith.remsi %add3A_499, %rem3A_521 : vector<16xi32>
    %ne3A_523 = arith.constant 0 : i32
    %ne3A_524 = vector.broadcast %ne3A_523 : i32 to vector<16xi32>
    %ne3A_525 = arith.cmpi ne, %rem3A_522, %ne3A_524 : vector<16xi32>
    %and3A_526 = arith.andi %ne3A_520, %ne3A_525 : vector<16xi1>
    %sub3A_527 = arith.constant 1 : i32
    %sub3A_528 = vector.broadcast %sub3A_527 : i32 to vector<16xi32>
    %sub3A_529 = arith.subi %div3A_502, %sub3A_528 : vector<16xi32>
    %select_n3A_530 = arith.select %and3A_526, %sub3A_529, %div3A_502 : vector<16xi1>, vector<16xi32>
    %jit3A_531 = arith.constant 50 : i32
    %eq3A_532 = arith.constant 0 : i32
    %eq3A_533 = arith.cmpi eq, %jit3A_531, %eq3A_532 : i32
    %jit3A_534 = arith.constant 1 : i32
    %select_n3A_535 = arith.select %eq3A_533, %jit3A_534, %jit3A_531 : i32
    %rem3A_536 = vector.broadcast %select_n3A_535 : i32 to vector<16xi32>
    %rem3A_537 = arith.remsi %add3A_499, %rem3A_536 : vector<16xi32>
    %ne3A_538 = arith.constant 0 : i32
    %ne3A_539 = vector.broadcast %ne3A_538 : i32 to vector<16xi32>
    %ne3A_540 = arith.cmpi ne, %rem3A_537, %ne3A_539 : vector<16xi32>
    %lt3A_541 = arith.constant 0 : i32
    %lt3A_542 = vector.broadcast %lt3A_541 : i32 to vector<16xi32>
    %lt3A_543 = arith.cmpi slt, %rem3A_537, %lt3A_542 : vector<16xi32>
    %lt3A_544 = arith.constant 0 : i32
    %lt3A_545 = arith.cmpi slt, %select_n3A_535, %lt3A_544 : i32
    %ne3A_546 = vector.broadcast %lt3A_545 : i1 to vector<16xi1>
    %ne3A_547 = vector.broadcast %ne3A_546 : vector<16xi1> to vector<16xi1>
    %ne3A_548 = arith.xori %lt3A_543, %ne3A_547 : vector<16xi1>
    %and3A_549 = arith.andi %ne3A_548, %ne3A_540 : vector<16xi1>
    %add3A_550 = vector.broadcast %select_n3A_535 : i32 to vector<16xi32>
    %add3A_551 = arith.addi %rem3A_537, %add3A_550 : vector<16xi32>
    %select_n3A_552 = arith.select %and3A_549, %add3A_551, %rem3A_537 : vector<16xi1>, vector<16xi32>
    %add3A_553 = arith.constant 160 : i32
    %add3A_554 = vector.broadcast %add3A_553 : i32 to vector<16xi32>
    %add3A_555 = arith.addi %add3A_554, %iota3A : vector<16xi32>
    %jit3A_556 = arith.constant 50 : i32
    %div3A_557 = vector.broadcast %jit3A_556 : i32 to vector<16xi32>
    %div3A_558 = arith.divsi %add3A_555, %div3A_557 : vector<16xi32>
    %sign3A_559 = arith.constant 0 : i32
    %sign3A_560 = vector.broadcast %sign3A_559 : i32 to vector<16xi32>
    %sign3A_561 = arith.cmpi sgt, %add3A_555, %sign3A_560 : vector<16xi32>
    %sign3A_562 = arith.extui %sign3A_561 : vector<16xi1> to vector<16xi32>
    %sign3A_563 = arith.constant 0 : i32
    %sign3A_564 = vector.broadcast %sign3A_563 : i32 to vector<16xi32>
    %sign3A_565 = arith.cmpi slt, %add3A_555, %sign3A_564 : vector<16xi32>
    %sign3A_566 = arith.extui %sign3A_565 : vector<16xi1> to vector<16xi32>
    %sign3A_567 = arith.subi %sign3A_562, %sign3A_566 : vector<16xi32>
    %sign3A_568 = arith.constant 0 : i32
    %sign3A_569 = arith.cmpi sgt, %jit3A_556, %sign3A_568 : i32
    %sign3A_570 = arith.extui %sign3A_569 : i1 to i32
    %sign3A_571 = arith.constant 0 : i32
    %sign3A_572 = arith.cmpi slt, %jit3A_556, %sign3A_571 : i32
    %sign3A_573 = arith.extui %sign3A_572 : i1 to i32
    %sign3A_574 = arith.subi %sign3A_570, %sign3A_573 : i32
    %ne3A_575 = vector.broadcast %sign3A_574 : i32 to vector<16xi32>
    %ne3A_576 = arith.cmpi ne, %sign3A_567, %ne3A_575 : vector<16xi32>
    %rem3A_577 = vector.broadcast %jit3A_556 : i32 to vector<16xi32>
    %rem3A_578 = arith.remsi %add3A_555, %rem3A_577 : vector<16xi32>
    %ne3A_579 = arith.constant 0 : i32
    %ne3A_580 = vector.broadcast %ne3A_579 : i32 to vector<16xi32>
    %ne3A_581 = arith.cmpi ne, %rem3A_578, %ne3A_580 : vector<16xi32>
    %and3A_582 = arith.andi %ne3A_576, %ne3A_581 : vector<16xi1>
    %sub3A_583 = arith.constant 1 : i32
    %sub3A_584 = vector.broadcast %sub3A_583 : i32 to vector<16xi32>
    %sub3A_585 = arith.subi %div3A_558, %sub3A_584 : vector<16xi32>
    %select_n3A_586 = arith.select %and3A_582, %sub3A_585, %div3A_558 : vector<16xi1>, vector<16xi32>
    %jit3A_587 = arith.constant 50 : i32
    %eq3A_588 = arith.constant 0 : i32
    %eq3A_589 = arith.cmpi eq, %jit3A_587, %eq3A_588 : i32
    %jit3A_590 = arith.constant 1 : i32
    %select_n3A_591 = arith.select %eq3A_589, %jit3A_590, %jit3A_587 : i32
    %rem3A_592 = vector.broadcast %select_n3A_591 : i32 to vector<16xi32>
    %rem3A_593 = arith.remsi %add3A_555, %rem3A_592 : vector<16xi32>
    %ne3A_594 = arith.constant 0 : i32
    %ne3A_595 = vector.broadcast %ne3A_594 : i32 to vector<16xi32>
    %ne3A_596 = arith.cmpi ne, %rem3A_593, %ne3A_595 : vector<16xi32>
    %lt3A_597 = arith.constant 0 : i32
    %lt3A_598 = vector.broadcast %lt3A_597 : i32 to vector<16xi32>
    %lt3A_599 = arith.cmpi slt, %rem3A_593, %lt3A_598 : vector<16xi32>
    %lt3A_600 = arith.constant 0 : i32
    %lt3A_601 = arith.cmpi slt, %select_n3A_591, %lt3A_600 : i32
    %ne3A_602 = vector.broadcast %lt3A_601 : i1 to vector<16xi1>
    %ne3A_603 = vector.broadcast %ne3A_602 : vector<16xi1> to vector<16xi1>
    %ne3A_604 = arith.xori %lt3A_599, %ne3A_603 : vector<16xi1>
    %and3A_605 = arith.andi %ne3A_604, %ne3A_596 : vector<16xi1>
    %add3A_606 = vector.broadcast %select_n3A_591 : i32 to vector<16xi32>
    %add3A_607 = arith.addi %rem3A_593, %add3A_606 : vector<16xi32>
    %select_n3A_608 = arith.select %and3A_605, %add3A_607, %rem3A_593 : vector<16xi1>, vector<16xi32>
    %add3A_609 = arith.constant 176 : i32
    %add3A_610 = vector.broadcast %add3A_609 : i32 to vector<16xi32>
    %add3A_611 = arith.addi %add3A_610, %iota3A : vector<16xi32>
    %jit3A_612 = arith.constant 50 : i32
    %div3A_613 = vector.broadcast %jit3A_612 : i32 to vector<16xi32>
    %div3A_614 = arith.divsi %add3A_611, %div3A_613 : vector<16xi32>
    %sign3A_615 = arith.constant 0 : i32
    %sign3A_616 = vector.broadcast %sign3A_615 : i32 to vector<16xi32>
    %sign3A_617 = arith.cmpi sgt, %add3A_611, %sign3A_616 : vector<16xi32>
    %sign3A_618 = arith.extui %sign3A_617 : vector<16xi1> to vector<16xi32>
    %sign3A_619 = arith.constant 0 : i32
    %sign3A_620 = vector.broadcast %sign3A_619 : i32 to vector<16xi32>
    %sign3A_621 = arith.cmpi slt, %add3A_611, %sign3A_620 : vector<16xi32>
    %sign3A_622 = arith.extui %sign3A_621 : vector<16xi1> to vector<16xi32>
    %sign3A_623 = arith.subi %sign3A_618, %sign3A_622 : vector<16xi32>
    %sign3A_624 = arith.constant 0 : i32
    %sign3A_625 = arith.cmpi sgt, %jit3A_612, %sign3A_624 : i32
    %sign3A_626 = arith.extui %sign3A_625 : i1 to i32
    %sign3A_627 = arith.constant 0 : i32
    %sign3A_628 = arith.cmpi slt, %jit3A_612, %sign3A_627 : i32
    %sign3A_629 = arith.extui %sign3A_628 : i1 to i32
    %sign3A_630 = arith.subi %sign3A_626, %sign3A_629 : i32
    %ne3A_631 = vector.broadcast %sign3A_630 : i32 to vector<16xi32>
    %ne3A_632 = arith.cmpi ne, %sign3A_623, %ne3A_631 : vector<16xi32>
    %rem3A_633 = vector.broadcast %jit3A_612 : i32 to vector<16xi32>
    %rem3A_634 = arith.remsi %add3A_611, %rem3A_633 : vector<16xi32>
    %ne3A_635 = arith.constant 0 : i32
    %ne3A_636 = vector.broadcast %ne3A_635 : i32 to vector<16xi32>
    %ne3A_637 = arith.cmpi ne, %rem3A_634, %ne3A_636 : vector<16xi32>
    %and3A_638 = arith.andi %ne3A_632, %ne3A_637 : vector<16xi1>
    %sub3A_639 = arith.constant 1 : i32
    %sub3A_640 = vector.broadcast %sub3A_639 : i32 to vector<16xi32>
    %sub3A_641 = arith.subi %div3A_614, %sub3A_640 : vector<16xi32>
    %select_n3A_642 = arith.select %and3A_638, %sub3A_641, %div3A_614 : vector<16xi1>, vector<16xi32>
    %jit3A_643 = arith.constant 50 : i32
    %eq3A_644 = arith.constant 0 : i32
    %eq3A_645 = arith.cmpi eq, %jit3A_643, %eq3A_644 : i32
    %jit3A_646 = arith.constant 1 : i32
    %select_n3A_647 = arith.select %eq3A_645, %jit3A_646, %jit3A_643 : i32
    %rem3A_648 = vector.broadcast %select_n3A_647 : i32 to vector<16xi32>
    %rem3A_649 = arith.remsi %add3A_611, %rem3A_648 : vector<16xi32>
    %ne3A_650 = arith.constant 0 : i32
    %ne3A_651 = vector.broadcast %ne3A_650 : i32 to vector<16xi32>
    %ne3A_652 = arith.cmpi ne, %rem3A_649, %ne3A_651 : vector<16xi32>
    %lt3A_653 = arith.constant 0 : i32
    %lt3A_654 = vector.broadcast %lt3A_653 : i32 to vector<16xi32>
    %lt3A_655 = arith.cmpi slt, %rem3A_649, %lt3A_654 : vector<16xi32>
    %lt3A_656 = arith.constant 0 : i32
    %lt3A_657 = arith.cmpi slt, %select_n3A_647, %lt3A_656 : i32
    %ne3A_658 = vector.broadcast %lt3A_657 : i1 to vector<16xi1>
    %ne3A_659 = vector.broadcast %ne3A_658 : vector<16xi1> to vector<16xi1>
    %ne3A_660 = arith.xori %lt3A_655, %ne3A_659 : vector<16xi1>
    %and3A_661 = arith.andi %ne3A_660, %ne3A_652 : vector<16xi1>
    %add3A_662 = vector.broadcast %select_n3A_647 : i32 to vector<16xi32>
    %add3A_663 = arith.addi %rem3A_649, %add3A_662 : vector<16xi32>
    %select_n3A_664 = arith.select %and3A_661, %add3A_663, %rem3A_649 : vector<16xi1>, vector<16xi32>
    %add3A_665 = arith.constant 192 : i32
    %add3A_666 = vector.broadcast %add3A_665 : i32 to vector<16xi32>
    %add3A_667 = arith.addi %add3A_666, %iota3A : vector<16xi32>
    %jit3A_668 = arith.constant 50 : i32
    %div3A_669 = vector.broadcast %jit3A_668 : i32 to vector<16xi32>
    %div3A_670 = arith.divsi %add3A_667, %div3A_669 : vector<16xi32>
    %sign3A_671 = arith.constant 0 : i32
    %sign3A_672 = vector.broadcast %sign3A_671 : i32 to vector<16xi32>
    %sign3A_673 = arith.cmpi sgt, %add3A_667, %sign3A_672 : vector<16xi32>
    %sign3A_674 = arith.extui %sign3A_673 : vector<16xi1> to vector<16xi32>
    %sign3A_675 = arith.constant 0 : i32
    %sign3A_676 = vector.broadcast %sign3A_675 : i32 to vector<16xi32>
    %sign3A_677 = arith.cmpi slt, %add3A_667, %sign3A_676 : vector<16xi32>
    %sign3A_678 = arith.extui %sign3A_677 : vector<16xi1> to vector<16xi32>
    %sign3A_679 = arith.subi %sign3A_674, %sign3A_678 : vector<16xi32>
    %sign3A_680 = arith.constant 0 : i32
    %sign3A_681 = arith.cmpi sgt, %jit3A_668, %sign3A_680 : i32
    %sign3A_682 = arith.extui %sign3A_681 : i1 to i32
    %sign3A_683 = arith.constant 0 : i32
    %sign3A_684 = arith.cmpi slt, %jit3A_668, %sign3A_683 : i32
    %sign3A_685 = arith.extui %sign3A_684 : i1 to i32
    %sign3A_686 = arith.subi %sign3A_682, %sign3A_685 : i32
    %ne3A_687 = vector.broadcast %sign3A_686 : i32 to vector<16xi32>
    %ne3A_688 = arith.cmpi ne, %sign3A_679, %ne3A_687 : vector<16xi32>
    %rem3A_689 = vector.broadcast %jit3A_668 : i32 to vector<16xi32>
    %rem3A_690 = arith.remsi %add3A_667, %rem3A_689 : vector<16xi32>
    %ne3A_691 = arith.constant 0 : i32
    %ne3A_692 = vector.broadcast %ne3A_691 : i32 to vector<16xi32>
    %ne3A_693 = arith.cmpi ne, %rem3A_690, %ne3A_692 : vector<16xi32>
    %and3A_694 = arith.andi %ne3A_688, %ne3A_693 : vector<16xi1>
    %sub3A_695 = arith.constant 1 : i32
    %sub3A_696 = vector.broadcast %sub3A_695 : i32 to vector<16xi32>
    %sub3A_697 = arith.subi %div3A_670, %sub3A_696 : vector<16xi32>
    %select_n3A_698 = arith.select %and3A_694, %sub3A_697, %div3A_670 : vector<16xi1>, vector<16xi32>
    %jit3A_699 = arith.constant 50 : i32
    %eq3A_700 = arith.constant 0 : i32
    %eq3A_701 = arith.cmpi eq, %jit3A_699, %eq3A_700 : i32
    %jit3A_702 = arith.constant 1 : i32
    %select_n3A_703 = arith.select %eq3A_701, %jit3A_702, %jit3A_699 : i32
    %rem3A_704 = vector.broadcast %select_n3A_703 : i32 to vector<16xi32>
    %rem3A_705 = arith.remsi %add3A_667, %rem3A_704 : vector<16xi32>
    %ne3A_706 = arith.constant 0 : i32
    %ne3A_707 = vector.broadcast %ne3A_706 : i32 to vector<16xi32>
    %ne3A_708 = arith.cmpi ne, %rem3A_705, %ne3A_707 : vector<16xi32>
    %lt3A_709 = arith.constant 0 : i32
    %lt3A_710 = vector.broadcast %lt3A_709 : i32 to vector<16xi32>
    %lt3A_711 = arith.cmpi slt, %rem3A_705, %lt3A_710 : vector<16xi32>
    %lt3A_712 = arith.constant 0 : i32
    %lt3A_713 = arith.cmpi slt, %select_n3A_703, %lt3A_712 : i32
    %ne3A_714 = vector.broadcast %lt3A_713 : i1 to vector<16xi1>
    %ne3A_715 = vector.broadcast %ne3A_714 : vector<16xi1> to vector<16xi1>
    %ne3A_716 = arith.xori %lt3A_711, %ne3A_715 : vector<16xi1>
    %and3A_717 = arith.andi %ne3A_716, %ne3A_708 : vector<16xi1>
    %add3A_718 = vector.broadcast %select_n3A_703 : i32 to vector<16xi32>
    %add3A_719 = arith.addi %rem3A_705, %add3A_718 : vector<16xi32>
    %select_n3A_720 = arith.select %and3A_717, %add3A_719, %rem3A_705 : vector<16xi1>, vector<16xi32>
    %add3A_721 = arith.constant 208 : i32
    %add3A_722 = vector.broadcast %add3A_721 : i32 to vector<16xi32>
    %add3A_723 = arith.addi %add3A_722, %iota3A : vector<16xi32>
    %jit3A_724 = arith.constant 50 : i32
    %div3A_725 = vector.broadcast %jit3A_724 : i32 to vector<16xi32>
    %div3A_726 = arith.divsi %add3A_723, %div3A_725 : vector<16xi32>
    %sign3A_727 = arith.constant 0 : i32
    %sign3A_728 = vector.broadcast %sign3A_727 : i32 to vector<16xi32>
    %sign3A_729 = arith.cmpi sgt, %add3A_723, %sign3A_728 : vector<16xi32>
    %sign3A_730 = arith.extui %sign3A_729 : vector<16xi1> to vector<16xi32>
    %sign3A_731 = arith.constant 0 : i32
    %sign3A_732 = vector.broadcast %sign3A_731 : i32 to vector<16xi32>
    %sign3A_733 = arith.cmpi slt, %add3A_723, %sign3A_732 : vector<16xi32>
    %sign3A_734 = arith.extui %sign3A_733 : vector<16xi1> to vector<16xi32>
    %sign3A_735 = arith.subi %sign3A_730, %sign3A_734 : vector<16xi32>
    %sign3A_736 = arith.constant 0 : i32
    %sign3A_737 = arith.cmpi sgt, %jit3A_724, %sign3A_736 : i32
    %sign3A_738 = arith.extui %sign3A_737 : i1 to i32
    %sign3A_739 = arith.constant 0 : i32
    %sign3A_740 = arith.cmpi slt, %jit3A_724, %sign3A_739 : i32
    %sign3A_741 = arith.extui %sign3A_740 : i1 to i32
    %sign3A_742 = arith.subi %sign3A_738, %sign3A_741 : i32
    %ne3A_743 = vector.broadcast %sign3A_742 : i32 to vector<16xi32>
    %ne3A_744 = arith.cmpi ne, %sign3A_735, %ne3A_743 : vector<16xi32>
    %rem3A_745 = vector.broadcast %jit3A_724 : i32 to vector<16xi32>
    %rem3A_746 = arith.remsi %add3A_723, %rem3A_745 : vector<16xi32>
    %ne3A_747 = arith.constant 0 : i32
    %ne3A_748 = vector.broadcast %ne3A_747 : i32 to vector<16xi32>
    %ne3A_749 = arith.cmpi ne, %rem3A_746, %ne3A_748 : vector<16xi32>
    %and3A_750 = arith.andi %ne3A_744, %ne3A_749 : vector<16xi1>
    %sub3A_751 = arith.constant 1 : i32
    %sub3A_752 = vector.broadcast %sub3A_751 : i32 to vector<16xi32>
    %sub3A_753 = arith.subi %div3A_726, %sub3A_752 : vector<16xi32>
    %select_n3A_754 = arith.select %and3A_750, %sub3A_753, %div3A_726 : vector<16xi1>, vector<16xi32>
    %jit3A_755 = arith.constant 50 : i32
    %eq3A_756 = arith.constant 0 : i32
    %eq3A_757 = arith.cmpi eq, %jit3A_755, %eq3A_756 : i32
    %jit3A_758 = arith.constant 1 : i32
    %select_n3A_759 = arith.select %eq3A_757, %jit3A_758, %jit3A_755 : i32
    %rem3A_760 = vector.broadcast %select_n3A_759 : i32 to vector<16xi32>
    %rem3A_761 = arith.remsi %add3A_723, %rem3A_760 : vector<16xi32>
    %ne3A_762 = arith.constant 0 : i32
    %ne3A_763 = vector.broadcast %ne3A_762 : i32 to vector<16xi32>
    %ne3A_764 = arith.cmpi ne, %rem3A_761, %ne3A_763 : vector<16xi32>
    %lt3A_765 = arith.constant 0 : i32
    %lt3A_766 = vector.broadcast %lt3A_765 : i32 to vector<16xi32>
    %lt3A_767 = arith.cmpi slt, %rem3A_761, %lt3A_766 : vector<16xi32>
    %lt3A_768 = arith.constant 0 : i32
    %lt3A_769 = arith.cmpi slt, %select_n3A_759, %lt3A_768 : i32
    %ne3A_770 = vector.broadcast %lt3A_769 : i1 to vector<16xi1>
    %ne3A_771 = vector.broadcast %ne3A_770 : vector<16xi1> to vector<16xi1>
    %ne3A_772 = arith.xori %lt3A_767, %ne3A_771 : vector<16xi1>
    %and3A_773 = arith.andi %ne3A_772, %ne3A_764 : vector<16xi1>
    %add3A_774 = vector.broadcast %select_n3A_759 : i32 to vector<16xi32>
    %add3A_775 = arith.addi %rem3A_761, %add3A_774 : vector<16xi32>
    %select_n3A_776 = arith.select %and3A_773, %add3A_775, %rem3A_761 : vector<16xi1>, vector<16xi32>
    %add3A_777 = arith.constant 224 : i32
    %add3A_778 = vector.broadcast %add3A_777 : i32 to vector<16xi32>
    %add3A_779 = arith.addi %add3A_778, %iota3A : vector<16xi32>
    %jit3A_780 = arith.constant 50 : i32
    %div3A_781 = vector.broadcast %jit3A_780 : i32 to vector<16xi32>
    %div3A_782 = arith.divsi %add3A_779, %div3A_781 : vector<16xi32>
    %sign3A_783 = arith.constant 0 : i32
    %sign3A_784 = vector.broadcast %sign3A_783 : i32 to vector<16xi32>
    %sign3A_785 = arith.cmpi sgt, %add3A_779, %sign3A_784 : vector<16xi32>
    %sign3A_786 = arith.extui %sign3A_785 : vector<16xi1> to vector<16xi32>
    %sign3A_787 = arith.constant 0 : i32
    %sign3A_788 = vector.broadcast %sign3A_787 : i32 to vector<16xi32>
    %sign3A_789 = arith.cmpi slt, %add3A_779, %sign3A_788 : vector<16xi32>
    %sign3A_790 = arith.extui %sign3A_789 : vector<16xi1> to vector<16xi32>
    %sign3A_791 = arith.subi %sign3A_786, %sign3A_790 : vector<16xi32>
    %sign3A_792 = arith.constant 0 : i32
    %sign3A_793 = arith.cmpi sgt, %jit3A_780, %sign3A_792 : i32
    %sign3A_794 = arith.extui %sign3A_793 : i1 to i32
    %sign3A_795 = arith.constant 0 : i32
    %sign3A_796 = arith.cmpi slt, %jit3A_780, %sign3A_795 : i32
    %sign3A_797 = arith.extui %sign3A_796 : i1 to i32
    %sign3A_798 = arith.subi %sign3A_794, %sign3A_797 : i32
    %ne3A_799 = vector.broadcast %sign3A_798 : i32 to vector<16xi32>
    %ne3A_800 = arith.cmpi ne, %sign3A_791, %ne3A_799 : vector<16xi32>
    %rem3A_801 = vector.broadcast %jit3A_780 : i32 to vector<16xi32>
    %rem3A_802 = arith.remsi %add3A_779, %rem3A_801 : vector<16xi32>
    %ne3A_803 = arith.constant 0 : i32
    %ne3A_804 = vector.broadcast %ne3A_803 : i32 to vector<16xi32>
    %ne3A_805 = arith.cmpi ne, %rem3A_802, %ne3A_804 : vector<16xi32>
    %and3A_806 = arith.andi %ne3A_800, %ne3A_805 : vector<16xi1>
    %sub3A_807 = arith.constant 1 : i32
    %sub3A_808 = vector.broadcast %sub3A_807 : i32 to vector<16xi32>
    %sub3A_809 = arith.subi %div3A_782, %sub3A_808 : vector<16xi32>
    %select_n3A_810 = arith.select %and3A_806, %sub3A_809, %div3A_782 : vector<16xi1>, vector<16xi32>
    %jit3A_811 = arith.constant 50 : i32
    %eq3A_812 = arith.constant 0 : i32
    %eq3A_813 = arith.cmpi eq, %jit3A_811, %eq3A_812 : i32
    %jit3A_814 = arith.constant 1 : i32
    %select_n3A_815 = arith.select %eq3A_813, %jit3A_814, %jit3A_811 : i32
    %rem3A_816 = vector.broadcast %select_n3A_815 : i32 to vector<16xi32>
    %rem3A_817 = arith.remsi %add3A_779, %rem3A_816 : vector<16xi32>
    %ne3A_818 = arith.constant 0 : i32
    %ne3A_819 = vector.broadcast %ne3A_818 : i32 to vector<16xi32>
    %ne3A_820 = arith.cmpi ne, %rem3A_817, %ne3A_819 : vector<16xi32>
    %lt3A_821 = arith.constant 0 : i32
    %lt3A_822 = vector.broadcast %lt3A_821 : i32 to vector<16xi32>
    %lt3A_823 = arith.cmpi slt, %rem3A_817, %lt3A_822 : vector<16xi32>
    %lt3A_824 = arith.constant 0 : i32
    %lt3A_825 = arith.cmpi slt, %select_n3A_815, %lt3A_824 : i32
    %ne3A_826 = vector.broadcast %lt3A_825 : i1 to vector<16xi1>
    %ne3A_827 = vector.broadcast %ne3A_826 : vector<16xi1> to vector<16xi1>
    %ne3A_828 = arith.xori %lt3A_823, %ne3A_827 : vector<16xi1>
    %and3A_829 = arith.andi %ne3A_828, %ne3A_820 : vector<16xi1>
    %add3A_830 = vector.broadcast %select_n3A_815 : i32 to vector<16xi32>
    %add3A_831 = arith.addi %rem3A_817, %add3A_830 : vector<16xi32>
    %select_n3A_832 = arith.select %and3A_829, %add3A_831, %rem3A_817 : vector<16xi1>, vector<16xi32>
    %add3A_833 = arith.constant 240 : i32
    %add3A_834 = vector.broadcast %add3A_833 : i32 to vector<16xi32>
    %add3A_835 = arith.addi %add3A_834, %iota3A : vector<16xi32>
    %jit3A_836 = arith.constant 50 : i32
    %div3A_837 = vector.broadcast %jit3A_836 : i32 to vector<16xi32>
    %div3A_838 = arith.divsi %add3A_835, %div3A_837 : vector<16xi32>
    %sign3A_839 = arith.constant 0 : i32
    %sign3A_840 = vector.broadcast %sign3A_839 : i32 to vector<16xi32>
    %sign3A_841 = arith.cmpi sgt, %add3A_835, %sign3A_840 : vector<16xi32>
    %sign3A_842 = arith.extui %sign3A_841 : vector<16xi1> to vector<16xi32>
    %sign3A_843 = arith.constant 0 : i32
    %sign3A_844 = vector.broadcast %sign3A_843 : i32 to vector<16xi32>
    %sign3A_845 = arith.cmpi slt, %add3A_835, %sign3A_844 : vector<16xi32>
    %sign3A_846 = arith.extui %sign3A_845 : vector<16xi1> to vector<16xi32>
    %sign3A_847 = arith.subi %sign3A_842, %sign3A_846 : vector<16xi32>
    %sign3A_848 = arith.constant 0 : i32
    %sign3A_849 = arith.cmpi sgt, %jit3A_836, %sign3A_848 : i32
    %sign3A_850 = arith.extui %sign3A_849 : i1 to i32
    %sign3A_851 = arith.constant 0 : i32
    %sign3A_852 = arith.cmpi slt, %jit3A_836, %sign3A_851 : i32
    %sign3A_853 = arith.extui %sign3A_852 : i1 to i32
    %sign3A_854 = arith.subi %sign3A_850, %sign3A_853 : i32
    %ne3A_855 = vector.broadcast %sign3A_854 : i32 to vector<16xi32>
    %ne3A_856 = arith.cmpi ne, %sign3A_847, %ne3A_855 : vector<16xi32>
    %rem3A_857 = vector.broadcast %jit3A_836 : i32 to vector<16xi32>
    %rem3A_858 = arith.remsi %add3A_835, %rem3A_857 : vector<16xi32>
    %ne3A_859 = arith.constant 0 : i32
    %ne3A_860 = vector.broadcast %ne3A_859 : i32 to vector<16xi32>
    %ne3A_861 = arith.cmpi ne, %rem3A_858, %ne3A_860 : vector<16xi32>
    %and3A_862 = arith.andi %ne3A_856, %ne3A_861 : vector<16xi1>
    %sub3A_863 = arith.constant 1 : i32
    %sub3A_864 = vector.broadcast %sub3A_863 : i32 to vector<16xi32>
    %sub3A_865 = arith.subi %div3A_838, %sub3A_864 : vector<16xi32>
    %select_n3A_866 = arith.select %and3A_862, %sub3A_865, %div3A_838 : vector<16xi1>, vector<16xi32>
    %jit3A_867 = arith.constant 50 : i32
    %eq3A_868 = arith.constant 0 : i32
    %eq3A_869 = arith.cmpi eq, %jit3A_867, %eq3A_868 : i32
    %jit3A_870 = arith.constant 1 : i32
    %select_n3A_871 = arith.select %eq3A_869, %jit3A_870, %jit3A_867 : i32
    %rem3A_872 = vector.broadcast %select_n3A_871 : i32 to vector<16xi32>
    %rem3A_873 = arith.remsi %add3A_835, %rem3A_872 : vector<16xi32>
    %ne3A_874 = arith.constant 0 : i32
    %ne3A_875 = vector.broadcast %ne3A_874 : i32 to vector<16xi32>
    %ne3A_876 = arith.cmpi ne, %rem3A_873, %ne3A_875 : vector<16xi32>
    %lt3A_877 = arith.constant 0 : i32
    %lt3A_878 = vector.broadcast %lt3A_877 : i32 to vector<16xi32>
    %lt3A_879 = arith.cmpi slt, %rem3A_873, %lt3A_878 : vector<16xi32>
    %lt3A_880 = arith.constant 0 : i32
    %lt3A_881 = arith.cmpi slt, %select_n3A_871, %lt3A_880 : i32
    %ne3A_882 = vector.broadcast %lt3A_881 : i1 to vector<16xi1>
    %ne3A_883 = vector.broadcast %ne3A_882 : vector<16xi1> to vector<16xi1>
    %ne3A_884 = arith.xori %lt3A_879, %ne3A_883 : vector<16xi1>
    %and3A_885 = arith.andi %ne3A_884, %ne3A_876 : vector<16xi1>
    %add3A_886 = vector.broadcast %select_n3A_871 : i32 to vector<16xi32>
    %add3A_887 = arith.addi %rem3A_873, %add3A_886 : vector<16xi32>
    %select_n3A_888 = arith.select %and3A_885, %add3A_887, %rem3A_873 : vector<16xi1>, vector<16xi32>
    %add3A_889 = arith.constant 256 : i32
    %add3A_890 = vector.broadcast %add3A_889 : i32 to vector<16xi32>
    %add3A_891 = arith.addi %add3A_890, %iota3A : vector<16xi32>
    %jit3A_892 = arith.constant 50 : i32
    %div3A_893 = vector.broadcast %jit3A_892 : i32 to vector<16xi32>
    %div3A_894 = arith.divsi %add3A_891, %div3A_893 : vector<16xi32>
    %sign3A_895 = arith.constant 0 : i32
    %sign3A_896 = vector.broadcast %sign3A_895 : i32 to vector<16xi32>
    %sign3A_897 = arith.cmpi sgt, %add3A_891, %sign3A_896 : vector<16xi32>
    %sign3A_898 = arith.extui %sign3A_897 : vector<16xi1> to vector<16xi32>
    %sign3A_899 = arith.constant 0 : i32
    %sign3A_900 = vector.broadcast %sign3A_899 : i32 to vector<16xi32>
    %sign3A_901 = arith.cmpi slt, %add3A_891, %sign3A_900 : vector<16xi32>
    %sign3A_902 = arith.extui %sign3A_901 : vector<16xi1> to vector<16xi32>
    %sign3A_903 = arith.subi %sign3A_898, %sign3A_902 : vector<16xi32>
    %sign3A_904 = arith.constant 0 : i32
    %sign3A_905 = arith.cmpi sgt, %jit3A_892, %sign3A_904 : i32
    %sign3A_906 = arith.extui %sign3A_905 : i1 to i32
    %sign3A_907 = arith.constant 0 : i32
    %sign3A_908 = arith.cmpi slt, %jit3A_892, %sign3A_907 : i32
    %sign3A_909 = arith.extui %sign3A_908 : i1 to i32
    %sign3A_910 = arith.subi %sign3A_906, %sign3A_909 : i32
    %ne3A_911 = vector.broadcast %sign3A_910 : i32 to vector<16xi32>
    %ne3A_912 = arith.cmpi ne, %sign3A_903, %ne3A_911 : vector<16xi32>
    %rem3A_913 = vector.broadcast %jit3A_892 : i32 to vector<16xi32>
    %rem3A_914 = arith.remsi %add3A_891, %rem3A_913 : vector<16xi32>
    %ne3A_915 = arith.constant 0 : i32
    %ne3A_916 = vector.broadcast %ne3A_915 : i32 to vector<16xi32>
    %ne3A_917 = arith.cmpi ne, %rem3A_914, %ne3A_916 : vector<16xi32>
    %and3A_918 = arith.andi %ne3A_912, %ne3A_917 : vector<16xi1>
    %sub3A_919 = arith.constant 1 : i32
    %sub3A_920 = vector.broadcast %sub3A_919 : i32 to vector<16xi32>
    %sub3A_921 = arith.subi %div3A_894, %sub3A_920 : vector<16xi32>
    %select_n3A_922 = arith.select %and3A_918, %sub3A_921, %div3A_894 : vector<16xi1>, vector<16xi32>
    %jit3A_923 = arith.constant 50 : i32
    %eq3A_924 = arith.constant 0 : i32
    %eq3A_925 = arith.cmpi eq, %jit3A_923, %eq3A_924 : i32
    %jit3A_926 = arith.constant 1 : i32
    %select_n3A_927 = arith.select %eq3A_925, %jit3A_926, %jit3A_923 : i32
    %rem3A_928 = vector.broadcast %select_n3A_927 : i32 to vector<16xi32>
    %rem3A_929 = arith.remsi %add3A_891, %rem3A_928 : vector<16xi32>
    %ne3A_930 = arith.constant 0 : i32
    %ne3A_931 = vector.broadcast %ne3A_930 : i32 to vector<16xi32>
    %ne3A_932 = arith.cmpi ne, %rem3A_929, %ne3A_931 : vector<16xi32>
    %lt3A_933 = arith.constant 0 : i32
    %lt3A_934 = vector.broadcast %lt3A_933 : i32 to vector<16xi32>
    %lt3A_935 = arith.cmpi slt, %rem3A_929, %lt3A_934 : vector<16xi32>
    %lt3A_936 = arith.constant 0 : i32
    %lt3A_937 = arith.cmpi slt, %select_n3A_927, %lt3A_936 : i32
    %ne3A_938 = vector.broadcast %lt3A_937 : i1 to vector<16xi1>
    %ne3A_939 = vector.broadcast %ne3A_938 : vector<16xi1> to vector<16xi1>
    %ne3A_940 = arith.xori %lt3A_935, %ne3A_939 : vector<16xi1>
    %and3A_941 = arith.andi %ne3A_940, %ne3A_932 : vector<16xi1>
    %add3A_942 = vector.broadcast %select_n3A_927 : i32 to vector<16xi32>
    %add3A_943 = arith.addi %rem3A_929, %add3A_942 : vector<16xi32>
    %select_n3A_944 = arith.select %and3A_941, %add3A_943, %rem3A_929 : vector<16xi1>, vector<16xi32>
    %add3A_945 = arith.constant 272 : i32
    %add3A_946 = vector.broadcast %add3A_945 : i32 to vector<16xi32>
    %add3A_947 = arith.addi %add3A_946, %iota3A : vector<16xi32>
    %jit3A_948 = arith.constant 50 : i32
    %div3A_949 = vector.broadcast %jit3A_948 : i32 to vector<16xi32>
    %div3A_950 = arith.divsi %add3A_947, %div3A_949 : vector<16xi32>
    %sign3A_951 = arith.constant 0 : i32
    %sign3A_952 = vector.broadcast %sign3A_951 : i32 to vector<16xi32>
    %sign3A_953 = arith.cmpi sgt, %add3A_947, %sign3A_952 : vector<16xi32>
    %sign3A_954 = arith.extui %sign3A_953 : vector<16xi1> to vector<16xi32>
    %sign3A_955 = arith.constant 0 : i32
    %sign3A_956 = vector.broadcast %sign3A_955 : i32 to vector<16xi32>
    %sign3A_957 = arith.cmpi slt, %add3A_947, %sign3A_956 : vector<16xi32>
    %sign3A_958 = arith.extui %sign3A_957 : vector<16xi1> to vector<16xi32>
    %sign3A_959 = arith.subi %sign3A_954, %sign3A_958 : vector<16xi32>
    %sign3A_960 = arith.constant 0 : i32
    %sign3A_961 = arith.cmpi sgt, %jit3A_948, %sign3A_960 : i32
    %sign3A_962 = arith.extui %sign3A_961 : i1 to i32
    %sign3A_963 = arith.constant 0 : i32
    %sign3A_964 = arith.cmpi slt, %jit3A_948, %sign3A_963 : i32
    %sign3A_965 = arith.extui %sign3A_964 : i1 to i32
    %sign3A_966 = arith.subi %sign3A_962, %sign3A_965 : i32
    %ne3A_967 = vector.broadcast %sign3A_966 : i32 to vector<16xi32>
    %ne3A_968 = arith.cmpi ne, %sign3A_959, %ne3A_967 : vector<16xi32>
    %rem3A_969 = vector.broadcast %jit3A_948 : i32 to vector<16xi32>
    %rem3A_970 = arith.remsi %add3A_947, %rem3A_969 : vector<16xi32>
    %ne3A_971 = arith.constant 0 : i32
    %ne3A_972 = vector.broadcast %ne3A_971 : i32 to vector<16xi32>
    %ne3A_973 = arith.cmpi ne, %rem3A_970, %ne3A_972 : vector<16xi32>
    %and3A_974 = arith.andi %ne3A_968, %ne3A_973 : vector<16xi1>
    %sub3A_975 = arith.constant 1 : i32
    %sub3A_976 = vector.broadcast %sub3A_975 : i32 to vector<16xi32>
    %sub3A_977 = arith.subi %div3A_950, %sub3A_976 : vector<16xi32>
    %select_n3A_978 = arith.select %and3A_974, %sub3A_977, %div3A_950 : vector<16xi1>, vector<16xi32>
    %jit3A_979 = arith.constant 50 : i32
    %eq3A_980 = arith.constant 0 : i32
    %eq3A_981 = arith.cmpi eq, %jit3A_979, %eq3A_980 : i32
    %jit3A_982 = arith.constant 1 : i32
    %select_n3A_983 = arith.select %eq3A_981, %jit3A_982, %jit3A_979 : i32
    %rem3A_984 = vector.broadcast %select_n3A_983 : i32 to vector<16xi32>
    %rem3A_985 = arith.remsi %add3A_947, %rem3A_984 : vector<16xi32>
    %ne3A_986 = arith.constant 0 : i32
    %ne3A_987 = vector.broadcast %ne3A_986 : i32 to vector<16xi32>
    %ne3A_988 = arith.cmpi ne, %rem3A_985, %ne3A_987 : vector<16xi32>
    %lt3A_989 = arith.constant 0 : i32
    %lt3A_990 = vector.broadcast %lt3A_989 : i32 to vector<16xi32>
    %lt3A_991 = arith.cmpi slt, %rem3A_985, %lt3A_990 : vector<16xi32>
    %lt3A_992 = arith.constant 0 : i32
    %lt3A_993 = arith.cmpi slt, %select_n3A_983, %lt3A_992 : i32
    %ne3A_994 = vector.broadcast %lt3A_993 : i1 to vector<16xi1>
    %ne3A_995 = vector.broadcast %ne3A_994 : vector<16xi1> to vector<16xi1>
    %ne3A_996 = arith.xori %lt3A_991, %ne3A_995 : vector<16xi1>
    %and3A_997 = arith.andi %ne3A_996, %ne3A_988 : vector<16xi1>
    %add3A_998 = vector.broadcast %select_n3A_983 : i32 to vector<16xi32>
    %add3A_999 = arith.addi %rem3A_985, %add3A_998 : vector<16xi32>
    %select_n3A_1000 = arith.select %and3A_997, %add3A_999, %rem3A_985 : vector<16xi1>, vector<16xi32>
    %add3A_1001 = arith.constant 288 : i32
    %add3A_1002 = vector.broadcast %add3A_1001 : i32 to vector<16xi32>
    %add3A_1003 = arith.addi %add3A_1002, %iota3A : vector<16xi32>
    %jit3A_1004 = arith.constant 50 : i32
    %div3A_1005 = vector.broadcast %jit3A_1004 : i32 to vector<16xi32>
    %div3A_1006 = arith.divsi %add3A_1003, %div3A_1005 : vector<16xi32>
    %sign3A_1007 = arith.constant 0 : i32
    %sign3A_1008 = vector.broadcast %sign3A_1007 : i32 to vector<16xi32>
    %sign3A_1009 = arith.cmpi sgt, %add3A_1003, %sign3A_1008 : vector<16xi32>
    %sign3A_1010 = arith.extui %sign3A_1009 : vector<16xi1> to vector<16xi32>
    %sign3A_1011 = arith.constant 0 : i32
    %sign3A_1012 = vector.broadcast %sign3A_1011 : i32 to vector<16xi32>
    %sign3A_1013 = arith.cmpi slt, %add3A_1003, %sign3A_1012 : vector<16xi32>
    %sign3A_1014 = arith.extui %sign3A_1013 : vector<16xi1> to vector<16xi32>
    %sign3A_1015 = arith.subi %sign3A_1010, %sign3A_1014 : vector<16xi32>
    %sign3A_1016 = arith.constant 0 : i32
    %sign3A_1017 = arith.cmpi sgt, %jit3A_1004, %sign3A_1016 : i32
    %sign3A_1018 = arith.extui %sign3A_1017 : i1 to i32
    %sign3A_1019 = arith.constant 0 : i32
    %sign3A_1020 = arith.cmpi slt, %jit3A_1004, %sign3A_1019 : i32
    %sign3A_1021 = arith.extui %sign3A_1020 : i1 to i32
    %sign3A_1022 = arith.subi %sign3A_1018, %sign3A_1021 : i32
    %ne3A_1023 = vector.broadcast %sign3A_1022 : i32 to vector<16xi32>
    %ne3A_1024 = arith.cmpi ne, %sign3A_1015, %ne3A_1023 : vector<16xi32>
    %rem3A_1025 = vector.broadcast %jit3A_1004 : i32 to vector<16xi32>
    %rem3A_1026 = arith.remsi %add3A_1003, %rem3A_1025 : vector<16xi32>
    %ne3A_1027 = arith.constant 0 : i32
    %ne3A_1028 = vector.broadcast %ne3A_1027 : i32 to vector<16xi32>
    %ne3A_1029 = arith.cmpi ne, %rem3A_1026, %ne3A_1028 : vector<16xi32>
    %and3A_1030 = arith.andi %ne3A_1024, %ne3A_1029 : vector<16xi1>
    %sub3A_1031 = arith.constant 1 : i32
    %sub3A_1032 = vector.broadcast %sub3A_1031 : i32 to vector<16xi32>
    %sub3A_1033 = arith.subi %div3A_1006, %sub3A_1032 : vector<16xi32>
    %select_n3A_1034 = arith.select %and3A_1030, %sub3A_1033, %div3A_1006 : vector<16xi1>, vector<16xi32>
    %jit3A_1035 = arith.constant 50 : i32
    %eq3A_1036 = arith.constant 0 : i32
    %eq3A_1037 = arith.cmpi eq, %jit3A_1035, %eq3A_1036 : i32
    %jit3A_1038 = arith.constant 1 : i32
    %select_n3A_1039 = arith.select %eq3A_1037, %jit3A_1038, %jit3A_1035 : i32
    %rem3A_1040 = vector.broadcast %select_n3A_1039 : i32 to vector<16xi32>
    %rem3A_1041 = arith.remsi %add3A_1003, %rem3A_1040 : vector<16xi32>
    %ne3A_1042 = arith.constant 0 : i32
    %ne3A_1043 = vector.broadcast %ne3A_1042 : i32 to vector<16xi32>
    %ne3A_1044 = arith.cmpi ne, %rem3A_1041, %ne3A_1043 : vector<16xi32>
    %lt3A_1045 = arith.constant 0 : i32
    %lt3A_1046 = vector.broadcast %lt3A_1045 : i32 to vector<16xi32>
    %lt3A_1047 = arith.cmpi slt, %rem3A_1041, %lt3A_1046 : vector<16xi32>
    %lt3A_1048 = arith.constant 0 : i32
    %lt3A_1049 = arith.cmpi slt, %select_n3A_1039, %lt3A_1048 : i32
    %ne3A_1050 = vector.broadcast %lt3A_1049 : i1 to vector<16xi1>
    %ne3A_1051 = vector.broadcast %ne3A_1050 : vector<16xi1> to vector<16xi1>
    %ne3A_1052 = arith.xori %lt3A_1047, %ne3A_1051 : vector<16xi1>
    %and3A_1053 = arith.andi %ne3A_1052, %ne3A_1044 : vector<16xi1>
    %add3A_1054 = vector.broadcast %select_n3A_1039 : i32 to vector<16xi32>
    %add3A_1055 = arith.addi %rem3A_1041, %add3A_1054 : vector<16xi32>
    %select_n3A_1056 = arith.select %and3A_1053, %add3A_1055, %rem3A_1041 : vector<16xi1>, vector<16xi32>
    %add3A_1057 = arith.constant 304 : i32
    %add3A_1058 = vector.broadcast %add3A_1057 : i32 to vector<16xi32>
    %add3A_1059 = arith.addi %add3A_1058, %iota3A : vector<16xi32>
    %jit3A_1060 = arith.constant 50 : i32
    %div3A_1061 = vector.broadcast %jit3A_1060 : i32 to vector<16xi32>
    %div3A_1062 = arith.divsi %add3A_1059, %div3A_1061 : vector<16xi32>
    %sign3A_1063 = arith.constant 0 : i32
    %sign3A_1064 = vector.broadcast %sign3A_1063 : i32 to vector<16xi32>
    %sign3A_1065 = arith.cmpi sgt, %add3A_1059, %sign3A_1064 : vector<16xi32>
    %sign3A_1066 = arith.extui %sign3A_1065 : vector<16xi1> to vector<16xi32>
    %sign3A_1067 = arith.constant 0 : i32
    %sign3A_1068 = vector.broadcast %sign3A_1067 : i32 to vector<16xi32>
    %sign3A_1069 = arith.cmpi slt, %add3A_1059, %sign3A_1068 : vector<16xi32>
    %sign3A_1070 = arith.extui %sign3A_1069 : vector<16xi1> to vector<16xi32>
    %sign3A_1071 = arith.subi %sign3A_1066, %sign3A_1070 : vector<16xi32>
    %sign3A_1072 = arith.constant 0 : i32
    %sign3A_1073 = arith.cmpi sgt, %jit3A_1060, %sign3A_1072 : i32
    %sign3A_1074 = arith.extui %sign3A_1073 : i1 to i32
    %sign3A_1075 = arith.constant 0 : i32
    %sign3A_1076 = arith.cmpi slt, %jit3A_1060, %sign3A_1075 : i32
    %sign3A_1077 = arith.extui %sign3A_1076 : i1 to i32
    %sign3A_1078 = arith.subi %sign3A_1074, %sign3A_1077 : i32
    %ne3A_1079 = vector.broadcast %sign3A_1078 : i32 to vector<16xi32>
    %ne3A_1080 = arith.cmpi ne, %sign3A_1071, %ne3A_1079 : vector<16xi32>
    %rem3A_1081 = vector.broadcast %jit3A_1060 : i32 to vector<16xi32>
    %rem3A_1082 = arith.remsi %add3A_1059, %rem3A_1081 : vector<16xi32>
    %ne3A_1083 = arith.constant 0 : i32
    %ne3A_1084 = vector.broadcast %ne3A_1083 : i32 to vector<16xi32>
    %ne3A_1085 = arith.cmpi ne, %rem3A_1082, %ne3A_1084 : vector<16xi32>
    %and3A_1086 = arith.andi %ne3A_1080, %ne3A_1085 : vector<16xi1>
    %sub3A_1087 = arith.constant 1 : i32
    %sub3A_1088 = vector.broadcast %sub3A_1087 : i32 to vector<16xi32>
    %sub3A_1089 = arith.subi %div3A_1062, %sub3A_1088 : vector<16xi32>
    %select_n3A_1090 = arith.select %and3A_1086, %sub3A_1089, %div3A_1062 : vector<16xi1>, vector<16xi32>
    %jit3A_1091 = arith.constant 50 : i32
    %eq3A_1092 = arith.constant 0 : i32
    %eq3A_1093 = arith.cmpi eq, %jit3A_1091, %eq3A_1092 : i32
    %jit3A_1094 = arith.constant 1 : i32
    %select_n3A_1095 = arith.select %eq3A_1093, %jit3A_1094, %jit3A_1091 : i32
    %rem3A_1096 = vector.broadcast %select_n3A_1095 : i32 to vector<16xi32>
    %rem3A_1097 = arith.remsi %add3A_1059, %rem3A_1096 : vector<16xi32>
    %ne3A_1098 = arith.constant 0 : i32
    %ne3A_1099 = vector.broadcast %ne3A_1098 : i32 to vector<16xi32>
    %ne3A_1100 = arith.cmpi ne, %rem3A_1097, %ne3A_1099 : vector<16xi32>
    %lt3A_1101 = arith.constant 0 : i32
    %lt3A_1102 = vector.broadcast %lt3A_1101 : i32 to vector<16xi32>
    %lt3A_1103 = arith.cmpi slt, %rem3A_1097, %lt3A_1102 : vector<16xi32>
    %lt3A_1104 = arith.constant 0 : i32
    %lt3A_1105 = arith.cmpi slt, %select_n3A_1095, %lt3A_1104 : i32
    %ne3A_1106 = vector.broadcast %lt3A_1105 : i1 to vector<16xi1>
    %ne3A_1107 = vector.broadcast %ne3A_1106 : vector<16xi1> to vector<16xi1>
    %ne3A_1108 = arith.xori %lt3A_1103, %ne3A_1107 : vector<16xi1>
    %and3A_1109 = arith.andi %ne3A_1108, %ne3A_1100 : vector<16xi1>
    %add3A_1110 = vector.broadcast %select_n3A_1095 : i32 to vector<16xi32>
    %add3A_1111 = arith.addi %rem3A_1097, %add3A_1110 : vector<16xi32>
    %select_n3A_1112 = arith.select %and3A_1109, %add3A_1111, %rem3A_1097 : vector<16xi1>, vector<16xi32>
    %add3A_1113 = arith.constant 320 : i32
    %add3A_1114 = vector.broadcast %add3A_1113 : i32 to vector<16xi32>
    %add3A_1115 = arith.addi %add3A_1114, %iota3A : vector<16xi32>
    %jit3A_1116 = arith.constant 50 : i32
    %div3A_1117 = vector.broadcast %jit3A_1116 : i32 to vector<16xi32>
    %div3A_1118 = arith.divsi %add3A_1115, %div3A_1117 : vector<16xi32>
    %sign3A_1119 = arith.constant 0 : i32
    %sign3A_1120 = vector.broadcast %sign3A_1119 : i32 to vector<16xi32>
    %sign3A_1121 = arith.cmpi sgt, %add3A_1115, %sign3A_1120 : vector<16xi32>
    %sign3A_1122 = arith.extui %sign3A_1121 : vector<16xi1> to vector<16xi32>
    %sign3A_1123 = arith.constant 0 : i32
    %sign3A_1124 = vector.broadcast %sign3A_1123 : i32 to vector<16xi32>
    %sign3A_1125 = arith.cmpi slt, %add3A_1115, %sign3A_1124 : vector<16xi32>
    %sign3A_1126 = arith.extui %sign3A_1125 : vector<16xi1> to vector<16xi32>
    %sign3A_1127 = arith.subi %sign3A_1122, %sign3A_1126 : vector<16xi32>
    %sign3A_1128 = arith.constant 0 : i32
    %sign3A_1129 = arith.cmpi sgt, %jit3A_1116, %sign3A_1128 : i32
    %sign3A_1130 = arith.extui %sign3A_1129 : i1 to i32
    %sign3A_1131 = arith.constant 0 : i32
    %sign3A_1132 = arith.cmpi slt, %jit3A_1116, %sign3A_1131 : i32
    %sign3A_1133 = arith.extui %sign3A_1132 : i1 to i32
    %sign3A_1134 = arith.subi %sign3A_1130, %sign3A_1133 : i32
    %ne3A_1135 = vector.broadcast %sign3A_1134 : i32 to vector<16xi32>
    %ne3A_1136 = arith.cmpi ne, %sign3A_1127, %ne3A_1135 : vector<16xi32>
    %rem3A_1137 = vector.broadcast %jit3A_1116 : i32 to vector<16xi32>
    %rem3A_1138 = arith.remsi %add3A_1115, %rem3A_1137 : vector<16xi32>
    %ne3A_1139 = arith.constant 0 : i32
    %ne3A_1140 = vector.broadcast %ne3A_1139 : i32 to vector<16xi32>
    %ne3A_1141 = arith.cmpi ne, %rem3A_1138, %ne3A_1140 : vector<16xi32>
    %and3A_1142 = arith.andi %ne3A_1136, %ne3A_1141 : vector<16xi1>
    %sub3A_1143 = arith.constant 1 : i32
    %sub3A_1144 = vector.broadcast %sub3A_1143 : i32 to vector<16xi32>
    %sub3A_1145 = arith.subi %div3A_1118, %sub3A_1144 : vector<16xi32>
    %select_n3A_1146 = arith.select %and3A_1142, %sub3A_1145, %div3A_1118 : vector<16xi1>, vector<16xi32>
    %jit3A_1147 = arith.constant 50 : i32
    %eq3A_1148 = arith.constant 0 : i32
    %eq3A_1149 = arith.cmpi eq, %jit3A_1147, %eq3A_1148 : i32
    %jit3A_1150 = arith.constant 1 : i32
    %select_n3A_1151 = arith.select %eq3A_1149, %jit3A_1150, %jit3A_1147 : i32
    %rem3A_1152 = vector.broadcast %select_n3A_1151 : i32 to vector<16xi32>
    %rem3A_1153 = arith.remsi %add3A_1115, %rem3A_1152 : vector<16xi32>
    %ne3A_1154 = arith.constant 0 : i32
    %ne3A_1155 = vector.broadcast %ne3A_1154 : i32 to vector<16xi32>
    %ne3A_1156 = arith.cmpi ne, %rem3A_1153, %ne3A_1155 : vector<16xi32>
    %lt3A_1157 = arith.constant 0 : i32
    %lt3A_1158 = vector.broadcast %lt3A_1157 : i32 to vector<16xi32>
    %lt3A_1159 = arith.cmpi slt, %rem3A_1153, %lt3A_1158 : vector<16xi32>
    %lt3A_1160 = arith.constant 0 : i32
    %lt3A_1161 = arith.cmpi slt, %select_n3A_1151, %lt3A_1160 : i32
    %ne3A_1162 = vector.broadcast %lt3A_1161 : i1 to vector<16xi1>
    %ne3A_1163 = vector.broadcast %ne3A_1162 : vector<16xi1> to vector<16xi1>
    %ne3A_1164 = arith.xori %lt3A_1159, %ne3A_1163 : vector<16xi1>
    %and3A_1165 = arith.andi %ne3A_1164, %ne3A_1156 : vector<16xi1>
    %add3A_1166 = vector.broadcast %select_n3A_1151 : i32 to vector<16xi32>
    %add3A_1167 = arith.addi %rem3A_1153, %add3A_1166 : vector<16xi32>
    %select_n3A_1168 = arith.select %and3A_1165, %add3A_1167, %rem3A_1153 : vector<16xi1>, vector<16xi32>
    %add3A_1169 = arith.constant 336 : i32
    %add3A_1170 = vector.broadcast %add3A_1169 : i32 to vector<16xi32>
    %add3A_1171 = arith.addi %add3A_1170, %iota3A : vector<16xi32>
    %jit3A_1172 = arith.constant 50 : i32
    %div3A_1173 = vector.broadcast %jit3A_1172 : i32 to vector<16xi32>
    %div3A_1174 = arith.divsi %add3A_1171, %div3A_1173 : vector<16xi32>
    %sign3A_1175 = arith.constant 0 : i32
    %sign3A_1176 = vector.broadcast %sign3A_1175 : i32 to vector<16xi32>
    %sign3A_1177 = arith.cmpi sgt, %add3A_1171, %sign3A_1176 : vector<16xi32>
    %sign3A_1178 = arith.extui %sign3A_1177 : vector<16xi1> to vector<16xi32>
    %sign3A_1179 = arith.constant 0 : i32
    %sign3A_1180 = vector.broadcast %sign3A_1179 : i32 to vector<16xi32>
    %sign3A_1181 = arith.cmpi slt, %add3A_1171, %sign3A_1180 : vector<16xi32>
    %sign3A_1182 = arith.extui %sign3A_1181 : vector<16xi1> to vector<16xi32>
    %sign3A_1183 = arith.subi %sign3A_1178, %sign3A_1182 : vector<16xi32>
    %sign3A_1184 = arith.constant 0 : i32
    %sign3A_1185 = arith.cmpi sgt, %jit3A_1172, %sign3A_1184 : i32
    %sign3A_1186 = arith.extui %sign3A_1185 : i1 to i32
    %sign3A_1187 = arith.constant 0 : i32
    %sign3A_1188 = arith.cmpi slt, %jit3A_1172, %sign3A_1187 : i32
    %sign3A_1189 = arith.extui %sign3A_1188 : i1 to i32
    %sign3A_1190 = arith.subi %sign3A_1186, %sign3A_1189 : i32
    %ne3A_1191 = vector.broadcast %sign3A_1190 : i32 to vector<16xi32>
    %ne3A_1192 = arith.cmpi ne, %sign3A_1183, %ne3A_1191 : vector<16xi32>
    %rem3A_1193 = vector.broadcast %jit3A_1172 : i32 to vector<16xi32>
    %rem3A_1194 = arith.remsi %add3A_1171, %rem3A_1193 : vector<16xi32>
    %ne3A_1195 = arith.constant 0 : i32
    %ne3A_1196 = vector.broadcast %ne3A_1195 : i32 to vector<16xi32>
    %ne3A_1197 = arith.cmpi ne, %rem3A_1194, %ne3A_1196 : vector<16xi32>
    %and3A_1198 = arith.andi %ne3A_1192, %ne3A_1197 : vector<16xi1>
    %sub3A_1199 = arith.constant 1 : i32
    %sub3A_1200 = vector.broadcast %sub3A_1199 : i32 to vector<16xi32>
    %sub3A_1201 = arith.subi %div3A_1174, %sub3A_1200 : vector<16xi32>
    %select_n3A_1202 = arith.select %and3A_1198, %sub3A_1201, %div3A_1174 : vector<16xi1>, vector<16xi32>
    %jit3A_1203 = arith.constant 50 : i32
    %eq3A_1204 = arith.constant 0 : i32
    %eq3A_1205 = arith.cmpi eq, %jit3A_1203, %eq3A_1204 : i32
    %jit3A_1206 = arith.constant 1 : i32
    %select_n3A_1207 = arith.select %eq3A_1205, %jit3A_1206, %jit3A_1203 : i32
    %rem3A_1208 = vector.broadcast %select_n3A_1207 : i32 to vector<16xi32>
    %rem3A_1209 = arith.remsi %add3A_1171, %rem3A_1208 : vector<16xi32>
    %ne3A_1210 = arith.constant 0 : i32
    %ne3A_1211 = vector.broadcast %ne3A_1210 : i32 to vector<16xi32>
    %ne3A_1212 = arith.cmpi ne, %rem3A_1209, %ne3A_1211 : vector<16xi32>
    %lt3A_1213 = arith.constant 0 : i32
    %lt3A_1214 = vector.broadcast %lt3A_1213 : i32 to vector<16xi32>
    %lt3A_1215 = arith.cmpi slt, %rem3A_1209, %lt3A_1214 : vector<16xi32>
    %lt3A_1216 = arith.constant 0 : i32
    %lt3A_1217 = arith.cmpi slt, %select_n3A_1207, %lt3A_1216 : i32
    %ne3A_1218 = vector.broadcast %lt3A_1217 : i1 to vector<16xi1>
    %ne3A_1219 = vector.broadcast %ne3A_1218 : vector<16xi1> to vector<16xi1>
    %ne3A_1220 = arith.xori %lt3A_1215, %ne3A_1219 : vector<16xi1>
    %and3A_1221 = arith.andi %ne3A_1220, %ne3A_1212 : vector<16xi1>
    %add3A_1222 = vector.broadcast %select_n3A_1207 : i32 to vector<16xi32>
    %add3A_1223 = arith.addi %rem3A_1209, %add3A_1222 : vector<16xi32>
    %select_n3A_1224 = arith.select %and3A_1221, %add3A_1223, %rem3A_1209 : vector<16xi1>, vector<16xi32>
    %add3A_1225 = arith.constant 352 : i32
    %add3A_1226 = vector.broadcast %add3A_1225 : i32 to vector<16xi32>
    %add3A_1227 = arith.addi %add3A_1226, %iota3A : vector<16xi32>
    %jit3A_1228 = arith.constant 50 : i32
    %div3A_1229 = vector.broadcast %jit3A_1228 : i32 to vector<16xi32>
    %div3A_1230 = arith.divsi %add3A_1227, %div3A_1229 : vector<16xi32>
    %sign3A_1231 = arith.constant 0 : i32
    %sign3A_1232 = vector.broadcast %sign3A_1231 : i32 to vector<16xi32>
    %sign3A_1233 = arith.cmpi sgt, %add3A_1227, %sign3A_1232 : vector<16xi32>
    %sign3A_1234 = arith.extui %sign3A_1233 : vector<16xi1> to vector<16xi32>
    %sign3A_1235 = arith.constant 0 : i32
    %sign3A_1236 = vector.broadcast %sign3A_1235 : i32 to vector<16xi32>
    %sign3A_1237 = arith.cmpi slt, %add3A_1227, %sign3A_1236 : vector<16xi32>
    %sign3A_1238 = arith.extui %sign3A_1237 : vector<16xi1> to vector<16xi32>
    %sign3A_1239 = arith.subi %sign3A_1234, %sign3A_1238 : vector<16xi32>
    %sign3A_1240 = arith.constant 0 : i32
    %sign3A_1241 = arith.cmpi sgt, %jit3A_1228, %sign3A_1240 : i32
    %sign3A_1242 = arith.extui %sign3A_1241 : i1 to i32
    %sign3A_1243 = arith.constant 0 : i32
    %sign3A_1244 = arith.cmpi slt, %jit3A_1228, %sign3A_1243 : i32
    %sign3A_1245 = arith.extui %sign3A_1244 : i1 to i32
    %sign3A_1246 = arith.subi %sign3A_1242, %sign3A_1245 : i32
    %ne3A_1247 = vector.broadcast %sign3A_1246 : i32 to vector<16xi32>
    %ne3A_1248 = arith.cmpi ne, %sign3A_1239, %ne3A_1247 : vector<16xi32>
    %rem3A_1249 = vector.broadcast %jit3A_1228 : i32 to vector<16xi32>
    %rem3A_1250 = arith.remsi %add3A_1227, %rem3A_1249 : vector<16xi32>
    %ne3A_1251 = arith.constant 0 : i32
    %ne3A_1252 = vector.broadcast %ne3A_1251 : i32 to vector<16xi32>
    %ne3A_1253 = arith.cmpi ne, %rem3A_1250, %ne3A_1252 : vector<16xi32>
    %and3A_1254 = arith.andi %ne3A_1248, %ne3A_1253 : vector<16xi1>
    %sub3A_1255 = arith.constant 1 : i32
    %sub3A_1256 = vector.broadcast %sub3A_1255 : i32 to vector<16xi32>
    %sub3A_1257 = arith.subi %div3A_1230, %sub3A_1256 : vector<16xi32>
    %select_n3A_1258 = arith.select %and3A_1254, %sub3A_1257, %div3A_1230 : vector<16xi1>, vector<16xi32>
    %jit3A_1259 = arith.constant 50 : i32
    %eq3A_1260 = arith.constant 0 : i32
    %eq3A_1261 = arith.cmpi eq, %jit3A_1259, %eq3A_1260 : i32
    %jit3A_1262 = arith.constant 1 : i32
    %select_n3A_1263 = arith.select %eq3A_1261, %jit3A_1262, %jit3A_1259 : i32
    %rem3A_1264 = vector.broadcast %select_n3A_1263 : i32 to vector<16xi32>
    %rem3A_1265 = arith.remsi %add3A_1227, %rem3A_1264 : vector<16xi32>
    %ne3A_1266 = arith.constant 0 : i32
    %ne3A_1267 = vector.broadcast %ne3A_1266 : i32 to vector<16xi32>
    %ne3A_1268 = arith.cmpi ne, %rem3A_1265, %ne3A_1267 : vector<16xi32>
    %lt3A_1269 = arith.constant 0 : i32
    %lt3A_1270 = vector.broadcast %lt3A_1269 : i32 to vector<16xi32>
    %lt3A_1271 = arith.cmpi slt, %rem3A_1265, %lt3A_1270 : vector<16xi32>
    %lt3A_1272 = arith.constant 0 : i32
    %lt3A_1273 = arith.cmpi slt, %select_n3A_1263, %lt3A_1272 : i32
    %ne3A_1274 = vector.broadcast %lt3A_1273 : i1 to vector<16xi1>
    %ne3A_1275 = vector.broadcast %ne3A_1274 : vector<16xi1> to vector<16xi1>
    %ne3A_1276 = arith.xori %lt3A_1271, %ne3A_1275 : vector<16xi1>
    %and3A_1277 = arith.andi %ne3A_1276, %ne3A_1268 : vector<16xi1>
    %add3A_1278 = vector.broadcast %select_n3A_1263 : i32 to vector<16xi32>
    %add3A_1279 = arith.addi %rem3A_1265, %add3A_1278 : vector<16xi32>
    %select_n3A_1280 = arith.select %and3A_1277, %add3A_1279, %rem3A_1265 : vector<16xi1>, vector<16xi32>
    %add3A_1281 = arith.constant 368 : i32
    %add3A_1282 = vector.broadcast %add3A_1281 : i32 to vector<16xi32>
    %add3A_1283 = arith.addi %add3A_1282, %iota3A : vector<16xi32>
    %jit3A_1284 = arith.constant 50 : i32
    %div3A_1285 = vector.broadcast %jit3A_1284 : i32 to vector<16xi32>
    %div3A_1286 = arith.divsi %add3A_1283, %div3A_1285 : vector<16xi32>
    %sign3A_1287 = arith.constant 0 : i32
    %sign3A_1288 = vector.broadcast %sign3A_1287 : i32 to vector<16xi32>
    %sign3A_1289 = arith.cmpi sgt, %add3A_1283, %sign3A_1288 : vector<16xi32>
    %sign3A_1290 = arith.extui %sign3A_1289 : vector<16xi1> to vector<16xi32>
    %sign3A_1291 = arith.constant 0 : i32
    %sign3A_1292 = vector.broadcast %sign3A_1291 : i32 to vector<16xi32>
    %sign3A_1293 = arith.cmpi slt, %add3A_1283, %sign3A_1292 : vector<16xi32>
    %sign3A_1294 = arith.extui %sign3A_1293 : vector<16xi1> to vector<16xi32>
    %sign3A_1295 = arith.subi %sign3A_1290, %sign3A_1294 : vector<16xi32>
    %sign3A_1296 = arith.constant 0 : i32
    %sign3A_1297 = arith.cmpi sgt, %jit3A_1284, %sign3A_1296 : i32
    %sign3A_1298 = arith.extui %sign3A_1297 : i1 to i32
    %sign3A_1299 = arith.constant 0 : i32
    %sign3A_1300 = arith.cmpi slt, %jit3A_1284, %sign3A_1299 : i32
    %sign3A_1301 = arith.extui %sign3A_1300 : i1 to i32
    %sign3A_1302 = arith.subi %sign3A_1298, %sign3A_1301 : i32
    %ne3A_1303 = vector.broadcast %sign3A_1302 : i32 to vector<16xi32>
    %ne3A_1304 = arith.cmpi ne, %sign3A_1295, %ne3A_1303 : vector<16xi32>
    %rem3A_1305 = vector.broadcast %jit3A_1284 : i32 to vector<16xi32>
    %rem3A_1306 = arith.remsi %add3A_1283, %rem3A_1305 : vector<16xi32>
    %ne3A_1307 = arith.constant 0 : i32
    %ne3A_1308 = vector.broadcast %ne3A_1307 : i32 to vector<16xi32>
    %ne3A_1309 = arith.cmpi ne, %rem3A_1306, %ne3A_1308 : vector<16xi32>
    %and3A_1310 = arith.andi %ne3A_1304, %ne3A_1309 : vector<16xi1>
    %sub3A_1311 = arith.constant 1 : i32
    %sub3A_1312 = vector.broadcast %sub3A_1311 : i32 to vector<16xi32>
    %sub3A_1313 = arith.subi %div3A_1286, %sub3A_1312 : vector<16xi32>
    %select_n3A_1314 = arith.select %and3A_1310, %sub3A_1313, %div3A_1286 : vector<16xi1>, vector<16xi32>
    %jit3A_1315 = arith.constant 50 : i32
    %eq3A_1316 = arith.constant 0 : i32
    %eq3A_1317 = arith.cmpi eq, %jit3A_1315, %eq3A_1316 : i32
    %jit3A_1318 = arith.constant 1 : i32
    %select_n3A_1319 = arith.select %eq3A_1317, %jit3A_1318, %jit3A_1315 : i32
    %rem3A_1320 = vector.broadcast %select_n3A_1319 : i32 to vector<16xi32>
    %rem3A_1321 = arith.remsi %add3A_1283, %rem3A_1320 : vector<16xi32>
    %ne3A_1322 = arith.constant 0 : i32
    %ne3A_1323 = vector.broadcast %ne3A_1322 : i32 to vector<16xi32>
    %ne3A_1324 = arith.cmpi ne, %rem3A_1321, %ne3A_1323 : vector<16xi32>
    %lt3A_1325 = arith.constant 0 : i32
    %lt3A_1326 = vector.broadcast %lt3A_1325 : i32 to vector<16xi32>
    %lt3A_1327 = arith.cmpi slt, %rem3A_1321, %lt3A_1326 : vector<16xi32>
    %lt3A_1328 = arith.constant 0 : i32
    %lt3A_1329 = arith.cmpi slt, %select_n3A_1319, %lt3A_1328 : i32
    %ne3A_1330 = vector.broadcast %lt3A_1329 : i1 to vector<16xi1>
    %ne3A_1331 = vector.broadcast %ne3A_1330 : vector<16xi1> to vector<16xi1>
    %ne3A_1332 = arith.xori %lt3A_1327, %ne3A_1331 : vector<16xi1>
    %and3A_1333 = arith.andi %ne3A_1332, %ne3A_1324 : vector<16xi1>
    %add3A_1334 = vector.broadcast %select_n3A_1319 : i32 to vector<16xi32>
    %add3A_1335 = arith.addi %rem3A_1321, %add3A_1334 : vector<16xi32>
    %select_n3A_1336 = arith.select %and3A_1333, %add3A_1335, %rem3A_1321 : vector<16xi1>, vector<16xi32>
    %add3A_1337 = arith.constant 384 : i32
    %add3A_1338 = vector.broadcast %add3A_1337 : i32 to vector<16xi32>
    %add3A_1339 = arith.addi %add3A_1338, %iota3A : vector<16xi32>
    %jit3A_1340 = arith.constant 50 : i32
    %div3A_1341 = vector.broadcast %jit3A_1340 : i32 to vector<16xi32>
    %div3A_1342 = arith.divsi %add3A_1339, %div3A_1341 : vector<16xi32>
    %sign3A_1343 = arith.constant 0 : i32
    %sign3A_1344 = vector.broadcast %sign3A_1343 : i32 to vector<16xi32>
    %sign3A_1345 = arith.cmpi sgt, %add3A_1339, %sign3A_1344 : vector<16xi32>
    %sign3A_1346 = arith.extui %sign3A_1345 : vector<16xi1> to vector<16xi32>
    %sign3A_1347 = arith.constant 0 : i32
    %sign3A_1348 = vector.broadcast %sign3A_1347 : i32 to vector<16xi32>
    %sign3A_1349 = arith.cmpi slt, %add3A_1339, %sign3A_1348 : vector<16xi32>
    %sign3A_1350 = arith.extui %sign3A_1349 : vector<16xi1> to vector<16xi32>
    %sign3A_1351 = arith.subi %sign3A_1346, %sign3A_1350 : vector<16xi32>
    %sign3A_1352 = arith.constant 0 : i32
    %sign3A_1353 = arith.cmpi sgt, %jit3A_1340, %sign3A_1352 : i32
    %sign3A_1354 = arith.extui %sign3A_1353 : i1 to i32
    %sign3A_1355 = arith.constant 0 : i32
    %sign3A_1356 = arith.cmpi slt, %jit3A_1340, %sign3A_1355 : i32
    %sign3A_1357 = arith.extui %sign3A_1356 : i1 to i32
    %sign3A_1358 = arith.subi %sign3A_1354, %sign3A_1357 : i32
    %ne3A_1359 = vector.broadcast %sign3A_1358 : i32 to vector<16xi32>
    %ne3A_1360 = arith.cmpi ne, %sign3A_1351, %ne3A_1359 : vector<16xi32>
    %rem3A_1361 = vector.broadcast %jit3A_1340 : i32 to vector<16xi32>
    %rem3A_1362 = arith.remsi %add3A_1339, %rem3A_1361 : vector<16xi32>
    %ne3A_1363 = arith.constant 0 : i32
    %ne3A_1364 = vector.broadcast %ne3A_1363 : i32 to vector<16xi32>
    %ne3A_1365 = arith.cmpi ne, %rem3A_1362, %ne3A_1364 : vector<16xi32>
    %and3A_1366 = arith.andi %ne3A_1360, %ne3A_1365 : vector<16xi1>
    %sub3A_1367 = arith.constant 1 : i32
    %sub3A_1368 = vector.broadcast %sub3A_1367 : i32 to vector<16xi32>
    %sub3A_1369 = arith.subi %div3A_1342, %sub3A_1368 : vector<16xi32>
    %select_n3A_1370 = arith.select %and3A_1366, %sub3A_1369, %div3A_1342 : vector<16xi1>, vector<16xi32>
    %jit3A_1371 = arith.constant 50 : i32
    %eq3A_1372 = arith.constant 0 : i32
    %eq3A_1373 = arith.cmpi eq, %jit3A_1371, %eq3A_1372 : i32
    %jit3A_1374 = arith.constant 1 : i32
    %select_n3A_1375 = arith.select %eq3A_1373, %jit3A_1374, %jit3A_1371 : i32
    %rem3A_1376 = vector.broadcast %select_n3A_1375 : i32 to vector<16xi32>
    %rem3A_1377 = arith.remsi %add3A_1339, %rem3A_1376 : vector<16xi32>
    %ne3A_1378 = arith.constant 0 : i32
    %ne3A_1379 = vector.broadcast %ne3A_1378 : i32 to vector<16xi32>
    %ne3A_1380 = arith.cmpi ne, %rem3A_1377, %ne3A_1379 : vector<16xi32>
    %lt3A_1381 = arith.constant 0 : i32
    %lt3A_1382 = vector.broadcast %lt3A_1381 : i32 to vector<16xi32>
    %lt3A_1383 = arith.cmpi slt, %rem3A_1377, %lt3A_1382 : vector<16xi32>
    %lt3A_1384 = arith.constant 0 : i32
    %lt3A_1385 = arith.cmpi slt, %select_n3A_1375, %lt3A_1384 : i32
    %ne3A_1386 = vector.broadcast %lt3A_1385 : i1 to vector<16xi1>
    %ne3A_1387 = vector.broadcast %ne3A_1386 : vector<16xi1> to vector<16xi1>
    %ne3A_1388 = arith.xori %lt3A_1383, %ne3A_1387 : vector<16xi1>
    %and3A_1389 = arith.andi %ne3A_1388, %ne3A_1380 : vector<16xi1>
    %add3A_1390 = vector.broadcast %select_n3A_1375 : i32 to vector<16xi32>
    %add3A_1391 = arith.addi %rem3A_1377, %add3A_1390 : vector<16xi32>
    %select_n3A_1392 = arith.select %and3A_1389, %add3A_1391, %rem3A_1377 : vector<16xi1>, vector<16xi32>
    %dma_start3A = arith.constant 0 : i32
    %dma_start3A_1393 = arith.constant 0 : i32
    %dma_start3A_1394 = arith.constant 0 : i32
    %dma_start3A_1395 = arith.constant 0 : i32
    %dma_start3A_1396 = tpu.memref_slice %arg5[%dma_start3A_1393, %dma_start3A_1394, %dma_start3A_1395] : memref<2x4x128xi32, #tpu.memory_space<vmem>> -> memref<1x4x128xi32, #tpu.memory_space<vmem>>
    %dma_start3A_1397 = tpu.memref_squeeze %dma_start3A_1396 : memref<1x4x128xi32, #tpu.memory_space<vmem>> -> memref<4x128xi32, #tpu.memory_space<vmem>>
    %dma_start3A_1398 = arith.constant 0 : i32
    %dma_start3A_1399 = arith.constant 0 : i32
    %dma_start3A_1400 = tpu.memref_slice %arg2[%add3A, %dma_start3A, %dma_start3A_1398, %dma_start3A_1399] : memref<32x50x4x128xi32, #tpu.memory_space<hbm>> -> memref<1x1x4x128xi32, #tpu.memory_space<hbm>>
    %dma_start3A_1401 = tpu.memref_squeeze %dma_start3A_1400 : memref<1x1x4x128xi32, #tpu.memory_space<hbm>> -> memref<4x128xi32, #tpu.memory_space<hbm>>
    %dma_start3A_1402 = arith.constant 0 : i32
    %dma_start3A_1403 = arith.constant 0 : i32
    %dma_start3A_1404 = tpu.memref_slice %arg5[%dma_start3A_1393, %dma_start3A_1402, %dma_start3A_1403] : memref<2x4x128xi32, #tpu.memory_space<vmem>> -> memref<1x4x128xi32, #tpu.memory_space<vmem>>
    %dma_start3A_1405 = tpu.memref_squeeze %dma_start3A_1404 : memref<1x4x128xi32, #tpu.memory_space<vmem>> -> memref<4x128xi32, #tpu.memory_space<vmem>>
    %dma_start3A_1406 = arith.constant 0 : i32
    %dma_start3A_1407 = arith.constant 0 : i32
    %dma_start3A_1408 = tpu.memref_slice %arg2[%add3A, %dma_start3A, %dma_start3A_1406, %dma_start3A_1407] : memref<32x50x4x128xi32, #tpu.memory_space<hbm>> -> memref<1x1x4x128xi32, #tpu.memory_space<hbm>>
    %dma_start3A_1409 = tpu.memref_squeeze %dma_start3A_1408 : memref<1x1x4x128xi32, #tpu.memory_space<hbm>> -> memref<4x128xi32, #tpu.memory_space<hbm>>
    tpu.enqueue_dma source(%dma_start3A_1409 : memref<4x128xi32, #tpu.memory_space<hbm>>) target(%dma_start3A_1405 : memref<4x128xi32, #tpu.memory_space<vmem>>) target_semaphore(%arg8 : memref<!tpu.dma_semaphore, #tpu.memory_space<semaphore_mem>>)
    %dma_start3A_1410 = arith.constant 1 : i32
    %dma_start3A_1411 = arith.constant 1 : i32
    %dma_start3A_1412 = arith.constant 0 : i32
    %dma_start3A_1413 = arith.constant 0 : i32
    %dma_start3A_1414 = tpu.memref_slice %arg5[%dma_start3A_1411, %dma_start3A_1412, %dma_start3A_1413] : memref<2x4x128xi32, #tpu.memory_space<vmem>> -> memref<1x4x128xi32, #tpu.memory_space<vmem>>
    %dma_start3A_1415 = tpu.memref_squeeze %dma_start3A_1414 : memref<1x4x128xi32, #tpu.memory_space<vmem>> -> memref<4x128xi32, #tpu.memory_space<vmem>>
    %dma_start3A_1416 = arith.constant 0 : i32
    %dma_start3A_1417 = arith.constant 0 : i32
    %dma_start3A_1418 = tpu.memref_slice %arg2[%add3A, %dma_start3A_1410, %dma_start3A_1416, %dma_start3A_1417] : memref<32x50x4x128xi32, #tpu.memory_space<hbm>> -> memref<1x1x4x128xi32, #tpu.memory_space<hbm>>
    %dma_start3A_1419 = tpu.memref_squeeze %dma_start3A_1418 : memref<1x1x4x128xi32, #tpu.memory_space<hbm>> -> memref<4x128xi32, #tpu.memory_space<hbm>>
    %dma_start3A_1420 = arith.constant 0 : i32
    %dma_start3A_1421 = arith.constant 0 : i32
    %dma_start3A_1422 = tpu.memref_slice %arg5[%dma_start3A_1411, %dma_start3A_1420, %dma_start3A_1421] : memref<2x4x128xi32, #tpu.memory_space<vmem>> -> memref<1x4x128xi32, #tpu.memory_space<vmem>>
    %dma_start3A_1423 = tpu.memref_squeeze %dma_start3A_1422 : memref<1x4x128xi32, #tpu.memory_space<vmem>> -> memref<4x128xi32, #tpu.memory_space<vmem>>
    %dma_start3A_1424 = arith.constant 0 : i32
    %dma_start3A_1425 = arith.constant 0 : i32
    %dma_start3A_1426 = tpu.memref_slice %arg2[%add3A, %dma_start3A_1410, %dma_start3A_1424, %dma_start3A_1425] : memref<32x50x4x128xi32, #tpu.memory_space<hbm>> -> memref<1x1x4x128xi32, #tpu.memory_space<hbm>>
    %dma_start3A_1427 = tpu.memref_squeeze %dma_start3A_1426 : memref<1x1x4x128xi32, #tpu.memory_space<hbm>> -> memref<4x128xi32, #tpu.memory_space<hbm>>
    tpu.enqueue_dma source(%dma_start3A_1427 : memref<4x128xi32, #tpu.memory_space<hbm>>) target(%dma_start3A_1423 : memref<4x128xi32, #tpu.memory_space<vmem>>) target_semaphore(%arg9 : memref<!tpu.dma_semaphore, #tpu.memory_space<semaphore_mem>>)
    %dma_wait3A = arith.constant 0 : i32
    %dma_wait3A_1428 = arith.constant 0 : i32
    %dma_wait3A_1429 = arith.constant 0 : i32
    %dma_wait3A_1430 = arith.constant 0 : i32
    %dma_wait3A_1431 = tpu.memref_slice %arg5[%dma_wait3A_1428, %dma_wait3A_1429, %dma_wait3A_1430] : memref<2x4x128xi32, #tpu.memory_space<vmem>> -> memref<1x4x128xi32, #tpu.memory_space<vmem>>
    %dma_wait3A_1432 = tpu.memref_squeeze %dma_wait3A_1431 : memref<1x4x128xi32, #tpu.memory_space<vmem>> -> memref<4x128xi32, #tpu.memory_space<vmem>>
    %dma_wait3A_1433 = arith.constant 0 : i32
    %dma_wait3A_1434 = arith.constant 0 : i32
    %dma_wait3A_1435 = tpu.memref_slice %arg2[%add3A, %dma_wait3A, %dma_wait3A_1433, %dma_wait3A_1434] : memref<32x50x4x128xi32, #tpu.memory_space<hbm>> -> memref<1x1x4x128xi32, #tpu.memory_space<hbm>>
    %dma_wait3A_1436 = tpu.memref_squeeze %dma_wait3A_1435 : memref<1x1x4x128xi32, #tpu.memory_space<hbm>> -> memref<4x128xi32, #tpu.memory_space<hbm>>
    %dma_wait3A_1437 = arith.constant 0 : i32
    %dma_wait3A_1438 = arith.constant 0 : i32
    %dma_wait3A_1439 = tpu.memref_slice %arg5[%dma_wait3A_1428, %dma_wait3A_1437, %dma_wait3A_1438] : memref<2x4x128xi32, #tpu.memory_space<vmem>> -> memref<1x4x128xi32, #tpu.memory_space<vmem>>
    %dma_wait3A_1440 = tpu.memref_squeeze %dma_wait3A_1439 : memref<1x4x128xi32, #tpu.memory_space<vmem>> -> memref<4x128xi32, #tpu.memory_space<vmem>>
    %dma_wait3A_1441 = arith.constant 0 : i32
    %dma_wait3A_1442 = arith.constant 0 : i32
    %dma_wait3A_1443 = tpu.memref_slice %arg2[%add3A, %dma_wait3A, %dma_wait3A_1441, %dma_wait3A_1442] : memref<32x50x4x128xi32, #tpu.memory_space<hbm>> -> memref<1x1x4x128xi32, #tpu.memory_space<hbm>>
    %dma_wait3A_1444 = tpu.memref_squeeze %dma_wait3A_1443 : memref<1x1x4x128xi32, #tpu.memory_space<hbm>> -> memref<4x128xi32, #tpu.memory_space<hbm>>
    tpu.wait_dma2 semaphore(%arg8 : memref<!tpu.dma_semaphore, #tpu.memory_space<semaphore_mem>>) src(%dma_wait3A_1444 : memref<4x128xi32, #tpu.memory_space<hbm>>) dst(%dma_wait3A_1440 : memref<4x128xi32, #tpu.memory_space<vmem>>)
    %dma_start3A_1445 = arith.constant 0 : i32
    %dma_start3A_1446 = arith.constant 0 : i32
    %dma_start3A_1447 = arith.constant 0 : i32
    %dma_start3A_1448 = arith.constant 0 : i32
    %dma_start3A_1449 = arith.constant 0 : i32
    %dma_start3A_1450 = tpu.memref_slice %arg6[%dma_start3A_1447, %dma_start3A_1448, %dma_start3A_1449] : memref<2x512x64xf32, #tpu.memory_space<vmem>> -> memref<1x128x64xf32, #tpu.memory_space<vmem>>
    %dma_start3A_1451 = tpu.memref_squeeze %dma_start3A_1450 : memref<1x128x64xf32, #tpu.memory_space<vmem>> -> memref<128x64xf32, #tpu.memory_space<vmem>>
    %dma_start3A_1452 = arith.constant 0 : i32
    %dma_start3A_1453 = tpu.memref_slice %arg5[%dma_start3A_1445, %dma_start3A_1446, %dma_start3A_1452] : memref<2x4x128xi32, #tpu.memory_space<vmem>> -> memref<1x1x128xi32, #tpu.memory_space<vmem>>
    %dma_start3A_1454 = tpu.memref_squeeze %dma_start3A_1453 : memref<1x1x128xi32, #tpu.memory_space<vmem>> -> memref<128xi32, #tpu.memory_space<vmem>>
    %dma_start3A_1455 = arith.constant 0 : i32
    %dma_start3A_1456 = arith.constant 0 : i32
    %dma_start3A_1457 = tpu.memref_slice %arg3[%dma_start3A_1455, %dma_start3A_1456] : memref<1000x64xf32, #tpu.memory_space<hbm>> -> memref<1000x64xf32, #tpu.memory_space<hbm>>
    tpu.enqueue_indirect_dma source(%dma_start3A_1457 : memref<1000x64xf32, #tpu.memory_space<hbm>>) target(%dma_start3A_1451 : memref<128x64xf32, #tpu.memory_space<vmem>>) offsets(%dma_start3A_1454 : memref<128xi32, #tpu.memory_space<vmem>>) semaphore(%arg10 : memref<!tpu.dma_semaphore, #tpu.memory_space<semaphore_mem>>)
    %dma_start3A_1458 = arith.constant 0 : i32
    %dma_start3A_1459 = arith.constant 1 : i32
    %dma_start3A_1460 = arith.constant 0 : i32
    %dma_start3A_1461 = arith.constant 128 : i32
    %dma_start3A_1462 = arith.constant 0 : i32
    %dma_start3A_1463 = tpu.memref_slice %arg6[%dma_start3A_1460, %dma_start3A_1461, %dma_start3A_1462] : memref<2x512x64xf32, #tpu.memory_space<vmem>> -> memref<1x128x64xf32, #tpu.memory_space<vmem>>
    %dma_start3A_1464 = tpu.memref_squeeze %dma_start3A_1463 : memref<1x128x64xf32, #tpu.memory_space<vmem>> -> memref<128x64xf32, #tpu.memory_space<vmem>>
    %dma_start3A_1465 = arith.constant 0 : i32
    %dma_start3A_1466 = tpu.memref_slice %arg5[%dma_start3A_1458, %dma_start3A_1459, %dma_start3A_1465] : memref<2x4x128xi32, #tpu.memory_space<vmem>> -> memref<1x1x128xi32, #tpu.memory_space<vmem>>
    %dma_start3A_1467 = tpu.memref_squeeze %dma_start3A_1466 : memref<1x1x128xi32, #tpu.memory_space<vmem>> -> memref<128xi32, #tpu.memory_space<vmem>>
    %dma_start3A_1468 = arith.constant 0 : i32
    %dma_start3A_1469 = arith.constant 0 : i32
    %dma_start3A_1470 = tpu.memref_slice %arg3[%dma_start3A_1468, %dma_start3A_1469] : memref<1000x64xf32, #tpu.memory_space<hbm>> -> memref<1000x64xf32, #tpu.memory_space<hbm>>
    tpu.enqueue_indirect_dma source(%dma_start3A_1470 : memref<1000x64xf32, #tpu.memory_space<hbm>>) target(%dma_start3A_1464 : memref<128x64xf32, #tpu.memory_space<vmem>>) offsets(%dma_start3A_1467 : memref<128xi32, #tpu.memory_space<vmem>>) semaphore(%arg10 : memref<!tpu.dma_semaphore, #tpu.memory_space<semaphore_mem>>)
    %dma_start3A_1471 = arith.constant 0 : i32
    %dma_start3A_1472 = arith.constant 2 : i32
    %dma_start3A_1473 = arith.constant 0 : i32
    %dma_start3A_1474 = arith.constant 256 : i32
    %dma_start3A_1475 = arith.constant 0 : i32
    %dma_start3A_1476 = tpu.memref_slice %arg6[%dma_start3A_1473, %dma_start3A_1474, %dma_start3A_1475] : memref<2x512x64xf32, #tpu.memory_space<vmem>> -> memref<1x128x64xf32, #tpu.memory_space<vmem>>
    %dma_start3A_1477 = tpu.memref_squeeze %dma_start3A_1476 : memref<1x128x64xf32, #tpu.memory_space<vmem>> -> memref<128x64xf32, #tpu.memory_space<vmem>>
    %dma_start3A_1478 = arith.constant 0 : i32
    %dma_start3A_1479 = tpu.memref_slice %arg5[%dma_start3A_1471, %dma_start3A_1472, %dma_start3A_1478] : memref<2x4x128xi32, #tpu.memory_space<vmem>> -> memref<1x1x128xi32, #tpu.memory_space<vmem>>
    %dma_start3A_1480 = tpu.memref_squeeze %dma_start3A_1479 : memref<1x1x128xi32, #tpu.memory_space<vmem>> -> memref<128xi32, #tpu.memory_space<vmem>>
    %dma_start3A_1481 = arith.constant 0 : i32
    %dma_start3A_1482 = arith.constant 0 : i32
    %dma_start3A_1483 = tpu.memref_slice %arg3[%dma_start3A_1481, %dma_start3A_1482] : memref<1000x64xf32, #tpu.memory_space<hbm>> -> memref<1000x64xf32, #tpu.memory_space<hbm>>
    tpu.enqueue_indirect_dma source(%dma_start3A_1483 : memref<1000x64xf32, #tpu.memory_space<hbm>>) target(%dma_start3A_1477 : memref<128x64xf32, #tpu.memory_space<vmem>>) offsets(%dma_start3A_1480 : memref<128xi32, #tpu.memory_space<vmem>>) semaphore(%arg10 : memref<!tpu.dma_semaphore, #tpu.memory_space<semaphore_mem>>)
    %dma_start3A_1484 = arith.constant 0 : i32
    %dma_start3A_1485 = arith.constant 3 : i32
    %dma_start3A_1486 = arith.constant 0 : i32
    %dma_start3A_1487 = arith.constant 384 : i32
    %dma_start3A_1488 = arith.constant 0 : i32
    %dma_start3A_1489 = tpu.memref_slice %arg6[%dma_start3A_1486, %dma_start3A_1487, %dma_start3A_1488] : memref<2x512x64xf32, #tpu.memory_space<vmem>> -> memref<1x128x64xf32, #tpu.memory_space<vmem>>
    %dma_start3A_1490 = tpu.memref_squeeze %dma_start3A_1489 : memref<1x128x64xf32, #tpu.memory_space<vmem>> -> memref<128x64xf32, #tpu.memory_space<vmem>>
    %dma_start3A_1491 = arith.constant 0 : i32
    %dma_start3A_1492 = tpu.memref_slice %arg5[%dma_start3A_1484, %dma_start3A_1485, %dma_start3A_1491] : memref<2x4x128xi32, #tpu.memory_space<vmem>> -> memref<1x1x128xi32, #tpu.memory_space<vmem>>
    %dma_start3A_1493 = tpu.memref_squeeze %dma_start3A_1492 : memref<1x1x128xi32, #tpu.memory_space<vmem>> -> memref<128xi32, #tpu.memory_space<vmem>>
    %dma_start3A_1494 = arith.constant 0 : i32
    %dma_start3A_1495 = arith.constant 0 : i32
    %dma_start3A_1496 = tpu.memref_slice %arg3[%dma_start3A_1494, %dma_start3A_1495] : memref<1000x64xf32, #tpu.memory_space<hbm>> -> memref<1000x64xf32, #tpu.memory_space<hbm>>
    tpu.enqueue_indirect_dma source(%dma_start3A_1496 : memref<1000x64xf32, #tpu.memory_space<hbm>>) target(%dma_start3A_1490 : memref<128x64xf32, #tpu.memory_space<vmem>>) offsets(%dma_start3A_1493 : memref<128xi32, #tpu.memory_space<vmem>>) semaphore(%arg10 : memref<!tpu.dma_semaphore, #tpu.memory_space<semaphore_mem>>)
    %scan3A = arith.constant 0 : i32
    %scan3A_1497 = arith.constant 0 : i32
    %scan3A_1498 = arith.constant 25 : i32
    %scan3A_1499 = arith.addi %scan3A_1497, %scan3A_1498 : i32
    %scan3A_1500 = arith.constant 1 : i32
    scf.for %scan3A_1524 = %scan3A_1497 to %scan3A_1499 step %scan3A_1500  : i32 {
      %mul3A_1525 = arith.constant 2 : i32
      %mul3A_1526 = arith.muli %mul3A_1525, %scan3A_1524 : i32
      %add3A_1527 = arith.constant 1 : i32
      %add3A_1528 = arith.addi %mul3A_1526, %add3A_1527 : i32
      %dma_wait3A_1529 = arith.constant 1 : i32
      %dma_wait3A_1530 = arith.constant 0 : i32
      %dma_wait3A_1531 = arith.constant 0 : i32
      %dma_wait3A_1532 = tpu.memref_slice %arg5[%dma_wait3A_1529, %dma_wait3A_1530, %dma_wait3A_1531] : memref<2x4x128xi32, #tpu.memory_space<vmem>> -> memref<1x4x128xi32, #tpu.memory_space<vmem>>
      %dma_wait3A_1533 = tpu.memref_squeeze %dma_wait3A_1532 : memref<1x4x128xi32, #tpu.memory_space<vmem>> -> memref<4x128xi32, #tpu.memory_space<vmem>>
      %dma_wait3A_1534 = arith.constant 0 : i32
      %dma_wait3A_1535 = arith.constant 0 : i32
      %dma_wait3A_1536 = tpu.memref_slice %arg2[%add3A, %add3A_1528, %dma_wait3A_1534, %dma_wait3A_1535] : memref<32x50x4x128xi32, #tpu.memory_space<hbm>> -> memref<1x1x4x128xi32, #tpu.memory_space<hbm>>
      %dma_wait3A_1537 = tpu.memref_squeeze %dma_wait3A_1536 : memref<1x1x4x128xi32, #tpu.memory_space<hbm>> -> memref<4x128xi32, #tpu.memory_space<hbm>>
      %dma_wait3A_1538 = arith.constant 0 : i32
      %dma_wait3A_1539 = arith.constant 0 : i32
      %dma_wait3A_1540 = tpu.memref_slice %arg5[%dma_wait3A_1529, %dma_wait3A_1538, %dma_wait3A_1539] : memref<2x4x128xi32, #tpu.memory_space<vmem>> -> memref<1x4x128xi32, #tpu.memory_space<vmem>>
      %dma_wait3A_1541 = tpu.memref_squeeze %dma_wait3A_1540 : memref<1x4x128xi32, #tpu.memory_space<vmem>> -> memref<4x128xi32, #tpu.memory_space<vmem>>
      %dma_wait3A_1542 = arith.constant 0 : i32
      %dma_wait3A_1543 = arith.constant 0 : i32
      %dma_wait3A_1544 = tpu.memref_slice %arg2[%add3A, %add3A_1528, %dma_wait3A_1542, %dma_wait3A_1543] : memref<32x50x4x128xi32, #tpu.memory_space<hbm>> -> memref<1x1x4x128xi32, #tpu.memory_space<hbm>>
      %dma_wait3A_1545 = tpu.memref_squeeze %dma_wait3A_1544 : memref<1x1x4x128xi32, #tpu.memory_space<hbm>> -> memref<4x128xi32, #tpu.memory_space<hbm>>
      tpu.wait_dma2 semaphore(%arg9 : memref<!tpu.dma_semaphore, #tpu.memory_space<semaphore_mem>>) src(%dma_wait3A_1545 : memref<4x128xi32, #tpu.memory_space<hbm>>) dst(%dma_wait3A_1541 : memref<4x128xi32, #tpu.memory_space<vmem>>)
      %dma_start3A_1546 = arith.constant 1 : i32
      %dma_start3A_1547 = arith.constant 0 : i32
      %dma_start3A_1548 = arith.constant 1 : i32
      %dma_start3A_1549 = arith.constant 0 : i32
      %dma_start3A_1550 = arith.constant 0 : i32
      %dma_start3A_1551 = tpu.memref_slice %arg6[%dma_start3A_1548, %dma_start3A_1549, %dma_start3A_1550] : memref<2x512x64xf32, #tpu.memory_space<vmem>> -> memref<1x128x64xf32, #tpu.memory_space<vmem>>
      %dma_start3A_1552 = tpu.memref_squeeze %dma_start3A_1551 : memref<1x128x64xf32, #tpu.memory_space<vmem>> -> memref<128x64xf32, #tpu.memory_space<vmem>>
      %dma_start3A_1553 = arith.constant 0 : i32
      %dma_start3A_1554 = tpu.memref_slice %arg5[%dma_start3A_1546, %dma_start3A_1547, %dma_start3A_1553] : memref<2x4x128xi32, #tpu.memory_space<vmem>> -> memref<1x1x128xi32, #tpu.memory_space<vmem>>
      %dma_start3A_1555 = tpu.memref_squeeze %dma_start3A_1554 : memref<1x1x128xi32, #tpu.memory_space<vmem>> -> memref<128xi32, #tpu.memory_space<vmem>>
      %dma_start3A_1556 = arith.constant 0 : i32
      %dma_start3A_1557 = arith.constant 0 : i32
      %dma_start3A_1558 = tpu.memref_slice %arg3[%dma_start3A_1556, %dma_start3A_1557] : memref<1000x64xf32, #tpu.memory_space<hbm>> -> memref<1000x64xf32, #tpu.memory_space<hbm>>
      tpu.enqueue_indirect_dma source(%dma_start3A_1558 : memref<1000x64xf32, #tpu.memory_space<hbm>>) target(%dma_start3A_1552 : memref<128x64xf32, #tpu.memory_space<vmem>>) offsets(%dma_start3A_1555 : memref<128xi32, #tpu.memory_space<vmem>>) semaphore(%arg11 : memref<!tpu.dma_semaphore, #tpu.memory_space<semaphore_mem>>)
      %dma_start3A_1559 = arith.constant 1 : i32
      %dma_start3A_1560 = arith.constant 1 : i32
      %dma_start3A_1561 = arith.constant 1 : i32
      %dma_start3A_1562 = arith.constant 128 : i32
      %dma_start3A_1563 = arith.constant 0 : i32
      %dma_start3A_1564 = tpu.memref_slice %arg6[%dma_start3A_1561, %dma_start3A_1562, %dma_start3A_1563] : memref<2x512x64xf32, #tpu.memory_space<vmem>> -> memref<1x128x64xf32, #tpu.memory_space<vmem>>
      %dma_start3A_1565 = tpu.memref_squeeze %dma_start3A_1564 : memref<1x128x64xf32, #tpu.memory_space<vmem>> -> memref<128x64xf32, #tpu.memory_space<vmem>>
      %dma_start3A_1566 = arith.constant 0 : i32
      %dma_start3A_1567 = tpu.memref_slice %arg5[%dma_start3A_1559, %dma_start3A_1560, %dma_start3A_1566] : memref<2x4x128xi32, #tpu.memory_space<vmem>> -> memref<1x1x128xi32, #tpu.memory_space<vmem>>
      %dma_start3A_1568 = tpu.memref_squeeze %dma_start3A_1567 : memref<1x1x128xi32, #tpu.memory_space<vmem>> -> memref<128xi32, #tpu.memory_space<vmem>>
      %dma_start3A_1569 = arith.constant 0 : i32
      %dma_start3A_1570 = arith.constant 0 : i32
      %dma_start3A_1571 = tpu.memref_slice %arg3[%dma_start3A_1569, %dma_start3A_1570] : memref<1000x64xf32, #tpu.memory_space<hbm>> -> memref<1000x64xf32, #tpu.memory_space<hbm>>
      tpu.enqueue_indirect_dma source(%dma_start3A_1571 : memref<1000x64xf32, #tpu.memory_space<hbm>>) target(%dma_start3A_1565 : memref<128x64xf32, #tpu.memory_space<vmem>>) offsets(%dma_start3A_1568 : memref<128xi32, #tpu.memory_space<vmem>>) semaphore(%arg11 : memref<!tpu.dma_semaphore, #tpu.memory_space<semaphore_mem>>)
      %dma_start3A_1572 = arith.constant 1 : i32
      %dma_start3A_1573 = arith.constant 2 : i32
      %dma_start3A_1574 = arith.constant 1 : i32
      %dma_start3A_1575 = arith.constant 256 : i32
      %dma_start3A_1576 = arith.constant 0 : i32
      %dma_start3A_1577 = tpu.memref_slice %arg6[%dma_start3A_1574, %dma_start3A_1575, %dma_start3A_1576] : memref<2x512x64xf32, #tpu.memory_space<vmem>> -> memref<1x128x64xf32, #tpu.memory_space<vmem>>
      %dma_start3A_1578 = tpu.memref_squeeze %dma_start3A_1577 : memref<1x128x64xf32, #tpu.memory_space<vmem>> -> memref<128x64xf32, #tpu.memory_space<vmem>>
      %dma_start3A_1579 = arith.constant 0 : i32
      %dma_start3A_1580 = tpu.memref_slice %arg5[%dma_start3A_1572, %dma_start3A_1573, %dma_start3A_1579] : memref<2x4x128xi32, #tpu.memory_space<vmem>> -> memref<1x1x128xi32, #tpu.memory_space<vmem>>
      %dma_start3A_1581 = tpu.memref_squeeze %dma_start3A_1580 : memref<1x1x128xi32, #tpu.memory_space<vmem>> -> memref<128xi32, #tpu.memory_space<vmem>>
      %dma_start3A_1582 = arith.constant 0 : i32
      %dma_start3A_1583 = arith.constant 0 : i32
      %dma_start3A_1584 = tpu.memref_slice %arg3[%dma_start3A_1582, %dma_start3A_1583] : memref<1000x64xf32, #tpu.memory_space<hbm>> -> memref<1000x64xf32, #tpu.memory_space<hbm>>
      tpu.enqueue_indirect_dma source(%dma_start3A_1584 : memref<1000x64xf32, #tpu.memory_space<hbm>>) target(%dma_start3A_1578 : memref<128x64xf32, #tpu.memory_space<vmem>>) offsets(%dma_start3A_1581 : memref<128xi32, #tpu.memory_space<vmem>>) semaphore(%arg11 : memref<!tpu.dma_semaphore, #tpu.memory_space<semaphore_mem>>)
      %dma_start3A_1585 = arith.constant 1 : i32
      %dma_start3A_1586 = arith.constant 3 : i32
      %dma_start3A_1587 = arith.constant 1 : i32
      %dma_start3A_1588 = arith.constant 384 : i32
      %dma_start3A_1589 = arith.constant 0 : i32
      %dma_start3A_1590 = tpu.memref_slice %arg6[%dma_start3A_1587, %dma_start3A_1588, %dma_start3A_1589] : memref<2x512x64xf32, #tpu.memory_space<vmem>> -> memref<1x128x64xf32, #tpu.memory_space<vmem>>
      %dma_start3A_1591 = tpu.memref_squeeze %dma_start3A_1590 : memref<1x128x64xf32, #tpu.memory_space<vmem>> -> memref<128x64xf32, #tpu.memory_space<vmem>>
      %dma_start3A_1592 = arith.constant 0 : i32
      %dma_start3A_1593 = tpu.memref_slice %arg5[%dma_start3A_1585, %dma_start3A_1586, %dma_start3A_1592] : memref<2x4x128xi32, #tpu.memory_space<vmem>> -> memref<1x1x128xi32, #tpu.memory_space<vmem>>
      %dma_start3A_1594 = tpu.memref_squeeze %dma_start3A_1593 : memref<1x1x128xi32, #tpu.memory_space<vmem>> -> memref<128xi32, #tpu.memory_space<vmem>>
      %dma_start3A_1595 = arith.constant 0 : i32
      %dma_start3A_1596 = arith.constant 0 : i32
      %dma_start3A_1597 = tpu.memref_slice %arg3[%dma_start3A_1595, %dma_start3A_1596] : memref<1000x64xf32, #tpu.memory_space<hbm>> -> memref<1000x64xf32, #tpu.memory_space<hbm>>
      tpu.enqueue_indirect_dma source(%dma_start3A_1597 : memref<1000x64xf32, #tpu.memory_space<hbm>>) target(%dma_start3A_1591 : memref<128x64xf32, #tpu.memory_space<vmem>>) offsets(%dma_start3A_1594 : memref<128xi32, #tpu.memory_space<vmem>>) semaphore(%arg11 : memref<!tpu.dma_semaphore, #tpu.memory_space<semaphore_mem>>)
      %dma_wait3A_1598 = arith.constant 0 : i32
      %dma_wait3A_1599 = arith.constant 0 : i32
      %dma_wait3A_1600 = arith.constant 0 : i32
      %dma_wait3A_1601 = arith.constant 0 : i32
      %dma_wait3A_1602 = arith.constant 0 : i32
      %dma_wait3A_1603 = tpu.memref_slice %arg6[%dma_wait3A_1600, %dma_wait3A_1601, %dma_wait3A_1602] : memref<2x512x64xf32, #tpu.memory_space<vmem>> -> memref<1x128x64xf32, #tpu.memory_space<vmem>>
      %dma_wait3A_1604 = tpu.memref_squeeze %dma_wait3A_1603 : memref<1x128x64xf32, #tpu.memory_space<vmem>> -> memref<128x64xf32, #tpu.memory_space<vmem>>
      %dma_wait3A_1605 = arith.constant 0 : i32
      %dma_wait3A_1606 = tpu.memref_slice %arg5[%dma_wait3A_1598, %dma_wait3A_1599, %dma_wait3A_1605] : memref<2x4x128xi32, #tpu.memory_space<vmem>> -> memref<1x1x128xi32, #tpu.memory_space<vmem>>
      %dma_wait3A_1607 = tpu.memref_squeeze %dma_wait3A_1606 : memref<1x1x128xi32, #tpu.memory_space<vmem>> -> memref<128xi32, #tpu.memory_space<vmem>>
      %dma_wait3A_1608 = arith.constant 0 : i32
      %dma_wait3A_1609 = arith.constant 0 : i32
      %dma_wait3A_1610 = tpu.memref_slice %arg3[%dma_wait3A_1608, %dma_wait3A_1609] : memref<1000x64xf32, #tpu.memory_space<hbm>> -> memref<1000x64xf32, #tpu.memory_space<hbm>>
      tpu.wait_indirect_dma semaphore(%arg10 : memref<!tpu.dma_semaphore, #tpu.memory_space<semaphore_mem>>) src(%dma_wait3A_1610 : memref<1000x64xf32, #tpu.memory_space<hbm>>) dst(%dma_wait3A_1604 : memref<128x64xf32, #tpu.memory_space<vmem>>)
      %dma_wait3A_1611 = arith.constant 0 : i32
      %dma_wait3A_1612 = arith.constant 1 : i32
      %dma_wait3A_1613 = arith.constant 0 : i32
      %dma_wait3A_1614 = arith.constant 128 : i32
      %dma_wait3A_1615 = arith.constant 0 : i32
      %dma_wait3A_1616 = tpu.memref_slice %arg6[%dma_wait3A_1613, %dma_wait3A_1614, %dma_wait3A_1615] : memref<2x512x64xf32, #tpu.memory_space<vmem>> -> memref<1x128x64xf32, #tpu.memory_space<vmem>>
      %dma_wait3A_1617 = tpu.memref_squeeze %dma_wait3A_1616 : memref<1x128x64xf32, #tpu.memory_space<vmem>> -> memref<128x64xf32, #tpu.memory_space<vmem>>
      %dma_wait3A_1618 = arith.constant 0 : i32
      %dma_wait3A_1619 = tpu.memref_slice %arg5[%dma_wait3A_1611, %dma_wait3A_1612, %dma_wait3A_1618] : memref<2x4x128xi32, #tpu.memory_space<vmem>> -> memref<1x1x128xi32, #tpu.memory_space<vmem>>
      %dma_wait3A_1620 = tpu.memref_squeeze %dma_wait3A_1619 : memref<1x1x128xi32, #tpu.memory_space<vmem>> -> memref<128xi32, #tpu.memory_space<vmem>>
      %dma_wait3A_1621 = arith.constant 0 : i32
      %dma_wait3A_1622 = arith.constant 0 : i32
      %dma_wait3A_1623 = tpu.memref_slice %arg3[%dma_wait3A_1621, %dma_wait3A_1622] : memref<1000x64xf32, #tpu.memory_space<hbm>> -> memref<1000x64xf32, #tpu.memory_space<hbm>>
      tpu.wait_indirect_dma semaphore(%arg10 : memref<!tpu.dma_semaphore, #tpu.memory_space<semaphore_mem>>) src(%dma_wait3A_1623 : memref<1000x64xf32, #tpu.memory_space<hbm>>) dst(%dma_wait3A_1617 : memref<128x64xf32, #tpu.memory_space<vmem>>)
      %dma_wait3A_1624 = arith.constant 0 : i32
      %dma_wait3A_1625 = arith.constant 2 : i32
      %dma_wait3A_1626 = arith.constant 0 : i32
      %dma_wait3A_1627 = arith.constant 256 : i32
      %dma_wait3A_1628 = arith.constant 0 : i32
      %dma_wait3A_1629 = tpu.memref_slice %arg6[%dma_wait3A_1626, %dma_wait3A_1627, %dma_wait3A_1628] : memref<2x512x64xf32, #tpu.memory_space<vmem>> -> memref<1x128x64xf32, #tpu.memory_space<vmem>>
      %dma_wait3A_1630 = tpu.memref_squeeze %dma_wait3A_1629 : memref<1x128x64xf32, #tpu.memory_space<vmem>> -> memref<128x64xf32, #tpu.memory_space<vmem>>
      %dma_wait3A_1631 = arith.constant 0 : i32
      %dma_wait3A_1632 = tpu.memref_slice %arg5[%dma_wait3A_1624, %dma_wait3A_1625, %dma_wait3A_1631] : memref<2x4x128xi32, #tpu.memory_space<vmem>> -> memref<1x1x128xi32, #tpu.memory_space<vmem>>
      %dma_wait3A_1633 = tpu.memref_squeeze %dma_wait3A_1632 : memref<1x1x128xi32, #tpu.memory_space<vmem>> -> memref<128xi32, #tpu.memory_space<vmem>>
      %dma_wait3A_1634 = arith.constant 0 : i32
      %dma_wait3A_1635 = arith.constant 0 : i32
      %dma_wait3A_1636 = tpu.memref_slice %arg3[%dma_wait3A_1634, %dma_wait3A_1635] : memref<1000x64xf32, #tpu.memory_space<hbm>> -> memref<1000x64xf32, #tpu.memory_space<hbm>>
      tpu.wait_indirect_dma semaphore(%arg10 : memref<!tpu.dma_semaphore, #tpu.memory_space<semaphore_mem>>) src(%dma_wait3A_1636 : memref<1000x64xf32, #tpu.memory_space<hbm>>) dst(%dma_wait3A_1630 : memref<128x64xf32, #tpu.memory_space<vmem>>)
      %dma_wait3A_1637 = arith.constant 0 : i32
      %dma_wait3A_1638 = arith.constant 3 : i32
      %dma_wait3A_1639 = arith.constant 0 : i32
      %dma_wait3A_1640 = arith.constant 384 : i32
      %dma_wait3A_1641 = arith.constant 0 : i32
      %dma_wait3A_1642 = tpu.memref_slice %arg6[%dma_wait3A_1639, %dma_wait3A_1640, %dma_wait3A_1641] : memref<2x512x64xf32, #tpu.memory_space<vmem>> -> memref<1x128x64xf32, #tpu.memory_space<vmem>>
      %dma_wait3A_1643 = tpu.memref_squeeze %dma_wait3A_1642 : memref<1x128x64xf32, #tpu.memory_space<vmem>> -> memref<128x64xf32, #tpu.memory_space<vmem>>
      %dma_wait3A_1644 = arith.constant 0 : i32
      %dma_wait3A_1645 = tpu.memref_slice %arg5[%dma_wait3A_1637, %dma_wait3A_1638, %dma_wait3A_1644] : memref<2x4x128xi32, #tpu.memory_space<vmem>> -> memref<1x1x128xi32, #tpu.memory_space<vmem>>
      %dma_wait3A_1646 = tpu.memref_squeeze %dma_wait3A_1645 : memref<1x1x128xi32, #tpu.memory_space<vmem>> -> memref<128xi32, #tpu.memory_space<vmem>>
      %dma_wait3A_1647 = arith.constant 0 : i32
      %dma_wait3A_1648 = arith.constant 0 : i32
      %dma_wait3A_1649 = tpu.memref_slice %arg3[%dma_wait3A_1647, %dma_wait3A_1648] : memref<1000x64xf32, #tpu.memory_space<hbm>> -> memref<1000x64xf32, #tpu.memory_space<hbm>>
      tpu.wait_indirect_dma semaphore(%arg10 : memref<!tpu.dma_semaphore, #tpu.memory_space<semaphore_mem>>) src(%dma_wait3A_1649 : memref<1000x64xf32, #tpu.memory_space<hbm>>) dst(%dma_wait3A_1643 : memref<128x64xf32, #tpu.memory_space<vmem>>)
      %add3A_1650 = arith.constant 2 : i32
      %add3A_1651 = arith.addi %mul3A_1526, %add3A_1650 : i32
      %lt3A_1652 = arith.constant 50 : i32
      %lt3A_1653 = arith.cmpi slt, %add3A_1651, %lt3A_1652 : i32
      %convert_element_type3A = arith.extui %lt3A_1653 : i1 to i32
      %cond3A = arith.constant 0 : i32
      %cond3A_1654 = arith.cmpi ne, %convert_element_type3A, %cond3A : i32
      scf.if %cond3A_1654 {
        %add3A_1763 = arith.constant 2 : i32
        %add3A_1764 = arith.addi %mul3A_1526, %add3A_1763 : i32
        %dma_start3A_1765 = arith.constant 0 : i32
        %dma_start3A_1766 = arith.constant 0 : i32
        %dma_start3A_1767 = arith.constant 0 : i32
        %dma_start3A_1768 = tpu.memref_slice %arg5[%dma_start3A_1765, %dma_start3A_1766, %dma_start3A_1767] : memref<2x4x128xi32, #tpu.memory_space<vmem>> -> memref<1x4x128xi32, #tpu.memory_space<vmem>>
        %dma_start3A_1769 = tpu.memref_squeeze %dma_start3A_1768 : memref<1x4x128xi32, #tpu.memory_space<vmem>> -> memref<4x128xi32, #tpu.memory_space<vmem>>
        %dma_start3A_1770 = arith.constant 0 : i32
        %dma_start3A_1771 = arith.constant 0 : i32
        %dma_start3A_1772 = tpu.memref_slice %arg2[%add3A, %add3A_1764, %dma_start3A_1770, %dma_start3A_1771] : memref<32x50x4x128xi32, #tpu.memory_space<hbm>> -> memref<1x1x4x128xi32, #tpu.memory_space<hbm>>
        %dma_start3A_1773 = tpu.memref_squeeze %dma_start3A_1772 : memref<1x1x4x128xi32, #tpu.memory_space<hbm>> -> memref<4x128xi32, #tpu.memory_space<hbm>>
        %dma_start3A_1774 = arith.constant 0 : i32
        %dma_start3A_1775 = arith.constant 0 : i32
        %dma_start3A_1776 = tpu.memref_slice %arg5[%dma_start3A_1765, %dma_start3A_1774, %dma_start3A_1775] : memref<2x4x128xi32, #tpu.memory_space<vmem>> -> memref<1x4x128xi32, #tpu.memory_space<vmem>>
        %dma_start3A_1777 = tpu.memref_squeeze %dma_start3A_1776 : memref<1x4x128xi32, #tpu.memory_space<vmem>> -> memref<4x128xi32, #tpu.memory_space<vmem>>
        %dma_start3A_1778 = arith.constant 0 : i32
        %dma_start3A_1779 = arith.constant 0 : i32
        %dma_start3A_1780 = tpu.memref_slice %arg2[%add3A, %add3A_1764, %dma_start3A_1778, %dma_start3A_1779] : memref<32x50x4x128xi32, #tpu.memory_space<hbm>> -> memref<1x1x4x128xi32, #tpu.memory_space<hbm>>
        %dma_start3A_1781 = tpu.memref_squeeze %dma_start3A_1780 : memref<1x1x4x128xi32, #tpu.memory_space<hbm>> -> memref<4x128xi32, #tpu.memory_space<hbm>>
        tpu.enqueue_dma source(%dma_start3A_1781 : memref<4x128xi32, #tpu.memory_space<hbm>>) target(%dma_start3A_1777 : memref<4x128xi32, #tpu.memory_space<vmem>>) target_semaphore(%arg8 : memref<!tpu.dma_semaphore, #tpu.memory_space<semaphore_mem>>)
      } else {
      }
      %ge3A = arith.constant 1 : i32
      %ge3A_1655 = arith.cmpi sge, %scan3A_1524, %ge3A : i32
      %convert_element_type3A_1656 = arith.extui %ge3A_1655 : i1 to i32
      %cond3A_1657 = arith.constant 0 : i32
      %cond3A_1658 = arith.cmpi ne, %convert_element_type3A_1656, %cond3A_1657 : i32
      scf.if %cond3A_1658 {
        %mul3A_1763 = arith.constant 50 : i32
        %mul3A_1764 = arith.muli %mul3A_2, %mul3A_1763 : i32
        %dma_wait3A_1765 = arith.constant 0 : i32
        %dma_wait3A_1766 = arith.constant 0 : i32
        %dma_wait3A_1767 = tpu.memref_slice %arg7[%dma_wait3A_1765, %dma_wait3A_1766] : memref<2x25600xf32, #tpu.memory_space<vmem>> -> memref<1x25600xf32, #tpu.memory_space<vmem>>
        %dma_wait3A_1768 = tpu.memref_squeeze %dma_wait3A_1767 : memref<1x25600xf32, #tpu.memory_space<vmem>> -> memref<25600xf32, #tpu.memory_space<vmem>>
        %dma_wait3A_1769 = tpu.memref_slice %arg4[%mul3A_1764] : memref<40960000xf32, #tpu.memory_space<hbm>> -> memref<25600xf32, #tpu.memory_space<hbm>>
        %dma_wait3A_1770 = tpu.memref_slice %arg4[%mul3A_1764] : memref<40960000xf32, #tpu.memory_space<hbm>> -> memref<25600xf32, #tpu.memory_space<hbm>>
        %dma_wait3A_1771 = arith.constant 0 : i32
        %dma_wait3A_1772 = tpu.memref_slice %arg7[%dma_wait3A_1765, %dma_wait3A_1771] : memref<2x25600xf32, #tpu.memory_space<vmem>> -> memref<1x25600xf32, #tpu.memory_space<vmem>>
        %dma_wait3A_1773 = tpu.memref_squeeze %dma_wait3A_1772 : memref<1x25600xf32, #tpu.memory_space<vmem>> -> memref<25600xf32, #tpu.memory_space<vmem>>
        tpu.wait_dma2 semaphore(%arg12 : memref<!tpu.dma_semaphore, #tpu.memory_space<semaphore_mem>>) src(%dma_wait3A_1773 : memref<25600xf32, #tpu.memory_space<vmem>>) dst(%dma_wait3A_1770 : memref<25600xf32, #tpu.memory_space<hbm>>)
      } else {
      }
      %parallel_loop3A = arith.constant 0 : i32
      %parallel_loop3A_1659 = arith.constant 64 : i32
      %parallel_loop3A_1660 = arith.constant 1 : i32
      scf.for %parallel_loop3A_1763 = %parallel_loop3A to %parallel_loop3A_1659 step %parallel_loop3A_1660  : i32 {
        %parallel_loop3A_1764 = arith.constant 8 : i32
        %parallel_loop3A_1765 = arith.muli %parallel_loop3A_1763, %parallel_loop3A_1764 : i32
        %parallel_loop3A_1766 = arith.constant 400 : i32
        %parallel_loop3A_1767 = arith.muli %parallel_loop3A_1763, %parallel_loop3A_1766 : i32
        %parallel_loop3A_1768 = vector.broadcast %parallel_loop3A_1765 : i32 to vector<16xi32>
        %parallel_loop3A_1769 = arith.addi %select_n3A, %parallel_loop3A_1768 : vector<16xi32>
        %parallel_loop3A_1770 = arith.constant 0 : i32
        %parallel_loop3A_1771 = arith.constant 0 : i32
        %parallel_loop3A_1772 = arith.constant 0 : i32
        %parallel_loop3A_1773 = tpu.memref_slice %arg6[%parallel_loop3A_1770, %parallel_loop3A_1771, %parallel_loop3A_1772] : memref<2x512x64xf32, #tpu.memory_space<vmem>> -> memref<1x512x64xf32, #tpu.memory_space<vmem>>
        %parallel_loop3A_1774 = tpu.memref_squeeze %parallel_loop3A_1773 : memref<1x512x64xf32, #tpu.memory_space<vmem>> -> memref<512x64xf32, #tpu.memory_space<vmem>>
        %parallel_loop3A_1775 = tpu.vector_load_idx %parallel_loop3A_1774[%parallel_loop3A_1769, %select_n3A_48] : memref<512x64xf32, #tpu.memory_space<vmem>>[vector<16xi32>, vector<16xi32>], vector<16xf32>,
        %parallel_loop3A_1776 = arith.constant 0 : i32
        %parallel_loop3A_1777 = arith.addi %parallel_loop3A_1767, %parallel_loop3A_1776 : i32
        %parallel_loop3A_1778 = arith.constant 0 : i32
        %parallel_loop3A_1779 = arith.index_cast %parallel_loop3A_1778 : i32 to index
        %parallel_loop3A_1780 = arith.index_cast %parallel_loop3A_1777 : i32 to index
        %parallel_loop3A_1781 = tpu.vector_load %arg7[%parallel_loop3A_1779, %parallel_loop3A_1780] {strides = array<i32>} : memref<2x25600xf32, #tpu.memory_space<vmem>>, vector<16xf32>,
        tpu.vector_store %arg7[%parallel_loop3A_1779, %parallel_loop3A_1780], %parallel_loop3A_1775 {strides = array<i32>} : memref<2x25600xf32, #tpu.memory_space<vmem>>, vector<16xf32>,
        %parallel_loop3A_1782 = vector.broadcast %parallel_loop3A_1765 : i32 to vector<16xi32>
        %parallel_loop3A_1783 = arith.addi %select_n3A_82, %parallel_loop3A_1782 : vector<16xi32>
        %parallel_loop3A_1784 = arith.constant 0 : i32
        %parallel_loop3A_1785 = arith.constant 0 : i32
        %parallel_loop3A_1786 = arith.constant 0 : i32
        %parallel_loop3A_1787 = tpu.memref_slice %arg6[%parallel_loop3A_1784, %parallel_loop3A_1785, %parallel_loop3A_1786] : memref<2x512x64xf32, #tpu.memory_space<vmem>> -> memref<1x512x64xf32, #tpu.memory_space<vmem>>
        %parallel_loop3A_1788 = tpu.memref_squeeze %parallel_loop3A_1787 : memref<1x512x64xf32, #tpu.memory_space<vmem>> -> memref<512x64xf32, #tpu.memory_space<vmem>>
        %parallel_loop3A_1789 = tpu.vector_load_idx %parallel_loop3A_1788[%parallel_loop3A_1783, %select_n3A_104] : memref<512x64xf32, #tpu.memory_space<vmem>>[vector<16xi32>, vector<16xi32>], vector<16xf32>,
        %parallel_loop3A_1790 = arith.constant 16 : i32
        %parallel_loop3A_1791 = arith.addi %parallel_loop3A_1767, %parallel_loop3A_1790 : i32
        %parallel_loop3A_1792 = arith.constant 0 : i32
        %parallel_loop3A_1793 = arith.index_cast %parallel_loop3A_1792 : i32 to index
        %parallel_loop3A_1794 = arith.index_cast %parallel_loop3A_1791 : i32 to index
        %parallel_loop3A_1795 = tpu.vector_load %arg7[%parallel_loop3A_1793, %parallel_loop3A_1794] {strides = array<i32>} : memref<2x25600xf32, #tpu.memory_space<vmem>>, vector<16xf32>,
        tpu.vector_store %arg7[%parallel_loop3A_1793, %parallel_loop3A_1794], %parallel_loop3A_1789 {strides = array<i32>} : memref<2x25600xf32, #tpu.memory_space<vmem>>, vector<16xf32>,
        %parallel_loop3A_1796 = vector.broadcast %parallel_loop3A_1765 : i32 to vector<16xi32>
        %parallel_loop3A_1797 = arith.addi %select_n3A_138, %parallel_loop3A_1796 : vector<16xi32>
        %parallel_loop3A_1798 = arith.constant 0 : i32
        %parallel_loop3A_1799 = arith.constant 0 : i32
        %parallel_loop3A_1800 = arith.constant 0 : i32
        %parallel_loop3A_1801 = tpu.memref_slice %arg6[%parallel_loop3A_1798, %parallel_loop3A_1799, %parallel_loop3A_1800] : memref<2x512x64xf32, #tpu.memory_space<vmem>> -> memref<1x512x64xf32, #tpu.memory_space<vmem>>
        %parallel_loop3A_1802 = tpu.memref_squeeze %parallel_loop3A_1801 : memref<1x512x64xf32, #tpu.memory_space<vmem>> -> memref<512x64xf32, #tpu.memory_space<vmem>>
        %parallel_loop3A_1803 = tpu.vector_load_idx %parallel_loop3A_1802[%parallel_loop3A_1797, %select_n3A_160] : memref<512x64xf32, #tpu.memory_space<vmem>>[vector<16xi32>, vector<16xi32>], vector<16xf32>,
        %parallel_loop3A_1804 = arith.constant 32 : i32
        %parallel_loop3A_1805 = arith.addi %parallel_loop3A_1767, %parallel_loop3A_1804 : i32
        %parallel_loop3A_1806 = arith.constant 0 : i32
        %parallel_loop3A_1807 = arith.index_cast %parallel_loop3A_1806 : i32 to index
        %parallel_loop3A_1808 = arith.index_cast %parallel_loop3A_1805 : i32 to index
        %parallel_loop3A_1809 = tpu.vector_load %arg7[%parallel_loop3A_1807, %parallel_loop3A_1808] {strides = array<i32>} : memref<2x25600xf32, #tpu.memory_space<vmem>>, vector<16xf32>,
        tpu.vector_store %arg7[%parallel_loop3A_1807, %parallel_loop3A_1808], %parallel_loop3A_1803 {strides = array<i32>} : memref<2x25600xf32, #tpu.memory_space<vmem>>, vector<16xf32>,
        %parallel_loop3A_1810 = vector.broadcast %parallel_loop3A_1765 : i32 to vector<16xi32>
        %parallel_loop3A_1811 = arith.addi %select_n3A_194, %parallel_loop3A_1810 : vector<16xi32>
        %parallel_loop3A_1812 = arith.constant 0 : i32
        %parallel_loop3A_1813 = arith.constant 0 : i32
        %parallel_loop3A_1814 = arith.constant 0 : i32
        %parallel_loop3A_1815 = tpu.memref_slice %arg6[%parallel_loop3A_1812, %parallel_loop3A_1813, %parallel_loop3A_1814] : memref<2x512x64xf32, #tpu.memory_space<vmem>> -> memref<1x512x64xf32, #tpu.memory_space<vmem>>
        %parallel_loop3A_1816 = tpu.memref_squeeze %parallel_loop3A_1815 : memref<1x512x64xf32, #tpu.memory_space<vmem>> -> memref<512x64xf32, #tpu.memory_space<vmem>>
        %parallel_loop3A_1817 = tpu.vector_load_idx %parallel_loop3A_1816[%parallel_loop3A_1811, %select_n3A_216] : memref<512x64xf32, #tpu.memory_space<vmem>>[vector<16xi32>, vector<16xi32>], vector<16xf32>,
        %parallel_loop3A_1818 = arith.constant 48 : i32
        %parallel_loop3A_1819 = arith.addi %parallel_loop3A_1767, %parallel_loop3A_1818 : i32
        %parallel_loop3A_1820 = arith.constant 0 : i32
        %parallel_loop3A_1821 = arith.index_cast %parallel_loop3A_1820 : i32 to index
        %parallel_loop3A_1822 = arith.index_cast %parallel_loop3A_1819 : i32 to index
        %parallel_loop3A_1823 = tpu.vector_load %arg7[%parallel_loop3A_1821, %parallel_loop3A_1822] {strides = array<i32>} : memref<2x25600xf32, #tpu.memory_space<vmem>>, vector<16xf32>,
        tpu.vector_store %arg7[%parallel_loop3A_1821, %parallel_loop3A_1822], %parallel_loop3A_1817 {strides = array<i32>} : memref<2x25600xf32, #tpu.memory_space<vmem>>, vector<16xf32>,
        %parallel_loop3A_1824 = vector.broadcast %parallel_loop3A_1765 : i32 to vector<16xi32>
        %parallel_loop3A_1825 = arith.addi %select_n3A_250, %parallel_loop3A_1824 : vector<16xi32>
        %parallel_loop3A_1826 = arith.constant 0 : i32
        %parallel_loop3A_1827 = arith.constant 0 : i32
        %parallel_loop3A_1828 = arith.constant 0 : i32
        %parallel_loop3A_1829 = tpu.memref_slice %arg6[%parallel_loop3A_1826, %parallel_loop3A_1827, %parallel_loop3A_1828] : memref<2x512x64xf32, #tpu.memory_space<vmem>> -> memref<1x512x64xf32, #tpu.memory_space<vmem>>
        %parallel_loop3A_1830 = tpu.memref_squeeze %parallel_loop3A_1829 : memref<1x512x64xf32, #tpu.memory_space<vmem>> -> memref<512x64xf32, #tpu.memory_space<vmem>>
        %parallel_loop3A_1831 = tpu.vector_load_idx %parallel_loop3A_1830[%parallel_loop3A_1825, %select_n3A_272] : memref<512x64xf32, #tpu.memory_space<vmem>>[vector<16xi32>, vector<16xi32>], vector<16xf32>,
        %parallel_loop3A_1832 = arith.constant 64 : i32
        %parallel_loop3A_1833 = arith.addi %parallel_loop3A_1767, %parallel_loop3A_1832 : i32
        %parallel_loop3A_1834 = arith.constant 0 : i32
        %parallel_loop3A_1835 = arith.index_cast %parallel_loop3A_1834 : i32 to index
        %parallel_loop3A_1836 = arith.index_cast %parallel_loop3A_1833 : i32 to index
        %parallel_loop3A_1837 = tpu.vector_load %arg7[%parallel_loop3A_1835, %parallel_loop3A_1836] {strides = array<i32>} : memref<2x25600xf32, #tpu.memory_space<vmem>>, vector<16xf32>,
        tpu.vector_store %arg7[%parallel_loop3A_1835, %parallel_loop3A_1836], %parallel_loop3A_1831 {strides = array<i32>} : memref<2x25600xf32, #tpu.memory_space<vmem>>, vector<16xf32>,
        %parallel_loop3A_1838 = vector.broadcast %parallel_loop3A_1765 : i32 to vector<16xi32>
        %parallel_loop3A_1839 = arith.addi %select_n3A_306, %parallel_loop3A_1838 : vector<16xi32>
        %parallel_loop3A_1840 = arith.constant 0 : i32
        %parallel_loop3A_1841 = arith.constant 0 : i32
        %parallel_loop3A_1842 = arith.constant 0 : i32
        %parallel_loop3A_1843 = tpu.memref_slice %arg6[%parallel_loop3A_1840, %parallel_loop3A_1841, %parallel_loop3A_1842] : memref<2x512x64xf32, #tpu.memory_space<vmem>> -> memref<1x512x64xf32, #tpu.memory_space<vmem>>
        %parallel_loop3A_1844 = tpu.memref_squeeze %parallel_loop3A_1843 : memref<1x512x64xf32, #tpu.memory_space<vmem>> -> memref<512x64xf32, #tpu.memory_space<vmem>>
        %parallel_loop3A_1845 = tpu.vector_load_idx %parallel_loop3A_1844[%parallel_loop3A_1839, %select_n3A_328] : memref<512x64xf32, #tpu.memory_space<vmem>>[vector<16xi32>, vector<16xi32>], vector<16xf32>,
        %parallel_loop3A_1846 = arith.constant 80 : i32
        %parallel_loop3A_1847 = arith.addi %parallel_loop3A_1767, %parallel_loop3A_1846 : i32
        %parallel_loop3A_1848 = arith.constant 0 : i32
        %parallel_loop3A_1849 = arith.index_cast %parallel_loop3A_1848 : i32 to index
        %parallel_loop3A_1850 = arith.index_cast %parallel_loop3A_1847 : i32 to index
        %parallel_loop3A_1851 = tpu.vector_load %arg7[%parallel_loop3A_1849, %parallel_loop3A_1850] {strides = array<i32>} : memref<2x25600xf32, #tpu.memory_space<vmem>>, vector<16xf32>,
        tpu.vector_store %arg7[%parallel_loop3A_1849, %parallel_loop3A_1850], %parallel_loop3A_1845 {strides = array<i32>} : memref<2x25600xf32, #tpu.memory_space<vmem>>, vector<16xf32>,
        %parallel_loop3A_1852 = vector.broadcast %parallel_loop3A_1765 : i32 to vector<16xi32>
        %parallel_loop3A_1853 = arith.addi %select_n3A_362, %parallel_loop3A_1852 : vector<16xi32>
        %parallel_loop3A_1854 = arith.constant 0 : i32
        %parallel_loop3A_1855 = arith.constant 0 : i32
        %parallel_loop3A_1856 = arith.constant 0 : i32
        %parallel_loop3A_1857 = tpu.memref_slice %arg6[%parallel_loop3A_1854, %parallel_loop3A_1855, %parallel_loop3A_1856] : memref<2x512x64xf32, #tpu.memory_space<vmem>> -> memref<1x512x64xf32, #tpu.memory_space<vmem>>
        %parallel_loop3A_1858 = tpu.memref_squeeze %parallel_loop3A_1857 : memref<1x512x64xf32, #tpu.memory_space<vmem>> -> memref<512x64xf32, #tpu.memory_space<vmem>>
        %parallel_loop3A_1859 = tpu.vector_load_idx %parallel_loop3A_1858[%parallel_loop3A_1853, %select_n3A_384] : memref<512x64xf32, #tpu.memory_space<vmem>>[vector<16xi32>, vector<16xi32>], vector<16xf32>,
        %parallel_loop3A_1860 = arith.constant 96 : i32
        %parallel_loop3A_1861 = arith.addi %parallel_loop3A_1767, %parallel_loop3A_1860 : i32
        %parallel_loop3A_1862 = arith.constant 0 : i32
        %parallel_loop3A_1863 = arith.index_cast %parallel_loop3A_1862 : i32 to index
        %parallel_loop3A_1864 = arith.index_cast %parallel_loop3A_1861 : i32 to index
        %parallel_loop3A_1865 = tpu.vector_load %arg7[%parallel_loop3A_1863, %parallel_loop3A_1864] {strides = array<i32>} : memref<2x25600xf32, #tpu.memory_space<vmem>>, vector<16xf32>,
        tpu.vector_store %arg7[%parallel_loop3A_1863, %parallel_loop3A_1864], %parallel_loop3A_1859 {strides = array<i32>} : memref<2x25600xf32, #tpu.memory_space<vmem>>, vector<16xf32>,
        %parallel_loop3A_1866 = vector.broadcast %parallel_loop3A_1765 : i32 to vector<16xi32>
        %parallel_loop3A_1867 = arith.addi %select_n3A_418, %parallel_loop3A_1866 : vector<16xi32>
        %parallel_loop3A_1868 = arith.constant 0 : i32
        %parallel_loop3A_1869 = arith.constant 0 : i32
        %parallel_loop3A_1870 = arith.constant 0 : i32
        %parallel_loop3A_1871 = tpu.memref_slice %arg6[%parallel_loop3A_1868, %parallel_loop3A_1869, %parallel_loop3A_1870] : memref<2x512x64xf32, #tpu.memory_space<vmem>> -> memref<1x512x64xf32, #tpu.memory_space<vmem>>
        %parallel_loop3A_1872 = tpu.memref_squeeze %parallel_loop3A_1871 : memref<1x512x64xf32, #tpu.memory_space<vmem>> -> memref<512x64xf32, #tpu.memory_space<vmem>>
        %parallel_loop3A_1873 = tpu.vector_load_idx %parallel_loop3A_1872[%parallel_loop3A_1867, %select_n3A_440] : memref<512x64xf32, #tpu.memory_space<vmem>>[vector<16xi32>, vector<16xi32>], vector<16xf32>,
        %parallel_loop3A_1874 = arith.constant 112 : i32
        %parallel_loop3A_1875 = arith.addi %parallel_loop3A_1767, %parallel_loop3A_1874 : i32
        %parallel_loop3A_1876 = arith.constant 0 : i32
        %parallel_loop3A_1877 = arith.index_cast %parallel_loop3A_1876 : i32 to index
        %parallel_loop3A_1878 = arith.index_cast %parallel_loop3A_1875 : i32 to index
        %parallel_loop3A_1879 = tpu.vector_load %arg7[%parallel_loop3A_1877, %parallel_loop3A_1878] {strides = array<i32>} : memref<2x25600xf32, #tpu.memory_space<vmem>>, vector<16xf32>,
        tpu.vector_store %arg7[%parallel_loop3A_1877, %parallel_loop3A_1878], %parallel_loop3A_1873 {strides = array<i32>} : memref<2x25600xf32, #tpu.memory_space<vmem>>, vector<16xf32>,
        %parallel_loop3A_1880 = vector.broadcast %parallel_loop3A_1765 : i32 to vector<16xi32>
        %parallel_loop3A_1881 = arith.addi %select_n3A_474, %parallel_loop3A_1880 : vector<16xi32>
        %parallel_loop3A_1882 = arith.constant 0 : i32
        %parallel_loop3A_1883 = arith.constant 0 : i32
        %parallel_loop3A_1884 = arith.constant 0 : i32
        %parallel_loop3A_1885 = tpu.memref_slice %arg6[%parallel_loop3A_1882, %parallel_loop3A_1883, %parallel_loop3A_1884] : memref<2x512x64xf32, #tpu.memory_space<vmem>> -> memref<1x512x64xf32, #tpu.memory_space<vmem>>
        %parallel_loop3A_1886 = tpu.memref_squeeze %parallel_loop3A_1885 : memref<1x512x64xf32, #tpu.memory_space<vmem>> -> memref<512x64xf32, #tpu.memory_space<vmem>>
        %parallel_loop3A_1887 = tpu.vector_load_idx %parallel_loop3A_1886[%parallel_loop3A_1881, %select_n3A_496] : memref<512x64xf32, #tpu.memory_space<vmem>>[vector<16xi32>, vector<16xi32>], vector<16xf32>,
        %parallel_loop3A_1888 = arith.constant 128 : i32
        %parallel_loop3A_1889 = arith.addi %parallel_loop3A_1767, %parallel_loop3A_1888 : i32
        %parallel_loop3A_1890 = arith.constant 0 : i32
        %parallel_loop3A_1891 = arith.index_cast %parallel_loop3A_1890 : i32 to index
        %parallel_loop3A_1892 = arith.index_cast %parallel_loop3A_1889 : i32 to index
        %parallel_loop3A_1893 = tpu.vector_load %arg7[%parallel_loop3A_1891, %parallel_loop3A_1892] {strides = array<i32>} : memref<2x25600xf32, #tpu.memory_space<vmem>>, vector<16xf32>,
        tpu.vector_store %arg7[%parallel_loop3A_1891, %parallel_loop3A_1892], %parallel_loop3A_1887 {strides = array<i32>} : memref<2x25600xf32, #tpu.memory_space<vmem>>, vector<16xf32>,
        %parallel_loop3A_1894 = vector.broadcast %parallel_loop3A_1765 : i32 to vector<16xi32>
        %parallel_loop3A_1895 = arith.addi %select_n3A_530, %parallel_loop3A_1894 : vector<16xi32>
        %parallel_loop3A_1896 = arith.constant 0 : i32
        %parallel_loop3A_1897 = arith.constant 0 : i32
        %parallel_loop3A_1898 = arith.constant 0 : i32
        %parallel_loop3A_1899 = tpu.memref_slice %arg6[%parallel_loop3A_1896, %parallel_loop3A_1897, %parallel_loop3A_1898] : memref<2x512x64xf32, #tpu.memory_space<vmem>> -> memref<1x512x64xf32, #tpu.memory_space<vmem>>
        %parallel_loop3A_1900 = tpu.memref_squeeze %parallel_loop3A_1899 : memref<1x512x64xf32, #tpu.memory_space<vmem>> -> memref<512x64xf32, #tpu.memory_space<vmem>>
        %parallel_loop3A_1901 = tpu.vector_load_idx %parallel_loop3A_1900[%parallel_loop3A_1895, %select_n3A_552] : memref<512x64xf32, #tpu.memory_space<vmem>>[vector<16xi32>, vector<16xi32>], vector<16xf32>,
        %parallel_loop3A_1902 = arith.constant 144 : i32
        %parallel_loop3A_1903 = arith.addi %parallel_loop3A_1767, %parallel_loop3A_1902 : i32
        %parallel_loop3A_1904 = arith.constant 0 : i32
        %parallel_loop3A_1905 = arith.index_cast %parallel_loop3A_1904 : i32 to index
        %parallel_loop3A_1906 = arith.index_cast %parallel_loop3A_1903 : i32 to index
        %parallel_loop3A_1907 = tpu.vector_load %arg7[%parallel_loop3A_1905, %parallel_loop3A_1906] {strides = array<i32>} : memref<2x25600xf32, #tpu.memory_space<vmem>>, vector<16xf32>,
        tpu.vector_store %arg7[%parallel_loop3A_1905, %parallel_loop3A_1906], %parallel_loop3A_1901 {strides = array<i32>} : memref<2x25600xf32, #tpu.memory_space<vmem>>, vector<16xf32>,
        %parallel_loop3A_1908 = vector.broadcast %parallel_loop3A_1765 : i32 to vector<16xi32>
        %parallel_loop3A_1909 = arith.addi %select_n3A_586, %parallel_loop3A_1908 : vector<16xi32>
        %parallel_loop3A_1910 = arith.constant 0 : i32
        %parallel_loop3A_1911 = arith.constant 0 : i32
        %parallel_loop3A_1912 = arith.constant 0 : i32
        %parallel_loop3A_1913 = tpu.memref_slice %arg6[%parallel_loop3A_1910, %parallel_loop3A_1911, %parallel_loop3A_1912] : memref<2x512x64xf32, #tpu.memory_space<vmem>> -> memref<1x512x64xf32, #tpu.memory_space<vmem>>
        %parallel_loop3A_1914 = tpu.memref_squeeze %parallel_loop3A_1913 : memref<1x512x64xf32, #tpu.memory_space<vmem>> -> memref<512x64xf32, #tpu.memory_space<vmem>>
        %parallel_loop3A_1915 = tpu.vector_load_idx %parallel_loop3A_1914[%parallel_loop3A_1909, %select_n3A_608] : memref<512x64xf32, #tpu.memory_space<vmem>>[vector<16xi32>, vector<16xi32>], vector<16xf32>,
        %parallel_loop3A_1916 = arith.constant 160 : i32
        %parallel_loop3A_1917 = arith.addi %parallel_loop3A_1767, %parallel_loop3A_1916 : i32
        %parallel_loop3A_1918 = arith.constant 0 : i32
        %parallel_loop3A_1919 = arith.index_cast %parallel_loop3A_1918 : i32 to index
        %parallel_loop3A_1920 = arith.index_cast %parallel_loop3A_1917 : i32 to index
        %parallel_loop3A_1921 = tpu.vector_load %arg7[%parallel_loop3A_1919, %parallel_loop3A_1920] {strides = array<i32>} : memref<2x25600xf32, #tpu.memory_space<vmem>>, vector<16xf32>,
        tpu.vector_store %arg7[%parallel_loop3A_1919, %parallel_loop3A_1920], %parallel_loop3A_1915 {strides = array<i32>} : memref<2x25600xf32, #tpu.memory_space<vmem>>, vector<16xf32>,
        %parallel_loop3A_1922 = vector.broadcast %parallel_loop3A_1765 : i32 to vector<16xi32>
        %parallel_loop3A_1923 = arith.addi %select_n3A_642, %parallel_loop3A_1922 : vector<16xi32>
        %parallel_loop3A_1924 = arith.constant 0 : i32
        %parallel_loop3A_1925 = arith.constant 0 : i32
        %parallel_loop3A_1926 = arith.constant 0 : i32
        %parallel_loop3A_1927 = tpu.memref_slice %arg6[%parallel_loop3A_1924, %parallel_loop3A_1925, %parallel_loop3A_1926] : memref<2x512x64xf32, #tpu.memory_space<vmem>> -> memref<1x512x64xf32, #tpu.memory_space<vmem>>
        %parallel_loop3A_1928 = tpu.memref_squeeze %parallel_loop3A_1927 : memref<1x512x64xf32, #tpu.memory_space<vmem>> -> memref<512x64xf32, #tpu.memory_space<vmem>>
        %parallel_loop3A_1929 = tpu.vector_load_idx %parallel_loop3A_1928[%parallel_loop3A_1923, %select_n3A_664] : memref<512x64xf32, #tpu.memory_space<vmem>>[vector<16xi32>, vector<16xi32>], vector<16xf32>,
        %parallel_loop3A_1930 = arith.constant 176 : i32
        %parallel_loop3A_1931 = arith.addi %parallel_loop3A_1767, %parallel_loop3A_1930 : i32
        %parallel_loop3A_1932 = arith.constant 0 : i32
        %parallel_loop3A_1933 = arith.index_cast %parallel_loop3A_1932 : i32 to index
        %parallel_loop3A_1934 = arith.index_cast %parallel_loop3A_1931 : i32 to index
        %parallel_loop3A_1935 = tpu.vector_load %arg7[%parallel_loop3A_1933, %parallel_loop3A_1934] {strides = array<i32>} : memref<2x25600xf32, #tpu.memory_space<vmem>>, vector<16xf32>,
        tpu.vector_store %arg7[%parallel_loop3A_1933, %parallel_loop3A_1934], %parallel_loop3A_1929 {strides = array<i32>} : memref<2x25600xf32, #tpu.memory_space<vmem>>, vector<16xf32>,
        %parallel_loop3A_1936 = vector.broadcast %parallel_loop3A_1765 : i32 to vector<16xi32>
        %parallel_loop3A_1937 = arith.addi %select_n3A_698, %parallel_loop3A_1936 : vector<16xi32>
        %parallel_loop3A_1938 = arith.constant 0 : i32
        %parallel_loop3A_1939 = arith.constant 0 : i32
        %parallel_loop3A_1940 = arith.constant 0 : i32
        %parallel_loop3A_1941 = tpu.memref_slice %arg6[%parallel_loop3A_1938, %parallel_loop3A_1939, %parallel_loop3A_1940] : memref<2x512x64xf32, #tpu.memory_space<vmem>> -> memref<1x512x64xf32, #tpu.memory_space<vmem>>
        %parallel_loop3A_1942 = tpu.memref_squeeze %parallel_loop3A_1941 : memref<1x512x64xf32, #tpu.memory_space<vmem>> -> memref<512x64xf32, #tpu.memory_space<vmem>>
        %parallel_loop3A_1943 = tpu.vector_load_idx %parallel_loop3A_1942[%parallel_loop3A_1937, %select_n3A_720] : memref<512x64xf32, #tpu.memory_space<vmem>>[vector<16xi32>, vector<16xi32>], vector<16xf32>,
        %parallel_loop3A_1944 = arith.constant 192 : i32
        %parallel_loop3A_1945 = arith.addi %parallel_loop3A_1767, %parallel_loop3A_1944 : i32
        %parallel_loop3A_1946 = arith.constant 0 : i32
        %parallel_loop3A_1947 = arith.index_cast %parallel_loop3A_1946 : i32 to index
        %parallel_loop3A_1948 = arith.index_cast %parallel_loop3A_1945 : i32 to index
        %parallel_loop3A_1949 = tpu.vector_load %arg7[%parallel_loop3A_1947, %parallel_loop3A_1948] {strides = array<i32>} : memref<2x25600xf32, #tpu.memory_space<vmem>>, vector<16xf32>,
        tpu.vector_store %arg7[%parallel_loop3A_1947, %parallel_loop3A_1948], %parallel_loop3A_1943 {strides = array<i32>} : memref<2x25600xf32, #tpu.memory_space<vmem>>, vector<16xf32>,
        %parallel_loop3A_1950 = vector.broadcast %parallel_loop3A_1765 : i32 to vector<16xi32>
        %parallel_loop3A_1951 = arith.addi %select_n3A_754, %parallel_loop3A_1950 : vector<16xi32>
        %parallel_loop3A_1952 = arith.constant 0 : i32
        %parallel_loop3A_1953 = arith.constant 0 : i32
        %parallel_loop3A_1954 = arith.constant 0 : i32
        %parallel_loop3A_1955 = tpu.memref_slice %arg6[%parallel_loop3A_1952, %parallel_loop3A_1953, %parallel_loop3A_1954] : memref<2x512x64xf32, #tpu.memory_space<vmem>> -> memref<1x512x64xf32, #tpu.memory_space<vmem>>
        %parallel_loop3A_1956 = tpu.memref_squeeze %parallel_loop3A_1955 : memref<1x512x64xf32, #tpu.memory_space<vmem>> -> memref<512x64xf32, #tpu.memory_space<vmem>>
        %parallel_loop3A_1957 = tpu.vector_load_idx %parallel_loop3A_1956[%parallel_loop3A_1951, %select_n3A_776] : memref<512x64xf32, #tpu.memory_space<vmem>>[vector<16xi32>, vector<16xi32>], vector<16xf32>,
        %parallel_loop3A_1958 = arith.constant 208 : i32
        %parallel_loop3A_1959 = arith.addi %parallel_loop3A_1767, %parallel_loop3A_1958 : i32
        %parallel_loop3A_1960 = arith.constant 0 : i32
        %parallel_loop3A_1961 = arith.index_cast %parallel_loop3A_1960 : i32 to index
        %parallel_loop3A_1962 = arith.index_cast %parallel_loop3A_1959 : i32 to index
        %parallel_loop3A_1963 = tpu.vector_load %arg7[%parallel_loop3A_1961, %parallel_loop3A_1962] {strides = array<i32>} : memref<2x25600xf32, #tpu.memory_space<vmem>>, vector<16xf32>,
        tpu.vector_store %arg7[%parallel_loop3A_1961, %parallel_loop3A_1962], %parallel_loop3A_1957 {strides = array<i32>} : memref<2x25600xf32, #tpu.memory_space<vmem>>, vector<16xf32>,
        %parallel_loop3A_1964 = vector.broadcast %parallel_loop3A_1765 : i32 to vector<16xi32>
        %parallel_loop3A_1965 = arith.addi %select_n3A_810, %parallel_loop3A_1964 : vector<16xi32>
        %parallel_loop3A_1966 = arith.constant 0 : i32
        %parallel_loop3A_1967 = arith.constant 0 : i32
        %parallel_loop3A_1968 = arith.constant 0 : i32
        %parallel_loop3A_1969 = tpu.memref_slice %arg6[%parallel_loop3A_1966, %parallel_loop3A_1967, %parallel_loop3A_1968] : memref<2x512x64xf32, #tpu.memory_space<vmem>> -> memref<1x512x64xf32, #tpu.memory_space<vmem>>
        %parallel_loop3A_1970 = tpu.memref_squeeze %parallel_loop3A_1969 : memref<1x512x64xf32, #tpu.memory_space<vmem>> -> memref<512x64xf32, #tpu.memory_space<vmem>>
        %parallel_loop3A_1971 = tpu.vector_load_idx %parallel_loop3A_1970[%parallel_loop3A_1965, %select_n3A_832] : memref<512x64xf32, #tpu.memory_space<vmem>>[vector<16xi32>, vector<16xi32>], vector<16xf32>,
        %parallel_loop3A_1972 = arith.constant 224 : i32
        %parallel_loop3A_1973 = arith.addi %parallel_loop3A_1767, %parallel_loop3A_1972 : i32
        %parallel_loop3A_1974 = arith.constant 0 : i32
        %parallel_loop3A_1975 = arith.index_cast %parallel_loop3A_1974 : i32 to index
        %parallel_loop3A_1976 = arith.index_cast %parallel_loop3A_1973 : i32 to index
        %parallel_loop3A_1977 = tpu.vector_load %arg7[%parallel_loop3A_1975, %parallel_loop3A_1976] {strides = array<i32>} : memref<2x25600xf32, #tpu.memory_space<vmem>>, vector<16xf32>,
        tpu.vector_store %arg7[%parallel_loop3A_1975, %parallel_loop3A_1976], %parallel_loop3A_1971 {strides = array<i32>} : memref<2x25600xf32, #tpu.memory_space<vmem>>, vector<16xf32>,
        %parallel_loop3A_1978 = vector.broadcast %parallel_loop3A_1765 : i32 to vector<16xi32>
        %parallel_loop3A_1979 = arith.addi %select_n3A_866, %parallel_loop3A_1978 : vector<16xi32>
        %parallel_loop3A_1980 = arith.constant 0 : i32
        %parallel_loop3A_1981 = arith.constant 0 : i32
        %parallel_loop3A_1982 = arith.constant 0 : i32
        %parallel_loop3A_1983 = tpu.memref_slice %arg6[%parallel_loop3A_1980, %parallel_loop3A_1981, %parallel_loop3A_1982] : memref<2x512x64xf32, #tpu.memory_space<vmem>> -> memref<1x512x64xf32, #tpu.memory_space<vmem>>
        %parallel_loop3A_1984 = tpu.memref_squeeze %parallel_loop3A_1983 : memref<1x512x64xf32, #tpu.memory_space<vmem>> -> memref<512x64xf32, #tpu.memory_space<vmem>>
        %parallel_loop3A_1985 = tpu.vector_load_idx %parallel_loop3A_1984[%parallel_loop3A_1979, %select_n3A_888] : memref<512x64xf32, #tpu.memory_space<vmem>>[vector<16xi32>, vector<16xi32>], vector<16xf32>,
        %parallel_loop3A_1986 = arith.constant 240 : i32
        %parallel_loop3A_1987 = arith.addi %parallel_loop3A_1767, %parallel_loop3A_1986 : i32
        %parallel_loop3A_1988 = arith.constant 0 : i32
        %parallel_loop3A_1989 = arith.index_cast %parallel_loop3A_1988 : i32 to index
        %parallel_loop3A_1990 = arith.index_cast %parallel_loop3A_1987 : i32 to index
        %parallel_loop3A_1991 = tpu.vector_load %arg7[%parallel_loop3A_1989, %parallel_loop3A_1990] {strides = array<i32>} : memref<2x25600xf32, #tpu.memory_space<vmem>>, vector<16xf32>,
        tpu.vector_store %arg7[%parallel_loop3A_1989, %parallel_loop3A_1990], %parallel_loop3A_1985 {strides = array<i32>} : memref<2x25600xf32, #tpu.memory_space<vmem>>, vector<16xf32>,
        %parallel_loop3A_1992 = vector.broadcast %parallel_loop3A_1765 : i32 to vector<16xi32>
        %parallel_loop3A_1993 = arith.addi %select_n3A_922, %parallel_loop3A_1992 : vector<16xi32>
        %parallel_loop3A_1994 = arith.constant 0 : i32
        %parallel_loop3A_1995 = arith.constant 0 : i32
        %parallel_loop3A_1996 = arith.constant 0 : i32
        %parallel_loop3A_1997 = tpu.memref_slice %arg6[%parallel_loop3A_1994, %parallel_loop3A_1995, %parallel_loop3A_1996] : memref<2x512x64xf32, #tpu.memory_space<vmem>> -> memref<1x512x64xf32, #tpu.memory_space<vmem>>
        %parallel_loop3A_1998 = tpu.memref_squeeze %parallel_loop3A_1997 : memref<1x512x64xf32, #tpu.memory_space<vmem>> -> memref<512x64xf32, #tpu.memory_space<vmem>>
        %parallel_loop3A_1999 = tpu.vector_load_idx %parallel_loop3A_1998[%parallel_loop3A_1993, %select_n3A_944] : memref<512x64xf32, #tpu.memory_space<vmem>>[vector<16xi32>, vector<16xi32>], vector<16xf32>,
        %parallel_loop3A_2000 = arith.constant 256 : i32
        %parallel_loop3A_2001 = arith.addi %parallel_loop3A_1767, %parallel_loop3A_2000 : i32
        %parallel_loop3A_2002 = arith.constant 0 : i32
        %parallel_loop3A_2003 = arith.index_cast %parallel_loop3A_2002 : i32 to index
        %parallel_loop3A_2004 = arith.index_cast %parallel_loop3A_2001 : i32 to index
        %parallel_loop3A_2005 = tpu.vector_load %arg7[%parallel_loop3A_2003, %parallel_loop3A_2004] {strides = array<i32>} : memref<2x25600xf32, #tpu.memory_space<vmem>>, vector<16xf32>,
        tpu.vector_store %arg7[%parallel_loop3A_2003, %parallel_loop3A_2004], %parallel_loop3A_1999 {strides = array<i32>} : memref<2x25600xf32, #tpu.memory_space<vmem>>, vector<16xf32>,
        %parallel_loop3A_2006 = vector.broadcast %parallel_loop3A_1765 : i32 to vector<16xi32>
        %parallel_loop3A_2007 = arith.addi %select_n3A_978, %parallel_loop3A_2006 : vector<16xi32>
        %parallel_loop3A_2008 = arith.constant 0 : i32
        %parallel_loop3A_2009 = arith.constant 0 : i32
        %parallel_loop3A_2010 = arith.constant 0 : i32
        %parallel_loop3A_2011 = tpu.memref_slice %arg6[%parallel_loop3A_2008, %parallel_loop3A_2009, %parallel_loop3A_2010] : memref<2x512x64xf32, #tpu.memory_space<vmem>> -> memref<1x512x64xf32, #tpu.memory_space<vmem>>
        %parallel_loop3A_2012 = tpu.memref_squeeze %parallel_loop3A_2011 : memref<1x512x64xf32, #tpu.memory_space<vmem>> -> memref<512x64xf32, #tpu.memory_space<vmem>>
        %parallel_loop3A_2013 = tpu.vector_load_idx %parallel_loop3A_2012[%parallel_loop3A_2007, %select_n3A_1000] : memref<512x64xf32, #tpu.memory_space<vmem>>[vector<16xi32>, vector<16xi32>], vector<16xf32>,
        %parallel_loop3A_2014 = arith.constant 272 : i32
        %parallel_loop3A_2015 = arith.addi %parallel_loop3A_1767, %parallel_loop3A_2014 : i32
        %parallel_loop3A_2016 = arith.constant 0 : i32
        %parallel_loop3A_2017 = arith.index_cast %parallel_loop3A_2016 : i32 to index
        %parallel_loop3A_2018 = arith.index_cast %parallel_loop3A_2015 : i32 to index
        %parallel_loop3A_2019 = tpu.vector_load %arg7[%parallel_loop3A_2017, %parallel_loop3A_2018] {strides = array<i32>} : memref<2x25600xf32, #tpu.memory_space<vmem>>, vector<16xf32>,
        tpu.vector_store %arg7[%parallel_loop3A_2017, %parallel_loop3A_2018], %parallel_loop3A_2013 {strides = array<i32>} : memref<2x25600xf32, #tpu.memory_space<vmem>>, vector<16xf32>,
        %parallel_loop3A_2020 = vector.broadcast %parallel_loop3A_1765 : i32 to vector<16xi32>
        %parallel_loop3A_2021 = arith.addi %select_n3A_1034, %parallel_loop3A_2020 : vector<16xi32>
        %parallel_loop3A_2022 = arith.constant 0 : i32
        %parallel_loop3A_2023 = arith.constant 0 : i32
        %parallel_loop3A_2024 = arith.constant 0 : i32
        %parallel_loop3A_2025 = tpu.memref_slice %arg6[%parallel_loop3A_2022, %parallel_loop3A_2023, %parallel_loop3A_2024] : memref<2x512x64xf32, #tpu.memory_space<vmem>> -> memref<1x512x64xf32, #tpu.memory_space<vmem>>
        %parallel_loop3A_2026 = tpu.memref_squeeze %parallel_loop3A_2025 : memref<1x512x64xf32, #tpu.memory_space<vmem>> -> memref<512x64xf32, #tpu.memory_space<vmem>>
        %parallel_loop3A_2027 = tpu.vector_load_idx %parallel_loop3A_2026[%parallel_loop3A_2021, %select_n3A_1056] : memref<512x64xf32, #tpu.memory_space<vmem>>[vector<16xi32>, vector<16xi32>], vector<16xf32>,
        %parallel_loop3A_2028 = arith.constant 288 : i32
        %parallel_loop3A_2029 = arith.addi %parallel_loop3A_1767, %parallel_loop3A_2028 : i32
        %parallel_loop3A_2030 = arith.constant 0 : i32
        %parallel_loop3A_2031 = arith.index_cast %parallel_loop3A_2030 : i32 to index
        %parallel_loop3A_2032 = arith.index_cast %parallel_loop3A_2029 : i32 to index
        %parallel_loop3A_2033 = tpu.vector_load %arg7[%parallel_loop3A_2031, %parallel_loop3A_2032] {strides = array<i32>} : memref<2x25600xf32, #tpu.memory_space<vmem>>, vector<16xf32>,
        tpu.vector_store %arg7[%parallel_loop3A_2031, %parallel_loop3A_2032], %parallel_loop3A_2027 {strides = array<i32>} : memref<2x25600xf32, #tpu.memory_space<vmem>>, vector<16xf32>,
        %parallel_loop3A_2034 = vector.broadcast %parallel_loop3A_1765 : i32 to vector<16xi32>
        %parallel_loop3A_2035 = arith.addi %select_n3A_1090, %parallel_loop3A_2034 : vector<16xi32>
        %parallel_loop3A_2036 = arith.constant 0 : i32
        %parallel_loop3A_2037 = arith.constant 0 : i32
        %parallel_loop3A_2038 = arith.constant 0 : i32
        %parallel_loop3A_2039 = tpu.memref_slice %arg6[%parallel_loop3A_2036, %parallel_loop3A_2037, %parallel_loop3A_2038] : memref<2x512x64xf32, #tpu.memory_space<vmem>> -> memref<1x512x64xf32, #tpu.memory_space<vmem>>
        %parallel_loop3A_2040 = tpu.memref_squeeze %parallel_loop3A_2039 : memref<1x512x64xf32, #tpu.memory_space<vmem>> -> memref<512x64xf32, #tpu.memory_space<vmem>>
        %parallel_loop3A_2041 = tpu.vector_load_idx %parallel_loop3A_2040[%parallel_loop3A_2035, %select_n3A_1112] : memref<512x64xf32, #tpu.memory_space<vmem>>[vector<16xi32>, vector<16xi32>], vector<16xf32>,
        %parallel_loop3A_2042 = arith.constant 304 : i32
        %parallel_loop3A_2043 = arith.addi %parallel_loop3A_1767, %parallel_loop3A_2042 : i32
        %parallel_loop3A_2044 = arith.constant 0 : i32
        %parallel_loop3A_2045 = arith.index_cast %parallel_loop3A_2044 : i32 to index
        %parallel_loop3A_2046 = arith.index_cast %parallel_loop3A_2043 : i32 to index
        %parallel_loop3A_2047 = tpu.vector_load %arg7[%parallel_loop3A_2045, %parallel_loop3A_2046] {strides = array<i32>} : memref<2x25600xf32, #tpu.memory_space<vmem>>, vector<16xf32>,
        tpu.vector_store %arg7[%parallel_loop3A_2045, %parallel_loop3A_2046], %parallel_loop3A_2041 {strides = array<i32>} : memref<2x25600xf32, #tpu.memory_space<vmem>>, vector<16xf32>,
        %parallel_loop3A_2048 = vector.broadcast %parallel_loop3A_1765 : i32 to vector<16xi32>
        %parallel_loop3A_2049 = arith.addi %select_n3A_1146, %parallel_loop3A_2048 : vector<16xi32>
        %parallel_loop3A_2050 = arith.constant 0 : i32
        %parallel_loop3A_2051 = arith.constant 0 : i32
        %parallel_loop3A_2052 = arith.constant 0 : i32
        %parallel_loop3A_2053 = tpu.memref_slice %arg6[%parallel_loop3A_2050, %parallel_loop3A_2051, %parallel_loop3A_2052] : memref<2x512x64xf32, #tpu.memory_space<vmem>> -> memref<1x512x64xf32, #tpu.memory_space<vmem>>
        %parallel_loop3A_2054 = tpu.memref_squeeze %parallel_loop3A_2053 : memref<1x512x64xf32, #tpu.memory_space<vmem>> -> memref<512x64xf32, #tpu.memory_space<vmem>>
        %parallel_loop3A_2055 = tpu.vector_load_idx %parallel_loop3A_2054[%parallel_loop3A_2049, %select_n3A_1168] : memref<512x64xf32, #tpu.memory_space<vmem>>[vector<16xi32>, vector<16xi32>], vector<16xf32>,
        %parallel_loop3A_2056 = arith.constant 320 : i32
        %parallel_loop3A_2057 = arith.addi %parallel_loop3A_1767, %parallel_loop3A_2056 : i32
        %parallel_loop3A_2058 = arith.constant 0 : i32
        %parallel_loop3A_2059 = arith.index_cast %parallel_loop3A_2058 : i32 to index
        %parallel_loop3A_2060 = arith.index_cast %parallel_loop3A_2057 : i32 to index
        %parallel_loop3A_2061 = tpu.vector_load %arg7[%parallel_loop3A_2059, %parallel_loop3A_2060] {strides = array<i32>} : memref<2x25600xf32, #tpu.memory_space<vmem>>, vector<16xf32>,
        tpu.vector_store %arg7[%parallel_loop3A_2059, %parallel_loop3A_2060], %parallel_loop3A_2055 {strides = array<i32>} : memref<2x25600xf32, #tpu.memory_space<vmem>>, vector<16xf32>,
        %parallel_loop3A_2062 = vector.broadcast %parallel_loop3A_1765 : i32 to vector<16xi32>
        %parallel_loop3A_2063 = arith.addi %select_n3A_1202, %parallel_loop3A_2062 : vector<16xi32>
        %parallel_loop3A_2064 = arith.constant 0 : i32
        %parallel_loop3A_2065 = arith.constant 0 : i32
        %parallel_loop3A_2066 = arith.constant 0 : i32
        %parallel_loop3A_2067 = tpu.memref_slice %arg6[%parallel_loop3A_2064, %parallel_loop3A_2065, %parallel_loop3A_2066] : memref<2x512x64xf32, #tpu.memory_space<vmem>> -> memref<1x512x64xf32, #tpu.memory_space<vmem>>
        %parallel_loop3A_2068 = tpu.memref_squeeze %parallel_loop3A_2067 : memref<1x512x64xf32, #tpu.memory_space<vmem>> -> memref<512x64xf32, #tpu.memory_space<vmem>>
        %parallel_loop3A_2069 = tpu.vector_load_idx %parallel_loop3A_2068[%parallel_loop3A_2063, %select_n3A_1224] : memref<512x64xf32, #tpu.memory_space<vmem>>[vector<16xi32>, vector<16xi32>], vector<16xf32>,
        %parallel_loop3A_2070 = arith.constant 336 : i32
        %parallel_loop3A_2071 = arith.addi %parallel_loop3A_1767, %parallel_loop3A_2070 : i32
        %parallel_loop3A_2072 = arith.constant 0 : i32
        %parallel_loop3A_2073 = arith.index_cast %parallel_loop3A_2072 : i32 to index
        %parallel_loop3A_2074 = arith.index_cast %parallel_loop3A_2071 : i32 to index
        %parallel_loop3A_2075 = tpu.vector_load %arg7[%parallel_loop3A_2073, %parallel_loop3A_2074] {strides = array<i32>} : memref<2x25600xf32, #tpu.memory_space<vmem>>, vector<16xf32>,
        tpu.vector_store %arg7[%parallel_loop3A_2073, %parallel_loop3A_2074], %parallel_loop3A_2069 {strides = array<i32>} : memref<2x25600xf32, #tpu.memory_space<vmem>>, vector<16xf32>,
        %parallel_loop3A_2076 = vector.broadcast %parallel_loop3A_1765 : i32 to vector<16xi32>
        %parallel_loop3A_2077 = arith.addi %select_n3A_1258, %parallel_loop3A_2076 : vector<16xi32>
        %parallel_loop3A_2078 = arith.constant 0 : i32
        %parallel_loop3A_2079 = arith.constant 0 : i32
        %parallel_loop3A_2080 = arith.constant 0 : i32
        %parallel_loop3A_2081 = tpu.memref_slice %arg6[%parallel_loop3A_2078, %parallel_loop3A_2079, %parallel_loop3A_2080] : memref<2x512x64xf32, #tpu.memory_space<vmem>> -> memref<1x512x64xf32, #tpu.memory_space<vmem>>
        %parallel_loop3A_2082 = tpu.memref_squeeze %parallel_loop3A_2081 : memref<1x512x64xf32, #tpu.memory_space<vmem>> -> memref<512x64xf32, #tpu.memory_space<vmem>>
        %parallel_loop3A_2083 = tpu.vector_load_idx %parallel_loop3A_2082[%parallel_loop3A_2077, %select_n3A_1280] : memref<512x64xf32, #tpu.memory_space<vmem>>[vector<16xi32>, vector<16xi32>], vector<16xf32>,
        %parallel_loop3A_2084 = arith.constant 352 : i32
        %parallel_loop3A_2085 = arith.addi %parallel_loop3A_1767, %parallel_loop3A_2084 : i32
        %parallel_loop3A_2086 = arith.constant 0 : i32
        %parallel_loop3A_2087 = arith.index_cast %parallel_loop3A_2086 : i32 to index
        %parallel_loop3A_2088 = arith.index_cast %parallel_loop3A_2085 : i32 to index
        %parallel_loop3A_2089 = tpu.vector_load %arg7[%parallel_loop3A_2087, %parallel_loop3A_2088] {strides = array<i32>} : memref<2x25600xf32, #tpu.memory_space<vmem>>, vector<16xf32>,
        tpu.vector_store %arg7[%parallel_loop3A_2087, %parallel_loop3A_2088], %parallel_loop3A_2083 {strides = array<i32>} : memref<2x25600xf32, #tpu.memory_space<vmem>>, vector<16xf32>,
        %parallel_loop3A_2090 = vector.broadcast %parallel_loop3A_1765 : i32 to vector<16xi32>
        %parallel_loop3A_2091 = arith.addi %select_n3A_1314, %parallel_loop3A_2090 : vector<16xi32>
        %parallel_loop3A_2092 = arith.constant 0 : i32
        %parallel_loop3A_2093 = arith.constant 0 : i32
        %parallel_loop3A_2094 = arith.constant 0 : i32
        %parallel_loop3A_2095 = tpu.memref_slice %arg6[%parallel_loop3A_2092, %parallel_loop3A_2093, %parallel_loop3A_2094] : memref<2x512x64xf32, #tpu.memory_space<vmem>> -> memref<1x512x64xf32, #tpu.memory_space<vmem>>
        %parallel_loop3A_2096 = tpu.memref_squeeze %parallel_loop3A_2095 : memref<1x512x64xf32, #tpu.memory_space<vmem>> -> memref<512x64xf32, #tpu.memory_space<vmem>>
        %parallel_loop3A_2097 = tpu.vector_load_idx %parallel_loop3A_2096[%parallel_loop3A_2091, %select_n3A_1336] : memref<512x64xf32, #tpu.memory_space<vmem>>[vector<16xi32>, vector<16xi32>], vector<16xf32>,
        %parallel_loop3A_2098 = arith.constant 368 : i32
        %parallel_loop3A_2099 = arith.addi %parallel_loop3A_1767, %parallel_loop3A_2098 : i32
        %parallel_loop3A_2100 = arith.constant 0 : i32
        %parallel_loop3A_2101 = arith.index_cast %parallel_loop3A_2100 : i32 to index
        %parallel_loop3A_2102 = arith.index_cast %parallel_loop3A_2099 : i32 to index
        %parallel_loop3A_2103 = tpu.vector_load %arg7[%parallel_loop3A_2101, %parallel_loop3A_2102] {strides = array<i32>} : memref<2x25600xf32, #tpu.memory_space<vmem>>, vector<16xf32>,
        tpu.vector_store %arg7[%parallel_loop3A_2101, %parallel_loop3A_2102], %parallel_loop3A_2097 {strides = array<i32>} : memref<2x25600xf32, #tpu.memory_space<vmem>>, vector<16xf32>,
        %parallel_loop3A_2104 = vector.broadcast %parallel_loop3A_1765 : i32 to vector<16xi32>
        %parallel_loop3A_2105 = arith.addi %select_n3A_1370, %parallel_loop3A_2104 : vector<16xi32>
        %parallel_loop3A_2106 = arith.constant 0 : i32
        %parallel_loop3A_2107 = arith.constant 0 : i32
        %parallel_loop3A_2108 = arith.constant 0 : i32
        %parallel_loop3A_2109 = tpu.memref_slice %arg6[%parallel_loop3A_2106, %parallel_loop3A_2107, %parallel_loop3A_2108] : memref<2x512x64xf32, #tpu.memory_space<vmem>> -> memref<1x512x64xf32, #tpu.memory_space<vmem>>
        %parallel_loop3A_2110 = tpu.memref_squeeze %parallel_loop3A_2109 : memref<1x512x64xf32, #tpu.memory_space<vmem>> -> memref<512x64xf32, #tpu.memory_space<vmem>>
        %parallel_loop3A_2111 = tpu.vector_load_idx %parallel_loop3A_2110[%parallel_loop3A_2105, %select_n3A_1392] : memref<512x64xf32, #tpu.memory_space<vmem>>[vector<16xi32>, vector<16xi32>], vector<16xf32>,
        %parallel_loop3A_2112 = arith.constant 384 : i32
        %parallel_loop3A_2113 = arith.addi %parallel_loop3A_1767, %parallel_loop3A_2112 : i32
        %parallel_loop3A_2114 = arith.constant 0 : i32
        %parallel_loop3A_2115 = arith.index_cast %parallel_loop3A_2114 : i32 to index
        %parallel_loop3A_2116 = arith.index_cast %parallel_loop3A_2113 : i32 to index
        %parallel_loop3A_2117 = tpu.vector_load %arg7[%parallel_loop3A_2115, %parallel_loop3A_2116] {strides = array<i32>} : memref<2x25600xf32, #tpu.memory_space<vmem>>, vector<16xf32>,
        tpu.vector_store %arg7[%parallel_loop3A_2115, %parallel_loop3A_2116], %parallel_loop3A_2111 {strides = array<i32>} : memref<2x25600xf32, #tpu.memory_space<vmem>>, vector<16xf32>,
      } {sc.loop_unroll_factor = 4 : i64, sc.parallel_access}
      %mul3A_1661 = arith.constant 512 : i32
      %mul3A_1662 = arith.muli %mul3A_1526, %mul3A_1661 : i32
      %add3A_1663 = arith.addi %mul3A_2, %mul3A_1662 : i32
      %mul3A_1664 = arith.constant 50 : i32
      %mul3A_1665 = arith.muli %add3A_1663, %mul3A_1664 : i32
      %dma_start3A_1666 = arith.constant 0 : i32
      %dma_start3A_1667 = arith.constant 0 : i32
      %dma_start3A_1668 = tpu.memref_slice %arg7[%dma_start3A_1666, %dma_start3A_1667] : memref<2x25600xf32, #tpu.memory_space<vmem>> -> memref<1x25600xf32, #tpu.memory_space<vmem>>
      %dma_start3A_1669 = tpu.memref_squeeze %dma_start3A_1668 : memref<1x25600xf32, #tpu.memory_space<vmem>> -> memref<25600xf32, #tpu.memory_space<vmem>>
      %dma_start3A_1670 = tpu.memref_slice %arg4[%mul3A_1665] : memref<40960000xf32, #tpu.memory_space<hbm>> -> memref<25600xf32, #tpu.memory_space<hbm>>
      %dma_start3A_1671 = tpu.memref_slice %arg4[%mul3A_1665] : memref<40960000xf32, #tpu.memory_space<hbm>> -> memref<25600xf32, #tpu.memory_space<hbm>>
      %dma_start3A_1672 = arith.constant 0 : i32
      %dma_start3A_1673 = tpu.memref_slice %arg7[%dma_start3A_1666, %dma_start3A_1672] : memref<2x25600xf32, #tpu.memory_space<vmem>> -> memref<1x25600xf32, #tpu.memory_space<vmem>>
      %dma_start3A_1674 = tpu.memref_squeeze %dma_start3A_1673 : memref<1x25600xf32, #tpu.memory_space<vmem>> -> memref<25600xf32, #tpu.memory_space<vmem>>
      tpu.enqueue_dma source(%dma_start3A_1674 : memref<25600xf32, #tpu.memory_space<vmem>>) target(%dma_start3A_1671 : memref<25600xf32, #tpu.memory_space<hbm>>) target_semaphore(%arg12 : memref<!tpu.dma_semaphore, #tpu.memory_space<semaphore_mem>>)
      %add3A_1675 = arith.constant 2 : i32
      %add3A_1676 = arith.addi %mul3A_1526, %add3A_1675 : i32
      %lt3A_1677 = arith.constant 50 : i32
      %lt3A_1678 = arith.cmpi slt, %add3A_1676, %lt3A_1677 : i32
      %convert_element_type3A_1679 = arith.extui %lt3A_1678 : i1 to i32
      %cond3A_1680 = arith.constant 0 : i32
      %cond3A_1681 = arith.cmpi ne, %convert_element_type3A_1679, %cond3A_1680 : i32
      scf.if %cond3A_1681 {
        %add3A_1763 = arith.constant 2 : i32
        %add3A_1764 = arith.addi %mul3A_1526, %add3A_1763 : i32
        %dma_wait3A_1765 = arith.constant 0 : i32
        %dma_wait3A_1766 = arith.constant 0 : i32
        %dma_wait3A_1767 = arith.constant 0 : i32
        %dma_wait3A_1768 = tpu.memref_slice %arg5[%dma_wait3A_1765, %dma_wait3A_1766, %dma_wait3A_1767] : memref<2x4x128xi32, #tpu.memory_space<vmem>> -> memref<1x4x128xi32, #tpu.memory_space<vmem>>
        %dma_wait3A_1769 = tpu.memref_squeeze %dma_wait3A_1768 : memref<1x4x128xi32, #tpu.memory_space<vmem>> -> memref<4x128xi32, #tpu.memory_space<vmem>>
        %dma_wait3A_1770 = arith.constant 0 : i32
        %dma_wait3A_1771 = arith.constant 0 : i32
        %dma_wait3A_1772 = tpu.memref_slice %arg2[%add3A, %add3A_1764, %dma_wait3A_1770, %dma_wait3A_1771] : memref<32x50x4x128xi32, #tpu.memory_space<hbm>> -> memref<1x1x4x128xi32, #tpu.memory_space<hbm>>
        %dma_wait3A_1773 = tpu.memref_squeeze %dma_wait3A_1772 : memref<1x1x4x128xi32, #tpu.memory_space<hbm>> -> memref<4x128xi32, #tpu.memory_space<hbm>>
        %dma_wait3A_1774 = arith.constant 0 : i32
        %dma_wait3A_1775 = arith.constant 0 : i32
        %dma_wait3A_1776 = tpu.memref_slice %arg5[%dma_wait3A_1765, %dma_wait3A_1774, %dma_wait3A_1775] : memref<2x4x128xi32, #tpu.memory_space<vmem>> -> memref<1x4x128xi32, #tpu.memory_space<vmem>>
        %dma_wait3A_1777 = tpu.memref_squeeze %dma_wait3A_1776 : memref<1x4x128xi32, #tpu.memory_space<vmem>> -> memref<4x128xi32, #tpu.memory_space<vmem>>
        %dma_wait3A_1778 = arith.constant 0 : i32
        %dma_wait3A_1779 = arith.constant 0 : i32
        %dma_wait3A_1780 = tpu.memref_slice %arg2[%add3A, %add3A_1764, %dma_wait3A_1778, %dma_wait3A_1779] : memref<32x50x4x128xi32, #tpu.memory_space<hbm>> -> memref<1x1x4x128xi32, #tpu.memory_space<hbm>>
        %dma_wait3A_1781 = tpu.memref_squeeze %dma_wait3A_1780 : memref<1x1x4x128xi32, #tpu.memory_space<hbm>> -> memref<4x128xi32, #tpu.memory_space<hbm>>
        tpu.wait_dma2 semaphore(%arg8 : memref<!tpu.dma_semaphore, #tpu.memory_space<semaphore_mem>>) src(%dma_wait3A_1781 : memref<4x128xi32, #tpu.memory_space<hbm>>) dst(%dma_wait3A_1777 : memref<4x128xi32, #tpu.memory_space<vmem>>)
        %dma_start3A_1782 = arith.constant 0 : i32
        %dma_start3A_1783 = arith.constant 0 : i32
        %dma_start3A_1784 = arith.constant 0 : i32
        %dma_start3A_1785 = arith.constant 0 : i32
        %dma_start3A_1786 = arith.constant 0 : i32
        %dma_start3A_1787 = tpu.memref_slice %arg6[%dma_start3A_1784, %dma_start3A_1785, %dma_start3A_1786] : memref<2x512x64xf32, #tpu.memory_space<vmem>> -> memref<1x128x64xf32, #tpu.memory_space<vmem>>
        %dma_start3A_1788 = tpu.memref_squeeze %dma_start3A_1787 : memref<1x128x64xf32, #tpu.memory_space<vmem>> -> memref<128x64xf32, #tpu.memory_space<vmem>>
        %dma_start3A_1789 = arith.constant 0 : i32
        %dma_start3A_1790 = tpu.memref_slice %arg5[%dma_start3A_1782, %dma_start3A_1783, %dma_start3A_1789] : memref<2x4x128xi32, #tpu.memory_space<vmem>> -> memref<1x1x128xi32, #tpu.memory_space<vmem>>
        %dma_start3A_1791 = tpu.memref_squeeze %dma_start3A_1790 : memref<1x1x128xi32, #tpu.memory_space<vmem>> -> memref<128xi32, #tpu.memory_space<vmem>>
        %dma_start3A_1792 = arith.constant 0 : i32
        %dma_start3A_1793 = arith.constant 0 : i32
        %dma_start3A_1794 = tpu.memref_slice %arg3[%dma_start3A_1792, %dma_start3A_1793] : memref<1000x64xf32, #tpu.memory_space<hbm>> -> memref<1000x64xf32, #tpu.memory_space<hbm>>
        tpu.enqueue_indirect_dma source(%dma_start3A_1794 : memref<1000x64xf32, #tpu.memory_space<hbm>>) target(%dma_start3A_1788 : memref<128x64xf32, #tpu.memory_space<vmem>>) offsets(%dma_start3A_1791 : memref<128xi32, #tpu.memory_space<vmem>>) semaphore(%arg10 : memref<!tpu.dma_semaphore, #tpu.memory_space<semaphore_mem>>)
        %dma_start3A_1795 = arith.constant 0 : i32
        %dma_start3A_1796 = arith.constant 1 : i32
        %dma_start3A_1797 = arith.constant 0 : i32
        %dma_start3A_1798 = arith.constant 128 : i32
        %dma_start3A_1799 = arith.constant 0 : i32
        %dma_start3A_1800 = tpu.memref_slice %arg6[%dma_start3A_1797, %dma_start3A_1798, %dma_start3A_1799] : memref<2x512x64xf32, #tpu.memory_space<vmem>> -> memref<1x128x64xf32, #tpu.memory_space<vmem>>
        %dma_start3A_1801 = tpu.memref_squeeze %dma_start3A_1800 : memref<1x128x64xf32, #tpu.memory_space<vmem>> -> memref<128x64xf32, #tpu.memory_space<vmem>>
        %dma_start3A_1802 = arith.constant 0 : i32
        %dma_start3A_1803 = tpu.memref_slice %arg5[%dma_start3A_1795, %dma_start3A_1796, %dma_start3A_1802] : memref<2x4x128xi32, #tpu.memory_space<vmem>> -> memref<1x1x128xi32, #tpu.memory_space<vmem>>
        %dma_start3A_1804 = tpu.memref_squeeze %dma_start3A_1803 : memref<1x1x128xi32, #tpu.memory_space<vmem>> -> memref<128xi32, #tpu.memory_space<vmem>>
        %dma_start3A_1805 = arith.constant 0 : i32
        %dma_start3A_1806 = arith.constant 0 : i32
        %dma_start3A_1807 = tpu.memref_slice %arg3[%dma_start3A_1805, %dma_start3A_1806] : memref<1000x64xf32, #tpu.memory_space<hbm>> -> memref<1000x64xf32, #tpu.memory_space<hbm>>
        tpu.enqueue_indirect_dma source(%dma_start3A_1807 : memref<1000x64xf32, #tpu.memory_space<hbm>>) target(%dma_start3A_1801 : memref<128x64xf32, #tpu.memory_space<vmem>>) offsets(%dma_start3A_1804 : memref<128xi32, #tpu.memory_space<vmem>>) semaphore(%arg10 : memref<!tpu.dma_semaphore, #tpu.memory_space<semaphore_mem>>)
        %dma_start3A_1808 = arith.constant 0 : i32
        %dma_start3A_1809 = arith.constant 2 : i32
        %dma_start3A_1810 = arith.constant 0 : i32
        %dma_start3A_1811 = arith.constant 256 : i32
        %dma_start3A_1812 = arith.constant 0 : i32
        %dma_start3A_1813 = tpu.memref_slice %arg6[%dma_start3A_1810, %dma_start3A_1811, %dma_start3A_1812] : memref<2x512x64xf32, #tpu.memory_space<vmem>> -> memref<1x128x64xf32, #tpu.memory_space<vmem>>
        %dma_start3A_1814 = tpu.memref_squeeze %dma_start3A_1813 : memref<1x128x64xf32, #tpu.memory_space<vmem>> -> memref<128x64xf32, #tpu.memory_space<vmem>>
        %dma_start3A_1815 = arith.constant 0 : i32
        %dma_start3A_1816 = tpu.memref_slice %arg5[%dma_start3A_1808, %dma_start3A_1809, %dma_start3A_1815] : memref<2x4x128xi32, #tpu.memory_space<vmem>> -> memref<1x1x128xi32, #tpu.memory_space<vmem>>
        %dma_start3A_1817 = tpu.memref_squeeze %dma_start3A_1816 : memref<1x1x128xi32, #tpu.memory_space<vmem>> -> memref<128xi32, #tpu.memory_space<vmem>>
        %dma_start3A_1818 = arith.constant 0 : i32
        %dma_start3A_1819 = arith.constant 0 : i32
        %dma_start3A_1820 = tpu.memref_slice %arg3[%dma_start3A_1818, %dma_start3A_1819] : memref<1000x64xf32, #tpu.memory_space<hbm>> -> memref<1000x64xf32, #tpu.memory_space<hbm>>
        tpu.enqueue_indirect_dma source(%dma_start3A_1820 : memref<1000x64xf32, #tpu.memory_space<hbm>>) target(%dma_start3A_1814 : memref<128x64xf32, #tpu.memory_space<vmem>>) offsets(%dma_start3A_1817 : memref<128xi32, #tpu.memory_space<vmem>>) semaphore(%arg10 : memref<!tpu.dma_semaphore, #tpu.memory_space<semaphore_mem>>)
        %dma_start3A_1821 = arith.constant 0 : i32
        %dma_start3A_1822 = arith.constant 3 : i32
        %dma_start3A_1823 = arith.constant 0 : i32
        %dma_start3A_1824 = arith.constant 384 : i32
        %dma_start3A_1825 = arith.constant 0 : i32
        %dma_start3A_1826 = tpu.memref_slice %arg6[%dma_start3A_1823, %dma_start3A_1824, %dma_start3A_1825] : memref<2x512x64xf32, #tpu.memory_space<vmem>> -> memref<1x128x64xf32, #tpu.memory_space<vmem>>
        %dma_start3A_1827 = tpu.memref_squeeze %dma_start3A_1826 : memref<1x128x64xf32, #tpu.memory_space<vmem>> -> memref<128x64xf32, #tpu.memory_space<vmem>>
        %dma_start3A_1828 = arith.constant 0 : i32
        %dma_start3A_1829 = tpu.memref_slice %arg5[%dma_start3A_1821, %dma_start3A_1822, %dma_start3A_1828] : memref<2x4x128xi32, #tpu.memory_space<vmem>> -> memref<1x1x128xi32, #tpu.memory_space<vmem>>
        %dma_start3A_1830 = tpu.memref_squeeze %dma_start3A_1829 : memref<1x1x128xi32, #tpu.memory_space<vmem>> -> memref<128xi32, #tpu.memory_space<vmem>>
        %dma_start3A_1831 = arith.constant 0 : i32
        %dma_start3A_1832 = arith.constant 0 : i32
        %dma_start3A_1833 = tpu.memref_slice %arg3[%dma_start3A_1831, %dma_start3A_1832] : memref<1000x64xf32, #tpu.memory_space<hbm>> -> memref<1000x64xf32, #tpu.memory_space<hbm>>
        tpu.enqueue_indirect_dma source(%dma_start3A_1833 : memref<1000x64xf32, #tpu.memory_space<hbm>>) target(%dma_start3A_1827 : memref<128x64xf32, #tpu.memory_space<vmem>>) offsets(%dma_start3A_1830 : memref<128xi32, #tpu.memory_space<vmem>>) semaphore(%arg10 : memref<!tpu.dma_semaphore, #tpu.memory_space<semaphore_mem>>)
      } else {
      }
      %dma_wait3A_1682 = arith.constant 1 : i32
      %dma_wait3A_1683 = arith.constant 0 : i32
      %dma_wait3A_1684 = arith.constant 1 : i32
      %dma_wait3A_1685 = arith.constant 0 : i32
      %dma_wait3A_1686 = arith.constant 0 : i32
      %dma_wait3A_1687 = tpu.memref_slice %arg6[%dma_wait3A_1684, %dma_wait3A_1685, %dma_wait3A_1686] : memref<2x512x64xf32, #tpu.memory_space<vmem>> -> memref<1x128x64xf32, #tpu.memory_space<vmem>>
      %dma_wait3A_1688 = tpu.memref_squeeze %dma_wait3A_1687 : memref<1x128x64xf32, #tpu.memory_space<vmem>> -> memref<128x64xf32, #tpu.memory_space<vmem>>
      %dma_wait3A_1689 = arith.constant 0 : i32
      %dma_wait3A_1690 = tpu.memref_slice %arg5[%dma_wait3A_1682, %dma_wait3A_1683, %dma_wait3A_1689] : memref<2x4x128xi32, #tpu.memory_space<vmem>> -> memref<1x1x128xi32, #tpu.memory_space<vmem>>
      %dma_wait3A_1691 = tpu.memref_squeeze %dma_wait3A_1690 : memref<1x1x128xi32, #tpu.memory_space<vmem>> -> memref<128xi32, #tpu.memory_space<vmem>>
      %dma_wait3A_1692 = arith.constant 0 : i32
      %dma_wait3A_1693 = arith.constant 0 : i32
      %dma_wait3A_1694 = tpu.memref_slice %arg3[%dma_wait3A_1692, %dma_wait3A_1693] : memref<1000x64xf32, #tpu.memory_space<hbm>> -> memref<1000x64xf32, #tpu.memory_space<hbm>>
      tpu.wait_indirect_dma semaphore(%arg11 : memref<!tpu.dma_semaphore, #tpu.memory_space<semaphore_mem>>) src(%dma_wait3A_1694 : memref<1000x64xf32, #tpu.memory_space<hbm>>) dst(%dma_wait3A_1688 : memref<128x64xf32, #tpu.memory_space<vmem>>)
      %dma_wait3A_1695 = arith.constant 1 : i32
      %dma_wait3A_1696 = arith.constant 1 : i32
      %dma_wait3A_1697 = arith.constant 1 : i32
      %dma_wait3A_1698 = arith.constant 128 : i32
      %dma_wait3A_1699 = arith.constant 0 : i32
      %dma_wait3A_1700 = tpu.memref_slice %arg6[%dma_wait3A_1697, %dma_wait3A_1698, %dma_wait3A_1699] : memref<2x512x64xf32, #tpu.memory_space<vmem>> -> memref<1x128x64xf32, #tpu.memory_space<vmem>>
      %dma_wait3A_1701 = tpu.memref_squeeze %dma_wait3A_1700 : memref<1x128x64xf32, #tpu.memory_space<vmem>> -> memref<128x64xf32, #tpu.memory_space<vmem>>
      %dma_wait3A_1702 = arith.constant 0 : i32
      %dma_wait3A_1703 = tpu.memref_slice %arg5[%dma_wait3A_1695, %dma_wait3A_1696, %dma_wait3A_1702] : memref<2x4x128xi32, #tpu.memory_space<vmem>> -> memref<1x1x128xi32, #tpu.memory_space<vmem>>
      %dma_wait3A_1704 = tpu.memref_squeeze %dma_wait3A_1703 : memref<1x1x128xi32, #tpu.memory_space<vmem>> -> memref<128xi32, #tpu.memory_space<vmem>>
      %dma_wait3A_1705 = arith.constant 0 : i32
      %dma_wait3A_1706 = arith.constant 0 : i32
      %dma_wait3A_1707 = tpu.memref_slice %arg3[%dma_wait3A_1705, %dma_wait3A_1706] : memref<1000x64xf32, #tpu.memory_space<hbm>> -> memref<1000x64xf32, #tpu.memory_space<hbm>>
      tpu.wait_indirect_dma semaphore(%arg11 : memref<!tpu.dma_semaphore, #tpu.memory_space<semaphore_mem>>) src(%dma_wait3A_1707 : memref<1000x64xf32, #tpu.memory_space<hbm>>) dst(%dma_wait3A_1701 : memref<128x64xf32, #tpu.memory_space<vmem>>)
      %dma_wait3A_1708 = arith.constant 1 : i32
      %dma_wait3A_1709 = arith.constant 2 : i32
      %dma_wait3A_1710 = arith.constant 1 : i32
      %dma_wait3A_1711 = arith.constant 256 : i32
      %dma_wait3A_1712 = arith.constant 0 : i32
      %dma_wait3A_1713 = tpu.memref_slice %arg6[%dma_wait3A_1710, %dma_wait3A_1711, %dma_wait3A_1712] : memref<2x512x64xf32, #tpu.memory_space<vmem>> -> memref<1x128x64xf32, #tpu.memory_space<vmem>>
      %dma_wait3A_1714 = tpu.memref_squeeze %dma_wait3A_1713 : memref<1x128x64xf32, #tpu.memory_space<vmem>> -> memref<128x64xf32, #tpu.memory_space<vmem>>
      %dma_wait3A_1715 = arith.constant 0 : i32
      %dma_wait3A_1716 = tpu.memref_slice %arg5[%dma_wait3A_1708, %dma_wait3A_1709, %dma_wait3A_1715] : memref<2x4x128xi32, #tpu.memory_space<vmem>> -> memref<1x1x128xi32, #tpu.memory_space<vmem>>
      %dma_wait3A_1717 = tpu.memref_squeeze %dma_wait3A_1716 : memref<1x1x128xi32, #tpu.memory_space<vmem>> -> memref<128xi32, #tpu.memory_space<vmem>>
      %dma_wait3A_1718 = arith.constant 0 : i32
      %dma_wait3A_1719 = arith.constant 0 : i32
      %dma_wait3A_1720 = tpu.memref_slice %arg3[%dma_wait3A_1718, %dma_wait3A_1719] : memref<1000x64xf32, #tpu.memory_space<hbm>> -> memref<1000x64xf32, #tpu.memory_space<hbm>>
      tpu.wait_indirect_dma semaphore(%arg11 : memref<!tpu.dma_semaphore, #tpu.memory_space<semaphore_mem>>) src(%dma_wait3A_1720 : memref<1000x64xf32, #tpu.memory_space<hbm>>) dst(%dma_wait3A_1714 : memref<128x64xf32, #tpu.memory_space<vmem>>)
      %dma_wait3A_1721 = arith.constant 1 : i32
      %dma_wait3A_1722 = arith.constant 3 : i32
      %dma_wait3A_1723 = arith.constant 1 : i32
      %dma_wait3A_1724 = arith.constant 384 : i32
      %dma_wait3A_1725 = arith.constant 0 : i32
      %dma_wait3A_1726 = tpu.memref_slice %arg6[%dma_wait3A_1723, %dma_wait3A_1724, %dma_wait3A_1725] : memref<2x512x64xf32, #tpu.memory_space<vmem>> -> memref<1x128x64xf32, #tpu.memory_space<vmem>>
      %dma_wait3A_1727 = tpu.memref_squeeze %dma_wait3A_1726 : memref<1x128x64xf32, #tpu.memory_space<vmem>> -> memref<128x64xf32, #tpu.memory_space<vmem>>
      %dma_wait3A_1728 = arith.constant 0 : i32
      %dma_wait3A_1729 = tpu.memref_slice %arg5[%dma_wait3A_1721, %dma_wait3A_1722, %dma_wait3A_1728] : memref<2x4x128xi32, #tpu.memory_space<vmem>> -> memref<1x1x128xi32, #tpu.memory_space<vmem>>
      %dma_wait3A_1730 = tpu.memref_squeeze %dma_wait3A_1729 : memref<1x1x128xi32, #tpu.memory_space<vmem>> -> memref<128xi32, #tpu.memory_space<vmem>>
      %dma_wait3A_1731 = arith.constant 0 : i32
      %dma_wait3A_1732 = arith.constant 0 : i32
      %dma_wait3A_1733 = tpu.memref_slice %arg3[%dma_wait3A_1731, %dma_wait3A_1732] : memref<1000x64xf32, #tpu.memory_space<hbm>> -> memref<1000x64xf32, #tpu.memory_space<hbm>>
      tpu.wait_indirect_dma semaphore(%arg11 : memref<!tpu.dma_semaphore, #tpu.memory_space<semaphore_mem>>) src(%dma_wait3A_1733 : memref<1000x64xf32, #tpu.memory_space<hbm>>) dst(%dma_wait3A_1727 : memref<128x64xf32, #tpu.memory_space<vmem>>)
      %add3A_1734 = arith.constant 2 : i32
      %add3A_1735 = arith.addi %add3A_1528, %add3A_1734 : i32
      %lt3A_1736 = arith.constant 50 : i32
      %lt3A_1737 = arith.cmpi slt, %add3A_1735, %lt3A_1736 : i32
      %convert_element_type3A_1738 = arith.extui %lt3A_1737 : i1 to i32
      %cond3A_1739 = arith.constant 0 : i32
      %cond3A_1740 = arith.cmpi ne, %convert_element_type3A_1738, %cond3A_1739 : i32
      scf.if %cond3A_1740 {
        %add3A_1763 = arith.constant 2 : i32
        %add3A_1764 = arith.addi %add3A_1528, %add3A_1763 : i32
        %dma_start3A_1765 = arith.constant 1 : i32
        %dma_start3A_1766 = arith.constant 0 : i32
        %dma_start3A_1767 = arith.constant 0 : i32
        %dma_start3A_1768 = tpu.memref_slice %arg5[%dma_start3A_1765, %dma_start3A_1766, %dma_start3A_1767] : memref<2x4x128xi32, #tpu.memory_space<vmem>> -> memref<1x4x128xi32, #tpu.memory_space<vmem>>
        %dma_start3A_1769 = tpu.memref_squeeze %dma_start3A_1768 : memref<1x4x128xi32, #tpu.memory_space<vmem>> -> memref<4x128xi32, #tpu.memory_space<vmem>>
        %dma_start3A_1770 = arith.constant 0 : i32
        %dma_start3A_1771 = arith.constant 0 : i32
        %dma_start3A_1772 = tpu.memref_slice %arg2[%add3A, %add3A_1764, %dma_start3A_1770, %dma_start3A_1771] : memref<32x50x4x128xi32, #tpu.memory_space<hbm>> -> memref<1x1x4x128xi32, #tpu.memory_space<hbm>>
        %dma_start3A_1773 = tpu.memref_squeeze %dma_start3A_1772 : memref<1x1x4x128xi32, #tpu.memory_space<hbm>> -> memref<4x128xi32, #tpu.memory_space<hbm>>
        %dma_start3A_1774 = arith.constant 0 : i32
        %dma_start3A_1775 = arith.constant 0 : i32
        %dma_start3A_1776 = tpu.memref_slice %arg5[%dma_start3A_1765, %dma_start3A_1774, %dma_start3A_1775] : memref<2x4x128xi32, #tpu.memory_space<vmem>> -> memref<1x4x128xi32, #tpu.memory_space<vmem>>
        %dma_start3A_1777 = tpu.memref_squeeze %dma_start3A_1776 : memref<1x4x128xi32, #tpu.memory_space<vmem>> -> memref<4x128xi32, #tpu.memory_space<vmem>>
        %dma_start3A_1778 = arith.constant 0 : i32
        %dma_start3A_1779 = arith.constant 0 : i32
        %dma_start3A_1780 = tpu.memref_slice %arg2[%add3A, %add3A_1764, %dma_start3A_1778, %dma_start3A_1779] : memref<32x50x4x128xi32, #tpu.memory_space<hbm>> -> memref<1x1x4x128xi32, #tpu.memory_space<hbm>>
        %dma_start3A_1781 = tpu.memref_squeeze %dma_start3A_1780 : memref<1x1x4x128xi32, #tpu.memory_space<hbm>> -> memref<4x128xi32, #tpu.memory_space<hbm>>
        tpu.enqueue_dma source(%dma_start3A_1781 : memref<4x128xi32, #tpu.memory_space<hbm>>) target(%dma_start3A_1777 : memref<4x128xi32, #tpu.memory_space<vmem>>) target_semaphore(%arg9 : memref<!tpu.dma_semaphore, #tpu.memory_space<semaphore_mem>>)
      } else {
      }
      %ge3A_1741 = arith.constant 1 : i32
      %ge3A_1742 = arith.cmpi sge, %scan3A_1524, %ge3A_1741 : i32
      %convert_element_type3A_1743 = arith.extui %ge3A_1742 : i1 to i32
      %cond3A_1744 = arith.constant 0 : i32
      %cond3A_1745 = arith.cmpi ne, %convert_element_type3A_1743, %cond3A_1744 : i32
      scf.if %cond3A_1745 {
        %mul3A_1763 = arith.constant 50 : i32
        %mul3A_1764 = arith.muli %mul3A_2, %mul3A_1763 : i32
        %dma_wait3A_1765 = arith.constant 1 : i32
        %dma_wait3A_1766 = arith.constant 0 : i32
        %dma_wait3A_1767 = tpu.memref_slice %arg7[%dma_wait3A_1765, %dma_wait3A_1766] : memref<2x25600xf32, #tpu.memory_space<vmem>> -> memref<1x25600xf32, #tpu.memory_space<vmem>>
        %dma_wait3A_1768 = tpu.memref_squeeze %dma_wait3A_1767 : memref<1x25600xf32, #tpu.memory_space<vmem>> -> memref<25600xf32, #tpu.memory_space<vmem>>
        %dma_wait3A_1769 = tpu.memref_slice %arg4[%mul3A_1764] : memref<40960000xf32, #tpu.memory_space<hbm>> -> memref<25600xf32, #tpu.memory_space<hbm>>
        %dma_wait3A_1770 = tpu.memref_slice %arg4[%mul3A_1764] : memref<40960000xf32, #tpu.memory_space<hbm>> -> memref<25600xf32, #tpu.memory_space<hbm>>
        %dma_wait3A_1771 = arith.constant 0 : i32
        %dma_wait3A_1772 = tpu.memref_slice %arg7[%dma_wait3A_1765, %dma_wait3A_1771] : memref<2x25600xf32, #tpu.memory_space<vmem>> -> memref<1x25600xf32, #tpu.memory_space<vmem>>
        %dma_wait3A_1773 = tpu.memref_squeeze %dma_wait3A_1772 : memref<1x25600xf32, #tpu.memory_space<vmem>> -> memref<25600xf32, #tpu.memory_space<vmem>>
        tpu.wait_dma2 semaphore(%arg13 : memref<!tpu.dma_semaphore, #tpu.memory_space<semaphore_mem>>) src(%dma_wait3A_1773 : memref<25600xf32, #tpu.memory_space<vmem>>) dst(%dma_wait3A_1770 : memref<25600xf32, #tpu.memory_space<hbm>>)
      } else {
      }
      %parallel_loop3A_1746 = arith.constant 0 : i32
      %parallel_loop3A_1747 = arith.constant 64 : i32
      %parallel_loop3A_1748 = arith.constant 1 : i32
      scf.for %parallel_loop3A_1763 = %parallel_loop3A_1746 to %parallel_loop3A_1747 step %parallel_loop3A_1748  : i32 {
        %parallel_loop3A_1764 = arith.constant 8 : i32
        %parallel_loop3A_1765 = arith.muli %parallel_loop3A_1763, %parallel_loop3A_1764 : i32
        %parallel_loop3A_1766 = arith.constant 400 : i32
        %parallel_loop3A_1767 = arith.muli %parallel_loop3A_1763, %parallel_loop3A_1766 : i32
        %parallel_loop3A_1768 = vector.broadcast %parallel_loop3A_1765 : i32 to vector<16xi32>
        %parallel_loop3A_1769 = arith.addi %select_n3A, %parallel_loop3A_1768 : vector<16xi32>
        %parallel_loop3A_1770 = arith.constant 1 : i32
        %parallel_loop3A_1771 = arith.constant 0 : i32
        %parallel_loop3A_1772 = arith.constant 0 : i32
        %parallel_loop3A_1773 = tpu.memref_slice %arg6[%parallel_loop3A_1770, %parallel_loop3A_1771, %parallel_loop3A_1772] : memref<2x512x64xf32, #tpu.memory_space<vmem>> -> memref<1x512x64xf32, #tpu.memory_space<vmem>>
        %parallel_loop3A_1774 = tpu.memref_squeeze %parallel_loop3A_1773 : memref<1x512x64xf32, #tpu.memory_space<vmem>> -> memref<512x64xf32, #tpu.memory_space<vmem>>
        %parallel_loop3A_1775 = tpu.vector_load_idx %parallel_loop3A_1774[%parallel_loop3A_1769, %select_n3A_48] : memref<512x64xf32, #tpu.memory_space<vmem>>[vector<16xi32>, vector<16xi32>], vector<16xf32>,
        %parallel_loop3A_1776 = arith.constant 0 : i32
        %parallel_loop3A_1777 = arith.addi %parallel_loop3A_1767, %parallel_loop3A_1776 : i32
        %parallel_loop3A_1778 = arith.constant 1 : i32
        %parallel_loop3A_1779 = arith.index_cast %parallel_loop3A_1778 : i32 to index
        %parallel_loop3A_1780 = arith.index_cast %parallel_loop3A_1777 : i32 to index
        %parallel_loop3A_1781 = tpu.vector_load %arg7[%parallel_loop3A_1779, %parallel_loop3A_1780] {strides = array<i32>} : memref<2x25600xf32, #tpu.memory_space<vmem>>, vector<16xf32>,
        tpu.vector_store %arg7[%parallel_loop3A_1779, %parallel_loop3A_1780], %parallel_loop3A_1775 {strides = array<i32>} : memref<2x25600xf32, #tpu.memory_space<vmem>>, vector<16xf32>,
        %parallel_loop3A_1782 = vector.broadcast %parallel_loop3A_1765 : i32 to vector<16xi32>
        %parallel_loop3A_1783 = arith.addi %select_n3A_82, %parallel_loop3A_1782 : vector<16xi32>
        %parallel_loop3A_1784 = arith.constant 1 : i32
        %parallel_loop3A_1785 = arith.constant 0 : i32
        %parallel_loop3A_1786 = arith.constant 0 : i32
        %parallel_loop3A_1787 = tpu.memref_slice %arg6[%parallel_loop3A_1784, %parallel_loop3A_1785, %parallel_loop3A_1786] : memref<2x512x64xf32, #tpu.memory_space<vmem>> -> memref<1x512x64xf32, #tpu.memory_space<vmem>>
        %parallel_loop3A_1788 = tpu.memref_squeeze %parallel_loop3A_1787 : memref<1x512x64xf32, #tpu.memory_space<vmem>> -> memref<512x64xf32, #tpu.memory_space<vmem>>
        %parallel_loop3A_1789 = tpu.vector_load_idx %parallel_loop3A_1788[%parallel_loop3A_1783, %select_n3A_104] : memref<512x64xf32, #tpu.memory_space<vmem>>[vector<16xi32>, vector<16xi32>], vector<16xf32>,
        %parallel_loop3A_1790 = arith.constant 16 : i32
        %parallel_loop3A_1791 = arith.addi %parallel_loop3A_1767, %parallel_loop3A_1790 : i32
        %parallel_loop3A_1792 = arith.constant 1 : i32
        %parallel_loop3A_1793 = arith.index_cast %parallel_loop3A_1792 : i32 to index
        %parallel_loop3A_1794 = arith.index_cast %parallel_loop3A_1791 : i32 to index
        %parallel_loop3A_1795 = tpu.vector_load %arg7[%parallel_loop3A_1793, %parallel_loop3A_1794] {strides = array<i32>} : memref<2x25600xf32, #tpu.memory_space<vmem>>, vector<16xf32>,
        tpu.vector_store %arg7[%parallel_loop3A_1793, %parallel_loop3A_1794], %parallel_loop3A_1789 {strides = array<i32>} : memref<2x25600xf32, #tpu.memory_space<vmem>>, vector<16xf32>,
        %parallel_loop3A_1796 = vector.broadcast %parallel_loop3A_1765 : i32 to vector<16xi32>
        %parallel_loop3A_1797 = arith.addi %select_n3A_138, %parallel_loop3A_1796 : vector<16xi32>
        %parallel_loop3A_1798 = arith.constant 1 : i32
        %parallel_loop3A_1799 = arith.constant 0 : i32
        %parallel_loop3A_1800 = arith.constant 0 : i32
        %parallel_loop3A_1801 = tpu.memref_slice %arg6[%parallel_loop3A_1798, %parallel_loop3A_1799, %parallel_loop3A_1800] : memref<2x512x64xf32, #tpu.memory_space<vmem>> -> memref<1x512x64xf32, #tpu.memory_space<vmem>>
        %parallel_loop3A_1802 = tpu.memref_squeeze %parallel_loop3A_1801 : memref<1x512x64xf32, #tpu.memory_space<vmem>> -> memref<512x64xf32, #tpu.memory_space<vmem>>
        %parallel_loop3A_1803 = tpu.vector_load_idx %parallel_loop3A_1802[%parallel_loop3A_1797, %select_n3A_160] : memref<512x64xf32, #tpu.memory_space<vmem>>[vector<16xi32>, vector<16xi32>], vector<16xf32>,
        %parallel_loop3A_1804 = arith.constant 32 : i32
        %parallel_loop3A_1805 = arith.addi %parallel_loop3A_1767, %parallel_loop3A_1804 : i32
        %parallel_loop3A_1806 = arith.constant 1 : i32
        %parallel_loop3A_1807 = arith.index_cast %parallel_loop3A_1806 : i32 to index
        %parallel_loop3A_1808 = arith.index_cast %parallel_loop3A_1805 : i32 to index
        %parallel_loop3A_1809 = tpu.vector_load %arg7[%parallel_loop3A_1807, %parallel_loop3A_1808] {strides = array<i32>} : memref<2x25600xf32, #tpu.memory_space<vmem>>, vector<16xf32>,
        tpu.vector_store %arg7[%parallel_loop3A_1807, %parallel_loop3A_1808], %parallel_loop3A_1803 {strides = array<i32>} : memref<2x25600xf32, #tpu.memory_space<vmem>>, vector<16xf32>,
        %parallel_loop3A_1810 = vector.broadcast %parallel_loop3A_1765 : i32 to vector<16xi32>
        %parallel_loop3A_1811 = arith.addi %select_n3A_194, %parallel_loop3A_1810 : vector<16xi32>
        %parallel_loop3A_1812 = arith.constant 1 : i32
        %parallel_loop3A_1813 = arith.constant 0 : i32
        %parallel_loop3A_1814 = arith.constant 0 : i32
        %parallel_loop3A_1815 = tpu.memref_slice %arg6[%parallel_loop3A_1812, %parallel_loop3A_1813, %parallel_loop3A_1814] : memref<2x512x64xf32, #tpu.memory_space<vmem>> -> memref<1x512x64xf32, #tpu.memory_space<vmem>>
        %parallel_loop3A_1816 = tpu.memref_squeeze %parallel_loop3A_1815 : memref<1x512x64xf32, #tpu.memory_space<vmem>> -> memref<512x64xf32, #tpu.memory_space<vmem>>
        %parallel_loop3A_1817 = tpu.vector_load_idx %parallel_loop3A_1816[%parallel_loop3A_1811, %select_n3A_216] : memref<512x64xf32, #tpu.memory_space<vmem>>[vector<16xi32>, vector<16xi32>], vector<16xf32>,
        %parallel_loop3A_1818 = arith.constant 48 : i32
        %parallel_loop3A_1819 = arith.addi %parallel_loop3A_1767, %parallel_loop3A_1818 : i32
        %parallel_loop3A_1820 = arith.constant 1 : i32
        %parallel_loop3A_1821 = arith.index_cast %parallel_loop3A_1820 : i32 to index
        %parallel_loop3A_1822 = arith.index_cast %parallel_loop3A_1819 : i32 to index
        %parallel_loop3A_1823 = tpu.vector_load %arg7[%parallel_loop3A_1821, %parallel_loop3A_1822] {strides = array<i32>} : memref<2x25600xf32, #tpu.memory_space<vmem>>, vector<16xf32>,
        tpu.vector_store %arg7[%parallel_loop3A_1821, %parallel_loop3A_1822], %parallel_loop3A_1817 {strides = array<i32>} : memref<2x25600xf32, #tpu.memory_space<vmem>>, vector<16xf32>,
        %parallel_loop3A_1824 = vector.broadcast %parallel_loop3A_1765 : i32 to vector<16xi32>
        %parallel_loop3A_1825 = arith.addi %select_n3A_250, %parallel_loop3A_1824 : vector<16xi32>
        %parallel_loop3A_1826 = arith.constant 1 : i32
        %parallel_loop3A_1827 = arith.constant 0 : i32
        %parallel_loop3A_1828 = arith.constant 0 : i32
        %parallel_loop3A_1829 = tpu.memref_slice %arg6[%parallel_loop3A_1826, %parallel_loop3A_1827, %parallel_loop3A_1828] : memref<2x512x64xf32, #tpu.memory_space<vmem>> -> memref<1x512x64xf32, #tpu.memory_space<vmem>>
        %parallel_loop3A_1830 = tpu.memref_squeeze %parallel_loop3A_1829 : memref<1x512x64xf32, #tpu.memory_space<vmem>> -> memref<512x64xf32, #tpu.memory_space<vmem>>
        %parallel_loop3A_1831 = tpu.vector_load_idx %parallel_loop3A_1830[%parallel_loop3A_1825, %select_n3A_272] : memref<512x64xf32, #tpu.memory_space<vmem>>[vector<16xi32>, vector<16xi32>], vector<16xf32>,
        %parallel_loop3A_1832 = arith.constant 64 : i32
        %parallel_loop3A_1833 = arith.addi %parallel_loop3A_1767, %parallel_loop3A_1832 : i32
        %parallel_loop3A_1834 = arith.constant 1 : i32
        %parallel_loop3A_1835 = arith.index_cast %parallel_loop3A_1834 : i32 to index
        %parallel_loop3A_1836 = arith.index_cast %parallel_loop3A_1833 : i32 to index
        %parallel_loop3A_1837 = tpu.vector_load %arg7[%parallel_loop3A_1835, %parallel_loop3A_1836] {strides = array<i32>} : memref<2x25600xf32, #tpu.memory_space<vmem>>, vector<16xf32>,
        tpu.vector_store %arg7[%parallel_loop3A_1835, %parallel_loop3A_1836], %parallel_loop3A_1831 {strides = array<i32>} : memref<2x25600xf32, #tpu.memory_space<vmem>>, vector<16xf32>,
        %parallel_loop3A_1838 = vector.broadcast %parallel_loop3A_1765 : i32 to vector<16xi32>
        %parallel_loop3A_1839 = arith.addi %select_n3A_306, %parallel_loop3A_1838 : vector<16xi32>
        %parallel_loop3A_1840 = arith.constant 1 : i32
        %parallel_loop3A_1841 = arith.constant 0 : i32
        %parallel_loop3A_1842 = arith.constant 0 : i32
        %parallel_loop3A_1843 = tpu.memref_slice %arg6[%parallel_loop3A_1840, %parallel_loop3A_1841, %parallel_loop3A_1842] : memref<2x512x64xf32, #tpu.memory_space<vmem>> -> memref<1x512x64xf32, #tpu.memory_space<vmem>>
        %parallel_loop3A_1844 = tpu.memref_squeeze %parallel_loop3A_1843 : memref<1x512x64xf32, #tpu.memory_space<vmem>> -> memref<512x64xf32, #tpu.memory_space<vmem>>
        %parallel_loop3A_1845 = tpu.vector_load_idx %parallel_loop3A_1844[%parallel_loop3A_1839, %select_n3A_328] : memref<512x64xf32, #tpu.memory_space<vmem>>[vector<16xi32>, vector<16xi32>], vector<16xf32>,
        %parallel_loop3A_1846 = arith.constant 80 : i32
        %parallel_loop3A_1847 = arith.addi %parallel_loop3A_1767, %parallel_loop3A_1846 : i32
        %parallel_loop3A_1848 = arith.constant 1 : i32
        %parallel_loop3A_1849 = arith.index_cast %parallel_loop3A_1848 : i32 to index
        %parallel_loop3A_1850 = arith.index_cast %parallel_loop3A_1847 : i32 to index
        %parallel_loop3A_1851 = tpu.vector_load %arg7[%parallel_loop3A_1849, %parallel_loop3A_1850] {strides = array<i32>} : memref<2x25600xf32, #tpu.memory_space<vmem>>, vector<16xf32>,
        tpu.vector_store %arg7[%parallel_loop3A_1849, %parallel_loop3A_1850], %parallel_loop3A_1845 {strides = array<i32>} : memref<2x25600xf32, #tpu.memory_space<vmem>>, vector<16xf32>,
        %parallel_loop3A_1852 = vector.broadcast %parallel_loop3A_1765 : i32 to vector<16xi32>
        %parallel_loop3A_1853 = arith.addi %select_n3A_362, %parallel_loop3A_1852 : vector<16xi32>
        %parallel_loop3A_1854 = arith.constant 1 : i32
        %parallel_loop3A_1855 = arith.constant 0 : i32
        %parallel_loop3A_1856 = arith.constant 0 : i32
        %parallel_loop3A_1857 = tpu.memref_slice %arg6[%parallel_loop3A_1854, %parallel_loop3A_1855, %parallel_loop3A_1856] : memref<2x512x64xf32, #tpu.memory_space<vmem>> -> memref<1x512x64xf32, #tpu.memory_space<vmem>>
        %parallel_loop3A_1858 = tpu.memref_squeeze %parallel_loop3A_1857 : memref<1x512x64xf32, #tpu.memory_space<vmem>> -> memref<512x64xf32, #tpu.memory_space<vmem>>
        %parallel_loop3A_1859 = tpu.vector_load_idx %parallel_loop3A_1858[%parallel_loop3A_1853, %select_n3A_384] : memref<512x64xf32, #tpu.memory_space<vmem>>[vector<16xi32>, vector<16xi32>], vector<16xf32>,
        %parallel_loop3A_1860 = arith.constant 96 : i32
        %parallel_loop3A_1861 = arith.addi %parallel_loop3A_1767, %parallel_loop3A_1860 : i32
        %parallel_loop3A_1862 = arith.constant 1 : i32
        %parallel_loop3A_1863 = arith.index_cast %parallel_loop3A_1862 : i32 to index
        %parallel_loop3A_1864 = arith.index_cast %parallel_loop3A_1861 : i32 to index
        %parallel_loop3A_1865 = tpu.vector_load %arg7[%parallel_loop3A_1863, %parallel_loop3A_1864] {strides = array<i32>} : memref<2x25600xf32, #tpu.memory_space<vmem>>, vector<16xf32>,
        tpu.vector_store %arg7[%parallel_loop3A_1863, %parallel_loop3A_1864], %parallel_loop3A_1859 {strides = array<i32>} : memref<2x25600xf32, #tpu.memory_space<vmem>>, vector<16xf32>,
        %parallel_loop3A_1866 = vector.broadcast %parallel_loop3A_1765 : i32 to vector<16xi32>
        %parallel_loop3A_1867 = arith.addi %select_n3A_418, %parallel_loop3A_1866 : vector<16xi32>
        %parallel_loop3A_1868 = arith.constant 1 : i32
        %parallel_loop3A_1869 = arith.constant 0 : i32
        %parallel_loop3A_1870 = arith.constant 0 : i32
        %parallel_loop3A_1871 = tpu.memref_slice %arg6[%parallel_loop3A_1868, %parallel_loop3A_1869, %parallel_loop3A_1870] : memref<2x512x64xf32, #tpu.memory_space<vmem>> -> memref<1x512x64xf32, #tpu.memory_space<vmem>>
        %parallel_loop3A_1872 = tpu.memref_squeeze %parallel_loop3A_1871 : memref<1x512x64xf32, #tpu.memory_space<vmem>> -> memref<512x64xf32, #tpu.memory_space<vmem>>
        %parallel_loop3A_1873 = tpu.vector_load_idx %parallel_loop3A_1872[%parallel_loop3A_1867, %select_n3A_440] : memref<512x64xf32, #tpu.memory_space<vmem>>[vector<16xi32>, vector<16xi32>], vector<16xf32>,
        %parallel_loop3A_1874 = arith.constant 112 : i32
        %parallel_loop3A_1875 = arith.addi %parallel_loop3A_1767, %parallel_loop3A_1874 : i32
        %parallel_loop3A_1876 = arith.constant 1 : i32
        %parallel_loop3A_1877 = arith.index_cast %parallel_loop3A_1876 : i32 to index
        %parallel_loop3A_1878 = arith.index_cast %parallel_loop3A_1875 : i32 to index
        %parallel_loop3A_1879 = tpu.vector_load %arg7[%parallel_loop3A_1877, %parallel_loop3A_1878] {strides = array<i32>} : memref<2x25600xf32, #tpu.memory_space<vmem>>, vector<16xf32>,
        tpu.vector_store %arg7[%parallel_loop3A_1877, %parallel_loop3A_1878], %parallel_loop3A_1873 {strides = array<i32>} : memref<2x25600xf32, #tpu.memory_space<vmem>>, vector<16xf32>,
        %parallel_loop3A_1880 = vector.broadcast %parallel_loop3A_1765 : i32 to vector<16xi32>
        %parallel_loop3A_1881 = arith.addi %select_n3A_474, %parallel_loop3A_1880 : vector<16xi32>
        %parallel_loop3A_1882 = arith.constant 1 : i32
        %parallel_loop3A_1883 = arith.constant 0 : i32
        %parallel_loop3A_1884 = arith.constant 0 : i32
        %parallel_loop3A_1885 = tpu.memref_slice %arg6[%parallel_loop3A_1882, %parallel_loop3A_1883, %parallel_loop3A_1884] : memref<2x512x64xf32, #tpu.memory_space<vmem>> -> memref<1x512x64xf32, #tpu.memory_space<vmem>>
        %parallel_loop3A_1886 = tpu.memref_squeeze %parallel_loop3A_1885 : memref<1x512x64xf32, #tpu.memory_space<vmem>> -> memref<512x64xf32, #tpu.memory_space<vmem>>
        %parallel_loop3A_1887 = tpu.vector_load_idx %parallel_loop3A_1886[%parallel_loop3A_1881, %select_n3A_496] : memref<512x64xf32, #tpu.memory_space<vmem>>[vector<16xi32>, vector<16xi32>], vector<16xf32>,
        %parallel_loop3A_1888 = arith.constant 128 : i32
        %parallel_loop3A_1889 = arith.addi %parallel_loop3A_1767, %parallel_loop3A_1888 : i32
        %parallel_loop3A_1890 = arith.constant 1 : i32
        %parallel_loop3A_1891 = arith.index_cast %parallel_loop3A_1890 : i32 to index
        %parallel_loop3A_1892 = arith.index_cast %parallel_loop3A_1889 : i32 to index
        %parallel_loop3A_1893 = tpu.vector_load %arg7[%parallel_loop3A_1891, %parallel_loop3A_1892] {strides = array<i32>} : memref<2x25600xf32, #tpu.memory_space<vmem>>, vector<16xf32>,
        tpu.vector_store %arg7[%parallel_loop3A_1891, %parallel_loop3A_1892], %parallel_loop3A_1887 {strides = array<i32>} : memref<2x25600xf32, #tpu.memory_space<vmem>>, vector<16xf32>,
        %parallel_loop3A_1894 = vector.broadcast %parallel_loop3A_1765 : i32 to vector<16xi32>
        %parallel_loop3A_1895 = arith.addi %select_n3A_530, %parallel_loop3A_1894 : vector<16xi32>
        %parallel_loop3A_1896 = arith.constant 1 : i32
        %parallel_loop3A_1897 = arith.constant 0 : i32
        %parallel_loop3A_1898 = arith.constant 0 : i32
        %parallel_loop3A_1899 = tpu.memref_slice %arg6[%parallel_loop3A_1896, %parallel_loop3A_1897, %parallel_loop3A_1898] : memref<2x512x64xf32, #tpu.memory_space<vmem>> -> memref<1x512x64xf32, #tpu.memory_space<vmem>>
        %parallel_loop3A_1900 = tpu.memref_squeeze %parallel_loop3A_1899 : memref<1x512x64xf32, #tpu.memory_space<vmem>> -> memref<512x64xf32, #tpu.memory_space<vmem>>
        %parallel_loop3A_1901 = tpu.vector_load_idx %parallel_loop3A_1900[%parallel_loop3A_1895, %select_n3A_552] : memref<512x64xf32, #tpu.memory_space<vmem>>[vector<16xi32>, vector<16xi32>], vector<16xf32>,
        %parallel_loop3A_1902 = arith.constant 144 : i32
        %parallel_loop3A_1903 = arith.addi %parallel_loop3A_1767, %parallel_loop3A_1902 : i32
        %parallel_loop3A_1904 = arith.constant 1 : i32
        %parallel_loop3A_1905 = arith.index_cast %parallel_loop3A_1904 : i32 to index
        %parallel_loop3A_1906 = arith.index_cast %parallel_loop3A_1903 : i32 to index
        %parallel_loop3A_1907 = tpu.vector_load %arg7[%parallel_loop3A_1905, %parallel_loop3A_1906] {strides = array<i32>} : memref<2x25600xf32, #tpu.memory_space<vmem>>, vector<16xf32>,
        tpu.vector_store %arg7[%parallel_loop3A_1905, %parallel_loop3A_1906], %parallel_loop3A_1901 {strides = array<i32>} : memref<2x25600xf32, #tpu.memory_space<vmem>>, vector<16xf32>,
        %parallel_loop3A_1908 = vector.broadcast %parallel_loop3A_1765 : i32 to vector<16xi32>
        %parallel_loop3A_1909 = arith.addi %select_n3A_586, %parallel_loop3A_1908 : vector<16xi32>
        %parallel_loop3A_1910 = arith.constant 1 : i32
        %parallel_loop3A_1911 = arith.constant 0 : i32
        %parallel_loop3A_1912 = arith.constant 0 : i32
        %parallel_loop3A_1913 = tpu.memref_slice %arg6[%parallel_loop3A_1910, %parallel_loop3A_1911, %parallel_loop3A_1912] : memref<2x512x64xf32, #tpu.memory_space<vmem>> -> memref<1x512x64xf32, #tpu.memory_space<vmem>>
        %parallel_loop3A_1914 = tpu.memref_squeeze %parallel_loop3A_1913 : memref<1x512x64xf32, #tpu.memory_space<vmem>> -> memref<512x64xf32, #tpu.memory_space<vmem>>
        %parallel_loop3A_1915 = tpu.vector_load_idx %parallel_loop3A_1914[%parallel_loop3A_1909, %select_n3A_608] : memref<512x64xf32, #tpu.memory_space<vmem>>[vector<16xi32>, vector<16xi32>], vector<16xf32>,
        %parallel_loop3A_1916 = arith.constant 160 : i32
        %parallel_loop3A_1917 = arith.addi %parallel_loop3A_1767, %parallel_loop3A_1916 : i32
        %parallel_loop3A_1918 = arith.constant 1 : i32
        %parallel_loop3A_1919 = arith.index_cast %parallel_loop3A_1918 : i32 to index
        %parallel_loop3A_1920 = arith.index_cast %parallel_loop3A_1917 : i32 to index
        %parallel_loop3A_1921 = tpu.vector_load %arg7[%parallel_loop3A_1919, %parallel_loop3A_1920] {strides = array<i32>} : memref<2x25600xf32, #tpu.memory_space<vmem>>, vector<16xf32>,
        tpu.vector_store %arg7[%parallel_loop3A_1919, %parallel_loop3A_1920], %parallel_loop3A_1915 {strides = array<i32>} : memref<2x25600xf32, #tpu.memory_space<vmem>>, vector<16xf32>,
        %parallel_loop3A_1922 = vector.broadcast %parallel_loop3A_1765 : i32 to vector<16xi32>
        %parallel_loop3A_1923 = arith.addi %select_n3A_642, %parallel_loop3A_1922 : vector<16xi32>
        %parallel_loop3A_1924 = arith.constant 1 : i32
        %parallel_loop3A_1925 = arith.constant 0 : i32
        %parallel_loop3A_1926 = arith.constant 0 : i32
        %parallel_loop3A_1927 = tpu.memref_slice %arg6[%parallel_loop3A_1924, %parallel_loop3A_1925, %parallel_loop3A_1926] : memref<2x512x64xf32, #tpu.memory_space<vmem>> -> memref<1x512x64xf32, #tpu.memory_space<vmem>>
        %parallel_loop3A_1928 = tpu.memref_squeeze %parallel_loop3A_1927 : memref<1x512x64xf32, #tpu.memory_space<vmem>> -> memref<512x64xf32, #tpu.memory_space<vmem>>
        %parallel_loop3A_1929 = tpu.vector_load_idx %parallel_loop3A_1928[%parallel_loop3A_1923, %select_n3A_664] : memref<512x64xf32, #tpu.memory_space<vmem>>[vector<16xi32>, vector<16xi32>], vector<16xf32>,
        %parallel_loop3A_1930 = arith.constant 176 : i32
        %parallel_loop3A_1931 = arith.addi %parallel_loop3A_1767, %parallel_loop3A_1930 : i32
        %parallel_loop3A_1932 = arith.constant 1 : i32
        %parallel_loop3A_1933 = arith.index_cast %parallel_loop3A_1932 : i32 to index
        %parallel_loop3A_1934 = arith.index_cast %parallel_loop3A_1931 : i32 to index
        %parallel_loop3A_1935 = tpu.vector_load %arg7[%parallel_loop3A_1933, %parallel_loop3A_1934] {strides = array<i32>} : memref<2x25600xf32, #tpu.memory_space<vmem>>, vector<16xf32>,
        tpu.vector_store %arg7[%parallel_loop3A_1933, %parallel_loop3A_1934], %parallel_loop3A_1929 {strides = array<i32>} : memref<2x25600xf32, #tpu.memory_space<vmem>>, vector<16xf32>,
        %parallel_loop3A_1936 = vector.broadcast %parallel_loop3A_1765 : i32 to vector<16xi32>
        %parallel_loop3A_1937 = arith.addi %select_n3A_698, %parallel_loop3A_1936 : vector<16xi32>
        %parallel_loop3A_1938 = arith.constant 1 : i32
        %parallel_loop3A_1939 = arith.constant 0 : i32
        %parallel_loop3A_1940 = arith.constant 0 : i32
        %parallel_loop3A_1941 = tpu.memref_slice %arg6[%parallel_loop3A_1938, %parallel_loop3A_1939, %parallel_loop3A_1940] : memref<2x512x64xf32, #tpu.memory_space<vmem>> -> memref<1x512x64xf32, #tpu.memory_space<vmem>>
        %parallel_loop3A_1942 = tpu.memref_squeeze %parallel_loop3A_1941 : memref<1x512x64xf32, #tpu.memory_space<vmem>> -> memref<512x64xf32, #tpu.memory_space<vmem>>
        %parallel_loop3A_1943 = tpu.vector_load_idx %parallel_loop3A_1942[%parallel_loop3A_1937, %select_n3A_720] : memref<512x64xf32, #tpu.memory_space<vmem>>[vector<16xi32>, vector<16xi32>], vector<16xf32>,
        %parallel_loop3A_1944 = arith.constant 192 : i32
        %parallel_loop3A_1945 = arith.addi %parallel_loop3A_1767, %parallel_loop3A_1944 : i32
        %parallel_loop3A_1946 = arith.constant 1 : i32
        %parallel_loop3A_1947 = arith.index_cast %parallel_loop3A_1946 : i32 to index
        %parallel_loop3A_1948 = arith.index_cast %parallel_loop3A_1945 : i32 to index
        %parallel_loop3A_1949 = tpu.vector_load %arg7[%parallel_loop3A_1947, %parallel_loop3A_1948] {strides = array<i32>} : memref<2x25600xf32, #tpu.memory_space<vmem>>, vector<16xf32>,
        tpu.vector_store %arg7[%parallel_loop3A_1947, %parallel_loop3A_1948], %parallel_loop3A_1943 {strides = array<i32>} : memref<2x25600xf32, #tpu.memory_space<vmem>>, vector<16xf32>,
        %parallel_loop3A_1950 = vector.broadcast %parallel_loop3A_1765 : i32 to vector<16xi32>
        %parallel_loop3A_1951 = arith.addi %select_n3A_754, %parallel_loop3A_1950 : vector<16xi32>
        %parallel_loop3A_1952 = arith.constant 1 : i32
        %parallel_loop3A_1953 = arith.constant 0 : i32
        %parallel_loop3A_1954 = arith.constant 0 : i32
        %parallel_loop3A_1955 = tpu.memref_slice %arg6[%parallel_loop3A_1952, %parallel_loop3A_1953, %parallel_loop3A_1954] : memref<2x512x64xf32, #tpu.memory_space<vmem>> -> memref<1x512x64xf32, #tpu.memory_space<vmem>>
        %parallel_loop3A_1956 = tpu.memref_squeeze %parallel_loop3A_1955 : memref<1x512x64xf32, #tpu.memory_space<vmem>> -> memref<512x64xf32, #tpu.memory_space<vmem>>
        %parallel_loop3A_1957 = tpu.vector_load_idx %parallel_loop3A_1956[%parallel_loop3A_1951, %select_n3A_776] : memref<512x64xf32, #tpu.memory_space<vmem>>[vector<16xi32>, vector<16xi32>], vector<16xf32>,
        %parallel_loop3A_1958 = arith.constant 208 : i32
        %parallel_loop3A_1959 = arith.addi %parallel_loop3A_1767, %parallel_loop3A_1958 : i32
        %parallel_loop3A_1960 = arith.constant 1 : i32
        %parallel_loop3A_1961 = arith.index_cast %parallel_loop3A_1960 : i32 to index
        %parallel_loop3A_1962 = arith.index_cast %parallel_loop3A_1959 : i32 to index
        %parallel_loop3A_1963 = tpu.vector_load %arg7[%parallel_loop3A_1961, %parallel_loop3A_1962] {strides = array<i32>} : memref<2x25600xf32, #tpu.memory_space<vmem>>, vector<16xf32>,
        tpu.vector_store %arg7[%parallel_loop3A_1961, %parallel_loop3A_1962], %parallel_loop3A_1957 {strides = array<i32>} : memref<2x25600xf32, #tpu.memory_space<vmem>>, vector<16xf32>,
        %parallel_loop3A_1964 = vector.broadcast %parallel_loop3A_1765 : i32 to vector<16xi32>
        %parallel_loop3A_1965 = arith.addi %select_n3A_810, %parallel_loop3A_1964 : vector<16xi32>
        %parallel_loop3A_1966 = arith.constant 1 : i32
        %parallel_loop3A_1967 = arith.constant 0 : i32
        %parallel_loop3A_1968 = arith.constant 0 : i32
        %parallel_loop3A_1969 = tpu.memref_slice %arg6[%parallel_loop3A_1966, %parallel_loop3A_1967, %parallel_loop3A_1968] : memref<2x512x64xf32, #tpu.memory_space<vmem>> -> memref<1x512x64xf32, #tpu.memory_space<vmem>>
        %parallel_loop3A_1970 = tpu.memref_squeeze %parallel_loop3A_1969 : memref<1x512x64xf32, #tpu.memory_space<vmem>> -> memref<512x64xf32, #tpu.memory_space<vmem>>
        %parallel_loop3A_1971 = tpu.vector_load_idx %parallel_loop3A_1970[%parallel_loop3A_1965, %select_n3A_832] : memref<512x64xf32, #tpu.memory_space<vmem>>[vector<16xi32>, vector<16xi32>], vector<16xf32>,
        %parallel_loop3A_1972 = arith.constant 224 : i32
        %parallel_loop3A_1973 = arith.addi %parallel_loop3A_1767, %parallel_loop3A_1972 : i32
        %parallel_loop3A_1974 = arith.constant 1 : i32
        %parallel_loop3A_1975 = arith.index_cast %parallel_loop3A_1974 : i32 to index
        %parallel_loop3A_1976 = arith.index_cast %parallel_loop3A_1973 : i32 to index
        %parallel_loop3A_1977 = tpu.vector_load %arg7[%parallel_loop3A_1975, %parallel_loop3A_1976] {strides = array<i32>} : memref<2x25600xf32, #tpu.memory_space<vmem>>, vector<16xf32>,
        tpu.vector_store %arg7[%parallel_loop3A_1975, %parallel_loop3A_1976], %parallel_loop3A_1971 {strides = array<i32>} : memref<2x25600xf32, #tpu.memory_space<vmem>>, vector<16xf32>,
        %parallel_loop3A_1978 = vector.broadcast %parallel_loop3A_1765 : i32 to vector<16xi32>
        %parallel_loop3A_1979 = arith.addi %select_n3A_866, %parallel_loop3A_1978 : vector<16xi32>
        %parallel_loop3A_1980 = arith.constant 1 : i32
        %parallel_loop3A_1981 = arith.constant 0 : i32
        %parallel_loop3A_1982 = arith.constant 0 : i32
        %parallel_loop3A_1983 = tpu.memref_slice %arg6[%parallel_loop3A_1980, %parallel_loop3A_1981, %parallel_loop3A_1982] : memref<2x512x64xf32, #tpu.memory_space<vmem>> -> memref<1x512x64xf32, #tpu.memory_space<vmem>>
        %parallel_loop3A_1984 = tpu.memref_squeeze %parallel_loop3A_1983 : memref<1x512x64xf32, #tpu.memory_space<vmem>> -> memref<512x64xf32, #tpu.memory_space<vmem>>
        %parallel_loop3A_1985 = tpu.vector_load_idx %parallel_loop3A_1984[%parallel_loop3A_1979, %select_n3A_888] : memref<512x64xf32, #tpu.memory_space<vmem>>[vector<16xi32>, vector<16xi32>], vector<16xf32>,
        %parallel_loop3A_1986 = arith.constant 240 : i32
        %parallel_loop3A_1987 = arith.addi %parallel_loop3A_1767, %parallel_loop3A_1986 : i32
        %parallel_loop3A_1988 = arith.constant 1 : i32
        %parallel_loop3A_1989 = arith.index_cast %parallel_loop3A_1988 : i32 to index
        %parallel_loop3A_1990 = arith.index_cast %parallel_loop3A_1987 : i32 to index
        %parallel_loop3A_1991 = tpu.vector_load %arg7[%parallel_loop3A_1989, %parallel_loop3A_1990] {strides = array<i32>} : memref<2x25600xf32, #tpu.memory_space<vmem>>, vector<16xf32>,
        tpu.vector_store %arg7[%parallel_loop3A_1989, %parallel_loop3A_1990], %parallel_loop3A_1985 {strides = array<i32>} : memref<2x25600xf32, #tpu.memory_space<vmem>>, vector<16xf32>,
        %parallel_loop3A_1992 = vector.broadcast %parallel_loop3A_1765 : i32 to vector<16xi32>
        %parallel_loop3A_1993 = arith.addi %select_n3A_922, %parallel_loop3A_1992 : vector<16xi32>
        %parallel_loop3A_1994 = arith.constant 1 : i32
        %parallel_loop3A_1995 = arith.constant 0 : i32
        %parallel_loop3A_1996 = arith.constant 0 : i32
        %parallel_loop3A_1997 = tpu.memref_slice %arg6[%parallel_loop3A_1994, %parallel_loop3A_1995, %parallel_loop3A_1996] : memref<2x512x64xf32, #tpu.memory_space<vmem>> -> memref<1x512x64xf32, #tpu.memory_space<vmem>>
        %parallel_loop3A_1998 = tpu.memref_squeeze %parallel_loop3A_1997 : memref<1x512x64xf32, #tpu.memory_space<vmem>> -> memref<512x64xf32, #tpu.memory_space<vmem>>
        %parallel_loop3A_1999 = tpu.vector_load_idx %parallel_loop3A_1998[%parallel_loop3A_1993, %select_n3A_944] : memref<512x64xf32, #tpu.memory_space<vmem>>[vector<16xi32>, vector<16xi32>], vector<16xf32>,
        %parallel_loop3A_2000 = arith.constant 256 : i32
        %parallel_loop3A_2001 = arith.addi %parallel_loop3A_1767, %parallel_loop3A_2000 : i32
        %parallel_loop3A_2002 = arith.constant 1 : i32
        %parallel_loop3A_2003 = arith.index_cast %parallel_loop3A_2002 : i32 to index
        %parallel_loop3A_2004 = arith.index_cast %parallel_loop3A_2001 : i32 to index
        %parallel_loop3A_2005 = tpu.vector_load %arg7[%parallel_loop3A_2003, %parallel_loop3A_2004] {strides = array<i32>} : memref<2x25600xf32, #tpu.memory_space<vmem>>, vector<16xf32>,
        tpu.vector_store %arg7[%parallel_loop3A_2003, %parallel_loop3A_2004], %parallel_loop3A_1999 {strides = array<i32>} : memref<2x25600xf32, #tpu.memory_space<vmem>>, vector<16xf32>,
        %parallel_loop3A_2006 = vector.broadcast %parallel_loop3A_1765 : i32 to vector<16xi32>
        %parallel_loop3A_2007 = arith.addi %select_n3A_978, %parallel_loop3A_2006 : vector<16xi32>
        %parallel_loop3A_2008 = arith.constant 1 : i32
        %parallel_loop3A_2009 = arith.constant 0 : i32
        %parallel_loop3A_2010 = arith.constant 0 : i32
        %parallel_loop3A_2011 = tpu.memref_slice %arg6[%parallel_loop3A_2008, %parallel_loop3A_2009, %parallel_loop3A_2010] : memref<2x512x64xf32, #tpu.memory_space<vmem>> -> memref<1x512x64xf32, #tpu.memory_space<vmem>>
        %parallel_loop3A_2012 = tpu.memref_squeeze %parallel_loop3A_2011 : memref<1x512x64xf32, #tpu.memory_space<vmem>> -> memref<512x64xf32, #tpu.memory_space<vmem>>
        %parallel_loop3A_2013 = tpu.vector_load_idx %parallel_loop3A_2012[%parallel_loop3A_2007, %select_n3A_1000] : memref<512x64xf32, #tpu.memory_space<vmem>>[vector<16xi32>, vector<16xi32>], vector<16xf32>,
        %parallel_loop3A_2014 = arith.constant 272 : i32
        %parallel_loop3A_2015 = arith.addi %parallel_loop3A_1767, %parallel_loop3A_2014 : i32
        %parallel_loop3A_2016 = arith.constant 1 : i32
        %parallel_loop3A_2017 = arith.index_cast %parallel_loop3A_2016 : i32 to index
        %parallel_loop3A_2018 = arith.index_cast %parallel_loop3A_2015 : i32 to index
        %parallel_loop3A_2019 = tpu.vector_load %arg7[%parallel_loop3A_2017, %parallel_loop3A_2018] {strides = array<i32>} : memref<2x25600xf32, #tpu.memory_space<vmem>>, vector<16xf32>,
        tpu.vector_store %arg7[%parallel_loop3A_2017, %parallel_loop3A_2018], %parallel_loop3A_2013 {strides = array<i32>} : memref<2x25600xf32, #tpu.memory_space<vmem>>, vector<16xf32>,
        %parallel_loop3A_2020 = vector.broadcast %parallel_loop3A_1765 : i32 to vector<16xi32>
        %parallel_loop3A_2021 = arith.addi %select_n3A_1034, %parallel_loop3A_2020 : vector<16xi32>
        %parallel_loop3A_2022 = arith.constant 1 : i32
        %parallel_loop3A_2023 = arith.constant 0 : i32
        %parallel_loop3A_2024 = arith.constant 0 : i32
        %parallel_loop3A_2025 = tpu.memref_slice %arg6[%parallel_loop3A_2022, %parallel_loop3A_2023, %parallel_loop3A_2024] : memref<2x512x64xf32, #tpu.memory_space<vmem>> -> memref<1x512x64xf32, #tpu.memory_space<vmem>>
        %parallel_loop3A_2026 = tpu.memref_squeeze %parallel_loop3A_2025 : memref<1x512x64xf32, #tpu.memory_space<vmem>> -> memref<512x64xf32, #tpu.memory_space<vmem>>
        %parallel_loop3A_2027 = tpu.vector_load_idx %parallel_loop3A_2026[%parallel_loop3A_2021, %select_n3A_1056] : memref<512x64xf32, #tpu.memory_space<vmem>>[vector<16xi32>, vector<16xi32>], vector<16xf32>,
        %parallel_loop3A_2028 = arith.constant 288 : i32
        %parallel_loop3A_2029 = arith.addi %parallel_loop3A_1767, %parallel_loop3A_2028 : i32
        %parallel_loop3A_2030 = arith.constant 1 : i32
        %parallel_loop3A_2031 = arith.index_cast %parallel_loop3A_2030 : i32 to index
        %parallel_loop3A_2032 = arith.index_cast %parallel_loop3A_2029 : i32 to index
        %parallel_loop3A_2033 = tpu.vector_load %arg7[%parallel_loop3A_2031, %parallel_loop3A_2032] {strides = array<i32>} : memref<2x25600xf32, #tpu.memory_space<vmem>>, vector<16xf32>,
        tpu.vector_store %arg7[%parallel_loop3A_2031, %parallel_loop3A_2032], %parallel_loop3A_2027 {strides = array<i32>} : memref<2x25600xf32, #tpu.memory_space<vmem>>, vector<16xf32>,
        %parallel_loop3A_2034 = vector.broadcast %parallel_loop3A_1765 : i32 to vector<16xi32>
        %parallel_loop3A_2035 = arith.addi %select_n3A_1090, %parallel_loop3A_2034 : vector<16xi32>
        %parallel_loop3A_2036 = arith.constant 1 : i32
        %parallel_loop3A_2037 = arith.constant 0 : i32
        %parallel_loop3A_2038 = arith.constant 0 : i32
        %parallel_loop3A_2039 = tpu.memref_slice %arg6[%parallel_loop3A_2036, %parallel_loop3A_2037, %parallel_loop3A_2038] : memref<2x512x64xf32, #tpu.memory_space<vmem>> -> memref<1x512x64xf32, #tpu.memory_space<vmem>>
        %parallel_loop3A_2040 = tpu.memref_squeeze %parallel_loop3A_2039 : memref<1x512x64xf32, #tpu.memory_space<vmem>> -> memref<512x64xf32, #tpu.memory_space<vmem>>
        %parallel_loop3A_2041 = tpu.vector_load_idx %parallel_loop3A_2040[%parallel_loop3A_2035, %select_n3A_1112] : memref<512x64xf32, #tpu.memory_space<vmem>>[vector<16xi32>, vector<16xi32>], vector<16xf32>,
        %parallel_loop3A_2042 = arith.constant 304 : i32
        %parallel_loop3A_2043 = arith.addi %parallel_loop3A_1767, %parallel_loop3A_2042 : i32
        %parallel_loop3A_2044 = arith.constant 1 : i32
        %parallel_loop3A_2045 = arith.index_cast %parallel_loop3A_2044 : i32 to index
        %parallel_loop3A_2046 = arith.index_cast %parallel_loop3A_2043 : i32 to index
        %parallel_loop3A_2047 = tpu.vector_load %arg7[%parallel_loop3A_2045, %parallel_loop3A_2046] {strides = array<i32>} : memref<2x25600xf32, #tpu.memory_space<vmem>>, vector<16xf32>,
        tpu.vector_store %arg7[%parallel_loop3A_2045, %parallel_loop3A_2046], %parallel_loop3A_2041 {strides = array<i32>} : memref<2x25600xf32, #tpu.memory_space<vmem>>, vector<16xf32>,
        %parallel_loop3A_2048 = vector.broadcast %parallel_loop3A_1765 : i32 to vector<16xi32>
        %parallel_loop3A_2049 = arith.addi %select_n3A_1146, %parallel_loop3A_2048 : vector<16xi32>
        %parallel_loop3A_2050 = arith.constant 1 : i32
        %parallel_loop3A_2051 = arith.constant 0 : i32
        %parallel_loop3A_2052 = arith.constant 0 : i32
        %parallel_loop3A_2053 = tpu.memref_slice %arg6[%parallel_loop3A_2050, %parallel_loop3A_2051, %parallel_loop3A_2052] : memref<2x512x64xf32, #tpu.memory_space<vmem>> -> memref<1x512x64xf32, #tpu.memory_space<vmem>>
        %parallel_loop3A_2054 = tpu.memref_squeeze %parallel_loop3A_2053 : memref<1x512x64xf32, #tpu.memory_space<vmem>> -> memref<512x64xf32, #tpu.memory_space<vmem>>
        %parallel_loop3A_2055 = tpu.vector_load_idx %parallel_loop3A_2054[%parallel_loop3A_2049, %select_n3A_1168] : memref<512x64xf32, #tpu.memory_space<vmem>>[vector<16xi32>, vector<16xi32>], vector<16xf32>,
        %parallel_loop3A_2056 = arith.constant 320 : i32
        %parallel_loop3A_2057 = arith.addi %parallel_loop3A_1767, %parallel_loop3A_2056 : i32
        %parallel_loop3A_2058 = arith.constant 1 : i32
        %parallel_loop3A_2059 = arith.index_cast %parallel_loop3A_2058 : i32 to index
        %parallel_loop3A_2060 = arith.index_cast %parallel_loop3A_2057 : i32 to index
        %parallel_loop3A_2061 = tpu.vector_load %arg7[%parallel_loop3A_2059, %parallel_loop3A_2060] {strides = array<i32>} : memref<2x25600xf32, #tpu.memory_space<vmem>>, vector<16xf32>,
        tpu.vector_store %arg7[%parallel_loop3A_2059, %parallel_loop3A_2060], %parallel_loop3A_2055 {strides = array<i32>} : memref<2x25600xf32, #tpu.memory_space<vmem>>, vector<16xf32>,
        %parallel_loop3A_2062 = vector.broadcast %parallel_loop3A_1765 : i32 to vector<16xi32>
        %parallel_loop3A_2063 = arith.addi %select_n3A_1202, %parallel_loop3A_2062 : vector<16xi32>
        %parallel_loop3A_2064 = arith.constant 1 : i32
        %parallel_loop3A_2065 = arith.constant 0 : i32
        %parallel_loop3A_2066 = arith.constant 0 : i32
        %parallel_loop3A_2067 = tpu.memref_slice %arg6[%parallel_loop3A_2064, %parallel_loop3A_2065, %parallel_loop3A_2066] : memref<2x512x64xf32, #tpu.memory_space<vmem>> -> memref<1x512x64xf32, #tpu.memory_space<vmem>>
        %parallel_loop3A_2068 = tpu.memref_squeeze %parallel_loop3A_2067 : memref<1x512x64xf32, #tpu.memory_space<vmem>> -> memref<512x64xf32, #tpu.memory_space<vmem>>
        %parallel_loop3A_2069 = tpu.vector_load_idx %parallel_loop3A_2068[%parallel_loop3A_2063, %select_n3A_1224] : memref<512x64xf32, #tpu.memory_space<vmem>>[vector<16xi32>, vector<16xi32>], vector<16xf32>,
        %parallel_loop3A_2070 = arith.constant 336 : i32
        %parallel_loop3A_2071 = arith.addi %parallel_loop3A_1767, %parallel_loop3A_2070 : i32
        %parallel_loop3A_2072 = arith.constant 1 : i32
        %parallel_loop3A_2073 = arith.index_cast %parallel_loop3A_2072 : i32 to index
        %parallel_loop3A_2074 = arith.index_cast %parallel_loop3A_2071 : i32 to index
        %parallel_loop3A_2075 = tpu.vector_load %arg7[%parallel_loop3A_2073, %parallel_loop3A_2074] {strides = array<i32>} : memref<2x25600xf32, #tpu.memory_space<vmem>>, vector<16xf32>,
        tpu.vector_store %arg7[%parallel_loop3A_2073, %parallel_loop3A_2074], %parallel_loop3A_2069 {strides = array<i32>} : memref<2x25600xf32, #tpu.memory_space<vmem>>, vector<16xf32>,
        %parallel_loop3A_2076 = vector.broadcast %parallel_loop3A_1765 : i32 to vector<16xi32>
        %parallel_loop3A_2077 = arith.addi %select_n3A_1258, %parallel_loop3A_2076 : vector<16xi32>
        %parallel_loop3A_2078 = arith.constant 1 : i32
        %parallel_loop3A_2079 = arith.constant 0 : i32
        %parallel_loop3A_2080 = arith.constant 0 : i32
        %parallel_loop3A_2081 = tpu.memref_slice %arg6[%parallel_loop3A_2078, %parallel_loop3A_2079, %parallel_loop3A_2080] : memref<2x512x64xf32, #tpu.memory_space<vmem>> -> memref<1x512x64xf32, #tpu.memory_space<vmem>>
        %parallel_loop3A_2082 = tpu.memref_squeeze %parallel_loop3A_2081 : memref<1x512x64xf32, #tpu.memory_space<vmem>> -> memref<512x64xf32, #tpu.memory_space<vmem>>
        %parallel_loop3A_2083 = tpu.vector_load_idx %parallel_loop3A_2082[%parallel_loop3A_2077, %select_n3A_1280] : memref<512x64xf32, #tpu.memory_space<vmem>>[vector<16xi32>, vector<16xi32>], vector<16xf32>,
        %parallel_loop3A_2084 = arith.constant 352 : i32
        %parallel_loop3A_2085 = arith.addi %parallel_loop3A_1767, %parallel_loop3A_2084 : i32
        %parallel_loop3A_2086 = arith.constant 1 : i32
        %parallel_loop3A_2087 = arith.index_cast %parallel_loop3A_2086 : i32 to index
        %parallel_loop3A_2088 = arith.index_cast %parallel_loop3A_2085 : i32 to index
        %parallel_loop3A_2089 = tpu.vector_load %arg7[%parallel_loop3A_2087, %parallel_loop3A_2088] {strides = array<i32>} : memref<2x25600xf32, #tpu.memory_space<vmem>>, vector<16xf32>,
        tpu.vector_store %arg7[%parallel_loop3A_2087, %parallel_loop3A_2088], %parallel_loop3A_2083 {strides = array<i32>} : memref<2x25600xf32, #tpu.memory_space<vmem>>, vector<16xf32>,
        %parallel_loop3A_2090 = vector.broadcast %parallel_loop3A_1765 : i32 to vector<16xi32>
        %parallel_loop3A_2091 = arith.addi %select_n3A_1314, %parallel_loop3A_2090 : vector<16xi32>
        %parallel_loop3A_2092 = arith.constant 1 : i32
        %parallel_loop3A_2093 = arith.constant 0 : i32
        %parallel_loop3A_2094 = arith.constant 0 : i32
        %parallel_loop3A_2095 = tpu.memref_slice %arg6[%parallel_loop3A_2092, %parallel_loop3A_2093, %parallel_loop3A_2094] : memref<2x512x64xf32, #tpu.memory_space<vmem>> -> memref<1x512x64xf32, #tpu.memory_space<vmem>>
        %parallel_loop3A_2096 = tpu.memref_squeeze %parallel_loop3A_2095 : memref<1x512x64xf32, #tpu.memory_space<vmem>> -> memref<512x64xf32, #tpu.memory_space<vmem>>
        %parallel_loop3A_2097 = tpu.vector_load_idx %parallel_loop3A_2096[%parallel_loop3A_2091, %select_n3A_1336] : memref<512x64xf32, #tpu.memory_space<vmem>>[vector<16xi32>, vector<16xi32>], vector<16xf32>,
        %parallel_loop3A_2098 = arith.constant 368 : i32
        %parallel_loop3A_2099 = arith.addi %parallel_loop3A_1767, %parallel_loop3A_2098 : i32
        %parallel_loop3A_2100 = arith.constant 1 : i32
        %parallel_loop3A_2101 = arith.index_cast %parallel_loop3A_2100 : i32 to index
        %parallel_loop3A_2102 = arith.index_cast %parallel_loop3A_2099 : i32 to index
        %parallel_loop3A_2103 = tpu.vector_load %arg7[%parallel_loop3A_2101, %parallel_loop3A_2102] {strides = array<i32>} : memref<2x25600xf32, #tpu.memory_space<vmem>>, vector<16xf32>,
        tpu.vector_store %arg7[%parallel_loop3A_2101, %parallel_loop3A_2102], %parallel_loop3A_2097 {strides = array<i32>} : memref<2x25600xf32, #tpu.memory_space<vmem>>, vector<16xf32>,
        %parallel_loop3A_2104 = vector.broadcast %parallel_loop3A_1765 : i32 to vector<16xi32>
        %parallel_loop3A_2105 = arith.addi %select_n3A_1370, %parallel_loop3A_2104 : vector<16xi32>
        %parallel_loop3A_2106 = arith.constant 1 : i32
        %parallel_loop3A_2107 = arith.constant 0 : i32
        %parallel_loop3A_2108 = arith.constant 0 : i32
        %parallel_loop3A_2109 = tpu.memref_slice %arg6[%parallel_loop3A_2106, %parallel_loop3A_2107, %parallel_loop3A_2108] : memref<2x512x64xf32, #tpu.memory_space<vmem>> -> memref<1x512x64xf32, #tpu.memory_space<vmem>>
        %parallel_loop3A_2110 = tpu.memref_squeeze %parallel_loop3A_2109 : memref<1x512x64xf32, #tpu.memory_space<vmem>> -> memref<512x64xf32, #tpu.memory_space<vmem>>
        %parallel_loop3A_2111 = tpu.vector_load_idx %parallel_loop3A_2110[%parallel_loop3A_2105, %select_n3A_1392] : memref<512x64xf32, #tpu.memory_space<vmem>>[vector<16xi32>, vector<16xi32>], vector<16xf32>,
        %parallel_loop3A_2112 = arith.constant 384 : i32
        %parallel_loop3A_2113 = arith.addi %parallel_loop3A_1767, %parallel_loop3A_2112 : i32
        %parallel_loop3A_2114 = arith.constant 1 : i32
        %parallel_loop3A_2115 = arith.index_cast %parallel_loop3A_2114 : i32 to index
        %parallel_loop3A_2116 = arith.index_cast %parallel_loop3A_2113 : i32 to index
        %parallel_loop3A_2117 = tpu.vector_load %arg7[%parallel_loop3A_2115, %parallel_loop3A_2116] {strides = array<i32>} : memref<2x25600xf32, #tpu.memory_space<vmem>>, vector<16xf32>,
        tpu.vector_store %arg7[%parallel_loop3A_2115, %parallel_loop3A_2116], %parallel_loop3A_2111 {strides = array<i32>} : memref<2x25600xf32, #tpu.memory_space<vmem>>, vector<16xf32>,
      } {sc.loop_unroll_factor = 4 : i64, sc.parallel_access}
      %mul3A_1749 = arith.constant 512 : i32
      %mul3A_1750 = arith.muli %add3A_1528, %mul3A_1749 : i32
      %add3A_1751 = arith.addi %mul3A_2, %mul3A_1750 : i32
      %mul3A_1752 = arith.constant 50 : i32
      %mul3A_1753 = arith.muli %add3A_1751, %mul3A_1752 : i32
      %dma_start3A_1754 = arith.constant 1 : i32
      %dma_start3A_1755 = arith.constant 0 : i32
      %dma_start3A_1756 = tpu.memref_slice %arg7[%dma_start3A_1754, %dma_start3A_1755] : memref<2x25600xf32, #tpu.memory_space<vmem>> -> memref<1x25600xf32, #tpu.memory_space<vmem>>
      %dma_start3A_1757 = tpu.memref_squeeze %dma_start3A_1756 : memref<1x25600xf32, #tpu.memory_space<vmem>> -> memref<25600xf32, #tpu.memory_space<vmem>>
      %dma_start3A_1758 = tpu.memref_slice %arg4[%mul3A_1753] : memref<40960000xf32, #tpu.memory_space<hbm>> -> memref<25600xf32, #tpu.memory_space<hbm>>
      %dma_start3A_1759 = tpu.memref_slice %arg4[%mul3A_1753] : memref<40960000xf32, #tpu.memory_space<hbm>> -> memref<25600xf32, #tpu.memory_space<hbm>>
      %dma_start3A_1760 = arith.constant 0 : i32
      %dma_start3A_1761 = tpu.memref_slice %arg7[%dma_start3A_1754, %dma_start3A_1760] : memref<2x25600xf32, #tpu.memory_space<vmem>> -> memref<1x25600xf32, #tpu.memory_space<vmem>>
      %dma_start3A_1762 = tpu.memref_squeeze %dma_start3A_1761 : memref<1x25600xf32, #tpu.memory_space<vmem>> -> memref<25600xf32, #tpu.memory_space<vmem>>
      tpu.enqueue_dma source(%dma_start3A_1762 : memref<25600xf32, #tpu.memory_space<vmem>>) target(%dma_start3A_1759 : memref<25600xf32, #tpu.memory_space<hbm>>) target_semaphore(%arg13 : memref<!tpu.dma_semaphore, #tpu.memory_space<semaphore_mem>>)
    }
    %scan3A_1501 = arith.constant 25 : i32
    %mul3A_1502 = arith.constant 50 : i32
    %mul3A_1503 = arith.muli %mul3A_2, %mul3A_1502 : i32
    %dma_wait3A_1504 = arith.constant 0 : i32
    %dma_wait3A_1505 = arith.constant 0 : i32
    %dma_wait3A_1506 = tpu.memref_slice %arg7[%dma_wait3A_1504, %dma_wait3A_1505] : memref<2x25600xf32, #tpu.memory_space<vmem>> -> memref<1x25600xf32, #tpu.memory_space<vmem>>
    %dma_wait3A_1507 = tpu.memref_squeeze %dma_wait3A_1506 : memref<1x25600xf32, #tpu.memory_space<vmem>> -> memref<25600xf32, #tpu.memory_space<vmem>>
    %dma_wait3A_1508 = tpu.memref_slice %arg4[%mul3A_1503] : memref<40960000xf32, #tpu.memory_space<hbm>> -> memref<25600xf32, #tpu.memory_space<hbm>>
    %dma_wait3A_1509 = tpu.memref_slice %arg4[%mul3A_1503] : memref<40960000xf32, #tpu.memory_space<hbm>> -> memref<25600xf32, #tpu.memory_space<hbm>>
    %dma_wait3A_1510 = arith.constant 0 : i32
    %dma_wait3A_1511 = tpu.memref_slice %arg7[%dma_wait3A_1504, %dma_wait3A_1510] : memref<2x25600xf32, #tpu.memory_space<vmem>> -> memref<1x25600xf32, #tpu.memory_space<vmem>>
    %dma_wait3A_1512 = tpu.memref_squeeze %dma_wait3A_1511 : memref<1x25600xf32, #tpu.memory_space<vmem>> -> memref<25600xf32, #tpu.memory_space<vmem>>
    tpu.wait_dma2 semaphore(%arg12 : memref<!tpu.dma_semaphore, #tpu.memory_space<semaphore_mem>>) src(%dma_wait3A_1512 : memref<25600xf32, #tpu.memory_space<vmem>>) dst(%dma_wait3A_1509 : memref<25600xf32, #tpu.memory_space<hbm>>)
    %mul3A_1513 = arith.constant 50 : i32
    %mul3A_1514 = arith.muli %mul3A_2, %mul3A_1513 : i32
    %dma_wait3A_1515 = arith.constant 1 : i32
    %dma_wait3A_1516 = arith.constant 0 : i32
    %dma_wait3A_1517 = tpu.memref_slice %arg7[%dma_wait3A_1515, %dma_wait3A_1516] : memref<2x25600xf32, #tpu.memory_space<vmem>> -> memref<1x25600xf32, #tpu.memory_space<vmem>>
    %dma_wait3A_1518 = tpu.memref_squeeze %dma_wait3A_1517 : memref<1x25600xf32, #tpu.memory_space<vmem>> -> memref<25600xf32, #tpu.memory_space<vmem>>
    %dma_wait3A_1519 = tpu.memref_slice %arg4[%mul3A_1514] : memref<40960000xf32, #tpu.memory_space<hbm>> -> memref<25600xf32, #tpu.memory_space<hbm>>
    %dma_wait3A_1520 = tpu.memref_slice %arg4[%mul3A_1514] : memref<40960000xf32, #tpu.memory_space<hbm>> -> memref<25600xf32, #tpu.memory_space<hbm>>
    %dma_wait3A_1521 = arith.constant 0 : i32
    %dma_wait3A_1522 = tpu.memref_slice %arg7[%dma_wait3A_1515, %dma_wait3A_1521] : memref<2x25600xf32, #tpu.memory_space<vmem>> -> memref<1x25600xf32, #tpu.memory_space<vmem>>
    %dma_wait3A_1523 = tpu.memref_squeeze %dma_wait3A_1522 : memref<1x25600xf32, #tpu.memory_space<vmem>> -> memref<25600xf32, #tpu.memory_space<vmem>>
    tpu.wait_dma2 semaphore(%arg13 : memref<!tpu.dma_semaphore, #tpu.memory_space<semaphore_mem>>) src(%dma_wait3A_1523 : memref<25600xf32, #tpu.memory_space<vmem>>) dst(%dma_wait3A_1520 : memref<25600xf32, #tpu.memory_space<hbm>>)
    return
  }
}

</mosaic_0001>

<sc_bundles>
// kernel: kernel.3.cloned.1.call-start
scs
__scs_entry_jumppad:
0x0: {  	(pc) =	sbr.rel $0x88, $3  }
0x1: {  	(tag) =	ssettag $0x0;
	lr =	simm.s32 $0x1  }
0x2: {  	[smem:$0x3F9F] =	sst lr;
	_ =	strace $0xD0000000  }
0x3: {  	_ = 	snop  }
0x4: {  	_ = 	snop  }
0x5: {  	_ = 	snop  }
0x6: {  	_ = 	snop  }
0x7: {  	_ = 	snop  }
__scs_overlays_trampoline_lowered:
0x8: {  	[smem:$0x3FAE] =	sst s0  }
0x9: {  	[smem:$0x3FAF] =	sst s1  }
0xa: {  	[smem:$0x3FB0] =	sst s2  }
0xb: {  	[smem:$0x3FB1] =	sst s3  }
0xc: {  	[smem:$0x3FB2] =	sst s4  }
0xd: {  	[smem:$0x3FB3] =	sst s5  }
0xe: {  	[smem:$0x3FB4] =	sst s6  }
0xf: {  	[smem:$0x3FB5] =	sst s7  }
0x10: {  	[smem:$0x3FB6] =	sst s8  }
0x11: {  	[smem:$0x3FB7] =	sst s9;
	s0 =	simm.s32 @!p0 $0x0  }
0x12: {  	s1 =	sld [smem:$0x3F9D];
	s0 =	simm.s32 @p0 $0x1  }
0x13: {  	[smem:$0x3FB8] =	sst s0;
	s0 =	simm.s32 @!p1 $0x0  }
0x14: {  	s2 =	sld [smem:$0x3F9C];
	s0 =	simm.s32 @p1 $0x1  }
0x15: {  	[smem:$0x3FB9] =	sst s0;
	s0 =	simm.s32 @!p2 $0x0  }
0x16: {  	s3 =	sld [smem:$0x3FDB];
	s0 =	simm.s32 @p2 $0x1  }
0x17: {  	s4 =	simm.s32 $0x1BF5;
	[smem:$0x3FBB] =	sst s0  }
0x18: {  	s0 =	sld [smem:$0x3F9E];
	_ =	swait.ge [sflag:s4], $0x0  }
0x19: {  	s7 =	sld [smem:$0x3F9F]  }
0x1a: {  	s8 =	sadd.s32 $0xFFFFE003, lr  }
0x1b: {  	s9 =	sadd.s32 $0xFFFFFEF7, lr;
	s5 =	simm.s32 $0xFFFFFFFF;
	p2 =	slt.u32 s8, $0xFFFFF086  }
0x1c: {  	p1 =	slt.u32 s9, $0xF7A;
	s5 =	simm.s32 @!p2 $0x0  }
0x1d: {  	s5 =	simm.s32 @p1 $0x1;
	p0 =	seq.s32 s7, s2  }
0x1e: {  	s7 =	smul.u32 @!p0 $0xF7A, s2;
	p2 =	seq.s32 @!p0 s5, $0x0  }
0x1f: {  	s9 =	smul.u32 $0xF7A, s1;
	s8 =	simm.s32 @!p0 $0x1BF5;
	p2 =	por !p2, p0  }
0x20: {  	[sflag:s8] =	ssyncset.s32 @!p0 $0xFFFFF086;
	s6 =	sadd.s32 @!p0 s3, s7;
	s7 =	simm.s32 @!p0 $0x108  }
0x21: {  	s3 =	sadd.s32 s3, s9;
	s6 =	sadd.s32 @!p0 $0x88, s6;
	s7 =	simm.s32 @p2 $0x1082  }
0x22: {  	[simem:s7], [sflag:s8] =	dma.local @!p0 [hbm:s6], $0xF7A  }
0x23: {  	s9 =	sor.u32 $0xD0000000, s2;
	s6 =	simm.s32 $0x108;
	_ =	swait.ge @!p0 [sflag:s8], $0x0  }
0x24: {  	s3 =	sadd.s32 $0x88, s3;
	s6 =	simm.s32 @!p1 $0x1082;
	[sflag:s4] =	ssyncset.s32 $0xFFFFF086  }
0x25: {  	[simem:s6], [sflag:s4] =	dma.local [hbm:s3], $0xF7A  }
0x26: {  	[smem:$0x3F9F] =	sst s1;
	(tag) =	ssettag s2;
	_ =	strace s9  }
0x27: {  	s1 =	sld [smem:$0x3FAF]  }
0x28: {  	s2 =	sld [smem:$0x3FB0]  }
0x29: {  	s4 =	sld [smem:$0x3FB2]  }
0x2a: {  	p0 =	seq.s32 s5, $0x0;
	s5 =	sld [smem:$0x3FB3]  }
0x2b: {  	s6 =	sld [smem:$0x3FB4]  }
0x2c: {  	s7 =	sld [smem:$0x3FB5]  }
0x2d: {  	s3 =	simm.s32 $0x108;
	s8 =	sld [smem:$0x3FB6]  }
0x2e: {  	s3 =	simm.s32 @!p0 $0x1082;
	s9 =	sld [smem:$0x3FB7]  }
0x2f: {  	lr =	sadd.s32 s0, s3;
	s0 =	sld [smem:$0x3FAE]  }
0x30: {  	s3 =	sld [smem:$0x3FB1]  }
0x31: {  	[smem:$0x3FBA] =	sst s10  }
0x32: {  	s10 =	sld [smem:$0x3FB8];
	_ =	sdelay $0x3  }
0x33: {  	p0 =	seq.s32 s10, $0x1;
	s10 =	sld [smem:$0x3FBA];
	_ =	sdelay $0x3  }
0x34: {  	[smem:$0x3FBA] =	sst s10  }
0x35: {  	s10 =	sld [smem:$0x3FB9];
	_ =	sdelay $0x3  }
0x36: {  	p1 =	seq.s32 s10, $0x1;
	s10 =	sld [smem:$0x3FBA];
	_ =	sdelay $0x3  }
0x37: {  	[smem:$0x3FBA] =	sst s10  }
0x38: {  	s10 =	sld [smem:$0x3FBB]  }
0x39: {  	_ = 	snop;
	(pc) =	sbr.ind lr, $3  }
0x3a: {  	_ = 	snop  }
0x3b: {  	_ = 	snop  }
0x3c: {  	p2 =	seq.s32 s10, $0x1;
	s10 =	sld [smem:$0x3FBA]  }
0x3d: {  	_ =	shalt  }
0x3e: {  	_ =	shalt  }
0x3f: {  	_ =	shalt  }
0x40: {  	_ =	shalt  }
0x41: {  	_ =	shalt  }
0x42: {  	_ =	shalt  }
0x43: {  	_ =	shalt  }
0x44: {  	_ =	shalt  }
0x45: {  	_ =	shalt  }
0x46: {  	_ =	shalt  }
0x47: {  	_ =	shalt  }
0x48: {  	_ =	shalt  }
0x49: {  	_ =	shalt  }
0x4a: {  	_ =	shalt  }
0x4b: {  	_ =	shalt  }
0x4c: {  	_ =	shalt  }
0x4d: {  	_ =	shalt  }
0x4e: {  	_ =	shalt  }
0x4f: {  	_ =	shalt  }
0x50: {  	_ =	shalt  }
0x51: {  	_ =	shalt  }
0x52: {  	_ =	shalt  }
0x53: {  	_ =	shalt  }
0x54: {  	_ =	shalt  }
0x55: {  	_ =	shalt  }
0x56: {  	_ =	shalt  }
0x57: {  	_ =	shalt  }
0x58: {  	_ =	shalt  }
0x59: {  	_ =	shalt  }
0x5a: {  	_ =	shalt  }
0x5b: {  	_ =	shalt  }
0x5c: {  	_ =	shalt  }
0x5d: {  	_ =	shalt  }
0x5e: {  	_ =	shalt  }
0x5f: {  	_ =	shalt  }
0x60: {  	_ =	shalt  }
0x61: {  	_ =	shalt  }
0x62: {  	_ =	shalt  }
0x63: {  	_ =	shalt  }
0x64: {  	_ =	shalt  }
0x65: {  	_ =	shalt  }
0x66: {  	_ =	shalt  }
0x67: {  	_ =	shalt  }
0x68: {  	_ =	shalt  }
0x69: {  	_ =	shalt  }
0x6a: {  	_ =	shalt  }
0x6b: {  	_ =	shalt  }
0x6c: {  	_ =	shalt  }
0x6d: {  	_ =	shalt  }
0x6e: {  	_ =	shalt  }
0x6f: {  	_ =	shalt  }
0x70: {  	_ =	shalt  }
0x71: {  	_ =	shalt  }
0x72: {  	_ =	shalt  }
0x73: {  	_ =	shalt  }
0x74: {  	_ =	shalt  }
0x75: {  	_ =	shalt  }
0x76: {  	_ =	shalt  }
0x77: {  	_ =	shalt  }
0x78: {  	_ =	shalt  }
0x79: {  	_ =	shalt  }
0x7a: {  	_ =	shalt  }
0x7b: {  	_ =	shalt  }
0x7c: {  	_ =	shalt  }
0x7d: {  	_ =	shalt  }
0x7e: {  	_ =	shalt  }
0x7f: {  	_ =	shalt  }
0x80: {  	_ =	shalt  }
0x81: {  	_ =	shalt  }
0x82: {  	_ =	shalt  }
0x83: {  	_ =	shalt  }
0x84: {  	_ =	shalt  }
0x85: {  	_ =	shalt  }
0x86: {  	_ =	shalt  }
0x87: {  	_ =	shalt  }
.Lfunc_end0:
.L_simem_size_0:
called_computation.1_lowered:
.L_overlay_start_0:
0x88: {  	s2 =	sld [smem:$0x3FD9]  }
0x89: {  	s3 =	sld [smem:$0x3FFE];
	_ =	sdelay $0x1  }
0x8a: {  	s1 =	srdreg.scid  }
0x8b: {  	s0 =	sand.u32 $0x1, s1  }
0x8c: {  	s17 =	sshll.u32 s0, $0xA;
	s2 =	sadd.s32 s3, s2  }
0x8d: {  	s2 =	sadd.s32 s2, s17  }
0x8e: {  	[smem:$0x3FC6] =	sst s2  }
0x8f: {  	_ = 	snop  }
0x90: {  	s2 =	sld [smem:$0x3FD0];
	(tm) =	ssettm $0x1  }
0x91: {  	s18 =	sld [smem:$0x3FFB];
	_ =	sdelay $0x3  }
0x92: {  	_ =	strace s18  }
0x93: {  	s3 =	sld [smem:$0x3FFC];
	_ =	sdelay $0x3  }
0x94: {  	_ =	strace s3  }
0x95: {  	s3 =	sld [smem:$0x3FFD];
	_ =	sdelay $0x3  }
0x96: {  	_ =	strace s3  }
0x97: {  	_ =	strace $0x8FFFFFFF  }
0x98: {  	s19 =	sld [smem:$0x3FDB];
	_ =	sdelay $0x1  }
0x99: {  	s4 =	simm.s32 $_scs_section_size  }
0x9a: {  	s5 =	simm.s32 $_size__tile_overlayer_lowered;
	s6 =	simm.s32 $_tile_overlayer_lowered  }
0x9b: {  	s22 =	simm.s32 $0x1BFF;
	s21 =	sshll.u32 s6, $0x1;
	s3 =	sadd.s32 s4, s19  }
0x9c: {  	s7 =	simm.s32 $0x0;
	s20 =	sshll.u32 s5, $0x1;
	s5 =	sadd.s32 s21, s3  }
0x9d: {  	[timem:s7], [sflag:s22] =	dma.local [hbm:s5], s20  }
0x9e: {  	_ =	swait.ge [sflag:s22], s20  }
0x9f: {  	s4 =	ssub.s32 $0x0, s20;
	[sflag:s22] =	ssyncset.done $0x0  }
0xa0: {  	[sflag:s22] =	ssyncadd.s32 s4;
	_ =	sdelay $0x1  }
0xa1: {  	s23 =	simm.s32 $0x1B8B  }
0xa2: {  	_ =	swait.ge [sflag:s23], $0x1  }
0xa3: {  	[sflag:s23] =	ssyncset.done $0x0  }
0xa4: {  	s25 =	simm.s32 $0x1B8E;
	s24 =	sld [smem:$0x3FFE];
	[sflag:s23] =	ssyncadd.s32 $0xFFFFFFFF  }
0xa5: {  	s26 =	simm.s32 $execute0_lowered;
	[smem:$0x3FD2] =	sst s25  }
0xa6: {  	s5 =	sshll.u32 s26, $0x1;
	_ =	strace $0x80000046;
	[dreg:$0x1] =	wrdreg $0xFFFFFFFF  }
0xa7: {  	s28 =	simm.s32 $_size_execute0_lowered;
	s3 =	sadd.s32 s3, s5;
	[dreg:$0x0] =	wrdreg $0x0  }
0xa8: {  	s5 =	sshll.u32 s28, $0x1;
	[dreg:$0x2] =	wrdreg s3  }
0xa9: {  	[dreg:$0x3] =	wrdreg s5  }
0xaa: {  	[dreg:$0x4] =	wrdreg $0xC0  }
0xab: {  	_ =	task [dreg:s7], $0x5FFFF  }
0xac: {  	[dreg:$0x1] =	wrdreg $0xFFFFFFFF  }
0xad: {  	[dreg:$0x0] =	wrdreg $0x60  }
0xae: {  	[dreg:$0x2] =	wrdreg s24  }
0xaf: {  	[dreg:$0x3] =	wrdreg s2  }
0xb0: {  	[dreg:$0x4] =	wrdreg $0x9  }
0xb1: {  	_ =	task.clear_ibuf [dreg:s7], $0x5FFFF;
	_ =	strace $0x90000046  }
0xb2: {  	s29 =	simm.s32 $0x9;
	_ =	strace $0x80000048  }
0xb3: {  	_ =	swait.ge [sflag:s29], $0x1  }
0xb4: {  	[sflag:s29] =	ssyncadd.s32 $0xFFFFFFFF  }
0xb5: {  	_ =	strace $0x90000048  }
0xb6: {  	_ =	sfence  }
0xb7: {  	s30 =	sld [smem:$0x0];
	_ =	sdelay $0x2  }
0xb8: {  	s31 =	sshll.u32 s1, $0xD;
	s1 =	sshrl.u32 s1, $0x2  }
0xb9: {  	s3 =	sand.u32 $0x4000, s31;
	s1 =	sadd.s32 s1, s30  }
0xba: {  	s0 =	sor.u32 s3, s0;
	s1 =	sshll.u32 s1, $0x11  }
0xbb: {  	s0 =	sor.u32 s1, s0  }
0xbc: {  	s0 =	sadd.s32 $0x8F2B, s0  }
0xbd: {  	[sflag:s0] =	ssyncadd.remote.s32 $0x1  }
0xbe: {  	_ =	sfence.sel $0xFFFF  }
0xbf: {  	[dreg:$0x0] =	wrdreg $0xFFFFFFFF;
	(pc) =	sbr.abs _section_cstart, $3  }
0xc0: {  	[dreg:$0x1] =	wrdreg $0xFFFFFFFF  }
0xc1: {  	_ =	task.clear_ibuf [dreg:s7], $0x2FFFF;
	_ =	strace $0x9FFFFFFF  }
0xc2: {  	(tm) =	ssettm $0x7FFFFFFF  }
0xc3: {  	_ =	shalt  }
tec
execute0_lowered:
.L_overlay_start_1:
0x0: {  	(tag) =	ssettag $0x1  }
0x1: {  	v0 =	vimm.s32 $0x1C0  }
0x2: {  	vm0 =	vcmask $0x3700;
	v36 =	vimm.s32 $0x180;
	vm9 =	vcmask $0x2F00  }
0x3: {  	v37 =	vimm.s32 $0x140;
	vm10 =	vcmask $0x2700;
	v38 =	vimm.s32 $0xC0  }
0x4: {  	vm11 =	vcmask $0x1700;
	v1 =	vimm.s32 $0x80;
	v26 =	vlaneseq.u32;
	s3 =	stileid.u32  }
0x5: {  	v2 =	vimm.s32 $0x54329876;
	s0 =	rddreg [dreg:$0x0];
	v51 =	vsel vm0, $0x180, v0;
	v0 =	vsel vm10, $0x100, v37;
	s4 =	sshll.u32 s3, $0x1;
	s3 =	simm.s32 $0x0  }
0x6: {  	vm1 =	vcmask $0xF00;
	vm12 =	vcmask $0x700;
	v54 =	vsel vm11, $0x80, v38;
	[tilespmem:$0x1FE10] =	vst v0;
	[smem:$0x7FF] =	sst s3  }
0x7: {  	v40 =	vimm.s32 $0x40;
	v41 =	vimm.s32 $0x1003130;
	s2 =	rddreg [dreg:$0x1];
	v60 =	vsel vm1, $0x40, v1;
	_ =	strace $0x80000047;
	[tilespmem:$0x1FE20] =	vst v54  }
0x8: {  	v43 =	vimm.s32 $0xD0C0B0A;
	vm13 =	vcmask $0x2F10;
	v59 =	vsel vm12, $0x0, v40;
	[tilespmem:$0x1FE30] =	vst v60  }
0x9: {  	v44 =	vimm.s32 $0x32107654;
	vm14 =	vcmask $0x3F30;
	v62 =	vadd.s32 $0x4E, v26;
	[tilespmem:$0x1FE40] =	vst v59  }
0xa: {  	v46 =	vimm.s32 $0x31302F2E;
	v48 =	vimm.s32 $0xB0A0908;
	v28 =	vadd.s32 $0x5E, v26;
	[tilespmem:$0x1FE50] =	vst v62  }
0xb: {  	v4 =	vimm.s32 $0x98765432;
	v5 =	vimm.s32 $0x2F2E2D2C;
	v24 =	vadd.s32 $0x8C, v26;
	[tilespmem:$0x1FE60] =	vst v28  }
0xc: {  	vm15 =	vcmask $0x1F10;
	v55 =	vimm.s32 $0x76543210;
	v29 =	vadd.s32 $0x9C, v26;
	[tilespmem:$0x1FE80] =	vst v24  }
0xd: {  	v56 =	vimm.s32 $0x2D2C2B2A;
	v6 =	vimm.s32 $0x5040302;
	v23 =	vadd.s32 $0xCA, v26;
	[tilespmem:$0x1FE90] =	vst v29  }
0xe: {  	v7 =	vimm.s32 $0x2B2A2928;
	v3 =	vshrl.u32 v26, $0x3;
	v22 =	vadd.s32 $0x118, v26;
	[tilespmem:$0x1FEB0] =	vst v23  }
0xf: {  	v39 =	vmul.u32 $0x40, v3;
	v3 =	vunpack.c.l.s4.s8 v44;
	v44 =	vadd.s32 $0x146, v26;
	[tilespmem:$0x1FEC0] =	vst v22  }
0x10: {  	v57 =	vimm.s32 $0x3020100;
	v61 =	vimm.s32 $0x27262524;
	v40 =	vadd.s32 $0xDA, v26;
	[tilespmem:$0x1FEE0] =	vst v44  }
0x11: {  	v52 =	vsel vm9, $0x140, v36;
	v0 =	vunpack.c.0.s8.s32 v41;
	v41 =	vadd.s32 $0x108, v26;
	[tilespmem:$0x1FEF0] =	vst v40  }
0x12: {  	v2 =	vunpack.c.l.s4.s8 v2;
	v20 =	vor.u32 $0x10, v26;
	v31 =	vadd.s32 $0x1D2, v26;
	[tilespmem:$0x1FF00] =	vst v41  }
0x13: {  	v27 =	vor.u32 $0x20, v26;
	v4 =	vunpack.c.l.s4.s8 v4;
	v50 =	vunpack.c.0.s8.s32 v5;
	[tilespmem:$0x1FF20] =	vst v31  }
0x14: {  	v5 =	vunpack.c.l.s4.s8 v55;
	v6 =	vunpack.c.0.s8.s32 v6;
	v2 =	vunpack.c.0.s8.s32 v2;
	[tilespmem:$0x1FF50] =	vst v52  }
0x15: {  	v7 =	vunpack.c.0.s8.s32 v7;
	v63 =	vunpack.c.0.s8.s32 v61;
	v61 =	vadd.s32 $0x194, v26;
	[tilespmem:$0x1FF70] =	vst v51  }
0x16: {  	v49 =	vunpack.c.0.s8.s32 v4;
	[tilespmem:$0x1FFA0] =	vst v20;
	v42 =	vand.u32 $0xF, v2;
	v2 =	vunpack.c.0.s8.s32 v43  }
0x17: {  	[tilespmem:$0x1FFC0] =	vst v61;
	v21 =	vadd.s32 $0xC0, v39;
	v45 =	vunpack.c.0.s8.s32 v3;
	v1 =	vsel vm13, v42, v0  }
0x18: {  	[tilespmem:$0x1FFE0] =	vst v27;
	v3 =	vunpack.c.0.s8.s32 v48;
	v47 =	vsel vm14, v2, v1;
	v2 =	vunpack.c.0.s8.s32 v46  }
0x19: {  	s1 =	srdreg.scid;
	v53 =	vsel vm15, v0, v50;
	[tilespmem:$0x1FFB0] =	vst v21;
	v42 =	vadd.s32 $0x156, v26;
	v1 =	vand.u32 $0xF, v45  }
0x1a: {  	s13 =	simm.s32 $0x200;
	s15 =	simm.s32 $0x80;
	s16 =	simm.s32 $0x400;
	v0 =	vsel vm15, v6, v0;
	v45 =	vadd.s32 $0x184, v26;
	[tilespmem:$0x1FF10] =	vst v42;
	v1 =	vsel vm13, v1, v2  }
0x1b: {  	s22 =	simm.s32 $0x2;
	s23 =	simm.s32 $0x8400;
	s28 =	simm.s32 $0xC400;
	v46 =	vadd.s32 $0x1E2, v26;
	[tilespmem:$0x1FED0] =	vst v45;
	v25 =	vsel vm14, v3, v1;
	v1 =	vand.u32 $0xF, v49  }
0x1c: {  	s29 =	simm.s32 $0x380;
	s30 =	simm.s32 $0xE400;
	s31 =	simm.s32 $0x3;
	[tilespmem:$0x1FF30] =	vst v46;
	v3 =	vsel vm15, v50, v7;
	v30 =	vcombine.low v53, v1;
	v1 =	vunpack.c.0.s8.s32 v56  }
0x1d: {  	v58 =	vimm.s32 $0x29282726;
	s17 =	simm.s32 $0x16800;
	s18 =	simm.s32 $0x5;
	s1 =	sand.u32 $0x1, s1;
	v5 =	vunpack.c.0.s8.s32 v5;
	[tilespmem:$0x1FF80] =	vst v47;
	v19 =	vcombine.low v3, v0  }
0x1e: {  	s12 =	simm.s32 $0x0;
	s4 =	sor.u32 s1, s4;
	s1 =	ssub.s32 $0x2, s1;
	v0 =	vsel vm15, v7, v63;
	v63 =	vadd.s32 $0x1C2, v26;
	[tilespmem:$0x1FE70] =	vst v25;
	v8 =	vsel vm15, v2, v1  }
0x1f: {  	s5 =	sadd.s32 $0x2800, s0;
	s4 =	smul.u32 $0x6400, s4;
	s25 =	sshrl.u32 s1, $0x1;
	v6 =	vunpack.c.0.s8.s32 v58;
	[tilespmem:$0x1FFD0] =	vst v63;
	v39 =	vcombine.low v8, v5;
	v5 =	vunpack.c.0.s8.s32 v57  }
0x20: {  	s6 =	sadd.s32 $0x800, s0;
	s0 =	ssub.s32 s1, s25;
	s1 =	simm.s32 $0x10400;
	v55 =	vcombine.low v0, v53;
	[tilespmem:$0x1FEA0] =	vst v30  }
0x21: {  	s7 =	sshrl.u32 s4, $0x3;
	s9 =	sadd.s32 $0x400, s4;
	s0 =	smax.u32 s0, $0x1;
	v1 =	vsel vm15, v1, v6;
	[tilespmem:$0x1FF90] =	vst v19;
	v2 =	vsel vm15, v5, v2  }
0x22: {  	s10 =	sadd.s32 $0x600, s4;
	s7 =	sadd.s32 s5, s7;
	[dreg:$0x5] =	wrdreg s0;
	[tilespmem:$0x1FFF0] =	vst v55;
	v43 =	vcombine.low v1, v2  }
0x23: {  	s11 =	sor.u32 $0x200, s4;
	[dreg:$0x3] =	wrdreg s7;
	s26 =	sadd.s32 $0x40, s7;
	[tilespmem:$0x1FF60] =	vst v39  }
0x24: {  	s0 =	simm.s32 $0x4;
	[dreg:$0x4] =	wrdreg s26;
	s26 =	simm.s32 $0x300;
	[tilespmem:$0x1FF40] =	vst v43  }
.LBB2_1:
0x25: {  	[dreg:$0x6] =	wrdreg s12  }
0x26: {  	s7 =	rddreg [dreg:$0x3]  }
0x27: {  	[tilespmem:s3], [sflag:$0x1] =	stream.linear.gather [hbm4b:s7+s3], $0x200, $0x38;
	[tilespmem:$0x1CC00] =	vst v63  }
0x28: {  	s14 =	rddreg [dreg:$0x4];
	s19 =	simm.s32 $0x1  }
0x29: {  	[tilespmem:s13], [sflag:$0x2] =	stream.linear.gather [hbm4b:s14+s3], $0x200, $0x38;
	[tilespmem:$0x1CC00] =	vst v63  }
0x2a: {  	_ =	swait.ge [sflag:s19], $0x200  }
0x2b: {  	[sflag:s19] =	ssyncset.done $0x0  }
0x2c: {  	[sflag:s19] =	ssyncadd.s32 $0xFFFFFE00  }
0x2d: {  	[tilespmem:s16], [sflag:$0x3] =	stream.indirect.gather [hbm4b:s6+s15], $0x40, s3, s15, $0xb8;
	[tilespmem:$0x1CC00] =	vst v63  }
0x2e: {  	s20 =	simm.s32 $0x2400  }
0x2f: {  	[tilespmem:s20], [sflag:$0x3] =	stream.indirect.gather [hbm4b:s6+s15], $0x40, s15, s15, $0xb8;
	[tilespmem:$0x1CC00] =	vst v63  }
0x30: {  	s21 =	simm.s32 $0x100;
	s8 =	simm.s32 $0x4400  }
0x31: {  	[tilespmem:s8], [sflag:$0x3] =	stream.indirect.gather [hbm4b:s6+s15], $0x40, s21, s15, $0xb8;
	[tilespmem:$0x1CC00] =	vst v63  }
0x32: {  	s24 =	simm.s32 $0x180;
	s25 =	simm.s32 $0x6400;
	s21 =	simm.s32 $0x0  }
0x33: {  	[tilespmem:s25], [sflag:$0x3] =	stream.indirect.gather [hbm4b:s6+s15], $0x40, s24, s15, $0xb8;
	[tilespmem:$0x1CC00] =	vst v63  }
.LBB2_2:
0x34: {  	_ =	swait.ge [sflag:s22], $0x200  }
0x35: {  	[sflag:s22] =	ssyncset.done $0x0  }
0x36: {  	[sflag:s22] =	ssyncadd.s32 $0xFFFFFE00  }
0x37: {  	[tilespmem:s23], [sflag:$0x4] =	stream.indirect.gather [hbm4b:s6+s15], $0x40, s13, s15, $0xb8;
	[tilespmem:$0x1CC00] =	vst v63  }
0x38: {  	s7 =	simm.s32 $0x280;
	s8 =	simm.s32 $0xA400  }
0x39: {  	[tilespmem:s8], [sflag:$0x4] =	stream.indirect.gather [hbm4b:s6+s15], $0x40, s7, s15, $0xb8;
	[tilespmem:$0x1CC00] =	vst v63  }
0x3a: {  	_ = 	snop  }
0x3b: {  	[tilespmem:s28], [sflag:$0x4] =	stream.indirect.gather [hbm4b:s6+s15], $0x40, s26, s15, $0xb8;
	[tilespmem:$0x1CC00] =	vst v63  }
0x3c: {  	_ = 	snop  }
0x3d: {  	[tilespmem:s30], [sflag:$0x4] =	stream.indirect.gather [hbm4b:s6+s15], $0x40, s29, s15, $0xb8;
	[tilespmem:$0x1CC00] =	vst v63  }
0x3e: {  	_ =	swait.ge [sflag:s31], $0x2000  }
0x3f: {  	[sflag:s31] =	ssyncset.done $0x0  }
0x40: {  	[sflag:s31] =	ssyncadd.s32 $0xFFFFE000  }
0x41: {  	_ =	swait.ge [sflag:s31], $0x2000  }
0x42: {  	[sflag:s31] =	ssyncset.done $0x0  }
0x43: {  	p0 =	seq.s32 s21, $0x18;
	[sflag:s31] =	ssyncadd.s32 $0xFFFFE000  }
0x44: {  	p1 =	seq.s32 @!p0 s21, $0x0;
	_ =	swait.ge [sflag:s31], $0x2000  }
0x45: {  	p1 =	por p0, !p1;
	[sflag:s31] =	ssyncset.done $0x0  }
.Ltmp0:
0x46: {  	s8 =	sshll.u32 s21, $0xA;
	[sflag:s31] =	ssyncadd.s32 $0xFFFFE000;
	(pc) =	sbr.rel @!p1 .LBB2_3-.Ltmp0, $4  }
0x47: {  	s7 =	sadd.s32 @!p0 s8, s9;
	_ =	swait.ge [sflag:s31], $0x2000  }
0x48: {  	s7 =	sshrl.u32 @!p0 s7, $0x3;
	[sflag:s31] =	ssyncset.done $0x0  }
0x49: {  	s12 =	simm.s32 @!p0 $0x0;
	s7 =	sadd.s32 @!p0 s5, s7;
	[sflag:s31] =	ssyncadd.s32 $0xFFFFE000  }
0x4a: {  	v53 =	vmov v47;
	[tilespmem:s12], [sflag:$0x1] =	stream.linear.gather @!p0 [hbm4b:s7+s12], $0x200, $0x38;
	[tilespmem:$0x1CC00] =	vst v63  }
.Ltmp1:
0x4b: {  	(pc) =	sbr.rel .LBB2_5-.Ltmp1, $4  }
0x4c: {  	_ = 	snop  }
0x4d: {  	_ =	swait.ge [sflag:s18], $0x6400  }
0x4e: {  	[sflag:s18] =	ssyncset.done $0x0  }
0x4f: {  	p1 =	por $0x0, $0x0;
	[sflag:s18] =	ssyncadd.s32 $0xFFFF9C00  }
.LBB2_3:
0x50: {  	p1 =	por @!p0 $0x1, $0x1  }
.LBB2_5:
0x51: {  	s7 =	simm.s32 $0x0  }
0x52: {  	s25 =	simm.s32 $0x8;
	v0 =	vmov s7  }
0x53: {  	v17 =	vshll.u32 v0, $0x6;
	v0 =	vmov s25  }
0x54: {  	v1 =	vor.u32 v26, v17;
	v47 =	vshll.u32 v0, $0x6  }
0x55: {  	v0 =	vor.u32 v26, v47  }
0x56: {  	s12 =	simm.s32 $0x10  }
0x57: {  	v2 =	vmov s12  }
0x58: {  	v37 =	vshll.u32 v2, $0x6  }
0x59: {  	v2 =	vor.u32 v26, v37;
	v1 =	vld.idx.msk [tilespmem:v1+s16+$0x0], $0xffff  }
0x5a: {  	v3 =	vor.u32 v20, v17;
	v0 =	vld.idx.msk [tilespmem:v0+s16+$0x0], $0xffff  }
0x5b: {  	v4 =	vor.u32 v20, v47;
	_ =	sdelay $0x1  }
0x5c: {  	s12 =	simm.s32 $0x10720  }
0x5d: {  	v2 =	vld.idx.msk [tilespmem:v2+s16+$0x0], $0xffff;
	[tilespmem:s12+$0xFFFFFCE0] =	vst v1  }
0x5e: {  	v1 =	vor.u32 v20, v37;
	[tilespmem:s12+$0xFFFFFE70] =	vst v0;
	v0 =	vld.idx.msk [tilespmem:v3+s16+$0x0], $0xffff  }
0x5f: {  	v3 =	vor.u32 v27, v17;
	v4 =	vld.idx.msk [tilespmem:v4+s16+$0x0], $0xffff  }
0x60: {  	s14 =	simm.s32 $0x18;
	v5 =	vor.u32 v27, v47  }
0x61: {  	v6 =	vmov s14  }
0x62: {  	v32 =	vshll.u32 v6, $0x6;
	[tilespmem:s12+$0x0] =	vst v2  }
0x63: {  	v2 =	vor.u32 v26, v32;
	v1 =	vld.idx.msk [tilespmem:v1+s16+$0x0], $0xffff;
	[tilespmem:s12+$0xFFFFFCF0] =	vst v0  }
0x64: {  	v6 =	vor.u32 v27, v37;
	v0 =	vor.u32 v59, v17;
	v3 =	vld.idx.msk [tilespmem:v3+s16+$0x0], $0xffff;
	[tilespmem:s12+$0xFFFFFE80] =	vst v4  }
0x65: {  	v4 =	vor.u32 v59, v47;
	v0 =	vor.u32 v53, v0;
	v5 =	vld.idx.msk [tilespmem:v5+s16+$0x0], $0xffff  }
0x66: {  	v4 =	vor.u32 v53, v4;
	_ =	sdelay $0x1  }
0x67: {  	v2 =	vld.idx.msk [tilespmem:v2+s16+$0x0], $0xffff;
	[tilespmem:s12+$0x10] =	vst v1  }
0x68: {  	v7 =	vor.u32 v20, v32;
	v1 =	vor.u32 v59, v37;
	v6 =	vld.idx.msk [tilespmem:v6+s16+$0x0], $0xffff;
	[tilespmem:s12+$0xFFFFFD00] =	vst v3  }
0x69: {  	v1 =	vor.u32 v53, v1;
	v0 =	vld.idx.msk [tilespmem:v0+s16+$0x0], $0xffff;
	[tilespmem:s12+$0xFFFFFE90] =	vst v5  }
0x6a: {  	v3 =	vor.u32 v62, v17;
	v4 =	vld.idx.msk [tilespmem:v4+s16+$0x0], $0xffff  }
0x6b: {  	v5 =	vor.u32 v62, v47  }
0x6c: {  	[tilespmem:s12+$0x190] =	vst v2  }
0x6d: {  	v2 =	vld.idx.msk [tilespmem:v7+s16+$0x0], $0xffff;
	[tilespmem:s12+$0x20] =	vst v6  }
0x6e: {  	v6 =	vor.u32 v27, v32;
	v1 =	vld.idx.msk [tilespmem:v1+s16+$0x0], $0xffff;
	[tilespmem:s12+$0xFFFFFD10] =	vst v0  }
0x6f: {  	v0 =	vor.u32 v62, v37;
	v3 =	vld.idx.msk [tilespmem:v3+s16+$0x0], $0xffff;
	[tilespmem:s12+$0xFFFFFEA0] =	vst v4  }
0x70: {  	v4 =	vld.idx.msk [tilespmem:v5+s16+$0x0], $0xffff;
	v5 =	vor.u32 v28, v17  }
0x71: {  	v7 =	vor.u32 v28, v47  }
0x72: {  	[tilespmem:s12+$0x1A0] =	vst v2  }
0x73: {  	v2 =	vor.u32 v59, v32;
	v6 =	vld.idx.msk [tilespmem:v6+s16+$0x0], $0xffff;
	[tilespmem:s12+$0x30] =	vst v1  }
0x74: {  	v1 =	vor.u32 v53, v2;
	v0 =	vld.idx.msk [tilespmem:v0+s16+$0x0], $0xffff;
	[tilespmem:s12+$0xFFFFFD20] =	vst v3  }
0x75: {  	v2 =	vor.u32 v60, v17;
	v3 =	vor.u32 v28, v37;
	v5 =	vld.idx.msk [tilespmem:v5+s16+$0x0], $0xffff;
	[tilespmem:s12+$0xFFFFFEB0] =	vst v4  }
0x76: {  	v2 =	vor.u32 v25, v2;
	v4 =	vor.u32 v60, v47;
	v7 =	vld.idx.msk [tilespmem:v7+s16+$0x0], $0xffff  }
0x77: {  	v4 =	vor.u32 v25, v4  }
0x78: {  	[tilespmem:s12+$0x1B0] =	vst v6  }
0x79: {  	v1 =	vld.idx.msk [tilespmem:v1+s16+$0x0], $0xffff;
	[tilespmem:s12+$0x40] =	vst v0  }
0x7a: {  	v6 =	vor.u32 v62, v32;
	v0 =	vor.u32 v60, v37;
	v3 =	vld.idx.msk [tilespmem:v3+s16+$0x0], $0xffff;
	[tilespmem:s12+$0xFFFFFD30] =	vst v5  }
0x7b: {  	v0 =	vor.u32 v25, v0;
	v2 =	vld.idx.msk [tilespmem:v2+s16+$0x0], $0xffff;
	[tilespmem:s12+$0xFFFFFEC0] =	vst v7  }
0x7c: {  	v5 =	vor.u32 v24, v17;
	v4 =	vld.idx.msk [tilespmem:v4+s16+$0x0], $0xffff  }
0x7d: {  	v7 =	vor.u32 v24, v47  }
0x7e: {  	[tilespmem:s12+$0x1C0] =	vst v1  }
0x7f: {  	v1 =	vld.idx.msk [tilespmem:v6+s16+$0x0], $0xffff;
	[tilespmem:s12+$0x50] =	vst v3  }
0x80: {  	v3 =	vor.u32 v28, v32;
	v0 =	vld.idx.msk [tilespmem:v0+s16+$0x0], $0xffff;
	[tilespmem:s12+$0xFFFFFD40] =	vst v2  }
0x81: {  	v2 =	vor.u32 v24, v37;
	v5 =	vld.idx.msk [tilespmem:v5+s16+$0x0], $0xffff;
	[tilespmem:s12+$0xFFFFFED0] =	vst v4  }
0x82: {  	v6 =	vor.u32 v29, v17;
	v4 =	vld.idx.msk [tilespmem:v7+s16+$0x0], $0xffff  }
0x83: {  	v7 =	vor.u32 v29, v47  }
0x84: {  	[tilespmem:s12+$0x1D0] =	vst v1  }
0x85: {  	v1 =	vor.u32 v60, v32;
	v3 =	vld.idx.msk [tilespmem:v3+s16+$0x0], $0xffff;
	[tilespmem:s12+$0x60] =	vst v0  }
0x86: {  	v0 =	vor.u32 v25, v1;
	v1 =	vld.idx.msk [tilespmem:v2+s16+$0x0], $0xffff;
	[tilespmem:s12+$0xFFFFFD50] =	vst v5  }
0x87: {  	v2 =	vor.u32 v54, v17;
	v5 =	vor.u32 v29, v37;
	v6 =	vld.idx.msk [tilespmem:v6+s16+$0x0], $0xffff;
	[tilespmem:s12+$0xFFFFFEE0] =	vst v4  }
0x88: {  	v2 =	vor.u32 v30, v2;
	v4 =	vor.u32 v54, v47;
	v7 =	vld.idx.msk [tilespmem:v7+s16+$0x0], $0xffff  }
0x89: {  	v4 =	vor.u32 v30, v4  }
0x8a: {  	[tilespmem:s12+$0x1E0] =	vst v3  }
0x8b: {  	v0 =	vld.idx.msk [tilespmem:v0+s16+$0x0], $0xffff;
	[tilespmem:s12+$0x70] =	vst v1  }
0x8c: {  	v3 =	vor.u32 v24, v32;
	v1 =	vor.u32 v54, v37;
	v5 =	vld.idx.msk [tilespmem:v5+s16+$0x0], $0xffff;
	[tilespmem:s12+$0xFFFFFD60] =	vst v6  }
0x8d: {  	v1 =	vor.u32 v30, v1;
	v2 =	vld.idx.msk [tilespmem:v2+s16+$0x0], $0xffff;
	[tilespmem:s12+$0xFFFFFEF0] =	vst v7  }
0x8e: {  	v6 =	vor.u32 v23, v17;
	v4 =	vld.idx.msk [tilespmem:v4+s16+$0x0], $0xffff  }
0x8f: {  	v7 =	vor.u32 v23, v47  }
0x90: {  	[tilespmem:s12+$0x1F0] =	vst v0  }
0x91: {  	v0 =	vld.idx.msk [tilespmem:v3+s16+$0x0], $0xffff;
	[tilespmem:s12+$0x80] =	vst v5  }
0x92: {  	v3 =	vor.u32 v29, v32;
	v1 =	vld.idx.msk [tilespmem:v1+s16+$0x0], $0xffff;
	[tilespmem:s12+$0xFFFFFD70] =	vst v2  }
0x93: {  	v2 =	vor.u32 v23, v37;
	v5 =	vld.idx.msk [tilespmem:v6+s16+$0x0], $0xffff;
	[tilespmem:s12+$0xFFFFFF00] =	vst v4  }
0x94: {  	v6 =	vor.u32 v40, v17;
	v4 =	vld.idx.msk [tilespmem:v7+s16+$0x0], $0xffff  }
0x95: {  	v7 =	vor.u32 v40, v47  }
0x96: {  	[tilespmem:s12+$0x200] =	vst v0  }
0x97: {  	v0 =	vor.u32 v54, v32;
	v3 =	vld.idx.msk [tilespmem:v3+s16+$0x0], $0xffff;
	[tilespmem:s12+$0x90] =	vst v1  }
0x98: {  	v0 =	vor.u32 v30, v0;
	v1 =	vld.idx.msk [tilespmem:v2+s16+$0x0], $0xffff;
	[tilespmem:s12+$0xFFFFFD80] =	vst v5  }
0x99: {  	v2 =	vor.u32 v21, v17;
	v5 =	vor.u32 v40, v37;
	v6 =	vld.idx.msk [tilespmem:v6+s16+$0x0], $0xffff;
	[tilespmem:s12+$0xFFFFFF10] =	vst v4  }
0x9a: {  	v2 =	vor.u32 v39, v2;
	v4 =	vor.u32 v21, v47;
	v7 =	vld.idx.msk [tilespmem:v7+s16+$0x0], $0xffff  }
0x9b: {  	v4 =	vor.u32 v39, v4  }
0x9c: {  	[tilespmem:s12+$0x210] =	vst v3  }
0x9d: {  	v0 =	vld.idx.msk [tilespmem:v0+s16+$0x0], $0xffff;
	[tilespmem:s12+$0xA0] =	vst v1  }
0x9e: {  	v3 =	vor.u32 v23, v32;
	v1 =	vor.u32 v21, v37;
	v5 =	vld.idx.msk [tilespmem:v5+s16+$0x0], $0xffff;
	[tilespmem:s12+$0xFFFFFD90] =	vst v6  }
0x9f: {  	v1 =	vor.u32 v39, v1;
	v2 =	vld.idx.msk [tilespmem:v2+s16+$0x0], $0xffff;
	[tilespmem:s12+$0xFFFFFF20] =	vst v7  }
0xa0: {  	v6 =	vor.u32 v41, v17;
	v4 =	vld.idx.msk [tilespmem:v4+s16+$0x0], $0xffff  }
0xa1: {  	v7 =	vor.u32 v41, v47  }
0xa2: {  	[tilespmem:s12+$0x220] =	vst v0  }
0xa3: {  	v0 =	vld.idx.msk [tilespmem:v3+s16+$0x0], $0xffff;
	[tilespmem:s12+$0xB0] =	vst v5  }
0xa4: {  	v1 =	vld.idx.msk [tilespmem:v1+s16+$0x0], $0xffff;
	[tilespmem:s12+$0xFFFFFDA0] =	vst v2  }
0xa5: {  	v2 =	vor.u32 v41, v37;
	v5 =	vld.idx.msk [tilespmem:v6+s16+$0x0], $0xffff;
	[tilespmem:s12+$0xFFFFFF30] =	vst v4  }
0xa6: {  	s19 =	simm.s32 $0x20;
	v6 =	vor.u32 v22, v17;
	v4 =	vld.idx.msk [tilespmem:v7+s16+$0x0], $0xffff  }
0xa7: {  	s20 =	simm.s32 $0x28;
	v7 =	vmov s19  }
0xa8: {  	s24 =	simm.s32 $0x30;
	v8 =	vor.u32 v22, v47;
	[tilespmem:s12+$0x230] =	vst v0;
	v33 =	vshll.u32 v7, $0x6;
	v7 =	vmov s20  }
0xa9: {  	s25 =	simm.s32 $0x38;
	v35 =	vshll.u32 v7, $0x6;
	v7 =	vmov s24;
	[tilespmem:s12+$0xC0] =	vst v1  }
0xaa: {  	v3 =	vor.u32 v40, v32;
	v36 =	vshll.u32 v7, $0x6;
	v7 =	vmov s25;
	v2 =	vld.idx.msk [tilespmem:v2+s16+$0x0], $0xffff;
	[tilespmem:s12+$0xFFFFFDB0] =	vst v5  }
0xab: {  	v5 =	vor.u32 v26, v36;
	v34 =	vshll.u32 v7, $0x6;
	v6 =	vld.idx.msk [tilespmem:v6+s16+$0x0], $0xffff;
	[tilespmem:s12+$0xFFFFFF40] =	vst v4  }
0xac: {  	v4 =	vor.u32 v26, v34;
	v18 =	vld [tilespmem:$0x1FE10]  }
0xad: {  	v8 =	vld.idx.msk [tilespmem:v8+s16+$0x0], $0xffff  }
0xae: {  	v0 =	vor.u32 v26, v33  }
0xaf: {  	v9 =	vor.u32 v22, v37;
	v3 =	vld.idx.msk [tilespmem:v3+s16+$0x0], $0xffff  }
0xb0: {  	v1 =	vor.u32 v26, v35;
	[tilespmem:s12+$0xD0] =	vst v2;
	v2 =	vld.idx.msk [tilespmem:v5+s16+$0x0], $0xffff  }
0xb1: {  	[tilespmem:s12+$0xFFFFFDC0] =	vst v6;
	v6 =	vor.u32 v20, v36;
	v4 =	vld.idx.msk [tilespmem:v4+s16+$0x0], $0xffff  }
0xb2: {  	v7 =	vor.u32 v18, v17;
	[tilespmem:s12+$0xFFFFFF50] =	vst v8;
	v8 =	vor.u32 v20, v34  }
0xb3: {  	v0 =	vld.idx.msk [tilespmem:v0+s16+$0x0], $0xffff;
	v7 =	vor.u32 v19, v7  }
0xb4: {  	s7 =	simm.s32 $0x10D60;
	[tilespmem:s12+$0x240] =	vst v3;
	v9 =	vld.idx.msk [tilespmem:v9+s16+$0x0], $0xffff  }
0xb5: {  	v3 =	vor.u32 v20, v33;
	v1 =	vld.idx.msk [tilespmem:v1+s16+$0x0], $0xffff;
	[tilespmem:s7+$0x0] =	vst v2  }
0xb6: {  	v5 =	vor.u32 v20, v35;
	[tilespmem:s7+$0x190] =	vst v4;
	v4 =	vld.idx.msk [tilespmem:v6+s16+$0x0], $0xffff  }
0xb7: {  	v10 =	vor.u32 v18, v37;
	v6 =	vor.u32 v27, v36;
	v8 =	vld.idx.msk [tilespmem:v8+s16+$0x0], $0xffff  }
0xb8: {  	v10 =	vor.u32 v19, v10;
	[tilespmem:s7+$0xFFFFFCE0] =	vst v0;
	v0 =	vld.idx.msk [tilespmem:v7+s16+$0x0], $0xffff  }
0xb9: {  	[tilespmem:s12+$0xE0] =	vst v9;
	v9 =	vor.u32 v27, v34  }
0xba: {  	[tilespmem:s7+$0xFFFFFE70] =	vst v1;
	v1 =	vld.idx.msk [tilespmem:v3+s16+$0x0], $0xffff;
	v3 =	vor.u32 v44, v17  }
0xbb: {  	v2 =	vor.u32 v27, v33;
	v5 =	vld.idx.msk [tilespmem:v5+s16+$0x0], $0xffff;
	[tilespmem:s7+$0x10] =	vst v4  }
0xbc: {  	v7 =	vor.u32 v27, v35;
	v6 =	vld.idx.msk [tilespmem:v6+s16+$0x0], $0xffff;
	[tilespmem:s7+$0x1A0] =	vst v8  }
0xbd: {  	v4 =	vor.u32 v59, v36;
	[tilespmem:s12+$0xFFFFFDD0] =	vst v0;
	v0 =	vld.idx.msk [tilespmem:v10+s16+$0x0], $0xffff  }
0xbe: {  	v4 =	vor.u32 v53, v4;
	v9 =	vld.idx.msk [tilespmem:v9+s16+$0x0], $0xffff  }
0xbf: {  	[tilespmem:s7+$0xFFFFFCF0] =	vst v1;
	v10 =	vor.u32 v18, v47;
	v1 =	vld.idx.msk [tilespmem:v3+s16+$0x0], $0xffff;
	v3 =	vor.u32 v44, v37  }
0xc0: {  	v11 =	vor.u32 v59, v33;
	v2 =	vld.idx.msk [tilespmem:v2+s16+$0x0], $0xffff;
	[tilespmem:s7+$0xFFFFFE80] =	vst v5;
	v5 =	vor.u32 v19, v10  }
0xc1: {  	v11 =	vor.u32 v53, v11;
	v7 =	vld.idx.msk [tilespmem:v7+s16+$0x0], $0xffff;
	v10 =	vor.u32 v59, v35;
	[tilespmem:s7+$0x20] =	vst v6  }
0xc2: {  	v8 =	vor.u32 v59, v34;
	v10 =	vor.u32 v53, v10;
	[tilespmem:s12+$0xF0] =	vst v0  }
0xc3: {  	v0 =	vor.u32 v53, v8;
	v4 =	vld.idx.msk [tilespmem:v4+s16+$0x0], $0xffff;
	[tilespmem:s7+$0x1B0] =	vst v9  }
0xc4: {  	v9 =	vor.u32 v42, v17;
	[tilespmem:s12+$0xFFFFFDE0] =	vst v1;
	v1 =	vld.idx.msk [tilespmem:v3+s16+$0x0], $0xffff  }
0xc5: {  	[tilespmem:s7+$0xFFFFFD00] =	vst v2;
	v2 =	vld.idx.msk [tilespmem:v5+s16+$0x0], $0xffff;
	v3 =	vor.u32 v42, v37  }
0xc6: {  	[tilespmem:s7+$0xFFFFFE90] =	vst v7;
	v7 =	vor.u32 v44, v47;
	v5 =	vld.idx.msk [tilespmem:v11+s16+$0x0], $0xffff  }
0xc7: {  	v8 =	vor.u32 v62, v33;
	v10 =	vld.idx.msk [tilespmem:v10+s16+$0x0], $0xffff  }
0xc8: {  	v6 =	vor.u32 v62, v35;
	v0 =	vld.idx.msk [tilespmem:v0+s16+$0x0], $0xffff;
	[tilespmem:s7+$0x30] =	vst v4  }
0xc9: {  	v9 =	vld.idx.msk [tilespmem:v9+s16+$0x0], $0xffff;
	[tilespmem:s12+$0x100] =	vst v1;
	v1 =	vor.u32 v62, v36  }
0xca: {  	v11 =	vor.u32 v62, v34;
	[tilespmem:s12+$0xFFFFFF60] =	vst v2;
	v2 =	vld.idx.msk [tilespmem:v3+s16+$0x0], $0xffff;
	v3 =	vor.u32 v52, v37  }
0xcb: {  	[tilespmem:s7+$0xFFFFFD10] =	vst v5;
	v5 =	vld.idx.msk [tilespmem:v7+s16+$0x0], $0xffff;
	v3 =	vor.u32 v43, v3  }
0xcc: {  	v7 =	vld.idx.msk [tilespmem:v8+s16+$0x0], $0xffff;
	[tilespmem:s7+$0xFFFFFEA0] =	vst v10;
	v8 =	vor.u32 v42, v47  }
0xcd: {  	v4 =	vor.u32 v28, v33;
	v6 =	vld.idx.msk [tilespmem:v6+s16+$0x0], $0xffff;
	[tilespmem:s7+$0x1C0] =	vst v0  }
0xce: {  	v10 =	vor.u32 v28, v35;
	v0 =	vor.u32 v52, v17;
	[tilespmem:s12+$0xFFFFFDF0] =	vst v9;
	v1 =	vld.idx.msk [tilespmem:v1+s16+$0x0], $0xffff  }
0xcf: {  	v0 =	vor.u32 v43, v0;
	[tilespmem:s12+$0x110] =	vst v2;
	v2 =	vld.idx.msk [tilespmem:v11+s16+$0x0], $0xffff  }
0xd0: {  	[tilespmem:s12+$0xFFFFFF70] =	vst v5;
	v5 =	vor.u32 v28, v36;
	v3 =	vld.idx.msk [tilespmem:v3+s16+$0x0], $0xffff  }
0xd1: {  	[tilespmem:s7+$0xFFFFFD20] =	vst v7;
	v7 =	vor.u32 v21, v32;
	v11 =	vor.u32 v28, v34;
	v8 =	vld.idx.msk [tilespmem:v8+s16+$0x0], $0xffff  }
0xd2: {  	[tilespmem:s7+$0xFFFFFEB0] =	vst v6;
	v6 =	vor.u32 v39, v7;
	v4 =	vld.idx.msk [tilespmem:v4+s16+$0x0], $0xffff  }
0xd3: {  	v9 =	vor.u32 v45, v37;
	v7 =	vor.u32 v60, v33;
	v10 =	vld.idx.msk [tilespmem:v10+s16+$0x0], $0xffff;
	[tilespmem:s7+$0x40] =	vst v1  }
0xd4: {  	v7 =	vor.u32 v25, v7;
	v1 =	vor.u32 v60, v35;
	v0 =	vld.idx.msk [tilespmem:v0+s16+$0x0], $0xffff;
	[tilespmem:s7+$0x1D0] =	vst v2  }
0xd5: {  	v2 =	vor.u32 v52, v47;
	v1 =	vor.u32 v25, v1;
	v5 =	vld.idx.msk [tilespmem:v5+s16+$0x0], $0xffff;
	[tilespmem:s12+$0x120] =	vst v3  }
0xd6: {  	v3 =	vor.u32 v60, v36;
	v2 =	vor.u32 v43, v2;
	v11 =	vld.idx.msk [tilespmem:v11+s16+$0x0], $0xffff;
	[tilespmem:s12+$0xFFFFFF80] =	vst v8  }
0xd7: {  	v6 =	vld.idx.msk [tilespmem:v6+s16+$0x0], $0xffff;
	v8 =	vor.u32 v60, v34;
	[tilespmem:s7+$0xFFFFFD30] =	vst v4;
	v3 =	vor.u32 v25, v3  }
0xd8: {  	v4 =	vld.idx.msk [tilespmem:v9+s16+$0x0], $0xffff;
	v8 =	vor.u32 v25, v8;
	[tilespmem:s7+$0xFFFFFEC0] =	vst v10  }
0xd9: {  	v7 =	vld.idx.msk [tilespmem:v7+s16+$0x0], $0xffff;
	v9 =	vor.u32 v41, v32;
	[tilespmem:s12+$0xFFFFFE00] =	vst v0  }
0xda: {  	v0 =	vld.idx.msk [tilespmem:v1+s16+$0x0], $0xffff;
	v1 =	vor.u32 v61, v37;
	[tilespmem:s7+$0x50] =	vst v5  }
0xdb: {  	v5 =	vor.u32 v24, v33;
	v2 =	vld.idx.msk [tilespmem:v2+s16+$0x0], $0xffff;
	[tilespmem:s7+$0x1E0] =	vst v11  }
0xdc: {  	v10 =	vor.u32 v24, v35;
	[tilespmem:s12+$0x250] =	vst v6;
	v3 =	vld.idx.msk [tilespmem:v3+s16+$0x0], $0xffff  }
0xdd: {  	v6 =	vld.idx.msk [tilespmem:v8+s16+$0x0], $0xffff;
	v8 =	vor.u32 v45, v47;
	[tilespmem:s12+$0x130] =	vst v4  }
0xde: {  	v4 =	vor.u32 v24, v36;
	v9 =	vld.idx.msk [tilespmem:v9+s16+$0x0], $0xffff;
	[tilespmem:s7+$0xFFFFFD40] =	vst v7  }
0xdf: {  	v7 =	vor.u32 v24, v34;
	v1 =	vld.idx.msk [tilespmem:v1+s16+$0x0], $0xffff;
	[tilespmem:s7+$0xFFFFFED0] =	vst v0  }
0xe0: {  	v11 =	vor.u32 v22, v32;
	v0 =	vor.u32 v51, v37;
	v5 =	vld.idx.msk [tilespmem:v5+s16+$0x0], $0xffff;
	[tilespmem:s12+$0xFFFFFF90] =	vst v2  }
0xe1: {  	v2 =	vld.idx.msk [tilespmem:v10+s16+$0x0], $0xffff;
	v0 =	vor.u32 v55, v0;
	[tilespmem:s7+$0x60] =	vst v3  }
0xe2: {  	v3 =	vor.u32 v29, v33;
	v8 =	vld.idx.msk [tilespmem:v8+s16+$0x0], $0xffff;
	[tilespmem:s7+$0x1F0] =	vst v6  }
0xe3: {  	v6 =	vor.u32 v29, v35;
	[tilespmem:s12+$0x260] =	vst v9;
	v4 =	vld.idx.msk [tilespmem:v4+s16+$0x0], $0xffff  }
0xe4: {  	v9 =	vor.u32 v61, v47;
	v7 =	vld.idx.msk [tilespmem:v7+s16+$0x0], $0xffff;
	[tilespmem:s12+$0x140] =	vst v1  }
0xe5: {  	v10 =	vld.idx.msk [tilespmem:v11+s16+$0x0], $0xffff;
	v11 =	vor.u32 v29, v34;
	[tilespmem:s7+$0xFFFFFD50] =	vst v5  }
0xe6: {  	v1 =	vor.u32 v29, v36;
	v5 =	vor.u32 v18, v32;
	v0 =	vld.idx.msk [tilespmem:v0+s16+$0x0], $0xffff;
	[tilespmem:s7+$0xFFFFFEE0] =	vst v2  }
0xe7: {  	v2 =	vld.idx.msk [tilespmem:v3+s16+$0x0], $0xffff;
	v3 =	vor.u32 v19, v5;
	[tilespmem:s12+$0xFFFFFFA0] =	vst v8  }
0xe8: {  	v5 =	vor.u32 v54, v33;
	v6 =	vld.idx.msk [tilespmem:v6+s16+$0x0], $0xffff;
	v8 =	vor.u32 v63, v37;
	[tilespmem:s7+$0x70] =	vst v4  }
0xe9: {  	v4 =	vor.u32 v54, v35;
	v5 =	vor.u32 v30, v5;
	v9 =	vld.idx.msk [tilespmem:v9+s16+$0x0], $0xffff;
	[tilespmem:s7+$0x200] =	vst v7  }
0xea: {  	v7 =	vor.u32 v51, v47;
	[tilespmem:s12+$0x270] =	vst v10;
	v4 =	vor.u32 v30, v4;
	v11 =	vld.idx.msk [tilespmem:v11+s16+$0x0], $0xffff  }
0xeb: {  	v10 =	vor.u32 v54, v36;
	v7 =	vor.u32 v55, v7;
	v1 =	vld.idx.msk [tilespmem:v1+s16+$0x0], $0xffff;
	[tilespmem:s12+$0x150] =	vst v0  }
0xec: {  	v10 =	vor.u32 v30, v10;
	v0 =	vor.u32 v54, v34;
	v3 =	vld.idx.msk [tilespmem:v3+s16+$0x0], $0xffff;
	[tilespmem:s7+$0xFFFFFD60] =	vst v2  }
0xed: {  	v0 =	vor.u32 v30, v0;
	v2 =	vld.idx.msk [tilespmem:v8+s16+$0x0], $0xffff;
	[tilespmem:s7+$0xFFFFFEF0] =	vst v6  }
0xee: {  	v6 =	vor.u32 v44, v32;
	v5 =	vld.idx.msk [tilespmem:v5+s16+$0x0], $0xffff;
	[tilespmem:s12+$0xFFFFFFB0] =	vst v9  }
0xef: {  	v8 =	vor.u32 v31, v37;
	v4 =	vld.idx.msk [tilespmem:v4+s16+$0x0], $0xffff;
	[tilespmem:s7+$0x210] =	vst v11  }
0xf0: {  	v7 =	vld.idx.msk [tilespmem:v7+s16+$0x0], $0xffff;
	[tilespmem:s7+$0x80] =	vst v1;
	v1 =	vor.u32 v23, v33  }
0xf1: {  	v9 =	vor.u32 v23, v35;
	v10 =	vld.idx.msk [tilespmem:v10+s16+$0x0], $0xffff;
	[tilespmem:s12+$0x280] =	vst v3  }
0xf2: {  	v3 =	vor.u32 v45, v17;
	v0 =	vld.idx.msk [tilespmem:v0+s16+$0x0], $0xffff;
	[tilespmem:s12+$0x160] =	vst v2  }
0xf3: {  	v2 =	vor.u32 v23, v36;
	v6 =	vld.idx.msk [tilespmem:v6+s16+$0x0], $0xffff;
	[tilespmem:s7+$0xFFFFFD70] =	vst v5  }
0xf4: {  	v5 =	vor.u32 v23, v34;
	v8 =	vld.idx.msk [tilespmem:v8+s16+$0x0], $0xffff;
	[tilespmem:s7+$0xFFFFFF00] =	vst v4  }
0xf5: {  	v4 =	vor.u32 v42, v32;
	[tilespmem:s12+$0xFFFFFFC0] =	vst v7;
	v1 =	vld.idx.msk [tilespmem:v1+s16+$0x0], $0xffff  }
0xf6: {  	v11 =	vor.u32 v46, v37;
	v9 =	vld.idx.msk [tilespmem:v9+s16+$0x0], $0xffff;
	[tilespmem:s7+$0x90] =	vst v10  }
0xf7: {  	v12 =	vor.u32 v40, v33;
	v3 =	vld.idx.msk [tilespmem:v3+s16+$0x0], $0xffff;
	[tilespmem:s7+$0x220] =	vst v0  }
0xf8: {  	v0 =	vor.u32 v40, v35;
	v2 =	vld.idx.msk [tilespmem:v2+s16+$0x0], $0xffff;
	[tilespmem:s12+$0x290] =	vst v6  }
0xf9: {  	v13 =	vor.u32 v61, v17;
	v5 =	vld.idx.msk [tilespmem:v5+s16+$0x0], $0xffff;
	[tilespmem:s12+$0x170] =	vst v8  }
0xfa: {  	v14 =	vor.u32 v51, v32;
	v4 =	vld.idx.msk [tilespmem:v4+s16+$0x0], $0xffff;
	[tilespmem:s7+$0xFFFFFD80] =	vst v1  }
0xfb: {  	v48 =	vor.u32 v22, v35;
	v15 =	vor.u32 v40, v36;
	v11 =	vld.idx.msk [tilespmem:v11+s16+$0x0], $0xffff;
	[tilespmem:s7+$0xFFFFFF10] =	vst v9  }
0xfc: {  	v16 =	vor.u32 v40, v34;
	v7 =	vor.u32 v52, v32;
	v9 =	vld.idx.msk [tilespmem:v12+s16+$0x0], $0xffff;
	[tilespmem:s12+$0xFFFFFE10] =	vst v3  }
0xfd: {  	v7 =	vor.u32 v43, v7;
	v6 =	vor.u32 v21, v33;
	v0 =	vld.idx.msk [tilespmem:v0+s16+$0x0], $0xffff;
	[tilespmem:s7+$0xA0] =	vst v2  }
0xfe: {  	v12 =	vor.u32 v63, v47;
	v2 =	vor.u32 v39, v6;
	v6 =	vld.idx.msk [tilespmem:v13+s16+$0x0], $0xffff;
	[tilespmem:s7+$0x230] =	vst v5  }
0xff: {  	v49 =	vor.u32 v18, v33;
	v50 =	vor.u32 v18, v36;
	v8 =	vor.u32 v21, v35;
	[tilespmem:s12+$0x2A0] =	vst v4  }
0x100: {  	v44 =	vor.u32 v18, v35;
	v5 =	vor.u32 v39, v8;
	v8 =	vld.idx.msk [tilespmem:v15+s16+$0x0], $0xffff;
	[tilespmem:s12+$0x180] =	vst v11  }
0x101: {  	v10 =	vor.u32 v51, v17;
	v1 =	vor.u32 v21, v36;
	v4 =	vld.idx.msk [tilespmem:v16+s16+$0x0], $0xffff;
	[tilespmem:s7+$0xFFFFFD90] =	vst v9  }
0x102: {  	v10 =	vor.u32 v55, v10;
	v1 =	vor.u32 v39, v1;
	v7 =	vld.idx.msk [tilespmem:v7+s16+$0x0], $0xffff;
	[tilespmem:s7+$0xFFFFFF20] =	vst v0  }
0x103: {  	v3 =	vor.u32 v21, v34;
	v9 =	vld.idx.msk [tilespmem:v12+s16+$0x0], $0xffff;
	[tilespmem:s12+$0xFFFFFE20] =	vst v6;
	v6 =	vor.u32 v51, v36  }
0x104: {  	v62 =	vmov v46;
	v46 =	vor.u32 v18, v34;
	v3 =	vor.u32 v39, v3;
	v0 =	vld.idx.msk [tilespmem:v2+s16+$0x0], $0xffff;
	[tilespmem:$0x1FDF0] =	vst v6  }
0x105: {  	v13 =	vmov v41;
	v2 =	vor.u32 v45, v32;
	[tilespmem:s7+$0xB0] =	vst v8;
	v8 =	vor.u32 v51, v35  }
0x106: {  	v42 =	vor.u32 v52, v35;
	v11 =	vor.u32 v13, v33;
	v5 =	vld.idx.msk [tilespmem:v5+s16+$0x0], $0xffff;
	[tilespmem:$0x1FE00] =	vst v8  }
0x107: {  	v43 =	vor.u32 v52, v34;
	v6 =	vor.u32 v31, v47;
	v12 =	vld.idx.msk [tilespmem:v10+s16+$0x0], $0xffff;
	[tilespmem:s7+$0x240] =	vst v4  }
0x108: {  	v40 =	vor.u32 v52, v36;
	v4 =	vor.u32 v13, v35;
	v15 =	vld.idx.msk [tilespmem:v1+s16+$0x0], $0xffff;
	[tilespmem:s12+$0x2B0] =	vst v7  }
0x109: {  	v41 =	vor.u32 v52, v33;
	v16 =	vor.u32 v63, v17;
	[tilespmem:s12+$0xFFFFFFD0] =	vst v9;
	v58 =	vld.idx.msk [tilespmem:v3+s16+$0x0], $0xffff  }
0x10a: {  	v39 =	vor.u32 v51, v33;
	v51 =	vor.u32 v51, v34;
	[tilespmem:s7+$0xFFFFFDA0] =	vst v0;
	v8 =	vld.idx.msk [tilespmem:v2+s16+$0x0], $0xffff  }
0x10b: {  	v13 =	vor.u32 v13, v36;
	v9 =	vor.u32 v61, v32;
	v1 =	vor.u32 v63, v32;
	v10 =	vld.idx.msk [tilespmem:v11+s16+$0x0], $0xffff  }
0x10c: {  	v0 =	vor.u32 v62, v17;
	v2 =	vor.u32 v31, v17;
	v7 =	vld.idx.msk [tilespmem:v6+s16+$0x0], $0xffff;
	[tilespmem:s7+$0xFFFFFF30] =	vst v5  }
0x10d: {  	v3 =	vor.u32 v31, v32;
	v5 =	vor.u32 v62, v47;
	[tilespmem:s12+$0xFFFFFE30] =	vst v12;
	v11 =	vld.idx.msk [tilespmem:v4+s16+$0x0], $0xffff  }
0x10e: {  	s14 =	simm.s32 $0x10D60;
	s19 =	simm.s32 $0x4;
	s20 =	simm.s32 $0x40;
	[tilespmem:s7+$0xC0] =	vst v15;
	v12 =	vor.u32 v22, v33;
	v4 =	vor.u32 v55, v14;
	v6 =	vld.idx.msk [tilespmem:v16+s16+$0x0], $0xffff  }
.LBB2_6:
0x10f: {  	_ = 	snop  }
0x110: {  	v14 =	vmov s20;
	s24 =	sadd.s32 $0x8, s20  }
0x111: {  	v13 =	vld.idx.msk [tilespmem:v13+s16+$0x0], $0xffff;
	[tilespmem:s7+$0xFFFFFDB0] =	vst v10;
	v47 =	vshll.u32 v14, $0x6;
	v14 =	vmov s24  }
0x112: {  	v17 =	vmov v51;
	v28 =	vld [tilespmem:$0x1FE10];
	v52 =	vshll.u32 v14, $0x6;
	[tilespmem:s12+$0xFFFFFFE0] =	vst v7  }
0x113: {  	s25 =	sadd.s32 $0x10, s20;
	[tilespmem:$0x1FDE0] =	vst v17;
	v45 =	vor.u32 v26, v52;
	v5 =	vld.idx.msk [tilespmem:v5+s16+$0x0], $0xffff  }
0x114: {  	v12 =	vld.idx.msk [tilespmem:v12+s16+$0x0], $0xffff;
	v14 =	vmov s25;
	[tilespmem:s12+$0x2C0] =	vst v8;
	v8 =	vor.u32 v26, v47  }
0x115: {  	v15 =	vor.u32 v19, v49;
	v53 =	vshll.u32 v14, $0x6;
	[tilespmem:s7+$0xFFFFFF40] =	vst v11;
	v38 =	vld.idx.msk [tilespmem:v9+s16+$0x0], $0xffff  }
0x116: {  	v16 =	vor.u32 v19, v50;
	[tilespmem:s12+$0xFFFFFE40] =	vst v6;
	s25 =	sadd.s32 $0x18, s20;
	v37 =	vor.u32 v26, v53;
	v48 =	vld.idx.msk [tilespmem:v48+s16+$0x0], $0xffff  }
0x117: {  	v56 =	vmovc v55;
	v55 =	vmov v61;
	v17 =	vor.u32 v22, v36;
	v7 =	vmov s25;
	[tilespmem:s7+$0xD0] =	vst v13;
	v13 =	vld.idx.msk [tilespmem:v2+s16+$0x0], $0xffff  }
0x118: {  	v14 =	vor.u32 v59, v47;
	v61 =	vshll.u32 v7, $0x6;
	v62 =	vor.u32 v59, v52;
	v50 =	vld.idx.msk [tilespmem:v45+s16+$0x0], $0xffff;
	[tilespmem:s12+$0xFFFFFFF0] =	vst v5  }
0x119: {  	v57 =	vor.u32 v59, v53;
	v11 =	vor.u32 v26, v61;
	v8 =	vld.idx.msk [tilespmem:v8+s16+$0x0], $0xffff;
	[tilespmem:s7+$0xFFFFFDC0] =	vst v12  }
0x11a: {  	v31 =	vld [tilespmem:$0x1FEE0];
	v10 =	vor.u32 v60, v47;
	v7 =	vor.u32 v60, v53;
	v5 =	vor.u32 v20, v52;
	[tilespmem:s12+$0x2D0] =	vst v38  }
0x11b: {  	v18 =	vor.u32 v59, v61;
	v9 =	vor.u32 v60, v52;
	v51 =	vld.idx.msk [tilespmem:v37+s16+$0x0], $0xffff;
	[tilespmem:s7+$0xFFFFFF50] =	vst v48  }
0x11c: {  	v17 =	vld.idx.msk [tilespmem:v17+s16+$0x0], $0xffff;
	v38 =	vor.u32 v20, v47;
	[tilespmem:s12+$0xFFFFFE50] =	vst v13;
	v13 =	vor.u32 v21, v61  }
0x11d: {  	v59 =	vor.u32 v54, v47;
	v45 =	vmov v19;
	v19 =	vor.u32 v20, v53;
	s7 =	sadd.s32 $0x640, s7;
	v12 =	vld.idx.msk [tilespmem:v4+s16+$0x0], $0xffff;
	[tilespmem:$0x1FDD0] =	vst v13  }
0x11e: {  	v6 =	vor.u32 v60, v61;
	v60 =	vor.u32 v54, v52;
	v11 =	vld.idx.msk [tilespmem:v11+s16+$0x0], $0xffff;
	[tilespmem:s7+$0xFFFFFE70] =	vst v50  }
0x11f: {  	v2 =	vor.u32 v54, v53;
	v4 =	vor.u32 v54, v61;
	[tilespmem:s7+$0xFFFFFCE0] =	vst v8;
	v54 =	vld.idx.msk [tilespmem:v5+s16+$0x0], $0xffff  }
0x120: {  	v8 =	vor.u32 v21, v52;
	[tilespmem:s7+$0x0] =	vst v51;
	v0 =	vld.idx.msk [tilespmem:v0+s16+$0x0], $0xffff  }
0x121: {  	[tilespmem:$0x1FDB0] =	vst v8;
	v13 =	vld.idx.msk [tilespmem:v38+s16+$0x0], $0xffff  }
0x122: {  	v8 =	vor.u32 v21, v53;
	v19 =	vld.idx.msk [tilespmem:v19+s16+$0x0], $0xffff;
	[tilespmem:s14+$0xE0] =	vst v17  }
0x123: {  	v30 =	vmov v20;
	v20 =	vor.u32 v20, v61;
	v38 =	vld [tilespmem:$0x1FF70];
	[tilespmem:$0x1FDC0] =	vst v8  }
0x124: {  	v8 =	vld.idx.msk [tilespmem:v15+s16+$0x0], $0xffff;
	[tilespmem:s12+$0x2E0] =	vst v12  }
0x125: {  	v23 =	vor.u32 v21, v47;
	[tilespmem:s7+$0x190] =	vst v11;
	v16 =	vld.idx.msk [tilespmem:v16+s16+$0x0], $0xffff  }
0x126: {  	[tilespmem:$0x1FDA0] =	vst v23;
	v12 =	vor.u32 v27, v52;
	v23 =	vld.idx.msk [tilespmem:v1+s16+$0x0], $0xffff  }
0x127: {  	v24 =	vor.u32 v27, v53;
	v1 =	vld [tilespmem:$0x1FF50]  }
0x128: {  	v29 =	vmov v21;
	v21 =	vor.u32 v31, v33;
	v20 =	vld.idx.msk [tilespmem:v20+s16+$0x0], $0xffff;
	[tilespmem:s7+$0xFFFFFE80] =	vst v54  }
0x129: {  	v15 =	vor.u32 v27, v47;
	v11 =	vor.u32 v38, v53;
	[tilespmem:s12+$0xFFFFFE60] =	vst v0;
	v0 =	vld [tilespmem:$0x1FF80]  }
0x12a: {  	[tilespmem:s7+$0xFFFFFCF0] =	vst v13;
	v5 =	vor.u32 v38, v52;
	v54 =	vor.u32 v38, v47;
	v51 =	vor.u32 v38, v61;
	v38 =	vld [tilespmem:$0x1FF30]  }
0x12b: {  	v26 =	vor.u32 v27, v61;
	[tilespmem:s7+$0x10] =	vst v19;
	v12 =	vld.idx.msk [tilespmem:v12+s16+$0x0], $0xffff  }
0x12c: {  	[tilespmem:s14+$0xFFFFFDD0] =	vst v8;
	v19 =	vld.idx.msk [tilespmem:v24+s16+$0x0], $0xffff  }
0x12d: {  	v13 =	vld.idx.msk [tilespmem:v21+s16+$0x0], $0xffff  }
0x12e: {  	v15 =	vld.idx.msk [tilespmem:v15+s16+$0x0], $0xffff;
	[tilespmem:s12+$0x2F0] =	vst v23  }
0x12f: {  	v49 =	vor.u32 v28, v47;
	v48 =	vor.u32 v22, v52;
	v3 =	vld.idx.msk [tilespmem:v3+s16+$0x0], $0xffff;
	[tilespmem:s7+$0x1A0] =	vst v20  }
0x130: {  	v22 =	vor.u32 v28, v52;
	v50 =	vor.u32 v28, v53;
	v21 =	vor.u32 v31, v36;
	v20 =	vld.idx.msk [tilespmem:v26+s16+$0x0], $0xffff  }
0x131: {  	v8 =	vor.u32 v28, v61;
	v28 =	vor.u32 v45, v44;
	v44 =	vmovc v22;
	v22 =	vor.u32 v0, v62;
	v62 =	vld [tilespmem:$0x1FE50]  }
0x132: {  	[tilespmem:s14+$0xF0] =	vst v16;
	v25 =	vor.u32 v1, v53;
	v17 =	vor.u32 v1, v47;
	v23 =	vor.u32 v0, v57;
	v57 =	vld [tilespmem:$0x1FF10]  }
0x133: {  	v37 =	vor.u32 v1, v52;
	v14 =	vor.u32 v0, v14;
	v18 =	vor.u32 v0, v18;
	v0 =	vmovc v55;
	v55 =	vld [tilespmem:$0x1FF40]  }
0x134: {  	v1 =	vor.u32 v1, v61;
	v16 =	vor.u32 v38, v32;
	v32 =	vmovc v34;
	v34 =	vmovc v61;
	v61 =	vmov v56;
	v56 =	vld [tilespmem:$0x1FED0]  }
0x135: {  	[tilespmem:s14+$0xFFFFFDE0] =	vst v13;
	v13 =	vld.idx.msk [tilespmem:v21+s16+$0x0], $0xffff  }
0x136: {  	[tilespmem:s7+$0xFFFFFD00] =	vst v15;
	v15 =	vld.idx.msk [tilespmem:v28+s16+$0x0], $0xffff  }
0x137: {  	v28 =	vld [tilespmem:$0x1FE60]  }
0x138: {  	[tilespmem:s7+$0xFFFFFE90] =	vst v12;
	v14 =	vld.idx.msk [tilespmem:v14+s16+$0x0], $0xffff  }
0x139: {  	v24 =	vor.u32 v31, v35;
	[tilespmem:s12+$0x300] =	vst v3;
	v22 =	vld.idx.msk [tilespmem:v22+s16+$0x0], $0xffff  }
0x13a: {  	[tilespmem:s7+$0x20] =	vst v19;
	v16 =	vld.idx.msk [tilespmem:v16+s16+$0x0], $0xffff  }
0x13b: {  	v12 =	vor.u32 v57, v36;
	v19 =	vld.idx.msk [tilespmem:v23+s16+$0x0], $0xffff;
	[tilespmem:s7+$0x1B0] =	vst v20  }
0x13c: {  	v21 =	vor.u32 v62, v47;
	v18 =	vld.idx.msk [tilespmem:v18+s16+$0x0], $0xffff  }
0x13d: {  	v3 =	vor.u32 v62, v52;
	[tilespmem:s14+$0xFFFFFF60] =	vst v15;
	v15 =	vor.u32 v55, v40;
	v40 =	vmov v25;
	v25 =	vld [tilespmem:$0x1FE70]  }
0x13e: {  	v26 =	vor.u32 v57, v33;
	[tilespmem:s14+$0x100] =	vst v13;
	v13 =	vld.idx.msk [tilespmem:v24+s16+$0x0], $0xffff  }
0x13f: {  	v23 =	vor.u32 v62, v53;
	v24 =	vld [tilespmem:$0x1FE80]  }
0x140: {  	v20 =	vor.u32 v62, v34;
	v12 =	vld.idx.msk [tilespmem:v12+s16+$0x0], $0xffff;
	[tilespmem:s7+$0xFFFFFD10] =	vst v14  }
0x141: {  	[tilespmem:s7+$0xFFFFFEA0] =	vst v22;
	v14 =	vld.idx.msk [tilespmem:v21+s16+$0x0], $0xffff  }
0x142: {  	[tilespmem:s12+$0x310] =	vst v16;
	v3 =	vld.idx.msk [tilespmem:v3+s16+$0x0], $0xffff;
	v21 =	vor.u32 v57, v35  }
0x143: {  	[tilespmem:s7+$0x30] =	vst v19;
	v19 =	vld.idx.msk [tilespmem:v26+s16+$0x0], $0xffff  }
0x144: {  	s12 =	smov.u32 s14;
	v23 =	vld.idx.msk [tilespmem:v23+s16+$0x0], $0xffff;
	[tilespmem:s7+$0x1C0] =	vst v18  }
0x145: {  	v16 =	vor.u32 v28, v47;
	v18 =	vld.idx.msk [tilespmem:v20+s16+$0x0], $0xffff;
	[tilespmem:s12+$0x110] =	vst v12  }
0x146: {  	v22 =	vor.u32 v28, v52;
	[tilespmem:s12+$0xFFFFFF70] =	vst v13;
	v13 =	vld.idx.msk [tilespmem:v15+s16+$0x0], $0xffff  }
0x147: {  	v15 =	vld.idx.msk [tilespmem:v21+s16+$0x0], $0xffff  }
0x148: {  	[tilespmem:s7+$0xFFFFFD20] =	vst v14;
	v21 =	vmov v29;
	v29 =	vld [tilespmem:$0x1FE90]  }
0x149: {  	v20 =	vor.u32 v55, v41;
	[tilespmem:s7+$0x40] =	vst v23;
	v23 =	vld [tilespmem:$0x1FEB0]  }
0x14a: {  	v12 =	vor.u32 v28, v53;
	[tilespmem:s7+$0xFFFFFEB0] =	vst v3;
	v16 =	vld.idx.msk [tilespmem:v16+s16+$0x0], $0xffff  }
0x14b: {  	v41 =	vmov v17;
	v14 =	vor.u32 v28, v34;
	v17 =	vld.idx.msk [tilespmem:v22+s16+$0x0], $0xffff  }
0x14c: {  	v3 =	vor.u32 v56, v36;
	v22 =	vld [tilespmem:$0x1FEC0]  }
0x14d: {  	[tilespmem:s12+$0xFFFFFDF0] =	vst v19;
	v19 =	vor.u32 v55, v42;
	v42 =	vmov v37;
	v37 =	vld [tilespmem:$0x1FF00]  }
0x14e: {  	v10 =	vor.u32 v25, v10;
	v20 =	vld.idx.msk [tilespmem:v20+s16+$0x0], $0xffff  }
0x14f: {  	v9 =	vor.u32 v25, v9;
	[tilespmem:s7+$0x1D0] =	vst v18;
	v12 =	vld.idx.msk [tilespmem:v12+s16+$0x0], $0xffff  }
0x150: {  	v14 =	vld.idx.msk [tilespmem:v14+s16+$0x0], $0xffff;
	[tilespmem:s12+$0x120] =	vst v13  }
0x151: {  	v18 =	vor.u32 v56, v33;
	[tilespmem:s12+$0xFFFFFF80] =	vst v15;
	v13 =	vld.idx.msk [tilespmem:v3+s16+$0x0], $0xffff  }
0x152: {  	v7 =	vor.u32 v25, v7;
	[tilespmem:s7+$0xFFFFFD30] =	vst v16;
	v15 =	vld.idx.msk [tilespmem:v19+s16+$0x0], $0xffff  }
0x153: {  	v6 =	vor.u32 v25, v6;
	[tilespmem:s7+$0xFFFFFEC0] =	vst v17;
	v10 =	vld.idx.msk [tilespmem:v10+s16+$0x0], $0xffff  }
0x154: {  	v16 =	vor.u32 v37, v32;
	v9 =	vld.idx.msk [tilespmem:v9+s16+$0x0], $0xffff  }
0x155: {  	v17 =	vor.u32 v0, v36;
	[tilespmem:s12+$0xFFFFFE00] =	vst v20;
	v20 =	vmov v30;
	v30 =	vld [tilespmem:$0x1FEA0]  }
0x156: {  	v19 =	vor.u32 v24, v47;
	v3 =	vld.idx.msk [tilespmem:v18+s16+$0x0], $0xffff;
	[tilespmem:s7+$0x50] =	vst v12  }
0x157: {  	v12 =	vor.u32 v24, v52;
	v7 =	vld.idx.msk [tilespmem:v7+s16+$0x0], $0xffff;
	[tilespmem:s7+$0x1E0] =	vst v14  }
0x158: {  	v6 =	vld.idx.msk [tilespmem:v6+s16+$0x0], $0xffff;
	[tilespmem:s12+$0x250] =	vst v58  }
0x159: {  	v14 =	vor.u32 v56, v35;
	[tilespmem:s12+$0x130] =	vst v13;
	v13 =	vld.idx.msk [tilespmem:v16+s16+$0x0], $0xffff  }
0x15a: {  	[tilespmem:s7+$0xFFFFFD40] =	vst v10;
	v10 =	vor.u32 v24, v34;
	v16 =	vld.idx.msk [tilespmem:v17+s16+$0x0], $0xffff  }
0x15b: {  	v18 =	vor.u32 v24, v53;
	[tilespmem:s7+$0xFFFFFED0] =	vst v9;
	v17 =	vld.idx.msk [tilespmem:v19+s16+$0x0], $0xffff  }
0x15c: {  	v9 =	vor.u32 v22, v32;
	v12 =	vld.idx.msk [tilespmem:v12+s16+$0x0], $0xffff;
	[tilespmem:s12+$0xFFFFFF90] =	vst v15  }
0x15d: {  	v58 =	vmov v11;
	v11 =	vor.u32 v29, v47;
	v15 =	vld [tilespmem:$0x1FDF0];
	[tilespmem:s7+$0x60] =	vst v7  }
0x15e: {  	v7 =	vld.idx.msk [tilespmem:v14+s16+$0x0], $0xffff;
	v14 =	vor.u32 v29, v52;
	[tilespmem:s7+$0x1F0] =	vst v6  }
0x15f: {  	v6 =	vld.idx.msk [tilespmem:v10+s16+$0x0], $0xffff;
	v10 =	vor.u32 v0, v35;
	[tilespmem:s12+$0x260] =	vst v13  }
0x160: {  	v18 =	vld.idx.msk [tilespmem:v18+s16+$0x0], $0xffff;
	[tilespmem:s12+$0x140] =	vst v16;
	v16 =	vor.u32 v29, v34  }
0x161: {  	v9 =	vld.idx.msk [tilespmem:v9+s16+$0x0], $0xffff;
	[tilespmem:s7+$0xFFFFFD50] =	vst v17  }
0x162: {  	v19 =	vmov v45;
	v15 =	vor.u32 v61, v15;
	v11 =	vld.idx.msk [tilespmem:v11+s16+$0x0], $0xffff;
	[tilespmem:s7+$0xFFFFFEE0] =	vst v12  }
0x163: {  	v12 =	vor.u32 v19, v46;
	v46 =	vmov v8;
	v8 =	vld.idx.msk [tilespmem:v14+s16+$0x0], $0xffff;
	[tilespmem:s12+$0xFFFFFFA0] =	vst v7  }
0x164: {  	v13 =	vor.u32 v29, v53;
	v10 =	vld.idx.msk [tilespmem:v10+s16+$0x0], $0xffff;
	[tilespmem:s7+$0x200] =	vst v6  }
0x165: {  	v6 =	vld.idx.msk [tilespmem:v16+s16+$0x0], $0xffff  }
0x166: {  	v17 =	vor.u32 v30, v60;
	v16 =	vld [tilespmem:$0x1FE00];
	[tilespmem:s12+$0x270] =	vst v9  }
0x167: {  	v14 =	vor.u32 v30, v59;
	v9 =	vmov v5;
	v15 =	vld.idx.msk [tilespmem:v15+s16+$0x0], $0xffff;
	[tilespmem:s7+$0x70] =	vst v18  }
0x168: {  	v7 =	vor.u32 v63, v36;
	[tilespmem:$0x1FE00] =	vst v9;
	v18 =	vld [tilespmem:$0x1FF20]  }
0x169: {  	v4 =	vor.u32 v30, v4;
	[tilespmem:s7+$0xFFFFFD60] =	vst v11;
	v13 =	vld.idx.msk [tilespmem:v13+s16+$0x0], $0xffff  }
0x16a: {  	v2 =	vor.u32 v30, v2;
	v5 =	vld.idx.msk [tilespmem:v12+s16+$0x0], $0xffff;
	[tilespmem:s7+$0xFFFFFEF0] =	vst v8  }
0x16b: {  	v11 =	vld.idx.msk [tilespmem:v17+s16+$0x0], $0xffff;
	[tilespmem:s12+$0xFFFFFFB0] =	vst v10;
	v16 =	vor.u32 v61, v16  }
0x16c: {  	v9 =	vld.idx.msk [tilespmem:v14+s16+$0x0], $0xffff;
	[tilespmem:s12+$0x150] =	vst v15  }
0x16d: {  	v8 =	vor.u32 v31, v32;
	[tilespmem:s7+$0x210] =	vst v6;
	v7 =	vld.idx.msk [tilespmem:v7+s16+$0x0], $0xffff  }
0x16e: {  	v10 =	vor.u32 v18, v36;
	v4 =	vld.idx.msk [tilespmem:v4+s16+$0x0], $0xffff;
	[tilespmem:s7+$0x80] =	vst v13  }
0x16f: {  	v12 =	vor.u32 v23, v47;
	v2 =	vld.idx.msk [tilespmem:v2+s16+$0x0], $0xffff  }
0x170: {  	v14 =	vor.u32 v23, v52;
	v13 =	vld.idx.msk [tilespmem:v16+s16+$0x0], $0xffff  }
0x171: {  	[tilespmem:s12+$0x280] =	vst v5;
	v5 =	vor.u32 v23, v53;
	v16 =	vld [tilespmem:$0x1FEF0]  }
0x172: {  	v6 =	vor.u32 v63, v35;
	[tilespmem:s12+$0x160] =	vst v7;
	v7 =	vld.idx.msk [tilespmem:v8+s16+$0x0], $0xffff  }
0x173: {  	[tilespmem:s7+$0xFFFFFD70] =	vst v9;
	v8 =	vor.u32 v23, v34;
	v9 =	vld.idx.msk [tilespmem:v10+s16+$0x0], $0xffff  }
0x174: {  	[tilespmem:s7+$0xFFFFFF00] =	vst v11;
	v11 =	vor.u32 v57, v32;
	v10 =	vld.idx.msk [tilespmem:v12+s16+$0x0], $0xffff  }
0x175: {  	v12 =	vld.idx.msk [tilespmem:v14+s16+$0x0], $0xffff;
	[tilespmem:s7+$0x90] =	vst v2  }
0x176: {  	v5 =	vld.idx.msk [tilespmem:v5+s16+$0x0], $0xffff;
	[tilespmem:s12+$0xFFFFFFC0] =	vst v13;
	v13 =	vor.u32 v38, v36  }
0x177: {  	[tilespmem:s7+$0x220] =	vst v4;
	v14 =	vor.u32 v16, v47;
	v6 =	vld.idx.msk [tilespmem:v6+s16+$0x0], $0xffff  }
0x178: {  	v4 =	vld.idx.msk [tilespmem:v8+s16+$0x0], $0xffff;
	[tilespmem:s12+$0x290] =	vst v7  }
0x179: {  	[tilespmem:s12+$0x170] =	vst v9;
	v9 =	vld.idx.msk [tilespmem:v11+s16+$0x0], $0xffff  }
0x17a: {  	v8 =	vor.u32 v0, v33;
	[tilespmem:s7+$0xFFFFFF10] =	vst v12;
	v12 =	vor.u32 v55, v43;
	v55 =	vmovc v61;
	v61 =	vmov v0;
	v0 =	vld [tilespmem:$0x1FDA0]  }
0x17b: {  	[tilespmem:s7+$0xFFFFFD80] =	vst v10;
	v11 =	vld.idx.msk [tilespmem:v13+s16+$0x0], $0xffff  }
0x17c: {  	v13 =	vld.idx.msk [tilespmem:v14+s16+$0x0], $0xffff  }
0x17d: {  	v14 =	vld [tilespmem:$0x1FF60];
	_ =	sdelay $0x1  }
0x17e: {  	v36 =	vmov v53  }
0x17f: {  	v7 =	vor.u32 v16, v36  }
0x180: {  	v10 =	vor.u32 v16, v34  }
0x181: {  	[tilespmem:s12+$0xFFFFFE10] =	vst v3;
	v3 =	vor.u32 v14, v0;
	v0 =	vld [tilespmem:$0x1FDB0];
	_ =	sdelay $0x1  }
0x182: {  	[tilespmem:s7+$0xA0] =	vst v5;
	v5 =	vld.idx.msk [tilespmem:v8+s16+$0x0], $0xffff  }
0x183: {  	v15 =	vor.u32 v16, v52;
	v7 =	vld.idx.msk [tilespmem:v7+s16+$0x0], $0xffff;
	[tilespmem:s7+$0x230] =	vst v4  }
0x184: {  	v4 =	vld.idx.msk [tilespmem:v10+s16+$0x0], $0xffff  }
0x185: {  	v8 =	vor.u32 v14, v0;
	v0 =	vld [tilespmem:$0x1FDC0]  }
0x186: {  	v10 =	vor.u32 v55, v39;
	[tilespmem:s12+$0x180] =	vst v11;
	v11 =	vld [tilespmem:$0x1FDD0];
	_ =	sdelay $0x1  }
0x187: {  	v43 =	vmov v1;
	v1 =	vld.idx.msk [tilespmem:v15+s16+$0x0], $0xffff  }
0x188: {  	v60 =	vld [tilespmem:$0x1FE30];
	[tilespmem:s7+$0xFFFFFD90] =	vst v13  }
0x189: {  	v3 =	vld.idx.msk [tilespmem:v3+s16+$0x0], $0xffff;
	[tilespmem:s12+$0xFFFFFE20] =	vst v5;
	v0 =	vor.u32 v14, v0  }
0x18a: {  	[tilespmem:s12+$0x2A0] =	vst v9;
	v11 =	vor.u32 v14, v11;
	v15 =	vld.idx.msk [tilespmem:v10+s16+$0x0], $0xffff;
	v14 =	vor.u32 v37, v47  }
0x18b: {  	v9 =	vld.idx.msk [tilespmem:v12+s16+$0x0], $0xffff;
	[tilespmem:s7+$0x240] =	vst v4;
	v4 =	vor.u32 v63, v33  }
0x18c: {  	v59 =	vld [tilespmem:$0x1FE40];
	[tilespmem:s7+$0xFFFFFF20] =	vst v1  }
0x18d: {  	[tilespmem:s7+$0xB0] =	vst v7;
	v12 =	vld.idx.msk [tilespmem:v8+s16+$0x0], $0xffff  }
0x18e: {  	[tilespmem:s7+$0xFFFFFDA0] =	vst v3;
	v17 =	vld.idx.msk [tilespmem:v0+s16+$0x0], $0xffff  }
0x18f: {  	v1 =	vor.u32 v56, v32;
	v10 =	vld.idx.msk [tilespmem:v14+s16+$0x0], $0xffff;
	[tilespmem:s12+$0xFFFFFE30] =	vst v15  }
0x190: {  	s19 =	sadd.s32 $0x4, s19;
	v5 =	vor.u32 v18, v35;
	[tilespmem:s12+$0xFFFFFFD0] =	vst v6;
	v6 =	vld.idx.msk [tilespmem:v4+s16+$0x0], $0xffff  }
0x191: {  	p2 =	slt.u32 s19, $0x3C;
	v16 =	vor.u32 v37, v52;
	v4 =	vld [tilespmem:$0x1FDE0]  }
.Ltmp2:
0x192: {  	[tilespmem:$0x1FDF0] =	vst v58;
	v39 =	vmov v54;
	v54 =	vld [tilespmem:$0x1FE20];
	(pc) =	sbr.rel @p2 .LBB2_6-.Ltmp2, $4  }
0x193: {  	v2 =	vor.u32 v18, v33;
	v13 =	vor.u32 v37, v36;
	v58 =	vld.idx.msk [tilespmem:v11+s16+$0x0], $0xffff;
	[tilespmem:s12+$0x2B0] =	vst v9  }
0x194: {  	v3 =	vor.u32 v18, v32;
	v9 =	vor.u32 v61, v32;
	v8 =	vld.idx.msk [tilespmem:v1+s16+$0x0], $0xffff;
	v1 =	vor.u32 v63, v32  }
0x195: {  	v7 =	vld.idx.msk [tilespmem:v5+s16+$0x0], $0xffff;
	v5 =	vor.u32 v38, v35;
	[tilespmem:s7+$0xFFFFFF30] =	vst v12;
	v0 =	vor.u32 v38, v33;
	v33 =	vmov v47  }
0x196: {  	s20 =	sadd.s32 $0x20, s20;
	s14 =	smov.u32 s7;
	v26 =	vlaneseq.u32;
	v35 =	vmovc v52;
	v11 =	vld.idx.msk [tilespmem:v16+s16+$0x0], $0xffff;
	v12 =	vor.u32 v22, v33;
	[tilespmem:s7+$0xC0] =	vst v17;
	v4 =	vor.u32 v55, v4  }
0x197: {  	v18 =	vld [tilespmem:$0x1FF00];
	_ =	sdelay $0x4  }
0x198: {  	v13 =	vld.idx.msk [tilespmem:v13+s16+$0x0], $0xffff;
	v14 =	vor.u32 v18, v34  }
0x199: {  	v15 =	vor.u32 v22, v36  }
0x19a: {  	[tilespmem:s7+$0xFFFFFDB0] =	vst v10  }
0x19b: {  	v12 =	vld.idx.msk [tilespmem:v12+s16+$0x0], $0xffff;
	[tilespmem:s7+$0xFFFFFF40] =	vst v11  }
0x19c: {  	[tilespmem:s14+$0x250] =	vst v58;
	v10 =	vld.idx.msk [tilespmem:v48+s16+$0x0], $0xffff  }
0x19d: {  	[tilespmem:s7+$0xD0] =	vst v13;
	v14 =	vld.idx.msk [tilespmem:v14+s16+$0x0], $0xffff  }
0x19e: {  	v11 =	vld.idx.msk [tilespmem:v15+s16+$0x0], $0xffff;
	v15 =	vor.u32 v19, v44;
	_ =	sdelay $0x1  }
0x19f: {  	v13 =	vor.u32 v19, v50;
	[tilespmem:s7+$0xFFFFFDC0] =	vst v12  }
0x1a0: {  	v16 =	vor.u32 v22, v34;
	[tilespmem:s7+$0xFFFFFF50] =	vst v10  }
0x1a1: {  	[tilespmem:s14+$0x260] =	vst v14;
	v14 =	vor.u32 v19, v49  }
0x1a2: {  	[tilespmem:s14+$0xE0] =	vst v11;
	v12 =	vld.idx.msk [tilespmem:v15+s16+$0x0], $0xffff  }
0x1a3: {  	v44 =	vld [tilespmem:$0x1FEE0]  }
0x1a4: {  	v10 =	vld.idx.msk [tilespmem:v13+s16+$0x0], $0xffff  }
0x1a5: {  	v16 =	vld.idx.msk [tilespmem:v16+s16+$0x0], $0xffff  }
0x1a6: {  	v17 =	vor.u32 v19, v46;
	v13 =	vld.idx.msk [tilespmem:v14+s16+$0x0], $0xffff;
	_ =	sdelay $0x1  }
0x1a7: {  	[tilespmem:s14+$0xFFFFFF60] =	vst v12;
	v11 =	vor.u32 v44, v36  }
0x1a8: {  	[tilespmem:s14+$0xF0] =	vst v10;
	v14 =	vor.u32 v44, v35  }
0x1a9: {  	[tilespmem:s14+$0x270] =	vst v16;
	v15 =	vor.u32 v44, v33  }
0x1aa: {  	v16 =	vld.idx.msk [tilespmem:v17+s16+$0x0], $0xffff;
	[tilespmem:s14+$0xFFFFFDD0] =	vst v13  }
0x1ab: {  	v46 =	vld [tilespmem:$0x1FF10]  }
0x1ac: {  	v10 =	vld.idx.msk [tilespmem:v11+s16+$0x0], $0xffff  }
0x1ad: {  	v12 =	vld.idx.msk [tilespmem:v14+s16+$0x0], $0xffff  }
0x1ae: {  	v17 =	vor.u32 v44, v34;
	v13 =	vld.idx.msk [tilespmem:v15+s16+$0x0], $0xffff;
	_ =	sdelay $0x1  }
0x1af: {  	[tilespmem:s14+$0x280] =	vst v16;
	v11 =	vor.u32 v46, v36  }
0x1b0: {  	v14 =	vor.u32 v46, v35;
	[tilespmem:s14+$0x100] =	vst v10  }
0x1b1: {  	[tilespmem:s14+$0xFFFFFF70] =	vst v12  }
0x1b2: {  	v16 =	vld.idx.msk [tilespmem:v17+s16+$0x0], $0xffff;
	[tilespmem:s14+$0xFFFFFDE0] =	vst v13  }
0x1b3: {  	v45 =	vld [tilespmem:$0x1FF40]  }
0x1b4: {  	v10 =	vld.idx.msk [tilespmem:v11+s16+$0x0], $0xffff  }
0x1b5: {  	v15 =	vor.u32 v46, v33;
	v12 =	vld.idx.msk [tilespmem:v14+s16+$0x0], $0xffff;
	_ =	sdelay $0x2  }
0x1b6: {  	[tilespmem:s14+$0x290] =	vst v16  }
0x1b7: {  	v17 =	vor.u32 v46, v34;
	[tilespmem:s14+$0x110] =	vst v10  }
0x1b8: {  	v13 =	vld.idx.msk [tilespmem:v15+s16+$0x0], $0xffff;
	v11 =	vor.u32 v45, v40;
	[tilespmem:s14+$0xFFFFFF80] =	vst v12  }
0x1b9: {  	v14 =	vor.u32 v45, v42;
	v40 =	vld [tilespmem:$0x1FED0]  }
0x1ba: {  	v15 =	vor.u32 v45, v41;
	_ =	sdelay $0x1  }
0x1bb: {  	v16 =	vld.idx.msk [tilespmem:v17+s16+$0x0], $0xffff  }
0x1bc: {  	v17 =	vor.u32 v45, v43;
	v10 =	vld.idx.msk [tilespmem:v11+s16+$0x0], $0xffff  }
0x1bd: {  	[tilespmem:s14+$0xFFFFFDF0] =	vst v13;
	v12 =	vld.idx.msk [tilespmem:v14+s16+$0x0], $0xffff;
	v11 =	vor.u32 v40, v36  }
0x1be: {  	v13 =	vld.idx.msk [tilespmem:v15+s16+$0x0], $0xffff;
	v14 =	vor.u32 v40, v35  }
0x1bf: {  	v15 =	vor.u32 v40, v33  }
0x1c0: {  	[tilespmem:s14+$0x2A0] =	vst v16  }
0x1c1: {  	v16 =	vld.idx.msk [tilespmem:v17+s16+$0x0], $0xffff;
	[tilespmem:s14+$0x120] =	vst v10  }
0x1c2: {  	v17 =	vor.u32 v40, v34;
	[tilespmem:s14+$0xFFFFFF90] =	vst v12;
	v10 =	vld.idx.msk [tilespmem:v11+s16+$0x0], $0xffff  }
0x1c3: {  	[tilespmem:s14+$0xFFFFFE00] =	vst v13;
	v11 =	vor.u32 v61, v36;
	v12 =	vld.idx.msk [tilespmem:v14+s16+$0x0], $0xffff  }
0x1c4: {  	v13 =	vld.idx.msk [tilespmem:v15+s16+$0x0], $0xffff  }
0x1c5: {  	[tilespmem:s12+$0x2C0] =	vst v8  }
0x1c6: {  	[tilespmem:s14+$0x2B0] =	vst v16  }
0x1c7: {  	v16 =	vld.idx.msk [tilespmem:v17+s16+$0x0], $0xffff;
	[tilespmem:s14+$0x130] =	vst v10  }
0x1c8: {  	[tilespmem:s14+$0xFFFFFFA0] =	vst v12;
	v10 =	vld.idx.msk [tilespmem:v11+s16+$0x0], $0xffff  }
0x1c9: {  	v14 =	vor.u32 v61, v35;
	v11 =	vld [tilespmem:$0x1FDF0];
	[tilespmem:s14+$0xFFFFFE10] =	vst v13  }
0x1ca: {  	v15 =	vor.u32 v61, v33;
	v13 =	vld [tilespmem:$0x1FE00]  }
0x1cb: {  	v8 =	vor.u32 v61, v34  }
0x1cc: {  	v9 =	vld.idx.msk [tilespmem:v9+s16+$0x0], $0xffff;
	_ =	sdelay $0x1  }
0x1cd: {  	v12 =	vld.idx.msk [tilespmem:v14+s16+$0x0], $0xffff;
	v11 =	vor.u32 v55, v11  }
0x1ce: {  	v14 =	vld.idx.msk [tilespmem:v15+s16+$0x0], $0xffff;
	[tilespmem:s14+$0x2C0] =	vst v16;
	v13 =	vor.u32 v55, v13  }
0x1cf: {  	[tilespmem:s12+$0xFFFFFFE0] =	vst v7;
	v7 =	vor.u32 v55, v39;
	v8 =	vld.idx.msk [tilespmem:v8+s16+$0x0], $0xffff  }
0x1d0: {  	[tilespmem:s12+$0x2D0] =	vst v9;
	v9 =	vor.u32 v55, v51  }
0x1d1: {  	v4 =	vld.idx.msk [tilespmem:v4+s16+$0x0], $0xffff;
	[tilespmem:s14+$0x140] =	vst v10  }
0x1d2: {  	[tilespmem:s14+$0xFFFFFFB0] =	vst v12;
	v10 =	vld.idx.msk [tilespmem:v11+s16+$0x0], $0xffff  }
0x1d3: {  	[tilespmem:s14+$0xFFFFFE20] =	vst v14;
	v11 =	vor.u32 v63, v36;
	v12 =	vld.idx.msk [tilespmem:v13+s16+$0x0], $0xffff  }
0x1d4: {  	v7 =	vld.idx.msk [tilespmem:v7+s16+$0x0], $0xffff;
	[tilespmem:s14+$0x2D0] =	vst v8  }
0x1d5: {  	[tilespmem:s12+$0xFFFFFE40] =	vst v6;
	v8 =	vld.idx.msk [tilespmem:v9+s16+$0x0], $0xffff  }
0x1d6: {  	v5 =	vld.idx.msk [tilespmem:v5+s16+$0x0], $0xffff;
	[tilespmem:s12+$0x2E0] =	vst v4  }
0x1d7: {  	v1 =	vld.idx.msk [tilespmem:v1+s16+$0x0], $0xffff;
	[tilespmem:s14+$0x150] =	vst v10  }
0x1d8: {  	v13 =	vor.u32 v63, v35;
	v9 =	vld.idx.msk [tilespmem:v11+s16+$0x0], $0xffff;
	[tilespmem:s14+$0xFFFFFFC0] =	vst v12  }
0x1d9: {  	v48 =	vld [tilespmem:$0x1FF20];
	[tilespmem:s14+$0xFFFFFE30] =	vst v7  }
0x1da: {  	v6 =	vor.u32 v63, v33;
	[tilespmem:s14+$0x2E0] =	vst v8  }
0x1db: {  	v4 =	vor.u32 v63, v34;
	[tilespmem:s12+$0xFFFFFFF0] =	vst v5  }
0x1dc: {  	[tilespmem:s12+$0x2F0] =	vst v1  }
0x1dd: {  	v11 =	vld.idx.msk [tilespmem:v13+s16+$0x0], $0xffff;
	[tilespmem:s14+$0x160] =	vst v9  }
0x1de: {  	v10 =	vor.u32 v48, v36;
	v17 =	vld [tilespmem:$0x1FF30]  }
0x1df: {  	v6 =	vld.idx.msk [tilespmem:v6+s16+$0x0], $0xffff;
	v7 =	vor.u32 v48, v35  }
0x1e0: {  	v4 =	vld.idx.msk [tilespmem:v4+s16+$0x0], $0xffff;
	v5 =	vor.u32 v48, v33  }
0x1e1: {  	v2 =	vld.idx.msk [tilespmem:v2+s16+$0x0], $0xffff;
	v1 =	vor.u32 v48, v34  }
0x1e2: {  	v3 =	vld.idx.msk [tilespmem:v3+s16+$0x0], $0xffff  }
0x1e3: {  	[tilespmem:s14+$0xFFFFFFD0] =	vst v11;
	v8 =	vor.u32 v17, v32;
	v9 =	vld.idx.msk [tilespmem:v10+s16+$0x0], $0xffff  }
0x1e4: {  	[tilespmem:s14+$0xFFFFFE40] =	vst v6;
	v10 =	vor.u32 v17, v36;
	v7 =	vld.idx.msk [tilespmem:v7+s16+$0x0], $0xffff  }
0x1e5: {  	[tilespmem:s14+$0x2F0] =	vst v4;
	v6 =	vor.u32 v17, v35;
	v5 =	vld.idx.msk [tilespmem:v5+s16+$0x0], $0xffff  }
0x1e6: {  	[tilespmem:s12+$0xFFFFFE50] =	vst v2;
	v2 =	vor.u32 v17, v33;
	v1 =	vld.idx.msk [tilespmem:v1+s16+$0x0], $0xffff  }
0x1e7: {  	v0 =	vld.idx.msk [tilespmem:v0+s16+$0x0], $0xffff;
	[tilespmem:s12+$0x300] =	vst v3;
	v3 =	vor.u32 v17, v34  }
0x1e8: {  	v4 =	vld.idx.msk [tilespmem:v8+s16+$0x0], $0xffff;
	[tilespmem:s14+$0x170] =	vst v9  }
0x1e9: {  	[tilespmem:s14+$0xFFFFFFE0] =	vst v7;
	v8 =	vld.idx.msk [tilespmem:v10+s16+$0x0], $0xffff  }
0x1ea: {  	[tilespmem:s14+$0xFFFFFE50] =	vst v5;
	v6 =	vld.idx.msk [tilespmem:v6+s16+$0x0], $0xffff  }
0x1eb: {  	[tilespmem:s14+$0x300] =	vst v1;
	v2 =	vld.idx.msk [tilespmem:v2+s16+$0x0], $0xffff  }
0x1ec: {  	[tilespmem:s12+$0xFFFFFE60] =	vst v0;
	v0 =	vld.idx.msk [tilespmem:v3+s16+$0x0], $0xffff  }
0x1ed: {  	s19 =	sadd.s32 s4, s8;
	[tilespmem:s12+$0x310] =	vst v4  }
0x1ee: {  	s7 =	smul.u32 $0x32, s19;
	[tilespmem:s14+$0x180] =	vst v8  }
0x1ef: {  	[tilespmem:s14+$0xFFFFFFF0] =	vst v6  }
0x1f0: {  	s7 =	sshrl.u32 s7, $0x3;
	[tilespmem:s14+$0xFFFFFE60] =	vst v2  }
0x1f1: {  	s7 =	sadd.s32 s2, s7;
	[tilespmem:s14+$0x310] =	vst v0  }
0x1f2: {  	[hbm4b:s7+s3] =	stream.linear.scatter [tilespmem:s1], [sflag:$0x5], $0x6400, $0x38;
	[tilespmem:$0x1CC00] =	vst v63  }
0x1f3: {  	s7 =	simm.s32 @!p0 $0x1  }
0x1f4: {  	_ =	swait.ge @!p0 [sflag:s7], $0x200  }
0x1f5: {  	s12 =	simm.s32 @!p0 $0x0;
	[sflag:s7] =	ssyncset.done @!p0 $0x0  }
0x1f6: {  	s14 =	simm.s32 @!p0 $0x400;
	[sflag:s7] =	ssyncadd.s32 @!p0 $0xFFFFFE00;
	s7 =	simm.s32 @!p0 $0x80  }
0x1f7: {  	[tilespmem:s14], [sflag:$0x3] =	stream.indirect.gather @!p0 [hbm4b:s6+s7], $0x40, s12, s7, $0xb8;
	[tilespmem:$0x1CC00] =	vst v63  }
0x1f8: {  	s14 =	simm.s32 @!p0 $0x2400  }
0x1f9: {  	[tilespmem:s14], [sflag:$0x3] =	stream.indirect.gather @!p0 [hbm4b:s6+s7], $0x40, s7, s7, $0xb8;
	[tilespmem:$0x1CC00] =	vst v63  }
0x1fa: {  	s19 =	simm.s32 @!p0 $0x4400;
	s14 =	simm.s32 @!p0 $0x100  }
0x1fb: {  	[tilespmem:s19], [sflag:$0x3] =	stream.indirect.gather @!p0 [hbm4b:s6+s7], $0x40, s14, s7, $0xb8;
	[tilespmem:$0x1CC00] =	vst v63  }
0x1fc: {  	s14 =	simm.s32 @!p0 $0x180;
	s19 =	simm.s32 @!p0 $0x6400  }
0x1fd: {  	[tilespmem:s19], [sflag:$0x3] =	stream.indirect.gather @!p0 [hbm4b:s6+s7], $0x40, s14, s7, $0xb8;
	[tilespmem:$0x1CC00] =	vst v63  }
0x1fe: {  	_ =	swait.ge [sflag:s0], $0x2000  }
0x1ff: {  	[sflag:s0] =	ssyncset.done $0x0  }
0x200: {  	[sflag:s0] =	ssyncadd.s32 $0xFFFFE000  }
0x201: {  	_ =	swait.ge [sflag:s0], $0x2000  }
0x202: {  	[sflag:s0] =	ssyncset.done $0x0  }
0x203: {  	[sflag:s0] =	ssyncadd.s32 $0xFFFFE000  }
0x204: {  	_ =	swait.ge [sflag:s0], $0x2000  }
0x205: {  	[sflag:s0] =	ssyncset.done $0x0  }
0x206: {  	[sflag:s0] =	ssyncadd.s32 $0xFFFFE000  }
0x207: {  	s20 =	simm.s32 $0x0;
	s7 =	sadd.s32 @!p0 s8, s10;
	_ =	swait.ge [sflag:s0], $0x2000  }
0x208: {  	v0 =	vmov s20;
	s7 =	sshrl.u32 @!p0 s7, $0x3;
	[sflag:s0] =	ssyncset.done $0x0  }
0x209: {  	v34 =	vshll.u32 v0, $0x6;
	s14 =	simm.s32 @!p0 $0x200;
	s7 =	sadd.s32 @!p0 s5, s7;
	[sflag:s0] =	ssyncadd.s32 $0xFFFFE000  }
0x20a: {  	v0 =	vor.u32 v26, v34;
	[tilespmem:s14], [sflag:$0x2] =	stream.linear.gather @!p0 [hbm4b:s7+s12], $0x200, $0x38;
	[tilespmem:$0x1CC00] =	vst v63  }
0x20b: {  	s7 =	simm.s32 @!p1 $0x6  }
0x20c: {  	s24 =	simm.s32 $0x8;
	_ =	swait.ge @!p1 [sflag:s7], $0x6400  }
0x20d: {  	v1 =	vmov s24;
	[sflag:s7] =	ssyncset.done @!p1 $0x0  }
0x20e: {  	v22 =	vshll.u32 v1, $0x6;
	[sflag:s7] =	ssyncadd.s32 @!p1 $0xFFFF9C00  }
0x20f: {  	v1 =	vor.u32 v26, v22;
	v0 =	vld.idx.msk [tilespmem:v0+s23+$0x0], $0xffff  }
0x210: {  	v2 =	vor.u32 v20, v34;
	_ =	sdelay $0x2  }
0x211: {  	s12 =	simm.s32 $0x16E30  }
0x212: {  	v1 =	vld.idx.msk [tilespmem:v1+s23+$0x0], $0xffff;
	[tilespmem:s12+$0xFFFFF9D0] =	vst v0  }
0x213: {  	v2 =	vld.idx.msk [tilespmem:v2+s23+$0x0], $0xffff  }
0x214: {  	s25 =	simm.s32 $0x18  }
0x215: {  	v3 =	vmov s25  }
0x216: {  	v32 =	vshll.u32 v3, $0x6  }
0x217: {  	v0 =	vor.u32 v26, v32;
	[tilespmem:s12+$0xFFFFFB60] =	vst v1  }
0x218: {  	v3 =	vor.u32 v27, v34;
	[tilespmem:s12+$0xFFFFF9E0] =	vst v2  }
0x219: {  	v47 =	vld [tilespmem:$0x1FF80]  }
0x21a: {  	v4 =	vor.u32 v20, v22;
	_ =	sdelay $0x1  }
0x21b: {  	s14 =	simm.s32 $0x10;
	v0 =	vld.idx.msk [tilespmem:v0+s23+$0x0], $0xffff  }
0x21c: {  	v6 =	vor.u32 v20, v32;
	v5 =	vor.u32 v59, v34;
	v2 =	vmov s14;
	v3 =	vld.idx.msk [tilespmem:v3+s23+$0x0], $0xffff  }
0x21d: {  	v33 =	vshll.u32 v2, $0x6;
	v1 =	vor.u32 v47, v5  }
0x21e: {  	v4 =	vld.idx.msk [tilespmem:v4+s23+$0x0], $0xffff;
	v2 =	vor.u32 v26, v33  }
0x21f: {  	v5 =	vor.u32 v27, v22  }
0x220: {  	[tilespmem:s12+$0xFFFFFE80] =	vst v0  }
0x221: {  	v0 =	vld.idx.msk [tilespmem:v6+s23+$0x0], $0xffff;
	[tilespmem:s12+$0xFFFFF9F0] =	vst v3  }
0x222: {  	v3 =	vor.u32 v27, v32;
	v1 =	vld.idx.msk [tilespmem:v1+s23+$0x0], $0xffff  }
0x223: {  	[tilespmem:s12+$0xFFFFFB70] =	vst v4;
	v4 =	vor.u32 v62, v34;
	v2 =	vld.idx.msk [tilespmem:v2+s23+$0x0], $0xffff  }
0x224: {  	v7 =	vor.u32 v20, v33;
	v6 =	vor.u32 v59, v22;
	v5 =	vld.idx.msk [tilespmem:v5+s23+$0x0], $0xffff  }
0x225: {  	v6 =	vor.u32 v47, v6  }
0x226: {  	[tilespmem:s12+$0xFFFFFE90] =	vst v0  }
0x227: {  	v0 =	vor.u32 v59, v32;
	v3 =	vld.idx.msk [tilespmem:v3+s23+$0x0], $0xffff;
	[tilespmem:s12+$0xFFFFFA00] =	vst v1  }
0x228: {  	v0 =	vor.u32 v47, v0;
	[tilespmem:s12+$0xFFFFFCF0] =	vst v2;
	v1 =	vld.idx.msk [tilespmem:v4+s23+$0x0], $0xffff  }
0x229: {  	v2 =	vld.idx.msk [tilespmem:v7+s23+$0x0], $0xffff;
	[tilespmem:s12+$0xFFFFFB80] =	vst v5;
	v4 =	vor.u32 v28, v34  }
0x22a: {  	v5 =	vor.u32 v27, v33;
	v6 =	vld.idx.msk [tilespmem:v6+s23+$0x0], $0xffff  }
0x22b: {  	v7 =	vor.u32 v62, v22  }
0x22c: {  	[tilespmem:s12+$0xFFFFFEA0] =	vst v3  }
0x22d: {  	v0 =	vld.idx.msk [tilespmem:v0+s23+$0x0], $0xffff;
	[tilespmem:s12+$0xFFFFFA10] =	vst v1  }
0x22e: {  	v3 =	vor.u32 v62, v32;
	[tilespmem:s12+$0xFFFFFD00] =	vst v2;
	v1 =	vor.u32 v60, v34;
	v2 =	vld.idx.msk [tilespmem:v4+s23+$0x0], $0xffff  }
0x22f: {  	v5 =	vld.idx.msk [tilespmem:v5+s23+$0x0], $0xffff;
	[tilespmem:s12+$0xFFFFFB90] =	vst v6;
	v4 =	vor.u32 v59, v33;
	v1 =	vor.u32 v25, v1  }
0x230: {  	v6 =	vld.idx.msk [tilespmem:v7+s23+$0x0], $0xffff;
	v4 =	vor.u32 v47, v4  }
0x231: {  	v7 =	vor.u32 v28, v22  }
0x232: {  	[tilespmem:s12+$0xFFFFFEB0] =	vst v0  }
0x233: {  	v0 =	vld.idx.msk [tilespmem:v3+s23+$0x0], $0xffff;
	[tilespmem:s12+$0xFFFFFA20] =	vst v2  }
0x234: {  	[tilespmem:s12+$0xFFFFFD10] =	vst v5;
	v2 =	vor.u32 v28, v32;
	v1 =	vld.idx.msk [tilespmem:v1+s23+$0x0], $0xffff  }
0x235: {  	[tilespmem:s12+$0xFFFFFBA0] =	vst v6;
	v3 =	vld.idx.msk [tilespmem:v4+s23+$0x0], $0xffff;
	v4 =	vor.u32 v24, v34  }
0x236: {  	v5 =	vor.u32 v60, v22;
	v6 =	vor.u32 v62, v33;
	v7 =	vld.idx.msk [tilespmem:v7+s23+$0x0], $0xffff  }
0x237: {  	v5 =	vor.u32 v25, v5  }
0x238: {  	[tilespmem:s12+$0xFFFFFEC0] =	vst v0  }
0x239: {  	v0 =	vor.u32 v60, v32;
	v2 =	vld.idx.msk [tilespmem:v2+s23+$0x0], $0xffff;
	[tilespmem:s12+$0xFFFFFA30] =	vst v1  }
0x23a: {  	v0 =	vor.u32 v25, v0;
	[tilespmem:s12+$0xFFFFFD20] =	vst v3;
	v1 =	vld.idx.msk [tilespmem:v4+s23+$0x0], $0xffff  }
0x23b: {  	[tilespmem:s12+$0xFFFFFBB0] =	vst v7;
	v3 =	vld.idx.msk [tilespmem:v6+s23+$0x0], $0xffff;
	v4 =	vor.u32 v29, v34  }
0x23c: {  	v6 =	vor.u32 v28, v33;
	v5 =	vld.idx.msk [tilespmem:v5+s23+$0x0], $0xffff  }
0x23d: {  	v7 =	vor.u32 v24, v22  }
0x23e: {  	[tilespmem:s12+$0xFFFFFED0] =	vst v2  }
0x23f: {  	v0 =	vld.idx.msk [tilespmem:v0+s23+$0x0], $0xffff;
	[tilespmem:s12+$0xFFFFFA40] =	vst v1  }
0x240: {  	v2 =	vor.u32 v24, v32;
	v1 =	vor.u32 v54, v34;
	[tilespmem:s12+$0xFFFFFD30] =	vst v3;
	v3 =	vld.idx.msk [tilespmem:v4+s23+$0x0], $0xffff  }
0x241: {  	[tilespmem:s12+$0xFFFFFBC0] =	vst v5;
	v4 =	vor.u32 v60, v33;
	v6 =	vld.idx.msk [tilespmem:v6+s23+$0x0], $0xffff;
	v1 =	vor.u32 v30, v1  }
0x242: {  	v5 =	vld.idx.msk [tilespmem:v7+s23+$0x0], $0xffff;
	v4 =	vor.u32 v25, v4  }
0x243: {  	v7 =	vor.u32 v29, v22  }
0x244: {  	[tilespmem:s12+$0xFFFFFEE0] =	vst v0  }
0x245: {  	v0 =	vld.idx.msk [tilespmem:v2+s23+$0x0], $0xffff;
	[tilespmem:s12+$0xFFFFFA50] =	vst v3  }
0x246: {  	v2 =	vor.u32 v29, v32;
	[tilespmem:s12+$0xFFFFFD40] =	vst v6;
	v1 =	vld.idx.msk [tilespmem:v1+s23+$0x0], $0xffff  }
0x247: {  	[tilespmem:s12+$0xFFFFFBD0] =	vst v5;
	v3 =	vld.idx.msk [tilespmem:v4+s23+$0x0], $0xffff;
	v4 =	vor.u32 v23, v34  }
0x248: {  	v6 =	vor.u32 v24, v33;
	v7 =	vld.idx.msk [tilespmem:v7+s23+$0x0], $0xffff  }
0x249: {  	v5 =	vor.u32 v54, v22  }
0x24a: {  	v5 =	vor.u32 v30, v5;
	[tilespmem:s12+$0xFFFFFEF0] =	vst v0  }
0x24b: {  	v2 =	vld.idx.msk [tilespmem:v2+s23+$0x0], $0xffff;
	[tilespmem:s12+$0xFFFFFA60] =	vst v1  }
0x24c: {  	[tilespmem:s12+$0xFFFFFD50] =	vst v3;
	v1 =	vld.idx.msk [tilespmem:v4+s23+$0x0], $0xffff  }
0x24d: {  	[tilespmem:s12+$0xFFFFFBE0] =	vst v7;
	v3 =	vld.idx.msk [tilespmem:v6+s23+$0x0], $0xffff  }
0x24e: {  	v31 =	vld [tilespmem:$0x1FEF0]  }
0x24f: {  	v5 =	vld.idx.msk [tilespmem:v5+s23+$0x0], $0xffff;
	_ =	sdelay $0x1  }
0x250: {  	[tilespmem:s12+$0xFFFFFF00] =	vst v2  }
0x251: {  	v0 =	vor.u32 v54, v32;
	[tilespmem:s12+$0xFFFFFA70] =	vst v1  }
0x252: {  	v0 =	vor.u32 v30, v0;
	[tilespmem:s12+$0xFFFFFD60] =	vst v3  }
0x253: {  	v4 =	vor.u32 v31, v34;
	[tilespmem:s12+$0xFFFFFBF0] =	vst v5  }
0x254: {  	v6 =	vor.u32 v29, v33;
	v41 =	vld [tilespmem:$0x1FF60];
	_ =	sdelay $0x1  }
0x255: {  	v7 =	vor.u32 v23, v22  }
0x256: {  	v0 =	vld.idx.msk [tilespmem:v0+s23+$0x0], $0xffff  }
0x257: {  	v1 =	vor.u32 v21, v34;
	v3 =	vld.idx.msk [tilespmem:v4+s23+$0x0], $0xffff  }
0x258: {  	v6 =	vld.idx.msk [tilespmem:v6+s23+$0x0], $0xffff;
	v4 =	vor.u32 v54, v33;
	v1 =	vor.u32 v41, v1  }
0x259: {  	s19 =	simm.s32 $0x20;
	v4 =	vor.u32 v30, v4  }
0x25a: {  	s20 =	simm.s32 $0x28;
	v2 =	vor.u32 v23, v32;
	v5 =	vld.idx.msk [tilespmem:v7+s23+$0x0], $0xffff;
	v7 =	vmov s19  }
0x25b: {  	s24 =	simm.s32 $0x38;
	v9 =	vmov s20;
	v8 =	vor.u32 v31, v22;
	v35 =	vshll.u32 v7, $0x6;
	[tilespmem:s12+$0xFFFFFF10] =	vst v0  }
0x25c: {  	v36 =	vshll.u32 v9, $0x6;
	v7 =	vmov s24;
	v0 =	vor.u32 v26, v35;
	[tilespmem:s12+$0xFFFFFA80] =	vst v3  }
0x25d: {  	v37 =	vshll.u32 v7, $0x6;
	[tilespmem:s12+$0xFFFFFD70] =	vst v6;
	v3 =	vor.u32 v26, v36;
	v1 =	vld.idx.msk [tilespmem:v1+s23+$0x0], $0xffff  }
0x25e: {  	v7 =	vor.u32 v26, v37;
	v4 =	vld.idx.msk [tilespmem:v4+s23+$0x0], $0xffff  }
0x25f: {  	v9 =	vor.u32 v18, v34;
	v2 =	vld.idx.msk [tilespmem:v2+s23+$0x0], $0xffff;
	[tilespmem:s12+$0xFFFFFC00] =	vst v5  }
0x260: {  	v5 =	vld.idx.msk [tilespmem:v8+s23+$0x0], $0xffff  }
0x261: {  	v0 =	vld.idx.msk [tilespmem:v0+s23+$0x0], $0xffff  }
0x262: {  	v3 =	vld.idx.msk [tilespmem:v3+s23+$0x0], $0xffff;
	[tilespmem:s12+$0xFFFFFA90] =	vst v1  }
0x263: {  	[tilespmem:s12+$0xFFFFFD80] =	vst v4;
	v4 =	vld.idx.msk [tilespmem:v7+s23+$0x0], $0xffff  }
0x264: {  	s25 =	simm.s32 $0x30;
	v10 =	vor.u32 v20, v35;
	[tilespmem:s12+$0xFFFFFF20] =	vst v2;
	v9 =	vld.idx.msk [tilespmem:v9+s23+$0x0], $0xffff  }
0x265: {  	s7 =	simm.s32 $0x17470;
	v2 =	vmov s25;
	v7 =	vld [tilespmem:$0x1FEC0]  }
0x266: {  	v6 =	vor.u32 v31, v32;
	v38 =	vshll.u32 v2, $0x6;
	[tilespmem:s7+$0xFFFFF9D0] =	vst v0  }
0x267: {  	v2 =	vor.u32 v26, v38;
	[tilespmem:s12+$0xFFFFFC10] =	vst v5  }
0x268: {  	v11 =	vor.u32 v21, v22;
	v1 =	vor.u32 v20, v36;
	[tilespmem:s7+$0xFFFFFB60] =	vst v3  }
0x269: {  	v0 =	vor.u32 v41, v11;
	v3 =	vld.idx.msk [tilespmem:v10+s23+$0x0], $0xffff;
	[tilespmem:s12+$0xFFFFFAA0] =	vst v9  }
0x26a: {  	v8 =	vor.u32 v23, v33;
	v7 =	vor.u32 v7, v34;
	v23 =	vld [tilespmem:$0x1FE10]  }
0x26b: {  	v12 =	vor.u32 v20, v37;
	v6 =	vld.idx.msk [tilespmem:v6+s23+$0x0], $0xffff  }
0x26c: {  	v5 =	vor.u32 v27, v35;
	v2 =	vld.idx.msk [tilespmem:v2+s23+$0x0], $0xffff  }
0x26d: {  	v11 =	vor.u32 v20, v38;
	v1 =	vld.idx.msk [tilespmem:v1+s23+$0x0], $0xffff  }
0x26e: {  	v9 =	vor.u32 v27, v36;
	v0 =	vld.idx.msk [tilespmem:v0+s23+$0x0], $0xffff;
	[tilespmem:s7+$0xFFFFFE80] =	vst v4  }
0x26f: {  	[tilespmem:s7+$0xFFFFF9E0] =	vst v3;
	v3 =	vor.u32 v18, v22;
	v4 =	vld.idx.msk [tilespmem:v7+s23+$0x0], $0xffff;
	v10 =	vor.u32 v23, v34  }
0x270: {  	[tilespmem:s12+$0xFFFFFF30] =	vst v6;
	v6 =	vld.idx.msk [tilespmem:v12+s23+$0x0], $0xffff;
	v7 =	vor.u32 v19, v10  }
0x271: {  	[tilespmem:s7+$0xFFFFFCF0] =	vst v2;
	v5 =	vld.idx.msk [tilespmem:v5+s23+$0x0], $0xffff;
	v10 =	vor.u32 v27, v37  }
0x272: {  	v12 =	vor.u32 v59, v35;
	v11 =	vld.idx.msk [tilespmem:v11+s23+$0x0], $0xffff;
	[tilespmem:s7+$0xFFFFFB70] =	vst v1  }
0x273: {  	v2 =	vor.u32 v47, v12;
	v1 =	vor.u32 v59, v36;
	v9 =	vld.idx.msk [tilespmem:v9+s23+$0x0], $0xffff;
	[tilespmem:s12+$0xFFFFFC20] =	vst v0  }
0x274: {  	v1 =	vor.u32 v47, v1;
	v3 =	vld.idx.msk [tilespmem:v3+s23+$0x0], $0xffff;
	[tilespmem:s12+$0xFFFFFAB0] =	vst v4  }
0x275: {  	[tilespmem:s7+$0xFFFFFE90] =	vst v6;
	v4 =	vor.u32 v27, v38;
	v6 =	vld.idx.msk [tilespmem:v7+s23+$0x0], $0xffff  }
0x276: {  	v0 =	vor.u32 v59, v37;
	[tilespmem:s7+$0xFFFFF9F0] =	vst v5;
	v7 =	vld.idx.msk [tilespmem:v10+s23+$0x0], $0xffff;
	v10 =	vor.u32 v44, v34  }
0x277: {  	v0 =	vor.u32 v47, v0;
	v5 =	vld [tilespmem:$0x1FEC0]  }
0x278: {  	v2 =	vld.idx.msk [tilespmem:v2+s23+$0x0], $0xffff;
	[tilespmem:s7+$0xFFFFFB80] =	vst v9  }
0x279: {  	[tilespmem:s7+$0xFFFFFD00] =	vst v11;
	v1 =	vld.idx.msk [tilespmem:v1+s23+$0x0], $0xffff  }
0x27a: {  	v9 =	vor.u32 v62, v35;
	v4 =	vld.idx.msk [tilespmem:v4+s23+$0x0], $0xffff;
	[tilespmem:s12+$0xFFFFFAC0] =	vst v6  }
0x27b: {  	v12 =	vor.u32 v62, v36;
	[tilespmem:s7+$0xFFFFFEA0] =	vst v7;
	v7 =	vld.idx.msk [tilespmem:v10+s23+$0x0], $0xffff  }
0x27c: {  	[tilespmem:s12+$0xFFFFFC30] =	vst v3;
	v5 =	vor.u32 v5, v22;
	v0 =	vld.idx.msk [tilespmem:v0+s23+$0x0], $0xffff  }
0x27d: {  	[tilespmem:s7+$0xFFFFFA00] =	vst v2  }
0x27e: {  	v8 =	vld.idx.msk [tilespmem:v8+s23+$0x0], $0xffff;
	v11 =	vor.u32 v59, v38;
	[tilespmem:s7+$0xFFFFFB90] =	vst v1  }
0x27f: {  	v2 =	vld.idx.msk [tilespmem:v9+s23+$0x0], $0xffff;
	v6 =	vor.u32 v47, v11;
	[tilespmem:s7+$0xFFFFFD10] =	vst v4  }
0x280: {  	v3 =	vor.u32 v46, v34;
	v9 =	vld.idx.msk [tilespmem:v12+s23+$0x0], $0xffff;
	[tilespmem:s12+$0xFFFFFAD0] =	vst v7  }
0x281: {  	v11 =	vor.u32 v62, v37;
	v10 =	vor.u32 v23, v22;
	v5 =	vld.idx.msk [tilespmem:v5+s23+$0x0], $0xffff;
	[tilespmem:s7+$0xFFFFFEB0] =	vst v0  }
0x282: {  	v1 =	vor.u32 v19, v10;
	v10 =	vor.u32 v28, v36;
	v58 =	vld [tilespmem:$0x1FF50]  }
0x283: {  	v4 =	vor.u32 v31, v33  }
0x284: {  	v6 =	vld.idx.msk [tilespmem:v6+s23+$0x0], $0xffff;
	[tilespmem:s12+$0xFFFFFD90] =	vst v8  }
0x285: {  	v7 =	vor.u32 v28, v35;
	v0 =	vld.idx.msk [tilespmem:v3+s23+$0x0], $0xffff;
	[tilespmem:s7+$0xFFFFFBA0] =	vst v9  }
0x286: {  	v11 =	vld.idx.msk [tilespmem:v11+s23+$0x0], $0xffff;
	[tilespmem:s12+$0xFFFFFC40] =	vst v5;
	v5 =	vor.u32 v62, v38  }
0x287: {  	v9 =	vor.u32 v28, v37;
	[tilespmem:s7+$0xFFFFFA10] =	vst v2;
	v2 =	vld.idx.msk [tilespmem:v10+s23+$0x0], $0xffff;
	v3 =	vor.u32 v58, v34  }
0x288: {  	v8 =	vor.u32 v21, v33;
	v4 =	vld.idx.msk [tilespmem:v4+s23+$0x0], $0xffff;
	v3 =	vor.u32 v45, v3  }
0x289: {  	v8 =	vor.u32 v41, v8;
	v1 =	vld.idx.msk [tilespmem:v1+s23+$0x0], $0xffff;
	[tilespmem:s7+$0xFFFFFD20] =	vst v6  }
0x28a: {  	v12 =	vor.u32 v60, v36;
	v7 =	vld.idx.msk [tilespmem:v7+s23+$0x0], $0xffff;
	[tilespmem:s12+$0xFFFFFAE0] =	vst v0;
	v0 =	vor.u32 v44, v22  }
0x28b: {  	v6 =	vor.u32 v25, v12;
	[tilespmem:s7+$0xFFFFFEC0] =	vst v11;
	v5 =	vld.idx.msk [tilespmem:v5+s23+$0x0], $0xffff  }
0x28c: {  	v10 =	vor.u32 v21, v32;
	v9 =	vld.idx.msk [tilespmem:v9+s23+$0x0], $0xffff;
	[tilespmem:s7+$0xFFFFFBB0] =	vst v2;
	v2 =	vor.u32 v28, v38  }
0x28d: {  	v10 =	vor.u32 v41, v10;
	v12 =	vor.u32 v60, v35;
	[tilespmem:s12+$0xFFFFFDA0] =	vst v4;
	v3 =	vld.idx.msk [tilespmem:v3+s23+$0x0], $0xffff  }
0x28e: {  	v11 =	vor.u32 v25, v12;
	v4 =	vor.u32 v60, v37;
	v8 =	vld.idx.msk [tilespmem:v8+s23+$0x0], $0xffff;
	[tilespmem:s12+$0xFFFFFC50] =	vst v1  }
0x28f: {  	v4 =	vor.u32 v25, v4;
	[tilespmem:s7+$0xFFFFFA20] =	vst v7;
	v0 =	vld.idx.msk [tilespmem:v0+s23+$0x0], $0xffff  }
0x290: {  	v6 =	vld.idx.msk [tilespmem:v6+s23+$0x0], $0xffff;
	[tilespmem:s7+$0xFFFFFD30] =	vst v5;
	v5 =	vor.u32 v46, v22  }
0x291: {  	[tilespmem:s7+$0xFFFFFED0] =	vst v9;
	v2 =	vld.idx.msk [tilespmem:v2+s23+$0x0], $0xffff  }
0x292: {  	v1 =	vor.u32 v18, v33;
	[tilespmem:s12+$0xFFFFFAF0] =	vst v3;
	v3 =	vld.idx.msk [tilespmem:v10+s23+$0x0], $0xffff  }
0x293: {  	v7 =	vor.u32 v24, v36;
	[tilespmem:s12+$0xFFFFFDB0] =	vst v8;
	v10 =	vld.idx.msk [tilespmem:v11+s23+$0x0], $0xffff  }
0x294: {  	v4 =	vld.idx.msk [tilespmem:v4+s23+$0x0], $0xffff;
	[tilespmem:s12+$0xFFFFFC60] =	vst v0  }
0x295: {  	[tilespmem:s7+$0xFFFFFBC0] =	vst v6;
	v0 =	vld.idx.msk [tilespmem:v5+s23+$0x0], $0xffff  }
0x296: {  	v9 =	vor.u32 v18, v32;
	v5 =	vld [tilespmem:$0x1FEC0];
	[tilespmem:s7+$0xFFFFFD40] =	vst v2  }
0x297: {  	v12 =	vor.u32 v24, v35;
	v1 =	vld.idx.msk [tilespmem:v1+s23+$0x0], $0xffff;
	v11 =	vor.u32 v60, v38;
	[tilespmem:s12+$0xFFFFFF40] =	vst v3  }
0x298: {  	v7 =	vld.idx.msk [tilespmem:v7+s23+$0x0], $0xffff;
	v6 =	vor.u32 v25, v11;
	[tilespmem:s7+$0xFFFFFA30] =	vst v10  }
0x299: {  	v8 =	vor.u32 v24, v37;
	v25 =	vld [tilespmem:$0x1FF70];
	[tilespmem:s7+$0xFFFFFEE0] =	vst v4  }
0x29a: {  	v10 =	vor.u32 v29, v36;
	v4 =	vld [tilespmem:$0x1FEC0]  }
0x29b: {  	v3 =	vor.u32 v58, v22;
	v5 =	vor.u32 v5, v33;
	v9 =	vld.idx.msk [tilespmem:v9+s23+$0x0], $0xffff  }
0x29c: {  	v12 =	vld.idx.msk [tilespmem:v12+s23+$0x0], $0xffff;
	v2 =	vor.u32 v45, v3  }
0x29d: {  	v14 =	vor.u32 v29, v35;
	v6 =	vld.idx.msk [tilespmem:v6+s23+$0x0], $0xffff;
	[tilespmem:s12+$0xFFFFFDC0] =	vst v1  }
0x29e: {  	v8 =	vld.idx.msk [tilespmem:v8+s23+$0x0], $0xffff;
	[tilespmem:s7+$0xFFFFFBD0] =	vst v7;
	v1 =	vor.u32 v24, v38  }
0x29f: {  	[tilespmem:s12+$0xFFFFFC70] =	vst v0;
	v10 =	vld.idx.msk [tilespmem:v10+s23+$0x0], $0xffff;
	v4 =	vor.u32 v4, v32  }
0x2a0: {  	v16 =	vor.u32 v29, v37;
	v0 =	vor.u32 v54, v36;
	v5 =	vld.idx.msk [tilespmem:v5+s23+$0x0], $0xffff;
	[tilespmem:s12+$0xFFFFFF50] =	vst v9  }
0x2a1: {  	v11 =	vor.u32 v23, v33;
	v0 =	vor.u32 v30, v0;
	v2 =	vld.idx.msk [tilespmem:v2+s23+$0x0], $0xffff;
	[tilespmem:s7+$0xFFFFFA40] =	vst v12  }
0x2a2: {  	v11 =	vor.u32 v19, v11;
	[tilespmem:s7+$0xFFFFFD50] =	vst v6;
	v9 =	vld.idx.msk [tilespmem:v14+s23+$0x0], $0xffff  }
0x2a3: {  	v6 =	vor.u32 v40, v22;
	v1 =	vld.idx.msk [tilespmem:v1+s23+$0x0], $0xffff  }
0x2a4: {  	[tilespmem:s7+$0xFFFFFEF0] =	vst v8;
	v8 =	vor.u32 v40, v34;
	v4 =	vld.idx.msk [tilespmem:v4+s23+$0x0], $0xffff  }
0x2a5: {  	v14 =	vor.u32 v54, v35;
	v16 =	vld.idx.msk [tilespmem:v16+s23+$0x0], $0xffff;
	[tilespmem:s7+$0xFFFFFBE0] =	vst v10  }
0x2a6: {  	v14 =	vor.u32 v30, v14;
	[tilespmem:s12+$0xFFFFFDD0] =	vst v5;
	v0 =	vld.idx.msk [tilespmem:v0+s23+$0x0], $0xffff  }
0x2a7: {  	v13 =	vor.u32 v23, v32;
	[tilespmem:s12+$0xFFFFFC80] =	vst v2;
	v10 =	vld.idx.msk [tilespmem:v11+s23+$0x0], $0xffff  }
0x2a8: {  	v11 =	vor.u32 v19, v13;
	v6 =	vld.idx.msk [tilespmem:v6+s23+$0x0], $0xffff;
	[tilespmem:s7+$0xFFFFFA50] =	vst v9  }
0x2a9: {  	v5 =	vor.u32 v54, v37;
	v8 =	vld.idx.msk [tilespmem:v8+s23+$0x0], $0xffff;
	[tilespmem:s12+$0xFFFFFF60] =	vst v4  }
0x2aa: {  	v5 =	vor.u32 v30, v5;
	v20 =	vld [tilespmem:$0x1FEB0];
	[tilespmem:s7+$0xFFFFFF00] =	vst v16;
	v16 =	vor.u32 v23, v35  }
0x2ab: {  	v19 =	vor.u32 v29, v38;
	v14 =	vld.idx.msk [tilespmem:v14+s23+$0x0], $0xffff;
	[tilespmem:$0x1FCF0] =	vst v16  }
0x2ac: {  	[tilespmem:s7+$0xFFFFFD60] =	vst v1;
	v1 =	vor.u32 v23, v36  }
0x2ad: {  	v11 =	vld.idx.msk [tilespmem:v11+s23+$0x0], $0xffff;
	[tilespmem:$0x1FD00] =	vst v1  }
0x2ae: {  	v9 =	vor.u32 v44, v33;
	v1 =	vld [tilespmem:$0x1FEB0];
	[tilespmem:s12+$0xFFFFFDE0] =	vst v10;
	v10 =	vor.u32 v58, v35  }
0x2af: {  	v5 =	vld.idx.msk [tilespmem:v5+s23+$0x0], $0xffff;
	v20 =	vor.u32 v20, v36;
	[tilespmem:$0x1FD10] =	vst v10  }
0x2b0: {  	v10 =	vld.idx.msk [tilespmem:v19+s23+$0x0], $0xffff;
	[tilespmem:s7+$0xFFFFFBF0] =	vst v0;
	v0 =	vor.u32 v21, v38  }
0x2b1: {  	v16 =	vor.u32 v61, v22;
	[tilespmem:$0x1FD20] =	vst v0;
	v0 =	vld [tilespmem:$0x1FEB0]  }
0x2b2: {  	[tilespmem:s12+$0xFFFFFC90] =	vst v6  }
0x2b3: {  	v1 =	vor.u32 v1, v35;
	v9 =	vld.idx.msk [tilespmem:v9+s23+$0x0], $0xffff;
	[tilespmem:s7+$0xFFFFFA60] =	vst v14;
	v14 =	vor.u32 v58, v36  }
0x2b4: {  	v19 =	vor.u32 v44, v32;
	v6 =	vld.idx.msk [tilespmem:v20+s23+$0x0], $0xffff;
	[tilespmem:$0x1FD30] =	vst v14  }
0x2b5: {  	[tilespmem:s12+$0xFFFFFF70] =	vst v11;
	v11 =	vor.u32 v23, v38  }
0x2b6: {  	v14 =	vld.idx.msk [tilespmem:v16+s23+$0x0], $0xffff;
	v0 =	vor.u32 v0, v37;
	[tilespmem:$0x1FD40] =	vst v11  }
0x2b7: {  	v13 =	vor.u32 v54, v38;
	[tilespmem:s7+$0xFFFFFF10] =	vst v5  }
0x2b8: {  	v13 =	vor.u32 v30, v13;
	v1 =	vld.idx.msk [tilespmem:v1+s23+$0x0], $0xffff;
	[tilespmem:s7+$0xFFFFFD70] =	vst v10;
	v10 =	vor.u32 v23, v37  }
0x2b9: {  	v5 =	vld.idx.msk [tilespmem:v19+s23+$0x0], $0xffff;
	[tilespmem:$0x1FD50] =	vst v10  }
0x2ba: {  	[tilespmem:s12+$0xFFFFFDF0] =	vst v9;
	v9 =	vor.u32 v58, v38  }
0x2bb: {  	v0 =	vld.idx.msk [tilespmem:v0+s23+$0x0], $0xffff;
	[tilespmem:$0x1FD60] =	vst v9  }
0x2bc: {  	v16 =	vor.u32 v46, v33;
	[tilespmem:s7+$0xFFFFFC00] =	vst v6;
	v6 =	vor.u32 v58, v37  }
0x2bd: {  	v3 =	vor.u32 v25, v22;
	v11 =	vor.u32 v31, v36;
	v9 =	vld.idx.msk [tilespmem:v13+s23+$0x0], $0xffff;
	[tilespmem:$0x1FD70] =	vst v6  }
0x2be: {  	v3 =	vor.u32 v55, v3;
	[tilespmem:s12+$0xFFFFFCA0] =	vst v14  }
0x2bf: {  	v57 =	vor.u32 v63, v32;
	v56 =	vor.u32 v63, v33;
	v15 =	vor.u32 v58, v33;
	v14 =	vld [tilespmem:$0x1FEB0]  }
0x2c0: {  	v51 =	vor.u32 v21, v37;
	v15 =	vor.u32 v45, v15;
	v10 =	vor.u32 v31, v35  }
0x2c1: {  	v28 =	vmov v18;
	v13 =	vor.u32 v46, v32;
	v16 =	vld.idx.msk [tilespmem:v16+s23+$0x0], $0xffff;
	[tilespmem:s7+$0xFFFFFA70] =	vst v1;
	v1 =	vor.u32 v25, v38  }
0x2c2: {  	v52 =	vor.u32 v28, v35;
	v6 =	vor.u32 v31, v37;
	v11 =	vld.idx.msk [tilespmem:v11+s23+$0x0], $0xffff;
	[tilespmem:$0x1FD80] =	vst v1  }
0x2c3: {  	v7 =	vor.u32 v58, v32;
	v1 =	vld.idx.msk [tilespmem:v3+s23+$0x0], $0xffff;
	[tilespmem:s12+$0xFFFFFF80] =	vst v5;
	v3 =	vor.u32 v25, v37  }
0x2c4: {  	v24 =	vor.u32 v25, v34;
	v2 =	vor.u32 v21, v36;
	[tilespmem:$0x1FD90] =	vst v3;
	v14 =	vor.u32 v14, v38  }
0x2c5: {  	v12 =	vor.u32 v25, v33;
	v5 =	vld.idx.msk [tilespmem:v10+s23+$0x0], $0xffff;
	v10 =	vor.u32 v41, v2;
	[tilespmem:s7+$0xFFFFFF20] =	vst v0  }
0x2c6: {  	v4 =	vor.u32 v21, v35;
	v0 =	vor.u32 v61, v34;
	v19 =	vld.idx.msk [tilespmem:v13+s23+$0x0], $0xffff;
	[tilespmem:s7+$0xFFFFFD80] =	vst v9  }
0x2c7: {  	v42 =	vmov v46;
	v18 =	vor.u32 v25, v32;
	v20 =	vor.u32 v41, v4;
	[tilespmem:s12+$0xFFFFFE00] =	vst v16;
	v21 =	vld.idx.msk [tilespmem:v6+s23+$0x0], $0xffff  }
0x2c8: {  	v43 =	vmov v45;
	v50 =	vor.u32 v25, v36;
	v53 =	vor.u32 v25, v35;
	[tilespmem:s7+$0xFFFFFC10] =	vst v11;
	v9 =	vld.idx.msk [tilespmem:v15+s23+$0x0], $0xffff  }
0x2c9: {  	v39 =	vmov v41;
	v58 =	vor.u32 v28, v36;
	[tilespmem:s12+$0xFFFFFB00] =	vst v8;
	v4 =	vld.idx.msk [tilespmem:v14+s23+$0x0], $0xffff;
	v14 =	vor.u32 v45, v7  }
0x2ca: {  	v3 =	vor.u32 v55, v18;
	v2 =	vor.u32 v48, v34;
	v8 =	vmov v63;
	v15 =	vld.idx.msk [tilespmem:v10+s23+$0x0], $0xffff;
	[tilespmem:s7+$0xFFFFFA80] =	vst v5  }
0x2cb: {  	v63 =	vor.u32 v55, v12;
	v6 =	vmov v61;
	v61 =	vor.u32 v17, v22;
	v11 =	vld.idx.msk [tilespmem:v0+s23+$0x0], $0xffff;
	[tilespmem:s12+$0xFFFFFF90] =	vst v19  }
0x2cc: {  	v46 =	vmov v17;
	v13 =	vor.u32 v8, v22;
	v5 =	vor.u32 v40, v33;
	v16 =	vld.idx.msk [tilespmem:v20+s23+$0x0], $0xffff;
	[tilespmem:s7+$0xFFFFFF30] =	vst v21  }
0x2cd: {  	v41 =	vmovc v28;
	v10 =	vor.u32 v8, v34;
	v8 =	vor.u32 v55, v24;
	v0 =	vor.u32 v48, v22;
	v22 =	vld [tilespmem:$0x1FEC0]  }
0x2ce: {  	s20 =	simm.s32 $0x58;
	s14 =	simm.s32 $0x17470;
	s19 =	simm.s32 $0x4;
	v40 =	vmovc v31;
	v31 =	vmov v48;
	v7 =	vor.u32 v6, v32;
	v6 =	vor.u32 v6, v33;
	v14 =	vld.idx.msk [tilespmem:v14+s23+$0x0], $0xffff  }
.LBB2_8:
0x2cf: {  	[tilespmem:s12+$0xFFFFFCB0] =	vst v1  }
0x2d0: {  	v17 =	vmov v53;
	[tilespmem:s12+$0xFFFFFE10] =	vst v9  }
0x2d1: {  	s25 =	sadd.s32 $0xFFFFFFF0, s20;
	v12 =	vmov s20;
	v48 =	vld [tilespmem:$0x1FED0];
	[tilespmem:$0x1FCE0] =	vst v17  }
0x2d2: {  	v19 =	vmov s25;
	v12 =	vshll.u32 v12, $0x6;
	v20 =	vld.idx.msk [tilespmem:v13+s23+$0x0], $0xffff;
	[tilespmem:s7+$0xFFFFFC20] =	vst v15  }
0x2d3: {  	s24 =	sadd.s32 $0xFFFFFFE8, s20;
	v55 =	vshll.u32 v19, $0x6;
	v19 =	vor.u32 v26, v12;
	v15 =	vld.idx.msk [tilespmem:v5+s23+$0x0], $0xffff;
	[tilespmem:s12+$0xFFFFFB10] =	vst v11  }
0x2d4: {  	v17 =	vmov s24;
	[tilespmem:s7+$0xFFFFFA90] =	vst v16;
	v23 =	vld.idx.msk [tilespmem:v58+s23+$0x0], $0xffff  }
0x2d5: {  	v17 =	vshll.u32 v17, $0x6;
	v16 =	vld.idx.msk [tilespmem:v8+s23+$0x0], $0xffff  }
0x2d6: {  	v45 =	vmov v44;
	v21 =	vor.u32 v26, v17;
	v25 =	vor.u32 v26, v55;
	v28 =	vld.idx.msk [tilespmem:v52+s23+$0x0], $0xffff  }
0x2d7: {  	v44 =	vmovc v41;
	[tilespmem:s12+$0xFFFFFFA0] =	vst v14;
	v52 =	vor.u32 v41, v17;
	v41 =	vmovc v47;
	v47 =	vmov v46;
	v46 =	vmov v31;
	v31 =	vld [tilespmem:$0x1FE10]  }
0x2d8: {  	v1 =	vor.u32 v48, v32;
	[tilespmem:s12+$0xFFFFFCC0] =	vst v20;
	v19 =	vld.idx.msk [tilespmem:v19+s23+$0x0], $0xffff  }
0x2d9: {  	[tilespmem:s7+$0xFFFFFD90] =	vst v4;
	v20 =	vld.idx.msk [tilespmem:v0+s23+$0x0], $0xffff  }
0x2da: {  	v18 =	vor.u32 v22, v36;
	v0 =	vld [tilespmem:$0x1FFA0];
	[tilespmem:s12+$0xFFFFFE20] =	vst v15  }
0x2db: {  	s25 =	sadd.s32 $0xFFFFFFF8, s20;
	v15 =	vld.idx.msk [tilespmem:v25+s23+$0x0], $0xffff;
	[tilespmem:s7+$0xFFFFFC30] =	vst v23  }
0x2dc: {  	v5 =	vmov s25;
	v21 =	vld.idx.msk [tilespmem:v21+s23+$0x0], $0xffff;
	[tilespmem:s12+$0xFFFFFB20] =	vst v16  }
0x2dd: {  	v13 =	vshll.u32 v5, $0x6;
	v5 =	vlaneseq.u32;
	v14 =	vld.idx.msk [tilespmem:v1+s23+$0x0], $0xffff;
	v1 =	vor.u32 v54, v12;
	[tilespmem:s7+$0xFFFFFAA0] =	vst v28  }
0x2de: {  	v26 =	vor.u32 v5, v13;
	[tilespmem:$0x1FC90] =	vst v1;
	v1 =	vor.u32 v54, v13;
	v28 =	vld.idx.msk [tilespmem:v10+s23+$0x0], $0xffff  }
0x2df: {  	s7 =	sadd.s32 $0x640, s7;
	v18 =	vld.idx.msk [tilespmem:v18+s23+$0x0], $0xffff;
	[tilespmem:$0x1FCA0] =	vst v1  }
0x2e0: {  	v1 =	vld [tilespmem:$0x1FFB0];
	[tilespmem:s7+$0xFFFFFE80] =	vst v19  }
0x2e1: {  	v22 =	vor.u32 v59, v12;
	[tilespmem:s12+$0xFFFFFCD0] =	vst v20;
	v20 =	vld.idx.msk [tilespmem:v6+s23+$0x0], $0xffff  }
0x2e2: {  	v24 =	vor.u32 v59, v17;
	v29 =	vor.u32 v59, v55;
	v23 =	vor.u32 v0, v17;
	v6 =	vld [tilespmem:$0x1FEC0];
	[tilespmem:s7+$0xFFFFF9D0] =	vst v21  }
0x2e3: {  	v27 =	vor.u32 v59, v13;
	v59 =	vor.u32 v0, v55;
	v21 =	vld.idx.msk [tilespmem:v26+s23+$0x0], $0xffff;
	[tilespmem:s7+$0xFFFFFB60] =	vst v15  }
0x2e4: {  	v11 =	vor.u32 v60, v55;
	[tilespmem:s12+$0xFFFFFFB0] =	vst v14;
	v61 =	vld.idx.msk [tilespmem:v61+s23+$0x0], $0xffff  }
0x2e5: {  	v9 =	vor.u32 v60, v17;
	v4 =	vor.u32 v54, v55;
	v8 =	vor.u32 v60, v12;
	v19 =	vld.idx.msk [tilespmem:v7+s23+$0x0], $0xffff  }
0x2e6: {  	[tilespmem:$0x1FCB0] =	vst v50;
	v58 =	vor.u32 v54, v17;
	v5 =	vor.u32 v60, v13;
	v60 =	vor.u32 v31, v55;
	v7 =	vld [tilespmem:$0x1FFE0]  }
0x2e7: {  	v25 =	vor.u32 v0, v12;
	v30 =	vor.u32 v0, v13;
	v23 =	vld.idx.msk [tilespmem:v23+s23+$0x0], $0xffff;
	[tilespmem:s12+$0xFFFFFB30] =	vst v28  }
0x2e8: {  	v0 =	vmov v40;
	v40 =	vor.u32 v31, v17;
	v10 =	vor.u32 v1, v55;
	v28 =	vld.idx.msk [tilespmem:v59+s23+$0x0], $0xffff;
	[tilespmem:s14+$0xFFFFFC40] =	vst v18  }
0x2e9: {  	v50 =	vld [tilespmem:$0x1FF50];
	v15 =	vor.u32 v1, v13;
	v14 =	vor.u32 v1, v12;
	v59 =	vor.u32 v6, v35;
	[tilespmem:s12+$0xFFFFFE30] =	vst v20  }
0x2ea: {  	v49 =	vld [tilespmem:$0x1FF70];
	v6 =	vor.u32 v31, v12;
	[tilespmem:$0x1FCC0] =	vst v10;
	v10 =	vor.u32 v1, v17;
	v1 =	vmov v43  }
0x2eb: {  	v43 =	vmov v39;
	v62 =	vld.idx.msk [tilespmem:v2+s23+$0x0], $0xffff;
	[tilespmem:s12+$0xFFFFFCE0] =	vst v61;
	v26 =	vor.u32 v7, v12;
	v39 =	vor.u32 v7, v17  }
0x2ec: {  	v61 =	vld.idx.msk [tilespmem:v63+s23+$0x0], $0xffff;
	v54 =	vor.u32 v7, v55;
	v18 =	vor.u32 v7, v13;
	v7 =	vor.u32 v31, v13  }
0x2ed: {  	[tilespmem:s7+$0xFFFFFCF0] =	vst v21;
	v31 =	vmovc v46;
	v46 =	vmovc v47;
	v47 =	vmov v41;
	v41 =	vmov v44;
	v44 =	vmov v45;
	v45 =	vld [tilespmem:$0x1FF90]  }
0x2ee: {  	[tilespmem:s12+$0xFFFFFFC0] =	vst v19;
	v30 =	vld.idx.msk [tilespmem:v30+s23+$0x0], $0xffff  }
0x2ef: {  	v20 =	vld.idx.msk [tilespmem:v3+s23+$0x0], $0xffff  }
0x2f0: {  	v25 =	vld.idx.msk [tilespmem:v25+s23+$0x0], $0xffff;
	[tilespmem:s7+$0xFFFFF9E0] =	vst v23  }
0x2f1: {  	v23 =	vld.idx.msk [tilespmem:v59+s23+$0x0], $0xffff  }
0x2f2: {  	[tilespmem:s7+$0xFFFFFB70] =	vst v28;
	v39 =	vld.idx.msk [tilespmem:v39+s23+$0x0], $0xffff  }
0x2f3: {  	v53 =	vor.u32 v49, v17;
	[tilespmem:s12+$0xFFFFFE40] =	vst v61;
	v28 =	vld.idx.msk [tilespmem:v54+s23+$0x0], $0xffff  }
0x2f4: {  	v16 =	vor.u32 v50, v17;
	v2 =	vor.u32 v49, v55;
	v24 =	vor.u32 v47, v24;
	v54 =	vld [tilespmem:$0x1FCF0];
	[tilespmem:s12+$0xFFFFFB40] =	vst v62  }
0x2f5: {  	[tilespmem:s12+$0xFFFFFFD0] =	vst v20;
	v20 =	vor.u32 v46, v34;
	v34 =	vmov v35;
	v35 =	vmov v17;
	v17 =	vld.idx.msk [tilespmem:v56+s23+$0x0], $0xffff  }
0x2f6: {  	v21 =	vor.u32 v49, v13;
	v29 =	vor.u32 v47, v29;
	v61 =	vld.idx.msk [tilespmem:v57+s23+$0x0], $0xffff;
	[tilespmem:s7+$0xFFFFFE90] =	vst v25  }
0x2f7: {  	v63 =	vor.u32 v49, v12;
	v49 =	vmovc v40;
	v40 =	vmov v0;
	v0 =	vld [tilespmem:$0x1FD00];
	[tilespmem:s14+$0xFFFFFAB0] =	vst v23;
	v23 =	vor.u32 v31, v33  }
0x2f8: {  	[tilespmem:s7+$0xFFFFFD00] =	vst v30;
	v25 =	vld.idx.msk [tilespmem:v26+s23+$0x0], $0xffff;
	v26 =	vor.u32 v31, v32  }
0x2f9: {  	v62 =	vld [tilespmem:$0x1FE50];
	v54 =	vor.u32 v45, v54;
	[tilespmem:s7+$0xFFFFF9F0] =	vst v39  }
0x2fa: {  	[tilespmem:s7+$0xFFFFFB80] =	vst v28;
	v24 =	vld.idx.msk [tilespmem:v24+s23+$0x0], $0xffff  }
0x2fb: {  	v29 =	vld.idx.msk [tilespmem:v29+s23+$0x0], $0xffff;
	[tilespmem:s12+$0xFFFFFE50] =	vst v17  }
0x2fc: {  	[tilespmem:s12+$0xFFFFFFE0] =	vst v61;
	v23 =	vld.idx.msk [tilespmem:v23+s23+$0x0], $0xffff  }
0x2fd: {  	v22 =	vor.u32 v47, v22;
	[tilespmem:$0x1FCF0] =	vst v49;
	v17 =	vld.idx.msk [tilespmem:v26+s23+$0x0], $0xffff  }
0x2fe: {  	v28 =	vor.u32 v62, v55;
	[tilespmem:s7+$0xFFFFFEA0] =	vst v25;
	v54 =	vld.idx.msk [tilespmem:v54+s23+$0x0], $0xffff  }
0x2ff: {  	v30 =	vor.u32 v44, v34;
	v20 =	vld.idx.msk [tilespmem:v20+s23+$0x0], $0xffff;
	[tilespmem:s7+$0xFFFFFA00] =	vst v24  }
0x300: {  	v19 =	vor.u32 v50, v12;
	[tilespmem:s7+$0xFFFFFB90] =	vst v29  }
0x301: {  	v39 =	vor.u32 v62, v12;
	v18 =	vld.idx.msk [tilespmem:v18+s23+$0x0], $0xffff;
	v25 =	vor.u32 v46, v33;
	[tilespmem:s12+$0xFFFFFE60] =	vst v23  }
0x302: {  	v26 =	vor.u32 v46, v32;
	v32 =	vmov v37;
	v37 =	vmov v12;
	v12 =	vld.idx.msk [tilespmem:v22+s23+$0x0], $0xffff;
	[tilespmem:s12+$0xFFFFFFF0] =	vst v17  }
0x303: {  	v22 =	vld.idx.msk [tilespmem:v28+s23+$0x0], $0xffff;
	v17 =	vor.u32 v45, v0;
	v0 =	vmov v60;
	[tilespmem:s14+$0xFFFFFAC0] =	vst v54  }
0x304: {  	v49 =	vor.u32 v62, v35;
	[tilespmem:$0x1FD00] =	vst v0;
	v24 =	vld.idx.msk [tilespmem:v30+s23+$0x0], $0xffff  }
0x305: {  	v0 =	vld [tilespmem:$0x1FD10];
	[tilespmem:s12+$0xFFFFFB50] =	vst v20;
	v20 =	vor.u32 v42, v34  }
0x306: {  	v28 =	vld [tilespmem:$0x1FE60];
	[tilespmem:s7+$0xFFFFFD10] =	vst v18  }
0x307: {  	v27 =	vor.u32 v47, v27;
	v33 =	vmov v38;
	v25 =	vld.idx.msk [tilespmem:v25+s23+$0x0], $0xffff  }
0x308: {  	[tilespmem:$0x1FCD0] =	vst v10;
	v10 =	vor.u32 v50, v55;
	v18 =	vor.u32 v40, v33;
	v23 =	vld.idx.msk [tilespmem:v26+s23+$0x0], $0xffff  }
0x309: {  	v3 =	vor.u32 v50, v13;
	v50 =	vor.u32 v62, v13;
	v38 =	vmov v13;
	v13 =	vld.idx.msk [tilespmem:v49+s23+$0x0], $0xffff;
	[tilespmem:s14+$0xFFFFFAD0] =	vst v24  }
0x30a: {  	[tilespmem:s7+$0xFFFFFEB0] =	vst v12;
	v12 =	vld.idx.msk [tilespmem:v20+s23+$0x0], $0xffff;
	v20 =	vor.u32 v1, v0;
	v0 =	vmov v16  }
0x30b: {  	v24 =	vor.u32 v28, v35;
	[tilespmem:$0x1FD10] =	vst v0;
	v0 =	vld [tilespmem:$0x1FD20]  }
0x30c: {  	v27 =	vld.idx.msk [tilespmem:v27+s23+$0x0], $0xffff  }
0x30d: {  	v18 =	vld.idx.msk [tilespmem:v18+s23+$0x0], $0xffff  }
0x30e: {  	v26 =	vor.u32 v28, v55;
	[tilespmem:s12+$0xFFFFFE70] =	vst v25;
	v25 =	vld [tilespmem:$0x1FE70]  }
0x30f: {  	[tilespmem:s7+$0xFFFFFA10] =	vst v13;
	v13 =	vld.idx.msk [tilespmem:v39+s23+$0x0], $0xffff;
	v39 =	vmov v43  }
0x310: {  	[tilespmem:s12+$0x0] =	vst v23;
	v23 =	vld.idx.msk [tilespmem:v24+s23+$0x0], $0xffff;
	v24 =	vor.u32 v39, v0  }
0x311: {  	v29 =	vld [tilespmem:$0x1FE90];
	[tilespmem:s7+$0xFFFFFBA0] =	vst v22  }
0x312: {  	v17 =	vld.idx.msk [tilespmem:v17+s23+$0x0], $0xffff  }
0x313: {  	[tilespmem:s7+$0xFFFFFD20] =	vst v27;
	v16 =	vor.u32 v28, v37;
	v22 =	vld.idx.msk [tilespmem:v26+s23+$0x0], $0xffff;
	s12 =	smov.u32 s14  }
0x314: {  	v11 =	vor.u32 v25, v11;
	v0 =	vmov v15;
	v15 =	vld.idx.msk [tilespmem:v50+s23+$0x0], $0xffff;
	[tilespmem:s12+$0xFFFFFDA0] =	vst v18  }
0x315: {  	[tilespmem:s12+$0xFFFFFAE0] =	vst v12;
	v18 =	vld.idx.msk [tilespmem:v24+s23+$0x0], $0xffff  }
0x316: {  	[tilespmem:s7+$0xFFFFFEC0] =	vst v13;
	v13 =	vor.u32 v44, v36;
	v24 =	vld [tilespmem:$0x1FE80]  }
0x317: {  	v12 =	vld.idx.msk [tilespmem:v20+s23+$0x0], $0xffff;
	v20 =	vor.u32 v39, v51  }
0x318: {  	v9 =	vor.u32 v25, v9;
	[tilespmem:s7+$0xFFFFFBB0] =	vst v22;
	v16 =	vld.idx.msk [tilespmem:v16+s23+$0x0], $0xffff  }
0x319: {  	v51 =	vmov v14;
	v14 =	vor.u32 v28, v38;
	v11 =	vld.idx.msk [tilespmem:v11+s23+$0x0], $0xffff;
	[tilespmem:s12+$0xFFFFFC50] =	vst v17  }
0x31a: {  	v17 =	vor.u32 v41, v33;
	[tilespmem:$0x1FD20] =	vst v0;
	v0 =	vld [tilespmem:$0x1FD30]  }
0x31b: {  	[tilespmem:s7+$0xFFFFFA20] =	vst v23;
	v13 =	vld.idx.msk [tilespmem:v13+s23+$0x0], $0xffff;
	v22 =	vor.u32 v24, v55  }
0x31c: {  	[tilespmem:s12+$0xFFFFFAF0] =	vst v12;
	v12 =	vld.idx.msk [tilespmem:v20+s23+$0x0], $0xffff  }
0x31d: {  	v8 =	vor.u32 v25, v8;
	[tilespmem:s7+$0xFFFFFD30] =	vst v15;
	v9 =	vld.idx.msk [tilespmem:v9+s23+$0x0], $0xffff  }
0x31e: {  	v14 =	vld.idx.msk [tilespmem:v14+s23+$0x0], $0xffff;
	[tilespmem:s12+$0xFFFFFDB0] =	vst v18  }
0x31f: {  	v15 =	vor.u32 v42, v36;
	[tilespmem:s7+$0xFFFFFBC0] =	vst v11;
	v11 =	vld.idx.msk [tilespmem:v17+s23+$0x0], $0xffff  }
0x320: {  	[tilespmem:s7+$0xFFFFFED0] =	vst v16;
	v16 =	vor.u32 v41, v32;
	v17 =	vld.idx.msk [tilespmem:v22+s23+$0x0], $0xffff  }
0x321: {  	v22 =	vld [tilespmem:$0x1FEC0]  }
0x322: {  	v5 =	vor.u32 v25, v5;
	v8 =	vld.idx.msk [tilespmem:v8+s23+$0x0], $0xffff;
	[tilespmem:s12+$0xFFFFFF40] =	vst v12  }
0x323: {  	v30 =	vld [tilespmem:$0x1FEA0];
	v20 =	vor.u32 v24, v35;
	[tilespmem:s12+$0xFFFFFC60] =	vst v13  }
0x324: {  	[tilespmem:s7+$0xFFFFFA30] =	vst v9;
	v9 =	vor.u32 v29, v55;
	v13 =	vld.idx.msk [tilespmem:v15+s23+$0x0], $0xffff  }
0x325: {  	v12 =	vld.idx.msk [tilespmem:v16+s23+$0x0], $0xffff;
	[tilespmem:s7+$0xFFFFFD40] =	vst v14;
	v14 =	vor.u32 v1, v0;
	v0 =	vmov v10  }
0x326: {  	[tilespmem:$0x1FD30] =	vst v0;
	v0 =	vld [tilespmem:$0x1FD40];
	v15 =	vor.u32 v22, v33  }
0x327: {  	[tilespmem:s7+$0xFFFFFEE0] =	vst v8;
	v5 =	vld.idx.msk [tilespmem:v5+s23+$0x0], $0xffff  }
0x328: {  	v18 =	vor.u32 v24, v37;
	v16 =	vld.idx.msk [tilespmem:v20+s23+$0x0], $0xffff;
	[tilespmem:s7+$0xFFFFFBD0] =	vst v17  }
0x329: {  	v8 =	vor.u32 v22, v32;
	v9 =	vld.idx.msk [tilespmem:v9+s23+$0x0], $0xffff;
	[tilespmem:s12+$0xFFFFFC70] =	vst v13  }
0x32a: {  	v10 =	vor.u32 v29, v35;
	[tilespmem:s12+$0xFFFFFDC0] =	vst v11;
	v13 =	vld.idx.msk [tilespmem:v14+s23+$0x0], $0xffff  }
0x32b: {  	v11 =	vor.u32 v24, v38;
	v14 =	vor.u32 v45, v0;
	v0 =	vmov v7;
	v15 =	vld.idx.msk [tilespmem:v15+s23+$0x0], $0xffff  }
0x32c: {  	[tilespmem:$0x1FD40] =	vst v0;
	v0 =	vld [tilespmem:$0x1FD50]  }
0x32d: {  	v18 =	vld.idx.msk [tilespmem:v18+s23+$0x0], $0xffff;
	[tilespmem:s12+$0xFFFFFF50] =	vst v12  }
0x32e: {  	[tilespmem:s7+$0xFFFFFA40] =	vst v16;
	v7 =	vld.idx.msk [tilespmem:v8+s23+$0x0], $0xffff  }
0x32f: {  	v8 =	vld.idx.msk [tilespmem:v10+s23+$0x0], $0xffff;
	[tilespmem:s7+$0xFFFFFD50] =	vst v5  }
0x330: {  	v10 =	vld.idx.msk [tilespmem:v11+s23+$0x0], $0xffff;
	[tilespmem:s12+$0xFFFFFDD0] =	vst v15  }
0x331: {  	v17 =	vor.u32 v29, v37;
	[tilespmem:s7+$0xFFFFFBE0] =	vst v9;
	v9 =	vld.idx.msk [tilespmem:v14+s23+$0x0], $0xffff;
	v14 =	vor.u32 v45, v0;
	v0 =	vmov v6  }
0x332: {  	[tilespmem:$0x1FD50] =	vst v0;
	v0 =	vld [tilespmem:$0x1FC90]  }
0x333: {  	v4 =	vor.u32 v30, v4  }
0x334: {  	v23 =	vld [tilespmem:$0x1FEB0];
	v11 =	vor.u32 v48, v34  }
0x335: {  	[tilespmem:s7+$0xFFFFFEF0] =	vst v18  }
0x336: {  	v5 =	vor.u32 v48, v36;
	v12 =	vld.idx.msk [tilespmem:v17+s23+$0x0], $0xffff  }
0x337: {  	v49 =	vld [tilespmem:$0x1FFF0];
	v0 =	vor.u32 v30, v0  }
0x338: {  	v43 =	vmov v1;
	v1 =	vor.u32 v30, v58;
	v4 =	vld.idx.msk [tilespmem:v4+s23+$0x0], $0xffff;
	[tilespmem:s7+$0xFFFFFA50] =	vst v8  }
0x339: {  	[tilespmem:s12+$0xFFFFFF60] =	vst v7;
	v7 =	vld.idx.msk [tilespmem:v11+s23+$0x0], $0xffff;
	v11 =	vor.u32 v23, v55  }
0x33a: {  	v27 =	vld [tilespmem:$0x1FFC0];
	[tilespmem:s12+$0xFFFFFC80] =	vst v13  }
0x33b: {  	v5 =	vld.idx.msk [tilespmem:v5+s23+$0x0], $0xffff;
	[tilespmem:s7+$0xFFFFFF00] =	vst v12  }
0x33c: {  	v0 =	vld.idx.msk [tilespmem:v0+s23+$0x0], $0xffff  }
0x33d: {  	v1 =	vld.idx.msk [tilespmem:v1+s23+$0x0], $0xffff;
	[tilespmem:s7+$0xFFFFFBF0] =	vst v4  }
0x33e: {  	v6 =	vor.u32 v29, v38;
	[tilespmem:s7+$0xFFFFFD60] =	vst v10;
	v10 =	vld.idx.msk [tilespmem:v11+s23+$0x0], $0xffff  }
0x33f: {  	v12 =	vor.u32 v27, v36;
	v11 =	vld [tilespmem:$0x1FCA0]  }
0x340: {  	v13 =	vld.idx.msk [tilespmem:v14+s23+$0x0], $0xffff;
	v14 =	vor.u32 v23, v35  }
0x341: {  	[tilespmem:s7+$0xFFFFFF10] =	vst v0;
	v0 =	vld [tilespmem:$0x1FCB0];
	_ =	sdelay $0x1  }
0x342: {  	v8 =	vor.u32 v44, v33;
	v6 =	vld.idx.msk [tilespmem:v6+s23+$0x0], $0xffff;
	[tilespmem:s12+$0xFFFFFC90] =	vst v5  }
0x343: {  	[tilespmem:s7+$0xFFFFFA60] =	vst v1;
	v1 =	vld.idx.msk [tilespmem:v12+s23+$0x0], $0xffff;
	v11 =	vor.u32 v30, v11  }
0x344: {  	v12 =	vld.idx.msk [tilespmem:v14+s23+$0x0], $0xffff;
	v14 =	vor.u32 v40, v55  }
0x345: {  	v0 =	vor.u32 v49, v0  }
0x346: {  	[tilespmem:s12+$0xFFFFFDE0] =	vst v9  }
0x347: {  	v50 =	vmov v2;
	v2 =	vor.u32 v40, v35;
	v8 =	vld.idx.msk [tilespmem:v8+s23+$0x0], $0xffff;
	[tilespmem:s7+$0xFFFFFD70] =	vst v6  }
0x348: {  	[tilespmem:s7+$0xFFFFFC00] =	vst v10;
	v6 =	vld.idx.msk [tilespmem:v11+s23+$0x0], $0xffff  }
0x349: {  	v11 =	vld.idx.msk [tilespmem:v14+s23+$0x0], $0xffff;
	[tilespmem:s12+$0xFFFFFCA0] =	vst v1  }
0x34a: {  	v1 =	vld.idx.msk [tilespmem:v0+s23+$0x0], $0xffff  }
0x34b: {  	v4 =	vor.u32 v23, v37;
	[tilespmem:s7+$0xFFFFFA70] =	vst v12;
	v12 =	vmov v3;
	v0 =	vld [tilespmem:$0x1FD60]  }
0x34c: {  	v5 =	vor.u32 v42, v33;
	[tilespmem:$0x1FD60] =	vst v12;
	v12 =	vld.idx.msk [tilespmem:v2+s23+$0x0], $0xffff  }
0x34d: {  	v2 =	vld [tilespmem:$0x1FCC0]  }
0x34e: {  	v9 =	vor.u32 v44, v32  }
0x34f: {  	[tilespmem:s12+$0xFFFFFF70] =	vst v13  }
0x350: {  	v13 =	vor.u32 v23, v38;
	[tilespmem:s12+$0xFFFFFDF0] =	vst v8;
	v4 =	vld.idx.msk [tilespmem:v4+s23+$0x0], $0xffff  }
0x351: {  	v5 =	vld.idx.msk [tilespmem:v5+s23+$0x0], $0xffff  }
0x352: {  	v14 =	vor.u32 v39, v2;
	v2 =	vld [tilespmem:$0x1FCD0]  }
0x353: {  	v9 =	vld.idx.msk [tilespmem:v9+s23+$0x0], $0xffff;
	v0 =	vor.u32 v43, v0  }
0x354: {  	[tilespmem:s7+$0xFFFFFD80] =	vst v6  }
0x355: {  	[tilespmem:s7+$0xFFFFFF20] =	vst v4;
	v4 =	vld.idx.msk [tilespmem:v13+s23+$0x0], $0xffff  }
0x356: {  	v8 =	vor.u32 v42, v32;
	[tilespmem:s12+$0xFFFFFE00] =	vst v5;
	v5 =	vld [tilespmem:$0x1FD70]  }
0x357: {  	v10 =	vor.u32 v40, v37;
	v17 =	vor.u32 v39, v2;
	v2 =	vld [tilespmem:$0x1FD90]  }
0x358: {  	[tilespmem:s12+$0xFFFFFF80] =	vst v9;
	v9 =	vld.idx.msk [tilespmem:v0+s23+$0x0], $0xffff  }
0x359: {  	v0 =	vld [tilespmem:$0x1FD80]  }
0x35a: {  	v45 =	vld [tilespmem:$0x1FFD0]  }
0x35b: {  	v16 =	vor.u32 v27, v34;
	v8 =	vld.idx.msk [tilespmem:v8+s23+$0x0], $0xffff  }
0x35c: {  	v18 =	vld.idx.msk [tilespmem:v10+s23+$0x0], $0xffff;
	[tilespmem:s7+$0xFFFFFC10] =	vst v11  }
0x35d: {  	v59 =	vld [tilespmem:$0x1FE40];
	[tilespmem:s12+$0xFFFFFB00] =	vst v7;
	v20 =	vor.u32 v43, v5  }
0x35e: {  	s19 =	sadd.s32 $0x4, s19;
	v60 =	vld [tilespmem:$0x1FE30];
	[tilespmem:s7+$0xFFFFFA80] =	vst v12;
	v3 =	vor.u32 v49, v2;
	v2 =	vmovc v63;
	v63 =	vor.u32 v49, v0;
	v0 =	vmov v21  }
0x35f: {  	p0 =	slt.u32 s19, $0x3C;
	v61 =	vor.u32 v46, v36;
	[tilespmem:$0x1FD80] =	vst v0;
	v0 =	vld [tilespmem:$0x1FCE0]  }
.Ltmp3:
0x360: {  	v58 =	vor.u32 v41, v55;
	v57 =	vor.u32 v45, v32;
	[tilespmem:s12+$0xFFFFFF90] =	vst v8;
	v11 =	vld.idx.msk [tilespmem:v16+s23+$0x0], $0xffff;
	(pc) =	sbr.rel @p0 .LBB2_8-.Ltmp3, $4  }
0x361: {  	v56 =	vor.u32 v45, v33;
	v6 =	vor.u32 v27, v33;
	v5 =	vmov v19;
	[tilespmem:s7+$0xFFFFFF30] =	vst v18;
	v15 =	vld.idx.msk [tilespmem:v14+s23+$0x0], $0xffff  }
0x362: {  	v13 =	vor.u32 v45, v36;
	v10 =	vor.u32 v45, v34;
	[tilespmem:$0x1FD70] =	vst v5;
	v14 =	vld.idx.msk [tilespmem:v20+s23+$0x0], $0xffff  }
0x363: {  	v26 =	vlaneseq.u32;
	v7 =	vor.u32 v27, v32;
	v5 =	vor.u32 v48, v33;
	v16 =	vld.idx.msk [tilespmem:v17+s23+$0x0], $0xffff;
	[tilespmem:$0x1FD90] =	vst v2  }
0x364: {  	s20 =	sadd.s32 $0x20, s20;
	v54 =	vld [tilespmem:$0x1FE20];
	s14 =	smov.u32 s7;
	v2 =	vor.u32 v31, v34;
	v8 =	vor.u32 v49, v0;
	v0 =	vor.u32 v31, v36;
	v36 =	vmovc v55  }
0x365: {  	v12 =	vor.u32 v40, v38;
	[tilespmem:s7+$0xFFFFFD90] =	vst v4  }
0x366: {  	v17 =	vld [tilespmem:$0x1FD20];
	_ =	sdelay $0x3  }
0x367: {  	v48 =	vor.u32 v39, v51;
	v4 =	vld.idx.msk [tilespmem:v12+s23+$0x0], $0xffff  }
0x368: {  	v17 =	vor.u32 v39, v17;
	_ =	sdelay $0x3  }
0x369: {  	v49 =	vld.idx.msk [tilespmem:v48+s23+$0x0], $0xffff;
	[tilespmem:s14+$0xFFFFFDA0] =	vst v4  }
0x36a: {  	[tilespmem:s7+$0xFFFFFC20] =	vst v15;
	v51 =	vld.idx.msk [tilespmem:v17+s23+$0x0], $0xffff;
	v17 =	vor.u32 v41, v37  }
0x36b: {  	v18 =	vor.u32 v41, v38;
	v15 =	vld.idx.msk [tilespmem:v58+s23+$0x0], $0xffff;
	[tilespmem:s7+$0xFFFFFA90] =	vst v16  }
0x36c: {  	v16 =	vor.u32 v22, v36;
	v19 =	vld.idx.msk [tilespmem:v52+s23+$0x0], $0xffff  }
0x36d: {  	v55 =	vor.u32 v22, v35;
	[tilespmem:s12+$0xFFFFFCB0] =	vst v1  }
0x36e: {  	v13 =	vld.idx.msk [tilespmem:v13+s23+$0x0], $0xffff;
	[tilespmem:s14+$0xFFFFFF40] =	vst v49  }
0x36f: {  	[tilespmem:s14+$0xFFFFFDB0] =	vst v51;
	v58 =	vld.idx.msk [tilespmem:v17+s23+$0x0], $0xffff  }
0x370: {  	[tilespmem:s7+$0xFFFFFC30] =	vst v15;
	v17 =	vld.idx.msk [tilespmem:v18+s23+$0x0], $0xffff  }
0x371: {  	v15 =	vld.idx.msk [tilespmem:v16+s23+$0x0], $0xffff;
	[tilespmem:s7+$0xFFFFFAA0] =	vst v19;
	v18 =	vor.u32 v22, v37  }
0x372: {  	v4 =	vld.idx.msk [tilespmem:v55+s23+$0x0], $0xffff  }
0x373: {  	v45 =	vor.u32 v22, v38;
	v19 =	vld [tilespmem:$0x1FF90]  }
0x374: {  	v16 =	vld [tilespmem:$0x1FD00];
	[tilespmem:s14+$0xFFFFFF50] =	vst v58  }
0x375: {  	v12 =	vld [tilespmem:$0x1FCF0];
	[tilespmem:s14+$0xFFFFFDC0] =	vst v17  }
0x376: {  	v17 =	vld.idx.msk [tilespmem:v18+s23+$0x0], $0xffff;
	[tilespmem:s12+$0xFFFFFE10] =	vst v9  }
0x377: {  	v9 =	vld [tilespmem:$0x1FD50]  }
0x378: {  	v1 =	vld.idx.msk [tilespmem:v45+s23+$0x0], $0xffff;
	[tilespmem:s12+$0xFFFFFB10] =	vst v11  }
0x379: {  	v16 =	vor.u32 v19, v16;
	v11 =	vld [tilespmem:$0x1FD40];
	[tilespmem:s14+$0xFFFFFC40] =	vst v15  }
0x37a: {  	[tilespmem:s14+$0xFFFFFAB0] =	vst v4  }
0x37b: {  	[tilespmem:s12+$0xFFFFFFA0] =	vst v14;
	v12 =	vor.u32 v19, v12  }
0x37c: {  	[tilespmem:s12+$0xFFFFFCC0] =	vst v13;
	v9 =	vor.u32 v19, v9  }
0x37d: {  	[tilespmem:s14+$0xFFFFFF60] =	vst v17  }
0x37e: {  	v4 =	vld.idx.msk [tilespmem:v16+s23+$0x0], $0xffff;
	[tilespmem:s14+$0xFFFFFDD0] =	vst v1  }
0x37f: {  	v11 =	vor.u32 v19, v11;
	v45 =	vld [tilespmem:$0x1FED0]  }
0x380: {  	v48 =	vor.u32 v44, v36;
	v12 =	vld.idx.msk [tilespmem:v12+s23+$0x0], $0xffff  }
0x381: {  	v16 =	vor.u32 v44, v35;
	v49 =	vld.idx.msk [tilespmem:v9+s23+$0x0], $0xffff  }
0x382: {  	v52 =	vor.u32 v44, v37;
	v5 =	vld.idx.msk [tilespmem:v5+s23+$0x0], $0xffff  }
0x383: {  	v8 =	vld.idx.msk [tilespmem:v8+s23+$0x0], $0xffff  }
0x384: {  	[tilespmem:s14+$0xFFFFFC50] =	vst v4;
	v51 =	vld.idx.msk [tilespmem:v11+s23+$0x0], $0xffff  }
0x385: {  	v55 =	vor.u32 v44, v38;
	v4 =	vld.idx.msk [tilespmem:v48+s23+$0x0], $0xffff;
	[tilespmem:s14+$0xFFFFFAC0] =	vst v12  }
0x386: {  	v58 =	vor.u32 v45, v32;
	v12 =	vld.idx.msk [tilespmem:v16+s23+$0x0], $0xffff;
	[tilespmem:s14+$0xFFFFFF70] =	vst v49  }
0x387: {  	[tilespmem:s12+$0xFFFFFE20] =	vst v5;
	v49 =	vld.idx.msk [tilespmem:v52+s23+$0x0], $0xffff  }
0x388: {  	[tilespmem:s12+$0xFFFFFB20] =	vst v8  }
0x389: {  	v0 =	vld.idx.msk [tilespmem:v0+s23+$0x0], $0xffff;
	[tilespmem:s14+$0xFFFFFDE0] =	vst v51  }
0x38a: {  	v15 =	vor.u32 v42, v36;
	[tilespmem:s14+$0xFFFFFC60] =	vst v4;
	v51 =	vld.idx.msk [tilespmem:v55+s23+$0x0], $0xffff  }
0x38b: {  	v48 =	vor.u32 v42, v35;
	v55 =	vld.idx.msk [tilespmem:v58+s23+$0x0], $0xffff;
	[tilespmem:s14+$0xFFFFFAD0] =	vst v12  }
0x38c: {  	v12 =	vld [tilespmem:$0x1FD30];
	[tilespmem:s14+$0xFFFFFF80] =	vst v49  }
0x38d: {  	v52 =	vor.u32 v42, v37;
	v9 =	vld [tilespmem:$0x1FD10]  }
0x38e: {  	v10 =	vld.idx.msk [tilespmem:v10+s23+$0x0], $0xffff;
	v58 =	vor.u32 v42, v38  }
0x38f: {  	v4 =	vld.idx.msk [tilespmem:v15+s23+$0x0], $0xffff;
	[tilespmem:s14+$0xFFFFFDF0] =	vst v51  }
0x390: {  	v1 =	vld.idx.msk [tilespmem:v48+s23+$0x0], $0xffff;
	[tilespmem:s12+$0xFFFFFFB0] =	vst v55  }
0x391: {  	v15 =	vld [tilespmem:$0x1FD70];
	v12 =	vor.u32 v43, v12  }
0x392: {  	v14 =	vld.idx.msk [tilespmem:v52+s23+$0x0], $0xffff;
	v9 =	vor.u32 v43, v9  }
0x393: {  	v8 =	vld.idx.msk [tilespmem:v58+s23+$0x0], $0xffff;
	[tilespmem:s12+$0xFFFFFCD0] =	vst v0  }
0x394: {  	v0 =	vld [tilespmem:$0x1FD60]  }
0x395: {  	v7 =	vld.idx.msk [tilespmem:v7+s23+$0x0], $0xffff;
	[tilespmem:s14+$0xFFFFFC70] =	vst v4  }
0x396: {  	[tilespmem:s14+$0xFFFFFAE0] =	vst v1;
	v11 =	vor.u32 v43, v15;
	v48 =	vld.idx.msk [tilespmem:v12+s23+$0x0], $0xffff  }
0x397: {  	[tilespmem:s12+$0xFFFFFB30] =	vst v10;
	v49 =	vld.idx.msk [tilespmem:v9+s23+$0x0], $0xffff  }
0x398: {  	[tilespmem:s14+$0xFFFFFF90] =	vst v14  }
0x399: {  	[tilespmem:s14+$0xFFFFFE00] =	vst v8;
	v0 =	vor.u32 v43, v0  }
0x39a: {  	v6 =	vld.idx.msk [tilespmem:v6+s23+$0x0], $0xffff;
	v51 =	vor.u32 v45, v36;
	[tilespmem:s12+$0xFFFFFFC0] =	vst v7  }
0x39b: {  	v52 =	vor.u32 v45, v35;
	v55 =	vld.idx.msk [tilespmem:v11+s23+$0x0], $0xffff;
	[tilespmem:s14+$0xFFFFFC80] =	vst v48  }
0x39c: {  	v13 =	vld.idx.msk [tilespmem:v61+s23+$0x0], $0xffff;
	[tilespmem:s14+$0xFFFFFAF0] =	vst v49  }
0x39d: {  	v58 =	vor.u32 v45, v37;
	v61 =	vld [tilespmem:$0x1FFC0]  }
0x39e: {  	v0 =	vld.idx.msk [tilespmem:v0+s23+$0x0], $0xffff  }
0x39f: {  	v12 =	vor.u32 v45, v38;
	v1 =	vld.idx.msk [tilespmem:v51+s23+$0x0], $0xffff  }
0x3a0: {  	v4 =	vld.idx.msk [tilespmem:v52+s23+$0x0], $0xffff;
	[tilespmem:s14+$0xFFFFFFA0] =	vst v55  }
0x3a1: {  	[tilespmem:s12+$0xFFFFFE30] =	vst v6  }
0x3a2: {  	[tilespmem:s12+$0xFFFFFCE0] =	vst v13;
	v48 =	vld.idx.msk [tilespmem:v58+s23+$0x0], $0xffff;
	v14 =	vor.u32 v61, v36  }
0x3a3: {  	v2 =	vld.idx.msk [tilespmem:v2+s23+$0x0], $0xffff;
	[tilespmem:s14+$0xFFFFFE10] =	vst v0;
	v15 =	vor.u32 v61, v35  }
0x3a4: {  	v7 =	vld.idx.msk [tilespmem:v12+s23+$0x0], $0xffff;
	[tilespmem:s14+$0xFFFFFC90] =	vst v1  }
0x3a5: {  	v3 =	vld.idx.msk [tilespmem:v3+s23+$0x0], $0xffff;
	[tilespmem:s14+$0xFFFFFB00] =	vst v4  }
0x3a6: {  	v55 =	vld [tilespmem:$0x1FFF0]  }
0x3a7: {  	v49 =	vor.u32 v61, v37;
	[tilespmem:s14+$0xFFFFFFB0] =	vst v48;
	v1 =	vld.idx.msk [tilespmem:v14+s23+$0x0], $0xffff  }
0x3a8: {  	[tilespmem:s12+$0xFFFFFB40] =	vst v2;
	v12 =	vld.idx.msk [tilespmem:v15+s23+$0x0], $0xffff  }
0x3a9: {  	[tilespmem:s14+$0xFFFFFE20] =	vst v7  }
0x3aa: {  	v51 =	vor.u32 v61, v38;
	v2 =	vld [tilespmem:$0x1FD90];
	[tilespmem:s12+$0xFFFFFFD0] =	vst v3  }
0x3ab: {  	v3 =	vld [tilespmem:$0x1FD80]  }
0x3ac: {  	v6 =	vld.idx.msk [tilespmem:v49+s23+$0x0], $0xffff;
	[tilespmem:s14+$0xFFFFFCA0] =	vst v1  }
0x3ad: {  	v14 =	vld.idx.msk [tilespmem:v63+s23+$0x0], $0xffff;
	v58 =	vor.u32 v55, v50;
	[tilespmem:s14+$0xFFFFFB10] =	vst v12  }
0x3ae: {  	v13 =	vor.u32 v55, v53;
	v63 =	vld [tilespmem:$0x1FFD0]  }
0x3af: {  	v7 =	vld.idx.msk [tilespmem:v51+s23+$0x0], $0xffff;
	v2 =	vor.u32 v55, v2  }
0x3b0: {  	v3 =	vor.u32 v55, v3  }
0x3b1: {  	v34 =	vor.u32 v46, v34;
	v15 =	vld.idx.msk [tilespmem:v57+s23+$0x0], $0xffff  }
0x3b2: {  	v4 =	vld.idx.msk [tilespmem:v58+s23+$0x0], $0xffff  }
0x3b3: {  	v0 =	vld.idx.msk [tilespmem:v13+s23+$0x0], $0xffff;
	[tilespmem:s14+$0xFFFFFFC0] =	vst v6;
	v48 =	vor.u32 v63, v36  }
0x3b4: {  	[tilespmem:s14+$0xFFFFFE30] =	vst v7;
	v2 =	vld.idx.msk [tilespmem:v2+s23+$0x0], $0xffff;
	v49 =	vor.u32 v63, v35  }
0x3b5: {  	[tilespmem:s12+$0xFFFFFE40] =	vst v14;
	v3 =	vld.idx.msk [tilespmem:v3+s23+$0x0], $0xffff;
	v50 =	vor.u32 v63, v37  }
0x3b6: {  	v1 =	vld.idx.msk [tilespmem:v34+s23+$0x0], $0xffff;
	[tilespmem:s12+$0xFFFFFFE0] =	vst v15;
	v51 =	vor.u32 v63, v38  }
0x3b7: {  	v52 =	vor.u32 v31, v32;
	v8 =	vld.idx.msk [tilespmem:v56+s23+$0x0], $0xffff;
	[tilespmem:s14+$0xFFFFFCB0] =	vst v4  }
0x3b8: {  	v53 =	vor.u32 v31, v33;
	[tilespmem:s14+$0xFFFFFB20] =	vst v0;
	v5 =	vld.idx.msk [tilespmem:v48+s23+$0x0], $0xffff  }
0x3b9: {  	v56 =	vor.u32 v31, v36;
	[tilespmem:s14+$0xFFFFFFD0] =	vst v2;
	v6 =	vld.idx.msk [tilespmem:v49+s23+$0x0], $0xffff  }
0x3ba: {  	v57 =	vor.u32 v31, v35;
	[tilespmem:s14+$0xFFFFFE40] =	vst v3;
	v58 =	vld.idx.msk [tilespmem:v50+s23+$0x0], $0xffff  }
0x3bb: {  	v13 =	vor.u32 v31, v37;
	[tilespmem:s12+$0xFFFFFB50] =	vst v1;
	v12 =	vld.idx.msk [tilespmem:v51+s23+$0x0], $0xffff  }
0x3bc: {  	v15 =	vor.u32 v31, v38;
	v14 =	vld.idx.msk [tilespmem:v52+s23+$0x0], $0xffff;
	[tilespmem:s12+$0xFFFFFE50] =	vst v8  }
0x3bd: {  	v34 =	vor.u32 v46, v32;
	v4 =	vld.idx.msk [tilespmem:v53+s23+$0x0], $0xffff;
	[tilespmem:s14+$0xFFFFFCC0] =	vst v5  }
0x3be: {  	v48 =	vor.u32 v46, v33;
	[tilespmem:s14+$0xFFFFFB30] =	vst v6;
	v0 =	vld.idx.msk [tilespmem:v56+s23+$0x0], $0xffff  }
0x3bf: {  	v49 =	vor.u32 v46, v36;
	[tilespmem:s14+$0xFFFFFFE0] =	vst v58;
	v2 =	vld.idx.msk [tilespmem:v57+s23+$0x0], $0xffff  }
0x3c0: {  	v50 =	vor.u32 v46, v35;
	[tilespmem:s14+$0xFFFFFE50] =	vst v12;
	v51 =	vld.idx.msk [tilespmem:v13+s23+$0x0], $0xffff  }
0x3c1: {  	v52 =	vor.u32 v46, v37;
	[tilespmem:s12+$0xFFFFFFF0] =	vst v14;
	v1 =	vld.idx.msk [tilespmem:v15+s23+$0x0], $0xffff  }
0x3c2: {  	v53 =	vld.idx.msk [tilespmem:v34+s23+$0x0], $0xffff;
	[tilespmem:s12+$0xFFFFFE60] =	vst v4;
	v56 =	vor.u32 v46, v38  }
0x3c3: {  	v5 =	vld.idx.msk [tilespmem:v48+s23+$0x0], $0xffff;
	[tilespmem:s14+$0xFFFFFCD0] =	vst v0  }
0x3c4: {  	[tilespmem:s14+$0xFFFFFB40] =	vst v2;
	v0 =	vld.idx.msk [tilespmem:v49+s23+$0x0], $0xffff  }
0x3c5: {  	[tilespmem:s14+$0xFFFFFFF0] =	vst v51;
	v2 =	vld.idx.msk [tilespmem:v50+s23+$0x0], $0xffff  }
0x3c6: {  	[tilespmem:s14+$0xFFFFFE60] =	vst v1;
	v57 =	vld.idx.msk [tilespmem:v52+s23+$0x0], $0xffff  }
0x3c7: {  	[tilespmem:s12+$0x0] =	vst v53;
	v58 =	vld.idx.msk [tilespmem:v56+s23+$0x0], $0xffff  }
0x3c8: {  	[tilespmem:s12+$0xFFFFFE70] =	vst v5  }
0x3c9: {  	[tilespmem:s14+$0xFFFFFCE0] =	vst v0  }
0x3ca: {  	[tilespmem:s14+$0xFFFFFB50] =	vst v2  }
0x3cb: {  	s25 =	sadd.s32 s8, s11;
	s21 =	sadd.s32 $0x1, s21;
	[tilespmem:s14+$0x0] =	vst v57  }
0x3cc: {  	p0 =	sne.s32 s21, $0x19;
	s7 =	smul.u32 $0x32, s25;
	[tilespmem:s14+$0xFFFFFE70] =	vst v58  }
.Ltmp4:
0x3cd: {  	v51 =	vld [tilespmem:$0x1FF70];
	(pc) =	sbr.rel @p0 .LBB2_2-.Ltmp4, $4  }
0x3ce: {  	v52 =	vld [tilespmem:$0x1FF50]  }
0x3cf: {  	s7 =	sshrl.u32 s7, $0x3;
	v21 =	vld [tilespmem:$0x1FFB0]  }
0x3d0: {  	s7 =	sadd.s32 s2, s7;
	v20 =	vld [tilespmem:$0x1FFA0]  }
0x3d1: {  	[hbm4b:s7+s3] =	stream.linear.scatter [tilespmem:s17], [sflag:$0x6], $0x6400, $0x38;
	v27 =	vld [tilespmem:$0x1FFE0]  }
0x3d2: {  	_ =	swait.ge [sflag:s18], $0x6400  }
0x3d3: {  	[sflag:s18] =	ssyncset.done $0x0  }
0x3d4: {  	s8 =	simm.s32 $0x6;
	[sflag:s18] =	ssyncadd.s32 $0xFFFF9C00  }
0x3d5: {  	_ =	swait.ge [sflag:s8], $0x6400  }
0x3d6: {  	s12 =	rddreg [dreg:$0x6]  }
0x3d7: {  	s7 =	rddreg [dreg:$0x5];
	s12 =	sadd.s32 $0x1, s12  }
0x3d8: {  	p0 =	sne.s32 s12, s7  }
.Ltmp5:
0x3d9: {  	_ = 	snop;
	(pc) =	sbr.rel @p0 .LBB2_1-.Ltmp5, $3  }
0x3da: {  	_ =	sdelay $0x1  }
0x3db: {  	[sflag:s8] =	ssyncset.done $0x0  }
0x3dc: {  	[sflag:s8] =	ssyncadd.s32 $0xFFFF9C00  }
0x3dd: {  	_ =	sfence.sel $0x180000  }
0x3de: {  	[bflag:$0x0] =	sbarrier.arrive $0xFFFF  }
0x3df: {  	_ =	strace $0x90000047  }
0x3e0: {  	s0 =	stileid.u32;
	[bflag:$0x2] =	sbarrier.arrive $0xFFFF  }
0x3e1: {  	p0 =	sne.s32 s0, $0x0;
	s0 =	rddreg [dreg:$0x2]  }
0x3e2: {  	s0 =	sadd.s32 @!p0 $0x100000, s0  }
0x3e3: {  	[sflag:s0] =	ssyncadd.tile.s32 @!p0 $0x1;
	_ =	shalt  }
.Lfunc_end2:
_tile_overlayer_lowered:
.L_overlay_start_2:
0x3e4: {  	(tag) =	ssettag $0x2  }
0x3e5: {  	s0 =	rddreg [dreg:$0x0];
	s2 =	stileid.u32  }
0x3e6: {  	s1 =	rddreg [dreg:$0x1];
	p0 =	sne.s32 s2, $0x0  }
0x3e7: {  	s3 =	rddreg [dreg:$0x2];
	[bflag:$0x3] =	sbarrier.arrive $0xFFFF;
	s2 =	simm.s32 @!p0 $0x1C07  }
0x3e8: {  	[timem:s3], [sflag:s2] =	dma.local @!p0 [hbm:s0], s1  }
0x3e9: {  	s0 =	simm.s32 @!p0 $0x7  }
0x3ea: {  	_ =	swait.ge @!p0 [sflag:s0], s1  }
0x3eb: {  	s1 =	ssub.s32 @!p0 $0x0, s1;
	[sflag:s0] =	ssyncset.done @!p0 $0x0  }
0x3ec: {  	[sflag:s0] =	ssyncadd.s32 @!p0 s1  }
0x3ed: {  	[bflag:$0x3] =	sbarrier.arrive $0xFFFF  }
0x3ee: {  	_ =	shalt  }

// kernel: sparse-core-data-format-call.cloned.1.call-start
scs
called_computation_lowered:
.L_overlay_start_0:
0x0: {  	s2 =	sld [smem:$0x3FD9]  }
0x1: {  	s3 =	sld [smem:$0x3FFE];
	_ =	sdelay $0x1  }
0x2: {  	s1 =	srdreg.scid  }
0x3: {  	s0 =	sand.u32 $0x1, s1  }
0x4: {  	s18 =	sshll.u32 s0, $0xA;
	s2 =	sadd.s32 s3, s2  }
0x5: {  	s2 =	sadd.s32 s2, s18  }
0x6: {  	[smem:$0x3FC6] =	sst s2  }
0x7: {  	_ = 	snop  }
0x8: {  	s2 =	sld [smem:$0x3FD0];
	(tm) =	ssettm $0x1  }
0x9: {  	s19 =	sld [smem:$0x3FFB];
	_ =	sdelay $0x3  }
0xa: {  	_ =	strace s19  }
0xb: {  	s3 =	sld [smem:$0x3FFC];
	_ =	sdelay $0x3  }
0xc: {  	_ =	strace s3  }
0xd: {  	s3 =	sld [smem:$0x3FFD];
	_ =	sdelay $0x3  }
0xe: {  	_ =	strace s3  }
0xf: {  	_ =	strace $0x8FFFFFFF  }
0x10: {  	s20 =	sld [smem:$0x3FDB];
	_ =	sdelay $0x1  }
0x11: {  	s4 =	simm.s32 $_scs_section_size  }
0x12: {  	s5 =	simm.s32 $_size__tile_overlayer_lowered;
	s6 =	simm.s32 $_tile_overlayer_lowered  }
0x13: {  	s23 =	simm.s32 $0x1BFF;
	s22 =	sshll.u32 s6, $0x1;
	s3 =	sadd.s32 s4, s20  }
0x14: {  	s7 =	simm.s32 $0x0;
	s21 =	sshll.u32 s5, $0x1;
	s5 =	sadd.s32 s22, s3  }
0x15: {  	[timem:s7], [sflag:s23] =	dma.local [hbm:s5], s21  }
0x16: {  	_ =	swait.ge [sflag:s23], s21  }
0x17: {  	s4 =	ssub.s32 $0x0, s21;
	[sflag:s23] =	ssyncset.done $0x0  }
0x18: {  	[sflag:s23] =	ssyncadd.s32 s4;
	_ =	sdelay $0x1  }
0x19: {  	s24 =	simm.s32 $0x1B8B  }
0x1a: {  	_ =	swait.ge [sflag:s24], $0x1  }
0x1b: {  	[sflag:s24] =	ssyncset.done $0x0  }
0x1c: {  	s26 =	simm.s32 $0x1B8E;
	s25 =	sld [smem:$0x3FFE];
	[sflag:s24] =	ssyncadd.s32 $0xFFFFFFFF  }
0x1d: {  	s27 =	simm.s32 $execute0_lowered;
	[smem:$0x3FD2] =	sst s26  }
0x1e: {  	s5 =	sshll.u32 s27, $0x1;
	_ =	strace $0x80000049;
	[dreg:$0x1] =	wrdreg $0xFFFFFFFF  }
0x1f: {  	s28 =	simm.s32 $_size_execute0_lowered;
	s3 =	sadd.s32 s3, s5;
	[dreg:$0x0] =	wrdreg $0x0  }
0x20: {  	s5 =	sshll.u32 s28, $0x1;
	[dreg:$0x2] =	wrdreg s3  }
0x21: {  	[dreg:$0x3] =	wrdreg s5  }
0x22: {  	[dreg:$0x4] =	wrdreg $0xC0  }
0x23: {  	_ =	task [dreg:s7], $0x5FFFF  }
0x24: {  	[dreg:$0x1] =	wrdreg $0xFFFFFFFF  }
0x25: {  	[dreg:$0x0] =	wrdreg $0x60  }
0x26: {  	[dreg:$0x2] =	wrdreg s25  }
0x27: {  	[dreg:$0x3] =	wrdreg s2  }
0x28: {  	[dreg:$0x4] =	wrdreg $0x9  }
0x29: {  	_ =	task.clear_ibuf [dreg:s7], $0x5FFFF;
	_ =	strace $0x90000049  }
0x2a: {  	s29 =	simm.s32 $0x9;
	_ =	strace $0x8000004B  }
0x2b: {  	_ =	swait.ge [sflag:s29], $0x1  }
0x2c: {  	[sflag:s29] =	ssyncadd.s32 $0xFFFFFFFF  }
0x2d: {  	_ =	strace $0x9000004B  }
0x2e: {  	_ =	sfence  }
0x2f: {  	s30 =	sld [smem:$0x0];
	_ =	sdelay $0x2  }
0x30: {  	s31 =	sshll.u32 s1, $0xD;
	s1 =	sshrl.u32 s1, $0x2  }
0x31: {  	s3 =	sand.u32 $0x4000, s31;
	s1 =	sadd.s32 s1, s30  }
0x32: {  	s0 =	sor.u32 s3, s0;
	s1 =	sshll.u32 s1, $0x11  }
0x33: {  	s0 =	sor.u32 s1, s0  }
0x34: {  	s0 =	sadd.s32 $0x8F2B, s0  }
0x35: {  	[sflag:s0] =	ssyncadd.remote.s32 $0x1  }
0x36: {  	_ =	sfence.sel $0xFFFF  }
0x37: {  	[dreg:$0x0] =	wrdreg $0xFFFFFFFF;
	(pc) =	sbr.abs _section_cstart, $3  }
0x38: {  	[dreg:$0x1] =	wrdreg $0xFFFFFFFF  }
0x39: {  	_ =	task.clear_ibuf [dreg:s7], $0x2FFFF;
	_ =	strace $0x9FFFFFFF  }
0x3a: {  	(tm) =	ssettm $0x7FFFFFFF  }
0x3b: {  	_ =	shalt  }
tec
execute0_lowered:
.L_overlay_start_1:
0x0: {  	(tag) =	ssettag $0x1  }
0x1: {  	s0 =	srdreg.scid  }
0x2: {  	s1 =	sshll.u32 s0, $0x4  }
0x3: {  	s6 =	rddreg [dreg:$0x0];
	s0 =	stileid.u32;
	s1 =	sand.u32 $0x10, s1  }
0x4: {  	s3 =	rddreg [dreg:$0x1];
	s1 =	sor.u32 s0, s1  }
0x5: {  	s5 =	simm.s32 $0x1;
	s31 =	simm.s32 $0x2;
	s2 =	sshll.u32 s1, $0x7  }
0x6: {  	s15 =	simm.s32 $0x0;
	s8 =	simm.s32 $0xC8000;
	s4 =	ssub.s32 $0x1000, s2  }
0x7: {  	s14 =	simm.s32 $0x0;
	s9 =	simm.s32 $0x0;
	s30 =	sand.u32 $0xF80, s4  }
0x8: {  	s10 =	simm.s32 $0x0;
	s11 =	simm.s32 $0x0;
	p0 =	sne.s32 s30, $0x0  }
.Ltmp0:
0x9: {  	s7 =	sshrl.u32 s4, $0xC;
	s5 =	simm.s32 @!p0 $0x0;
	(pc) =	sbr.rel .LBB1_1-.Ltmp0, $4  }
0xa: {  	s13 =	simm.s32 $0x0;
	s1 =	rddreg [dreg:$0x2];
	s5 =	sadd.s32 s5, s7  }
0xb: {  	_ =	strace $0x8000004A;
	s4 =	simm.s32 $0x1;
	s5 =	smul.u32 $0xC8, s5  }
0xc: {  	s6 =	sadd.s32 $0x800, s6;
	s12 =	smov.u32 s2;
	[sflag:s4] =	ssyncpa.u1 $0x0  }
0xd: {  	[sflag:s31] =	ssyncpa.u1 $0x0;
	p0 =	por $0x0, $0x0;
	s7 =	sor.u32 $0x1, s5  }
.LBB1_4:
0xe: {  	s18 =	sshll.u32 s9, $0xC;
	s19 =	sand.u32 $0x78, s10;
	s20 =	sshll.u32 s10, $0x3  }
0xf: {  	s22 =	sshll.u32 s9, $0x7;
	p1 =	sgt.s32 s9, $0xC7;
	s25 =	sshra.s32 s9, $0x1F  }
0x10: {  	s23 =	smov.u32 s10;
	s24 =	sshra.s32 s10, $0x1F;
	s29 =	sand.u32 $0x7, s10  }
0x11: {  	s18 =	sand.u32 $0xFFFF8000, s18;
	s21 =	sand.u32 $0xFFFFFC00, s20;
	s20 =	sand.u32 $0xC00, s20  }
0x12: {  	s30 =	sand.u32 $0x380, s22;
	s22 =	sand.u32 s25, s9;
	s18 =	sadd.s32 s21, s18  }
0x13: {  	s19 =	sor.u32 s19, s20;
	s20 =	smov.u32 s9;
	s18 =	sshrl.u32 s18, $0xC  }
0x14: {  	s20 =	simm.s32 @!p1 $0xC7;
	p1 =	sgt.s32 s10, $0xF80;
	s31 =	smulhi.u32 $0x147AE15, s18  }
0x15: {  	s26 =	sand.u32 s24, s10;
	s20 =	ssub.s32 s20, s22;
	s23 =	simm.s32 @!p1 $0xF80  }
0x16: {  	s27 =	ssub.s32 $0xC8, s20;
	s22 =	ssub.s32 s23, s26;
	s21 =	smul.u32 $0xC8, s31  }
0x17: {  	s20 =	sadd.s32 $0xFFFFFF39, s20;
	s23 =	smul.u32 $0x32, s27;
	s28 =	sadd.s32 $0xFFFFF080, s22  }
0x18: {  	p1 =	sgt.s32 s20, $0x0;
	s20 =	ssub.s32 $0x1000, s22;
	p2 =	sgt.s32 s28, $0x7F  }
0x19: {  	s19 =	sor.u32 s30, s19;
	s23 =	simm.s32 @p1 $0x0;
	s20 =	simm.s32 @p2 $0x0  }
0x1a: {  	[tilespmem:s17+$0x810 ss:$0x81] =	vst.msk $0xffff, v2;
	s19 =	sshrl.u32 s19, $0x3;
	s18 =	ssub.s32 s18, s21;
	s20 =	smul.u32 s20, s23  }
0x1b: {  	[tilespmem:s17+$0x1020 ss:$0x81] =	vst.msk $0xffff, v0;
	s19 =	sadd.s32 s3, s19;
	s21 =	sshll.u32 s29, $0x12;
	s18 =	sshll.u32 s18, $0x9  }
0x1c: {  	[tilespmem:s17+$0x0 ss:$0x81] =	vst.msk $0xffff, v1;
	s31 =	sor.u32 $0x80, s21;
	s18 =	sadd.s32 s18, s19;
	s30 =	sand.u32 $0x3FFFFFFE, s20  }
0x1d: {  	[hbm4b:s18+s31] =	stream.strided.scatter [tilespmem:s16], [sflag:$0x2], s30, s8, s31, $0x20;
	[tilespmem:$0x8080] =	vst v63  }
.LBB1_5:
0x1e: {  	p1 =	slt.u32 s13, $0x2  }
0x1f: {  	s17 =	smov.u32 s15;
	p2 =	sgt.s32 @!p1 s15, $0xC7;
	s16 =	sshra.s32 @!p1 s15, $0x1F  }
0x20: {  	p3 =	sgt.s32 @!p1 s14, $0xF80;
	s18 =	sshra.s32 @!p1 s14, $0x1F;
	p2 =	por !p2, p1  }
0x21: {  	s15 =	sand.u32 @!p1 s16, s15;
	p3 =	por !p3, p1;
	s16 =	smov.u32 s14  }
0x22: {  	s14 =	sand.u32 @!p1 s18, s14;
	s17 =	simm.s32 @p2 $0xC7;
	s16 =	simm.s32 @p3 $0xF80  }
0x23: {  	s18 =	smov.u32 s12;
	s15 =	ssub.s32 @!p1 s17, s15;
	s14 =	ssub.s32 @!p1 s16, s14  }
0x24: {  	s16 =	sadd.s32 @!p1 $0xFFFFFF39, s15;
	s15 =	ssub.s32 @!p1 $0xC8, s15;
	s17 =	sadd.s32 @!p1 $0xFFFFF080, s14  }
0x25: {  	p2 =	sgt.s32 @!p1 s16, $0x0;
	s15 =	smul.u32 @!p1 $0x32, s15;
	p3 =	sgt.s32 @!p1 s17, $0x7F  }
0x26: {  	s14 =	ssub.s32 @!p1 $0x1000, s14;
	p2 =	por !p2, p1;
	p3 =	por !p3, p1  }
0x27: {  	s16 =	sadd.s32 $0x1, s11;
	s15 =	simm.s32 @!p2 $0x0;
	s14 =	simm.s32 @!p3 $0x0  }
0x28: {  	p2 =	sgt.s32 s16, $0xC7;
	s14 =	smul.u32 @!p1 s14, s15;
	s15 =	sadd.s32 $0x1000, s12  }
0x29: {  	s18 =	smov.u32 @p2 s15  }
0x2a: {  	s16 =	simm.s32 @p2 $0x0;
	p2 =	sgt.s32 s18, $0xFFF  }
0x2b: {  	s18 =	smov.u32 @p2 s2;
	p2 =	sne.s32 s13, s7  }
.Ltmp1:
0x2c: {  	p0 =	por !p0, !p0;
	s17 =	simm.s32 @!p1 $0x2;
	(pc) =	sbr.rel @!p2 .LBB1_6-.Ltmp1, $4  }
0x2d: {  	s15 =	smov.u32 s9;
	s9 =	smov.u32 s11;
	s14 =	sand.u32 @!p1 $0x3FFFFFFE, s14  }
0x2e: {  	s11 =	smov.u32 s16;
	_ =	swait.ge @!p1 [sflag:s17], s14;
	s19 =	ssub.s32 @!p1 $0x0, s14  }
0x2f: {  	s14 =	smov.u32 s10;
	s13 =	sadd.s32 $0x1, s13;
	[sflag:s17] =	ssyncset.done @!p1 $0x0  }
0x30: {  	s10 =	smov.u32 s12;
	s12 =	smov.u32 s18;
	[sflag:s17] =	ssyncadd.s32 @!p1 s19  }
.LBB1_1:
0x31: {  	p1 =	sge.u32 s13, s5  }
0x32: {  	s16 =	sand.u32 @!p1 $0x1FFFFFF, s11  }
0x33: {  	s17 =	smulhi.u32 @!p1 $0x147AE15, s16;
	_ =	sdelay $0x1  }
0x34: {  	s17 =	smul.u32 @!p1 $0xC8, s17  }
0x35: {  	s18 =	sxor.u32 @!p1 $0xFFFFFFFF, s13;
	s19 =	smul.u32 @!p1 $0xC80, s12  }
0x36: {  	s31 =	sadd.s32 $0xFFFFFFFF, s13;
	s18 =	sshll.u32 @!p1 s18, $0xD;
	s16 =	ssub.s32 @!p1 s16, s17  }
0x37: {  	s17 =	sand.u32 @!p1 $0x2000, s18;
	s18 =	sadd.s32 @!p1 s6, s19;
	s16 =	sshll.u32 @!p1 s16, $0x4  }
0x38: {  	s19 =	simm.s32 @!p1 $0x6400;
	s16 =	sadd.s32 @!p1 s16, s18;
	s18 =	simm.s32 @!p1 $0x40  }
0x39: {  	[tilespmem:s17], [sflag:$0x1] =	stream.strided.gather @!p1 [hbm4b:s16+s18], $0x2000, s19, s18, $0x38;
	[tilespmem:$0x8080] =	vst v63  }
0x3a: {  	p1 =	sge.u32 s31, s5  }
.Ltmp2:
0x3b: {  	_ = 	snop;
	(pc) =	sbr.rel @p1 .LBB1_5-.Ltmp2, $1  }
0x3c: {  	_ =	sdelay $0x3  }
0x3d: {  	s16 =	simm.s32 $0x1  }
0x3e: {  	_ =	swait.ge [sflag:s4], $0x2000;
	s16 =	simm.s32 @!p0 $0x0  }
0x3f: {  	[sflag:s4] =	ssyncset.done $0x0;
	s17 =	sshll.u32 s16, $0xD  }
0x40: {  	[sflag:s4] =	ssyncadd.s32 $0xFFFFE000;
	s20 =	sor.u32 $0x20, s17  }
0x41: {  	s16 =	smul.u32 $0x8100, s16;
	v3 =	vld [tilespmem:s20+$0x10]  }
0x42: {  	s30 =	sand.u32 $0x1, s13;
	v2 =	vld [tilespmem:s20+$0xFFFFFFF0]  }
0x43: {  	s17 =	smul.u32 $0x8100, s30;
	s16 =	sshrl.u32 s16, $0x2;
	v0 =	vld [tilespmem:s20+$0x0]  }
0x44: {  	v1 =	vld [tilespmem:s20+$0xFFFFFFE0];
	s18 =	sor.u32 $0x4000, s16  }
0x45: {  	s31 =	sshrl.u32 s17, $0x2;
	s17 =	sadd.s32 $0x0, s18  }
0x46: {  	s19 =	simm.s32 $0x4;
	s20 =	sadd.s32 $0x40, s20;
	s16 =	sor.u32 $0x4000, s31;
	[tilespmem:s17+$0x1830 ss:$0x81] =	vst.msk $0xffff, v3  }
.LBB1_3:
0x47: {  	v3 =	vld [tilespmem:s20+$0x10];
	p1 =	sne.s32 s19, $0x1FC;
	[tilespmem:s17+$0x810 ss:$0x81] =	vst.msk $0xffff, v2;
	s21 =	smov.u32 s19;
	s19 =	sadd.s32 $0x4, s19  }
.Ltmp3:
0x48: {  	v2 =	vld [tilespmem:s20+$0xFFFFFFF0];
	[tilespmem:s17+$0x1020 ss:$0x81] =	vst.msk $0xffff, v0;
	(pc) =	sbr.rel @p1 .LBB1_3-.Ltmp3, $4  }
0x49: {  	v0 =	vld [tilespmem:s20+$0x0];
	[tilespmem:s17+$0x0 ss:$0x81] =	vst.msk $0xffff, v1  }
0x4a: {  	s17 =	sshra.s32 s21, $0x2;
	v1 =	vld [tilespmem:s20+$0xFFFFFFE0]  }
0x4b: {  	s17 =	sadd.s32 s17, s18  }
0x4c: {  	s20 =	sadd.s32 $0x40, s20;
	[tilespmem:s17+$0x1830 ss:$0x81] =	vst.msk $0xffff, v3  }
.Ltmp4:
0x4d: {  	_ = 	snop;
	(pc) =	sbr.rel .LBB1_4-.Ltmp4, $1  }
0x4e: {  	_ =	sdelay $0x3  }
.LBB1_6:
0x4f: {  	_ =	sfence.sel $0x180000  }
0x50: {  	s2 =	simm.s32 $0x1;
	[bflag:$0x0] =	sbarrier.arrive $0xFFFF  }
0x51: {  	s31 =	simm.s32 $0x2;
	[sflag:s2] =	ssyncpa.u1 $0x1  }
0x52: {  	[sflag:s31] =	ssyncpa.u1 $0x1  }
0x53: {  	p0 =	sne.s32 s0, $0x0;
	_ =	strace $0x9000004A  }
0x54: {  	s0 =	sadd.s32 @!p0 $0x100000, s1;
	[bflag:$0x2] =	sbarrier.arrive $0xFFFF  }
0x55: {  	[sflag:s0] =	ssyncadd.tile.s32 @!p0 $0x1;
	_ =	shalt  }
.Lfunc_end1:
_tile_overlayer_lowered:
.L_overlay_start_2:
0x56: {  	(tag) =	ssettag $0x2  }
0x57: {  	s0 =	rddreg [dreg:$0x0];
	s2 =	stileid.u32  }
0x58: {  	s1 =	rddreg [dreg:$0x1];
	p0 =	sne.s32 s2, $0x0  }
0x59: {  	s3 =	rddreg [dreg:$0x2];
	[bflag:$0x3] =	sbarrier.arrive $0xFFFF;
	s2 =	simm.s32 @!p0 $0x1C01  }
0x5a: {  	[timem:s3], [sflag:s2] =	dma.local @!p0 [hbm:s0], s1  }
0x5b: {  	s0 =	simm.s32 @!p0 $0x1  }
0x5c: {  	_ =	swait.ge @!p0 [sflag:s0], s1  }
0x5d: {  	s1 =	ssub.s32 @!p0 $0x0, s1;
	[sflag:s0] =	ssyncset.done @!p0 $0x0  }
0x5e: {  	[sflag:s0] =	ssyncadd.s32 @!p0 s1  }
0x5f: {  	[bflag:$0x3] =	sbarrier.arrive $0xFFFF  }
0x60: {  	_ =	shalt  }

</sc_bundles>
